<compile_context>
chip_gen: v7x
topology: tpu7x:2x2x1
jax: 0.10.2.dev20260603
libtpu: 0.0.44.dev20260713+nightly
codegen_flags: <defaults>
</compile_context>

<pallas_src>
import functools

import jax
import jax.numpy as jnp
from jax import lax
from jax.experimental import pallas as pl
from jax.experimental.pallas import tpu as pltpu
from jax.experimental.pallas import tpu_sc as plsc

B_, S, D = 4, 8192, 768
K = 4096
SEQ_CHUNK = 512
N_CHUNKS = S // SEQ_CHUNK

def _a1_body(x_ref, s_ref):
    c = pl.program_id(1)

    @pl.when(c == 0)
    def _():
        s_ref[0] = jnp.zeros((8, D), jnp.float32)

    def step(i, acc):
        return acc + x_ref[0, pl.ds(i * 8, 8), :]

    s_ref[0] = lax.fori_loop(0, SEQ_CHUNK // 8, step, s_ref[0])


def _a1(x):
    return pl.pallas_call(
        _a1_body,
        grid=(B_, N_CHUNKS),
        in_specs=[pl.BlockSpec((1, SEQ_CHUNK, D), lambda b, c: (b, c, 0))],
        out_specs=pl.BlockSpec((1, 8, D), lambda b, c: (b, 0, 0)),
        out_shape=jax.ShapeDtypeStruct((B_, 8, D), jnp.float32),
    )(x)


def _a2_body(x_ref, s_ref, r_ref):
    s = s_ref[0]
    s4 = s[0:4] + s[4:8]
    s2 = s4[0:2] + s4[2:4]
    m = (s2[0:1] + s2[1:2]) * (1.0 / S)
    cen = x_ref[0] - m
    v = jnp.sum(cen * cen, axis=1, keepdims=True)
    r_ref[0] = jnp.sqrt(v)


def _a2(x, sums):
    return pl.pallas_call(
        _a2_body,
        grid=(B_, N_CHUNKS),
        in_specs=[
            pl.BlockSpec((1, SEQ_CHUNK, D), lambda b, c: (b, c, 0)),
            pl.BlockSpec((1, 8, D), lambda b, c: (b, 0, 0)),
        ],
        out_specs=pl.BlockSpec((1, SEQ_CHUNK, 1), lambda b, c: (b, c, 0)),
        out_shape=jax.ShapeDtypeStruct((B_, S, 1), jnp.float32),
    )(x, sums)


IBLK = 1024
JBLK = 512


def _make_b_body(it):
    def body(rcol_ref, rrow_ref, icol_ref, jrow_ref, rank_ref):
        ri = rcol_ref[0]
        rj = rrow_ref[0]
        acc = jnp.zeros((IBLK, 1), jnp.int32)
        for jc in range(S // JBLK):
            rjc = rj[:, jc * JBLK:(jc + 1) * JBLK]
            if jc * JBLK + JBLK <= it * IBLK:
                cnt = rjc >= ri
            elif jc * JBLK >= (it + 1) * IBLK:
                cnt = rjc > ri
            else:
                ii = icol_ref[...]
                jjc = jrow_ref[:, jc * JBLK:(jc + 1) * JBLK]
                cnt = (rjc > ri) | ((rjc == ri) & (jjc < ii))
            acc = acc + jnp.sum(cnt.astype(jnp.int32), axis=1, keepdims=True)
        rank_ref[0] = acc

    return body


def _b(r_col, r_row, icol, jrow):
    parts = []
    for it in range(S // IBLK):
        parts.append(
            pl.pallas_call(
                _make_b_body(it),
                grid=(B_,),
                in_specs=[
                    pl.BlockSpec((1, IBLK, 1), lambda b, it=it: (b, it, 0)),
                    pl.BlockSpec((1, 1, S), lambda b: (b, 0, 0)),
                    pl.BlockSpec((IBLK, 1), lambda b, it=it: (it, 0)),
                    pl.BlockSpec((1, S), lambda b: (0, 0)),
                ],
                out_specs=pl.BlockSpec((1, IBLK, 1), lambda b: (b, 0, 0)),
                out_shape=jax.ShapeDtypeStruct((B_, IBLK, 1), jnp.int32),
            )(r_col, r_row, icol, jrow)
        )
    return jnp.concatenate(parts, axis=1)


NW = 32


VW = 128


@functools.cache
def _sc_kernels():
    mesh = plsc.VectorSubcoreMesh(core_axis_name="c", subcore_axis_name="s")

    @functools.partial(
        pl.kernel,
        mesh=mesh,
        out_type=jax.ShapeDtypeStruct((B_, S, VW), jnp.int32),
        scratch_types=[
            pltpu.VMEM((128,), jnp.int32),
            pltpu.VMEM((S // NW, VW), jnp.int32),
            pltpu.SemaphoreType.DMA,
        ],
    )
    def c1_invert(rank_hbm, vals_hbm, perm_hbm, idx_v, val_v, sem):
        wid = lax.axis_index("s") * 2 + lax.axis_index("c")
        tok0 = wid * (S // NW)
        pltpu.sync_copy(vals_hbm.at[pl.ds(tok0, S // NW)], val_v)
        for b in range(B_):
            for h in range(2):
                pltpu.sync_copy(rank_hbm.at[b, pl.ds(tok0 + h * 128, 128)], idx_v)
                pltpu.async_copy(
                    val_v.at[pl.ds(h * 128, 128)], perm_hbm.at[b].at[idx_v], sem
                ).wait()

    @functools.partial(
        pl.kernel,
        mesh=mesh,
        out_type=jax.ShapeDtypeStruct((B_, K, D), jnp.float32),
        scratch_types=[
            pltpu.VMEM((64,), jnp.int32),
            pltpu.VMEM((64,), jnp.int32),
            pltpu.VMEM((64, D), jnp.float32),
            pltpu.VMEM((64, D), jnp.float32),
            pltpu.SemaphoreType.DMA,
            pltpu.SemaphoreType.DMA,
        ],
    )
    def c2_gather(keep_hbm, x_hbm, out_hbm, i0, i1, r0, r1, s0, s1):
        wid = lax.axis_index("s") * 2 + lax.axis_index("c")
        base = wid * (K // NW)
        idxs, rows, sems = (i0, i1), (r0, r1), (s0, s1)
        chunks = [(b, hh) for b in range(B_) for hh in range(2)]
        cps = [None, None]
        for k, (b, hh) in enumerate(chunks):
            p = k % 2
            pltpu.sync_copy(keep_hbm.at[b, pl.ds(base + hh * 64, 64)], idxs[p])
            cps[p] = pltpu.async_copy(x_hbm.at[b].at[idxs[p]], rows[p], sems[p])
            if k >= 1:
                bp, hp = chunks[k - 1]
                q = (k - 1) % 2
                cps[q].wait()
                pltpu.sync_copy(rows[q], out_hbm.at[bp, pl.ds(base + hp * 64, 64)])
        bp, hp = chunks[-1]
        cps[1 % 2].wait()
        pltpu.sync_copy(rows[1], out_hbm.at[bp, pl.ds(base + hp * 64, 64)])

    return c1_invert, c2_gather


def kernel(x):
    sums = _a1(x)
    s4 = sums[:, 0:4] + sums[:, 4:8]
    s2 = s4[:, 0:2] + s4[:, 2:4]
    mean = (s2[:, 0:1] + s2[:, 1:2]) * (1.0 / S)
    r_flat = jnp.linalg.norm(x - mean, ord=2, axis=-1)
    r_col = r_flat.reshape(B_, S, 1)
    r_row = r_flat.reshape(B_, 1, S)
    icol = lax.broadcasted_iota(jnp.int32, (S, 1), 0)
    jrow = lax.broadcasted_iota(jnp.int32, (1, S), 1)
    rank = _b(r_col, r_row, icol, jrow).reshape(B_, S)
    vals = jnp.broadcast_to(
        jnp.arange(S, dtype=jnp.int32)[:, None], (S, VW)
    )
    c1_invert, c2_gather = _sc_kernels()
    perm = c1_invert(rank, vals)
    keep = perm[:, :K, 0]
    return c2_gather(keep, x)

# --- scband reference (transcript-rebuilt; emitter-appended) ---
"""Pipeline reference for scband-pooling-layer-12008728559998 (READ-ONLY COPY).

The authoritative reference and input builder live on the scoring server;
editing this copy changes nothing except your own understanding.
"""

import jax, jax.numpy as jnp
import numpy as np

N_POOL = 4096

def setup_inputs(seed: int = 0) -> dict:
    key = jax.random.key(seed)
    x = jax.random.normal(key, (4, 8192, 768), dtype=jnp.float32)
    return {"x": x}

def reference(x):
    # r = ||x - mean(x, dim=-2)||_2 along feature dim
    centered = x - jnp.mean(x, axis=-2, keepdims=True)
    r = jnp.linalg.norm(centered, ord=2, axis=-1)
    # topk over the sequence dim
    _, keepids = jax.lax.top_k(r, N_POOL)
    # gather kept tokens: expand indices over feature dim
    idx = jnp.broadcast_to(keepids[..., None], keepids.shape + (x.shape[-1],))
    x_pooled = jnp.take_along_axis(x, idx, axis=-2)
    return x_pooled

if __name__ == "__main__":
    import jax
    _d = setup_inputs()
    print(jax.jit(kernel)(*tuple(_d.values())))

</pallas_src>

<mosaic_0001>
#map = affine_map<(d0, d1) -> (0, 0)>
#map1 = affine_map<(d0, d1) -> (0, 0, 0)>
module attributes {stable_mosaic.version = 14 : i64} {
  func.func @c1_invert(%arg0: i32, %arg1: i32, %arg2: memref<4x8192xi32, #tpu.memory_space<hbm>>, %arg3: memref<8192x128xi32, #tpu.memory_space<hbm>>, %arg4: memref<4x8192x128xi32, #tpu.memory_space<hbm>>, %arg5: memref<128xi32, #tpu.memory_space<vmem>>, %arg6: memref<256x128xi32, #tpu.memory_space<vmem>>, %arg7: memref<!tpu.dma_semaphore, #tpu.memory_space<semaphore_mem>>) attributes {dimension_semantics = [#tpu.dimension_semantics<core_parallel>, #tpu.dimension_semantics<subcore_parallel>], iteration_bounds = array<i64: 2, 16>, scalar_prefetch = 0 : i64, scratch_operands = 3 : i64, tpu.core_type = #tpu.core_type<sc_vector_subcore>, window_params = [{transform_indices = #map}, {transform_indices = #map}, {transform_indices = #map1}]} {
    %mul3A = arith.constant 2 : i32
    %mul3A_0 = arith.muli %arg1, %mul3A : i32
    %add3A = arith.addi %mul3A_0, %arg0 : i32
    %mul3A_1 = arith.constant 256 : i32
    %mul3A_2 = arith.muli %add3A, %mul3A_1 : i32
    "tpu.region"() ({
      %run_scoped3A_200 = tpu.sem_alloc : memref<!tpu.dma_semaphore, #tpu.memory_space<semaphore_mem>>
      %dma_start3A_201 = arith.constant 0 : i32
      %dma_start3A_202 = tpu.memref_slice %arg3[%mul3A_2, %dma_start3A_201] : memref<8192x128xi32, #tpu.memory_space<hbm>> -> memref<256x128xi32, #tpu.memory_space<hbm>>
      %dma_start3A_203 = arith.constant 0 : i32
      %dma_start3A_204 = tpu.memref_slice %arg3[%mul3A_2, %dma_start3A_203] : memref<8192x128xi32, #tpu.memory_space<hbm>> -> memref<256x128xi32, #tpu.memory_space<hbm>>
      tpu.enqueue_dma source(%dma_start3A_204 : memref<256x128xi32, #tpu.memory_space<hbm>>) target(%arg6 : memref<256x128xi32, #tpu.memory_space<vmem>>) target_semaphore(%run_scoped3A_200 : memref<!tpu.dma_semaphore, #tpu.memory_space<semaphore_mem>>)
      %dma_wait3A_205 = arith.constant 0 : i32
      %dma_wait3A_206 = tpu.memref_slice %arg3[%mul3A_2, %dma_wait3A_205] : memref<8192x128xi32, #tpu.memory_space<hbm>> -> memref<256x128xi32, #tpu.memory_space<hbm>>
      %dma_wait3A_207 = arith.constant 0 : i32
      %dma_wait3A_208 = tpu.memref_slice %arg3[%mul3A_2, %dma_wait3A_207] : memref<8192x128xi32, #tpu.memory_space<hbm>> -> memref<256x128xi32, #tpu.memory_space<hbm>>
      tpu.wait_dma2 semaphore(%run_scoped3A_200 : memref<!tpu.dma_semaphore, #tpu.memory_space<semaphore_mem>>) src(%dma_wait3A_208 : memref<256x128xi32, #tpu.memory_space<hbm>>) dst(%arg6 : memref<256x128xi32, #tpu.memory_space<vmem>>)
      tpu.yield
    }) : () -> ()
    %add3A_3 = arith.constant 0 : i32
    %add3A_4 = arith.addi %mul3A_2, %add3A_3 : i32
    %run_scoped3A = arith.constant 0 : i32
    "tpu.region"() ({
      %run_scoped3A_200 = tpu.sem_alloc : memref<!tpu.dma_semaphore, #tpu.memory_space<semaphore_mem>>
      %dma_start3A_201 = tpu.memref_slice %arg2[%run_scoped3A, %add3A_4] : memref<4x8192xi32, #tpu.memory_space<hbm>> -> memref<1x128xi32, #tpu.memory_space<hbm>>
      %dma_start3A_202 = tpu.memref_squeeze %dma_start3A_201 : memref<1x128xi32, #tpu.memory_space<hbm>> -> memref<128xi32, #tpu.memory_space<hbm>>
      %dma_start3A_203 = tpu.memref_slice %arg2[%run_scoped3A, %add3A_4] : memref<4x8192xi32, #tpu.memory_space<hbm>> -> memref<1x128xi32, #tpu.memory_space<hbm>>
      %dma_start3A_204 = tpu.memref_squeeze %dma_start3A_203 : memref<1x128xi32, #tpu.memory_space<hbm>> -> memref<128xi32, #tpu.memory_space<hbm>>
      tpu.enqueue_dma source(%dma_start3A_204 : memref<128xi32, #tpu.memory_space<hbm>>) target(%arg5 : memref<128xi32, #tpu.memory_space<vmem>>) target_semaphore(%run_scoped3A_200 : memref<!tpu.dma_semaphore, #tpu.memory_space<semaphore_mem>>)
      %dma_wait3A_205 = tpu.memref_slice %arg2[%run_scoped3A, %add3A_4] : memref<4x8192xi32, #tpu.memory_space<hbm>> -> memref<1x128xi32, #tpu.memory_space<hbm>>
      %dma_wait3A_206 = tpu.memref_squeeze %dma_wait3A_205 : memref<1x128xi32, #tpu.memory_space<hbm>> -> memref<128xi32, #tpu.memory_space<hbm>>
      %dma_wait3A_207 = tpu.memref_slice %arg2[%run_scoped3A, %add3A_4] : memref<4x8192xi32, #tpu.memory_space<hbm>> -> memref<1x128xi32, #tpu.memory_space<hbm>>
      %dma_wait3A_208 = tpu.memref_squeeze %dma_wait3A_207 : memref<1x128xi32, #tpu.memory_space<hbm>> -> memref<128xi32, #tpu.memory_space<hbm>>
      tpu.wait_dma2 semaphore(%run_scoped3A_200 : memref<!tpu.dma_semaphore, #tpu.memory_space<semaphore_mem>>) src(%dma_wait3A_208 : memref<128xi32, #tpu.memory_space<hbm>>) dst(%arg5 : memref<128xi32, #tpu.memory_space<vmem>>)
      tpu.yield
    }) : () -> ()
    %dma_start3A = arith.constant 0 : i32
    %dma_start3A_5 = arith.constant 0 : i32
    %dma_start3A_6 = arith.constant 0 : i32
    %dma_start3A_7 = tpu.memref_slice %arg6[%dma_start3A_5, %dma_start3A_6] : memref<256x128xi32, #tpu.memory_space<vmem>> -> memref<128x128xi32, #tpu.memory_space<vmem>>
    %dma_start3A_8 = arith.constant 0 : i32
    %dma_start3A_9 = arith.constant 0 : i32
    %dma_start3A_10 = tpu.memref_slice %arg4[%dma_start3A, %dma_start3A_8, %dma_start3A_9] : memref<4x8192x128xi32, #tpu.memory_space<hbm>> -> memref<1x8192x128xi32, #tpu.memory_space<hbm>>
    %dma_start3A_11 = tpu.memref_squeeze %dma_start3A_10 : memref<1x8192x128xi32, #tpu.memory_space<hbm>> -> memref<8192x128xi32, #tpu.memory_space<hbm>>
    %dma_start3A_12 = arith.constant 0 : i32
    %dma_start3A_13 = arith.constant 0 : i32
    %dma_start3A_14 = tpu.memref_slice %dma_start3A_11[%dma_start3A_12, %dma_start3A_13] : memref<8192x128xi32, #tpu.memory_space<hbm>> -> memref<8192x128xi32, #tpu.memory_space<hbm>>
    tpu.enqueue_indirect_dma source(%dma_start3A_7 : memref<128x128xi32, #tpu.memory_space<vmem>>) target(%dma_start3A_14 : memref<8192x128xi32, #tpu.memory_space<hbm>>) offsets(%arg5 : memref<128xi32, #tpu.memory_space<vmem>>) semaphore(%arg7 : memref<!tpu.dma_semaphore, #tpu.memory_space<semaphore_mem>>)
    %dma_wait3A = arith.constant 0 : i32
    %dma_wait3A_15 = arith.constant 0 : i32
    %dma_wait3A_16 = arith.constant 0 : i32
    %dma_wait3A_17 = tpu.memref_slice %arg6[%dma_wait3A_15, %dma_wait3A_16] : memref<256x128xi32, #tpu.memory_space<vmem>> -> memref<128x128xi32, #tpu.memory_space<vmem>>
    %dma_wait3A_18 = arith.constant 0 : i32
    %dma_wait3A_19 = arith.constant 0 : i32
    %dma_wait3A_20 = tpu.memref_slice %arg4[%dma_wait3A, %dma_wait3A_18, %dma_wait3A_19] : memref<4x8192x128xi32, #tpu.memory_space<hbm>> -> memref<1x8192x128xi32, #tpu.memory_space<hbm>>
    %dma_wait3A_21 = tpu.memref_squeeze %dma_wait3A_20 : memref<1x8192x128xi32, #tpu.memory_space<hbm>> -> memref<8192x128xi32, #tpu.memory_space<hbm>>
    %dma_wait3A_22 = arith.constant 0 : i32
    %dma_wait3A_23 = arith.constant 0 : i32
    %dma_wait3A_24 = tpu.memref_slice %dma_wait3A_21[%dma_wait3A_22, %dma_wait3A_23] : memref<8192x128xi32, #tpu.memory_space<hbm>> -> memref<8192x128xi32, #tpu.memory_space<hbm>>
    tpu.wait_indirect_dma semaphore(%arg7 : memref<!tpu.dma_semaphore, #tpu.memory_space<semaphore_mem>>) src(%dma_wait3A_17 : memref<128x128xi32, #tpu.memory_space<vmem>>) dst(%dma_wait3A_24 : memref<8192x128xi32, #tpu.memory_space<hbm>>)
    %add3A_25 = arith.constant 128 : i32
    %add3A_26 = arith.addi %mul3A_2, %add3A_25 : i32
    %run_scoped3A_27 = arith.constant 0 : i32
    "tpu.region"() ({
      %run_scoped3A_200 = tpu.sem_alloc : memref<!tpu.dma_semaphore, #tpu.memory_space<semaphore_mem>>
      %dma_start3A_201 = tpu.memref_slice %arg2[%run_scoped3A_27, %add3A_26] : memref<4x8192xi32, #tpu.memory_space<hbm>> -> memref<1x128xi32, #tpu.memory_space<hbm>>
      %dma_start3A_202 = tpu.memref_squeeze %dma_start3A_201 : memref<1x128xi32, #tpu.memory_space<hbm>> -> memref<128xi32, #tpu.memory_space<hbm>>
      %dma_start3A_203 = tpu.memref_slice %arg2[%run_scoped3A_27, %add3A_26] : memref<4x8192xi32, #tpu.memory_space<hbm>> -> memref<1x128xi32, #tpu.memory_space<hbm>>
      %dma_start3A_204 = tpu.memref_squeeze %dma_start3A_203 : memref<1x128xi32, #tpu.memory_space<hbm>> -> memref<128xi32, #tpu.memory_space<hbm>>
      tpu.enqueue_dma source(%dma_start3A_204 : memref<128xi32, #tpu.memory_space<hbm>>) target(%arg5 : memref<128xi32, #tpu.memory_space<vmem>>) target_semaphore(%run_scoped3A_200 : memref<!tpu.dma_semaphore, #tpu.memory_space<semaphore_mem>>)
      %dma_wait3A_205 = tpu.memref_slice %arg2[%run_scoped3A_27, %add3A_26] : memref<4x8192xi32, #tpu.memory_space<hbm>> -> memref<1x128xi32, #tpu.memory_space<hbm>>
      %dma_wait3A_206 = tpu.memref_squeeze %dma_wait3A_205 : memref<1x128xi32, #tpu.memory_space<hbm>> -> memref<128xi32, #tpu.memory_space<hbm>>
      %dma_wait3A_207 = tpu.memref_slice %arg2[%run_scoped3A_27, %add3A_26] : memref<4x8192xi32, #tpu.memory_space<hbm>> -> memref<1x128xi32, #tpu.memory_space<hbm>>
      %dma_wait3A_208 = tpu.memref_squeeze %dma_wait3A_207 : memref<1x128xi32, #tpu.memory_space<hbm>> -> memref<128xi32, #tpu.memory_space<hbm>>
      tpu.wait_dma2 semaphore(%run_scoped3A_200 : memref<!tpu.dma_semaphore, #tpu.memory_space<semaphore_mem>>) src(%dma_wait3A_208 : memref<128xi32, #tpu.memory_space<hbm>>) dst(%arg5 : memref<128xi32, #tpu.memory_space<vmem>>)
      tpu.yield
    }) : () -> ()
    %dma_start3A_28 = arith.constant 0 : i32
    %dma_start3A_29 = arith.constant 128 : i32
    %dma_start3A_30 = arith.constant 0 : i32
    %dma_start3A_31 = tpu.memref_slice %arg6[%dma_start3A_29, %dma_start3A_30] : memref<256x128xi32, #tpu.memory_space<vmem>> -> memref<128x128xi32, #tpu.memory_space<vmem>>
    %dma_start3A_32 = arith.constant 0 : i32
    %dma_start3A_33 = arith.constant 0 : i32
    %dma_start3A_34 = tpu.memref_slice %arg4[%dma_start3A_28, %dma_start3A_32, %dma_start3A_33] : memref<4x8192x128xi32, #tpu.memory_space<hbm>> -> memref<1x8192x128xi32, #tpu.memory_space<hbm>>
    %dma_start3A_35 = tpu.memref_squeeze %dma_start3A_34 : memref<1x8192x128xi32, #tpu.memory_space<hbm>> -> memref<8192x128xi32, #tpu.memory_space<hbm>>
    %dma_start3A_36 = arith.constant 0 : i32
    %dma_start3A_37 = arith.constant 0 : i32
    %dma_start3A_38 = tpu.memref_slice %dma_start3A_35[%dma_start3A_36, %dma_start3A_37] : memref<8192x128xi32, #tpu.memory_space<hbm>> -> memref<8192x128xi32, #tpu.memory_space<hbm>>
    tpu.enqueue_indirect_dma source(%dma_start3A_31 : memref<128x128xi32, #tpu.memory_space<vmem>>) target(%dma_start3A_38 : memref<8192x128xi32, #tpu.memory_space<hbm>>) offsets(%arg5 : memref<128xi32, #tpu.memory_space<vmem>>) semaphore(%arg7 : memref<!tpu.dma_semaphore, #tpu.memory_space<semaphore_mem>>)
    %dma_wait3A_39 = arith.constant 0 : i32
    %dma_wait3A_40 = arith.constant 128 : i32
    %dma_wait3A_41 = arith.constant 0 : i32
    %dma_wait3A_42 = tpu.memref_slice %arg6[%dma_wait3A_40, %dma_wait3A_41] : memref<256x128xi32, #tpu.memory_space<vmem>> -> memref<128x128xi32, #tpu.memory_space<vmem>>
    %dma_wait3A_43 = arith.constant 0 : i32
    %dma_wait3A_44 = arith.constant 0 : i32
    %dma_wait3A_45 = tpu.memref_slice %arg4[%dma_wait3A_39, %dma_wait3A_43, %dma_wait3A_44] : memref<4x8192x128xi32, #tpu.memory_space<hbm>> -> memref<1x8192x128xi32, #tpu.memory_space<hbm>>
    %dma_wait3A_46 = tpu.memref_squeeze %dma_wait3A_45 : memref<1x8192x128xi32, #tpu.memory_space<hbm>> -> memref<8192x128xi32, #tpu.memory_space<hbm>>
    %dma_wait3A_47 = arith.constant 0 : i32
    %dma_wait3A_48 = arith.constant 0 : i32
    %dma_wait3A_49 = tpu.memref_slice %dma_wait3A_46[%dma_wait3A_47, %dma_wait3A_48] : memref<8192x128xi32, #tpu.memory_space<hbm>> -> memref<8192x128xi32, #tpu.memory_space<hbm>>
    tpu.wait_indirect_dma semaphore(%arg7 : memref<!tpu.dma_semaphore, #tpu.memory_space<semaphore_mem>>) src(%dma_wait3A_42 : memref<128x128xi32, #tpu.memory_space<vmem>>) dst(%dma_wait3A_49 : memref<8192x128xi32, #tpu.memory_space<hbm>>)
    %add3A_50 = arith.constant 0 : i32
    %add3A_51 = arith.addi %mul3A_2, %add3A_50 : i32
    %run_scoped3A_52 = arith.constant 1 : i32
    "tpu.region"() ({
      %run_scoped3A_200 = tpu.sem_alloc : memref<!tpu.dma_semaphore, #tpu.memory_space<semaphore_mem>>
      %dma_start3A_201 = tpu.memref_slice %arg2[%run_scoped3A_52, %add3A_51] : memref<4x8192xi32, #tpu.memory_space<hbm>> -> memref<1x128xi32, #tpu.memory_space<hbm>>
      %dma_start3A_202 = tpu.memref_squeeze %dma_start3A_201 : memref<1x128xi32, #tpu.memory_space<hbm>> -> memref<128xi32, #tpu.memory_space<hbm>>
      %dma_start3A_203 = tpu.memref_slice %arg2[%run_scoped3A_52, %add3A_51] : memref<4x8192xi32, #tpu.memory_space<hbm>> -> memref<1x128xi32, #tpu.memory_space<hbm>>
      %dma_start3A_204 = tpu.memref_squeeze %dma_start3A_203 : memref<1x128xi32, #tpu.memory_space<hbm>> -> memref<128xi32, #tpu.memory_space<hbm>>
      tpu.enqueue_dma source(%dma_start3A_204 : memref<128xi32, #tpu.memory_space<hbm>>) target(%arg5 : memref<128xi32, #tpu.memory_space<vmem>>) target_semaphore(%run_scoped3A_200 : memref<!tpu.dma_semaphore, #tpu.memory_space<semaphore_mem>>)
      %dma_wait3A_205 = tpu.memref_slice %arg2[%run_scoped3A_52, %add3A_51] : memref<4x8192xi32, #tpu.memory_space<hbm>> -> memref<1x128xi32, #tpu.memory_space<hbm>>
      %dma_wait3A_206 = tpu.memref_squeeze %dma_wait3A_205 : memref<1x128xi32, #tpu.memory_space<hbm>> -> memref<128xi32, #tpu.memory_space<hbm>>
      %dma_wait3A_207 = tpu.memref_slice %arg2[%run_scoped3A_52, %add3A_51] : memref<4x8192xi32, #tpu.memory_space<hbm>> -> memref<1x128xi32, #tpu.memory_space<hbm>>
      %dma_wait3A_208 = tpu.memref_squeeze %dma_wait3A_207 : memref<1x128xi32, #tpu.memory_space<hbm>> -> memref<128xi32, #tpu.memory_space<hbm>>
      tpu.wait_dma2 semaphore(%run_scoped3A_200 : memref<!tpu.dma_semaphore, #tpu.memory_space<semaphore_mem>>) src(%dma_wait3A_208 : memref<128xi32, #tpu.memory_space<hbm>>) dst(%arg5 : memref<128xi32, #tpu.memory_space<vmem>>)
      tpu.yield
    }) : () -> ()
    %dma_start3A_53 = arith.constant 1 : i32
    %dma_start3A_54 = arith.constant 0 : i32
    %dma_start3A_55 = arith.constant 0 : i32
    %dma_start3A_56 = tpu.memref_slice %arg6[%dma_start3A_54, %dma_start3A_55] : memref<256x128xi32, #tpu.memory_space<vmem>> -> memref<128x128xi32, #tpu.memory_space<vmem>>
    %dma_start3A_57 = arith.constant 0 : i32
    %dma_start3A_58 = arith.constant 0 : i32
    %dma_start3A_59 = tpu.memref_slice %arg4[%dma_start3A_53, %dma_start3A_57, %dma_start3A_58] : memref<4x8192x128xi32, #tpu.memory_space<hbm>> -> memref<1x8192x128xi32, #tpu.memory_space<hbm>>
    %dma_start3A_60 = tpu.memref_squeeze %dma_start3A_59 : memref<1x8192x128xi32, #tpu.memory_space<hbm>> -> memref<8192x128xi32, #tpu.memory_space<hbm>>
    %dma_start3A_61 = arith.constant 0 : i32
    %dma_start3A_62 = arith.constant 0 : i32
    %dma_start3A_63 = tpu.memref_slice %dma_start3A_60[%dma_start3A_61, %dma_start3A_62] : memref<8192x128xi32, #tpu.memory_space<hbm>> -> memref<8192x128xi32, #tpu.memory_space<hbm>>
    tpu.enqueue_indirect_dma source(%dma_start3A_56 : memref<128x128xi32, #tpu.memory_space<vmem>>) target(%dma_start3A_63 : memref<8192x128xi32, #tpu.memory_space<hbm>>) offsets(%arg5 : memref<128xi32, #tpu.memory_space<vmem>>) semaphore(%arg7 : memref<!tpu.dma_semaphore, #tpu.memory_space<semaphore_mem>>)
    %dma_wait3A_64 = arith.constant 1 : i32
    %dma_wait3A_65 = arith.constant 0 : i32
    %dma_wait3A_66 = arith.constant 0 : i32
    %dma_wait3A_67 = tpu.memref_slice %arg6[%dma_wait3A_65, %dma_wait3A_66] : memref<256x128xi32, #tpu.memory_space<vmem>> -> memref<128x128xi32, #tpu.memory_space<vmem>>
    %dma_wait3A_68 = arith.constant 0 : i32
    %dma_wait3A_69 = arith.constant 0 : i32
    %dma_wait3A_70 = tpu.memref_slice %arg4[%dma_wait3A_64, %dma_wait3A_68, %dma_wait3A_69] : memref<4x8192x128xi32, #tpu.memory_space<hbm>> -> memref<1x8192x128xi32, #tpu.memory_space<hbm>>
    %dma_wait3A_71 = tpu.memref_squeeze %dma_wait3A_70 : memref<1x8192x128xi32, #tpu.memory_space<hbm>> -> memref<8192x128xi32, #tpu.memory_space<hbm>>
    %dma_wait3A_72 = arith.constant 0 : i32
    %dma_wait3A_73 = arith.constant 0 : i32
    %dma_wait3A_74 = tpu.memref_slice %dma_wait3A_71[%dma_wait3A_72, %dma_wait3A_73] : memref<8192x128xi32, #tpu.memory_space<hbm>> -> memref<8192x128xi32, #tpu.memory_space<hbm>>
    tpu.wait_indirect_dma semaphore(%arg7 : memref<!tpu.dma_semaphore, #tpu.memory_space<semaphore_mem>>) src(%dma_wait3A_67 : memref<128x128xi32, #tpu.memory_space<vmem>>) dst(%dma_wait3A_74 : memref<8192x128xi32, #tpu.memory_space<hbm>>)
    %add3A_75 = arith.constant 128 : i32
    %add3A_76 = arith.addi %mul3A_2, %add3A_75 : i32
    %run_scoped3A_77 = arith.constant 1 : i32
    "tpu.region"() ({
      %run_scoped3A_200 = tpu.sem_alloc : memref<!tpu.dma_semaphore, #tpu.memory_space<semaphore_mem>>
      %dma_start3A_201 = tpu.memref_slice %arg2[%run_scoped3A_77, %add3A_76] : memref<4x8192xi32, #tpu.memory_space<hbm>> -> memref<1x128xi32, #tpu.memory_space<hbm>>
      %dma_start3A_202 = tpu.memref_squeeze %dma_start3A_201 : memref<1x128xi32, #tpu.memory_space<hbm>> -> memref<128xi32, #tpu.memory_space<hbm>>
      %dma_start3A_203 = tpu.memref_slice %arg2[%run_scoped3A_77, %add3A_76] : memref<4x8192xi32, #tpu.memory_space<hbm>> -> memref<1x128xi32, #tpu.memory_space<hbm>>
      %dma_start3A_204 = tpu.memref_squeeze %dma_start3A_203 : memref<1x128xi32, #tpu.memory_space<hbm>> -> memref<128xi32, #tpu.memory_space<hbm>>
      tpu.enqueue_dma source(%dma_start3A_204 : memref<128xi32, #tpu.memory_space<hbm>>) target(%arg5 : memref<128xi32, #tpu.memory_space<vmem>>) target_semaphore(%run_scoped3A_200 : memref<!tpu.dma_semaphore, #tpu.memory_space<semaphore_mem>>)
      %dma_wait3A_205 = tpu.memref_slice %arg2[%run_scoped3A_77, %add3A_76] : memref<4x8192xi32, #tpu.memory_space<hbm>> -> memref<1x128xi32, #tpu.memory_space<hbm>>
      %dma_wait3A_206 = tpu.memref_squeeze %dma_wait3A_205 : memref<1x128xi32, #tpu.memory_space<hbm>> -> memref<128xi32, #tpu.memory_space<hbm>>
      %dma_wait3A_207 = tpu.memref_slice %arg2[%run_scoped3A_77, %add3A_76] : memref<4x8192xi32, #tpu.memory_space<hbm>> -> memref<1x128xi32, #tpu.memory_space<hbm>>
      %dma_wait3A_208 = tpu.memref_squeeze %dma_wait3A_207 : memref<1x128xi32, #tpu.memory_space<hbm>> -> memref<128xi32, #tpu.memory_space<hbm>>
      tpu.wait_dma2 semaphore(%run_scoped3A_200 : memref<!tpu.dma_semaphore, #tpu.memory_space<semaphore_mem>>) src(%dma_wait3A_208 : memref<128xi32, #tpu.memory_space<hbm>>) dst(%arg5 : memref<128xi32, #tpu.memory_space<vmem>>)
      tpu.yield
    }) : () -> ()
    %dma_start3A_78 = arith.constant 1 : i32
    %dma_start3A_79 = arith.constant 128 : i32
    %dma_start3A_80 = arith.constant 0 : i32
    %dma_start3A_81 = tpu.memref_slice %arg6[%dma_start3A_79, %dma_start3A_80] : memref<256x128xi32, #tpu.memory_space<vmem>> -> memref<128x128xi32, #tpu.memory_space<vmem>>
    %dma_start3A_82 = arith.constant 0 : i32
    %dma_start3A_83 = arith.constant 0 : i32
    %dma_start3A_84 = tpu.memref_slice %arg4[%dma_start3A_78, %dma_start3A_82, %dma_start3A_83] : memref<4x8192x128xi32, #tpu.memory_space<hbm>> -> memref<1x8192x128xi32, #tpu.memory_space<hbm>>
    %dma_start3A_85 = tpu.memref_squeeze %dma_start3A_84 : memref<1x8192x128xi32, #tpu.memory_space<hbm>> -> memref<8192x128xi32, #tpu.memory_space<hbm>>
    %dma_start3A_86 = arith.constant 0 : i32
    %dma_start3A_87 = arith.constant 0 : i32
    %dma_start3A_88 = tpu.memref_slice %dma_start3A_85[%dma_start3A_86, %dma_start3A_87] : memref<8192x128xi32, #tpu.memory_space<hbm>> -> memref<8192x128xi32, #tpu.memory_space<hbm>>
    tpu.enqueue_indirect_dma source(%dma_start3A_81 : memref<128x128xi32, #tpu.memory_space<vmem>>) target(%dma_start3A_88 : memref<8192x128xi32, #tpu.memory_space<hbm>>) offsets(%arg5 : memref<128xi32, #tpu.memory_space<vmem>>) semaphore(%arg7 : memref<!tpu.dma_semaphore, #tpu.memory_space<semaphore_mem>>)
    %dma_wait3A_89 = arith.constant 1 : i32
    %dma_wait3A_90 = arith.constant 128 : i32
    %dma_wait3A_91 = arith.constant 0 : i32
    %dma_wait3A_92 = tpu.memref_slice %arg6[%dma_wait3A_90, %dma_wait3A_91] : memref<256x128xi32, #tpu.memory_space<vmem>> -> memref<128x128xi32, #tpu.memory_space<vmem>>
    %dma_wait3A_93 = arith.constant 0 : i32
    %dma_wait3A_94 = arith.constant 0 : i32
    %dma_wait3A_95 = tpu.memref_slice %arg4[%dma_wait3A_89, %dma_wait3A_93, %dma_wait3A_94] : memref<4x8192x128xi32, #tpu.memory_space<hbm>> -> memref<1x8192x128xi32, #tpu.memory_space<hbm>>
    %dma_wait3A_96 = tpu.memref_squeeze %dma_wait3A_95 : memref<1x8192x128xi32, #tpu.memory_space<hbm>> -> memref<8192x128xi32, #tpu.memory_space<hbm>>
    %dma_wait3A_97 = arith.constant 0 : i32
    %dma_wait3A_98 = arith.constant 0 : i32
    %dma_wait3A_99 = tpu.memref_slice %dma_wait3A_96[%dma_wait3A_97, %dma_wait3A_98] : memref<8192x128xi32, #tpu.memory_space<hbm>> -> memref<8192x128xi32, #tpu.memory_space<hbm>>
    tpu.wait_indirect_dma semaphore(%arg7 : memref<!tpu.dma_semaphore, #tpu.memory_space<semaphore_mem>>) src(%dma_wait3A_92 : memref<128x128xi32, #tpu.memory_space<vmem>>) dst(%dma_wait3A_99 : memref<8192x128xi32, #tpu.memory_space<hbm>>)
    %add3A_100 = arith.constant 0 : i32
    %add3A_101 = arith.addi %mul3A_2, %add3A_100 : i32
    %run_scoped3A_102 = arith.constant 2 : i32
    "tpu.region"() ({
      %run_scoped3A_200 = tpu.sem_alloc : memref<!tpu.dma_semaphore, #tpu.memory_space<semaphore_mem>>
      %dma_start3A_201 = tpu.memref_slice %arg2[%run_scoped3A_102, %add3A_101] : memref<4x8192xi32, #tpu.memory_space<hbm>> -> memref<1x128xi32, #tpu.memory_space<hbm>>
      %dma_start3A_202 = tpu.memref_squeeze %dma_start3A_201 : memref<1x128xi32, #tpu.memory_space<hbm>> -> memref<128xi32, #tpu.memory_space<hbm>>
      %dma_start3A_203 = tpu.memref_slice %arg2[%run_scoped3A_102, %add3A_101] : memref<4x8192xi32, #tpu.memory_space<hbm>> -> memref<1x128xi32, #tpu.memory_space<hbm>>
      %dma_start3A_204 = tpu.memref_squeeze %dma_start3A_203 : memref<1x128xi32, #tpu.memory_space<hbm>> -> memref<128xi32, #tpu.memory_space<hbm>>
      tpu.enqueue_dma source(%dma_start3A_204 : memref<128xi32, #tpu.memory_space<hbm>>) target(%arg5 : memref<128xi32, #tpu.memory_space<vmem>>) target_semaphore(%run_scoped3A_200 : memref<!tpu.dma_semaphore, #tpu.memory_space<semaphore_mem>>)
      %dma_wait3A_205 = tpu.memref_slice %arg2[%run_scoped3A_102, %add3A_101] : memref<4x8192xi32, #tpu.memory_space<hbm>> -> memref<1x128xi32, #tpu.memory_space<hbm>>
      %dma_wait3A_206 = tpu.memref_squeeze %dma_wait3A_205 : memref<1x128xi32, #tpu.memory_space<hbm>> -> memref<128xi32, #tpu.memory_space<hbm>>
      %dma_wait3A_207 = tpu.memref_slice %arg2[%run_scoped3A_102, %add3A_101] : memref<4x8192xi32, #tpu.memory_space<hbm>> -> memref<1x128xi32, #tpu.memory_space<hbm>>
      %dma_wait3A_208 = tpu.memref_squeeze %dma_wait3A_207 : memref<1x128xi32, #tpu.memory_space<hbm>> -> memref<128xi32, #tpu.memory_space<hbm>>
      tpu.wait_dma2 semaphore(%run_scoped3A_200 : memref<!tpu.dma_semaphore, #tpu.memory_space<semaphore_mem>>) src(%dma_wait3A_208 : memref<128xi32, #tpu.memory_space<hbm>>) dst(%arg5 : memref<128xi32, #tpu.memory_space<vmem>>)
      tpu.yield
    }) : () -> ()
    %dma_start3A_103 = arith.constant 2 : i32
    %dma_start3A_104 = arith.constant 0 : i32
    %dma_start3A_105 = arith.constant 0 : i32
    %dma_start3A_106 = tpu.memref_slice %arg6[%dma_start3A_104, %dma_start3A_105] : memref<256x128xi32, #tpu.memory_space<vmem>> -> memref<128x128xi32, #tpu.memory_space<vmem>>
    %dma_start3A_107 = arith.constant 0 : i32
    %dma_start3A_108 = arith.constant 0 : i32
    %dma_start3A_109 = tpu.memref_slice %arg4[%dma_start3A_103, %dma_start3A_107, %dma_start3A_108] : memref<4x8192x128xi32, #tpu.memory_space<hbm>> -> memref<1x8192x128xi32, #tpu.memory_space<hbm>>
    %dma_start3A_110 = tpu.memref_squeeze %dma_start3A_109 : memref<1x8192x128xi32, #tpu.memory_space<hbm>> -> memref<8192x128xi32, #tpu.memory_space<hbm>>
    %dma_start3A_111 = arith.constant 0 : i32
    %dma_start3A_112 = arith.constant 0 : i32
    %dma_start3A_113 = tpu.memref_slice %dma_start3A_110[%dma_start3A_111, %dma_start3A_112] : memref<8192x128xi32, #tpu.memory_space<hbm>> -> memref<8192x128xi32, #tpu.memory_space<hbm>>
    tpu.enqueue_indirect_dma source(%dma_start3A_106 : memref<128x128xi32, #tpu.memory_space<vmem>>) target(%dma_start3A_113 : memref<8192x128xi32, #tpu.memory_space<hbm>>) offsets(%arg5 : memref<128xi32, #tpu.memory_space<vmem>>) semaphore(%arg7 : memref<!tpu.dma_semaphore, #tpu.memory_space<semaphore_mem>>)
    %dma_wait3A_114 = arith.constant 2 : i32
    %dma_wait3A_115 = arith.constant 0 : i32
    %dma_wait3A_116 = arith.constant 0 : i32
    %dma_wait3A_117 = tpu.memref_slice %arg6[%dma_wait3A_115, %dma_wait3A_116] : memref<256x128xi32, #tpu.memory_space<vmem>> -> memref<128x128xi32, #tpu.memory_space<vmem>>
    %dma_wait3A_118 = arith.constant 0 : i32
    %dma_wait3A_119 = arith.constant 0 : i32
    %dma_wait3A_120 = tpu.memref_slice %arg4[%dma_wait3A_114, %dma_wait3A_118, %dma_wait3A_119] : memref<4x8192x128xi32, #tpu.memory_space<hbm>> -> memref<1x8192x128xi32, #tpu.memory_space<hbm>>
    %dma_wait3A_121 = tpu.memref_squeeze %dma_wait3A_120 : memref<1x8192x128xi32, #tpu.memory_space<hbm>> -> memref<8192x128xi32, #tpu.memory_space<hbm>>
    %dma_wait3A_122 = arith.constant 0 : i32
    %dma_wait3A_123 = arith.constant 0 : i32
    %dma_wait3A_124 = tpu.memref_slice %dma_wait3A_121[%dma_wait3A_122, %dma_wait3A_123] : memref<8192x128xi32, #tpu.memory_space<hbm>> -> memref<8192x128xi32, #tpu.memory_space<hbm>>
    tpu.wait_indirect_dma semaphore(%arg7 : memref<!tpu.dma_semaphore, #tpu.memory_space<semaphore_mem>>) src(%dma_wait3A_117 : memref<128x128xi32, #tpu.memory_space<vmem>>) dst(%dma_wait3A_124 : memref<8192x128xi32, #tpu.memory_space<hbm>>)
    %add3A_125 = arith.constant 128 : i32
    %add3A_126 = arith.addi %mul3A_2, %add3A_125 : i32
    %run_scoped3A_127 = arith.constant 2 : i32
    "tpu.region"() ({
      %run_scoped3A_200 = tpu.sem_alloc : memref<!tpu.dma_semaphore, #tpu.memory_space<semaphore_mem>>
      %dma_start3A_201 = tpu.memref_slice %arg2[%run_scoped3A_127, %add3A_126] : memref<4x8192xi32, #tpu.memory_space<hbm>> -> memref<1x128xi32, #tpu.memory_space<hbm>>
      %dma_start3A_202 = tpu.memref_squeeze %dma_start3A_201 : memref<1x128xi32, #tpu.memory_space<hbm>> -> memref<128xi32, #tpu.memory_space<hbm>>
      %dma_start3A_203 = tpu.memref_slice %arg2[%run_scoped3A_127, %add3A_126] : memref<4x8192xi32, #tpu.memory_space<hbm>> -> memref<1x128xi32, #tpu.memory_space<hbm>>
      %dma_start3A_204 = tpu.memref_squeeze %dma_start3A_203 : memref<1x128xi32, #tpu.memory_space<hbm>> -> memref<128xi32, #tpu.memory_space<hbm>>
      tpu.enqueue_dma source(%dma_start3A_204 : memref<128xi32, #tpu.memory_space<hbm>>) target(%arg5 : memref<128xi32, #tpu.memory_space<vmem>>) target_semaphore(%run_scoped3A_200 : memref<!tpu.dma_semaphore, #tpu.memory_space<semaphore_mem>>)
      %dma_wait3A_205 = tpu.memref_slice %arg2[%run_scoped3A_127, %add3A_126] : memref<4x8192xi32, #tpu.memory_space<hbm>> -> memref<1x128xi32, #tpu.memory_space<hbm>>
      %dma_wait3A_206 = tpu.memref_squeeze %dma_wait3A_205 : memref<1x128xi32, #tpu.memory_space<hbm>> -> memref<128xi32, #tpu.memory_space<hbm>>
      %dma_wait3A_207 = tpu.memref_slice %arg2[%run_scoped3A_127, %add3A_126] : memref<4x8192xi32, #tpu.memory_space<hbm>> -> memref<1x128xi32, #tpu.memory_space<hbm>>
      %dma_wait3A_208 = tpu.memref_squeeze %dma_wait3A_207 : memref<1x128xi32, #tpu.memory_space<hbm>> -> memref<128xi32, #tpu.memory_space<hbm>>
      tpu.wait_dma2 semaphore(%run_scoped3A_200 : memref<!tpu.dma_semaphore, #tpu.memory_space<semaphore_mem>>) src(%dma_wait3A_208 : memref<128xi32, #tpu.memory_space<hbm>>) dst(%arg5 : memref<128xi32, #tpu.memory_space<vmem>>)
      tpu.yield
    }) : () -> ()
    %dma_start3A_128 = arith.constant 2 : i32
    %dma_start3A_129 = arith.constant 128 : i32
    %dma_start3A_130 = arith.constant 0 : i32
    %dma_start3A_131 = tpu.memref_slice %arg6[%dma_start3A_129, %dma_start3A_130] : memref<256x128xi32, #tpu.memory_space<vmem>> -> memref<128x128xi32, #tpu.memory_space<vmem>>
    %dma_start3A_132 = arith.constant 0 : i32
    %dma_start3A_133 = arith.constant 0 : i32
    %dma_start3A_134 = tpu.memref_slice %arg4[%dma_start3A_128, %dma_start3A_132, %dma_start3A_133] : memref<4x8192x128xi32, #tpu.memory_space<hbm>> -> memref<1x8192x128xi32, #tpu.memory_space<hbm>>
    %dma_start3A_135 = tpu.memref_squeeze %dma_start3A_134 : memref<1x8192x128xi32, #tpu.memory_space<hbm>> -> memref<8192x128xi32, #tpu.memory_space<hbm>>
    %dma_start3A_136 = arith.constant 0 : i32
    %dma_start3A_137 = arith.constant 0 : i32
    %dma_start3A_138 = tpu.memref_slice %dma_start3A_135[%dma_start3A_136, %dma_start3A_137] : memref<8192x128xi32, #tpu.memory_space<hbm>> -> memref<8192x128xi32, #tpu.memory_space<hbm>>
    tpu.enqueue_indirect_dma source(%dma_start3A_131 : memref<128x128xi32, #tpu.memory_space<vmem>>) target(%dma_start3A_138 : memref<8192x128xi32, #tpu.memory_space<hbm>>) offsets(%arg5 : memref<128xi32, #tpu.memory_space<vmem>>) semaphore(%arg7 : memref<!tpu.dma_semaphore, #tpu.memory_space<semaphore_mem>>)
    %dma_wait3A_139 = arith.constant 2 : i32
    %dma_wait3A_140 = arith.constant 128 : i32
    %dma_wait3A_141 = arith.constant 0 : i32
    %dma_wait3A_142 = tpu.memref_slice %arg6[%dma_wait3A_140, %dma_wait3A_141] : memref<256x128xi32, #tpu.memory_space<vmem>> -> memref<128x128xi32, #tpu.memory_space<vmem>>
    %dma_wait3A_143 = arith.constant 0 : i32
    %dma_wait3A_144 = arith.constant 0 : i32
    %dma_wait3A_145 = tpu.memref_slice %arg4[%dma_wait3A_139, %dma_wait3A_143, %dma_wait3A_144] : memref<4x8192x128xi32, #tpu.memory_space<hbm>> -> memref<1x8192x128xi32, #tpu.memory_space<hbm>>
    %dma_wait3A_146 = tpu.memref_squeeze %dma_wait3A_145 : memref<1x8192x128xi32, #tpu.memory_space<hbm>> -> memref<8192x128xi32, #tpu.memory_space<hbm>>
    %dma_wait3A_147 = arith.constant 0 : i32
    %dma_wait3A_148 = arith.constant 0 : i32
    %dma_wait3A_149 = tpu.memref_slice %dma_wait3A_146[%dma_wait3A_147, %dma_wait3A_148] : memref<8192x128xi32, #tpu.memory_space<hbm>> -> memref<8192x128xi32, #tpu.memory_space<hbm>>
    tpu.wait_indirect_dma semaphore(%arg7 : memref<!tpu.dma_semaphore, #tpu.memory_space<semaphore_mem>>) src(%dma_wait3A_142 : memref<128x128xi32, #tpu.memory_space<vmem>>) dst(%dma_wait3A_149 : memref<8192x128xi32, #tpu.memory_space<hbm>>)
    %add3A_150 = arith.constant 0 : i32
    %add3A_151 = arith.addi %mul3A_2, %add3A_150 : i32
    %run_scoped3A_152 = arith.constant 3 : i32
    "tpu.region"() ({
      %run_scoped3A_200 = tpu.sem_alloc : memref<!tpu.dma_semaphore, #tpu.memory_space<semaphore_mem>>
      %dma_start3A_201 = tpu.memref_slice %arg2[%run_scoped3A_152, %add3A_151] : memref<4x8192xi32, #tpu.memory_space<hbm>> -> memref<1x128xi32, #tpu.memory_space<hbm>>
      %dma_start3A_202 = tpu.memref_squeeze %dma_start3A_201 : memref<1x128xi32, #tpu.memory_space<hbm>> -> memref<128xi32, #tpu.memory_space<hbm>>
      %dma_start3A_203 = tpu.memref_slice %arg2[%run_scoped3A_152, %add3A_151] : memref<4x8192xi32, #tpu.memory_space<hbm>> -> memref<1x128xi32, #tpu.memory_space<hbm>>
      %dma_start3A_204 = tpu.memref_squeeze %dma_start3A_203 : memref<1x128xi32, #tpu.memory_space<hbm>> -> memref<128xi32, #tpu.memory_space<hbm>>
      tpu.enqueue_dma source(%dma_start3A_204 : memref<128xi32, #tpu.memory_space<hbm>>) target(%arg5 : memref<128xi32, #tpu.memory_space<vmem>>) target_semaphore(%run_scoped3A_200 : memref<!tpu.dma_semaphore, #tpu.memory_space<semaphore_mem>>)
      %dma_wait3A_205 = tpu.memref_slice %arg2[%run_scoped3A_152, %add3A_151] : memref<4x8192xi32, #tpu.memory_space<hbm>> -> memref<1x128xi32, #tpu.memory_space<hbm>>
      %dma_wait3A_206 = tpu.memref_squeeze %dma_wait3A_205 : memref<1x128xi32, #tpu.memory_space<hbm>> -> memref<128xi32, #tpu.memory_space<hbm>>
      %dma_wait3A_207 = tpu.memref_slice %arg2[%run_scoped3A_152, %add3A_151] : memref<4x8192xi32, #tpu.memory_space<hbm>> -> memref<1x128xi32, #tpu.memory_space<hbm>>
      %dma_wait3A_208 = tpu.memref_squeeze %dma_wait3A_207 : memref<1x128xi32, #tpu.memory_space<hbm>> -> memref<128xi32, #tpu.memory_space<hbm>>
      tpu.wait_dma2 semaphore(%run_scoped3A_200 : memref<!tpu.dma_semaphore, #tpu.memory_space<semaphore_mem>>) src(%dma_wait3A_208 : memref<128xi32, #tpu.memory_space<hbm>>) dst(%arg5 : memref<128xi32, #tpu.memory_space<vmem>>)
      tpu.yield
    }) : () -> ()
    %dma_start3A_153 = arith.constant 3 : i32
    %dma_start3A_154 = arith.constant 0 : i32
    %dma_start3A_155 = arith.constant 0 : i32
    %dma_start3A_156 = tpu.memref_slice %arg6[%dma_start3A_154, %dma_start3A_155] : memref<256x128xi32, #tpu.memory_space<vmem>> -> memref<128x128xi32, #tpu.memory_space<vmem>>
    %dma_start3A_157 = arith.constant 0 : i32
    %dma_start3A_158 = arith.constant 0 : i32
    %dma_start3A_159 = tpu.memref_slice %arg4[%dma_start3A_153, %dma_start3A_157, %dma_start3A_158] : memref<4x8192x128xi32, #tpu.memory_space<hbm>> -> memref<1x8192x128xi32, #tpu.memory_space<hbm>>
    %dma_start3A_160 = tpu.memref_squeeze %dma_start3A_159 : memref<1x8192x128xi32, #tpu.memory_space<hbm>> -> memref<8192x128xi32, #tpu.memory_space<hbm>>
    %dma_start3A_161 = arith.constant 0 : i32
    %dma_start3A_162 = arith.constant 0 : i32
    %dma_start3A_163 = tpu.memref_slice %dma_start3A_160[%dma_start3A_161, %dma_start3A_162] : memref<8192x128xi32, #tpu.memory_space<hbm>> -> memref<8192x128xi32, #tpu.memory_space<hbm>>
    tpu.enqueue_indirect_dma source(%dma_start3A_156 : memref<128x128xi32, #tpu.memory_space<vmem>>) target(%dma_start3A_163 : memref<8192x128xi32, #tpu.memory_space<hbm>>) offsets(%arg5 : memref<128xi32, #tpu.memory_space<vmem>>) semaphore(%arg7 : memref<!tpu.dma_semaphore, #tpu.memory_space<semaphore_mem>>)
    %dma_wait3A_164 = arith.constant 3 : i32
    %dma_wait3A_165 = arith.constant 0 : i32
    %dma_wait3A_166 = arith.constant 0 : i32
    %dma_wait3A_167 = tpu.memref_slice %arg6[%dma_wait3A_165, %dma_wait3A_166] : memref<256x128xi32, #tpu.memory_space<vmem>> -> memref<128x128xi32, #tpu.memory_space<vmem>>
    %dma_wait3A_168 = arith.constant 0 : i32
    %dma_wait3A_169 = arith.constant 0 : i32
    %dma_wait3A_170 = tpu.memref_slice %arg4[%dma_wait3A_164, %dma_wait3A_168, %dma_wait3A_169] : memref<4x8192x128xi32, #tpu.memory_space<hbm>> -> memref<1x8192x128xi32, #tpu.memory_space<hbm>>
    %dma_wait3A_171 = tpu.memref_squeeze %dma_wait3A_170 : memref<1x8192x128xi32, #tpu.memory_space<hbm>> -> memref<8192x128xi32, #tpu.memory_space<hbm>>
    %dma_wait3A_172 = arith.constant 0 : i32
    %dma_wait3A_173 = arith.constant 0 : i32
    %dma_wait3A_174 = tpu.memref_slice %dma_wait3A_171[%dma_wait3A_172, %dma_wait3A_173] : memref<8192x128xi32, #tpu.memory_space<hbm>> -> memref<8192x128xi32, #tpu.memory_space<hbm>>
    tpu.wait_indirect_dma semaphore(%arg7 : memref<!tpu.dma_semaphore, #tpu.memory_space<semaphore_mem>>) src(%dma_wait3A_167 : memref<128x128xi32, #tpu.memory_space<vmem>>) dst(%dma_wait3A_174 : memref<8192x128xi32, #tpu.memory_space<hbm>>)
    %add3A_175 = arith.constant 128 : i32
    %add3A_176 = arith.addi %mul3A_2, %add3A_175 : i32
    %run_scoped3A_177 = arith.constant 3 : i32
    "tpu.region"() ({
      %run_scoped3A_200 = tpu.sem_alloc : memref<!tpu.dma_semaphore, #tpu.memory_space<semaphore_mem>>
      %dma_start3A_201 = tpu.memref_slice %arg2[%run_scoped3A_177, %add3A_176] : memref<4x8192xi32, #tpu.memory_space<hbm>> -> memref<1x128xi32, #tpu.memory_space<hbm>>
      %dma_start3A_202 = tpu.memref_squeeze %dma_start3A_201 : memref<1x128xi32, #tpu.memory_space<hbm>> -> memref<128xi32, #tpu.memory_space<hbm>>
      %dma_start3A_203 = tpu.memref_slice %arg2[%run_scoped3A_177, %add3A_176] : memref<4x8192xi32, #tpu.memory_space<hbm>> -> memref<1x128xi32, #tpu.memory_space<hbm>>
      %dma_start3A_204 = tpu.memref_squeeze %dma_start3A_203 : memref<1x128xi32, #tpu.memory_space<hbm>> -> memref<128xi32, #tpu.memory_space<hbm>>
      tpu.enqueue_dma source(%dma_start3A_204 : memref<128xi32, #tpu.memory_space<hbm>>) target(%arg5 : memref<128xi32, #tpu.memory_space<vmem>>) target_semaphore(%run_scoped3A_200 : memref<!tpu.dma_semaphore, #tpu.memory_space<semaphore_mem>>)
      %dma_wait3A_205 = tpu.memref_slice %arg2[%run_scoped3A_177, %add3A_176] : memref<4x8192xi32, #tpu.memory_space<hbm>> -> memref<1x128xi32, #tpu.memory_space<hbm>>
      %dma_wait3A_206 = tpu.memref_squeeze %dma_wait3A_205 : memref<1x128xi32, #tpu.memory_space<hbm>> -> memref<128xi32, #tpu.memory_space<hbm>>
      %dma_wait3A_207 = tpu.memref_slice %arg2[%run_scoped3A_177, %add3A_176] : memref<4x8192xi32, #tpu.memory_space<hbm>> -> memref<1x128xi32, #tpu.memory_space<hbm>>
      %dma_wait3A_208 = tpu.memref_squeeze %dma_wait3A_207 : memref<1x128xi32, #tpu.memory_space<hbm>> -> memref<128xi32, #tpu.memory_space<hbm>>
      tpu.wait_dma2 semaphore(%run_scoped3A_200 : memref<!tpu.dma_semaphore, #tpu.memory_space<semaphore_mem>>) src(%dma_wait3A_208 : memref<128xi32, #tpu.memory_space<hbm>>) dst(%arg5 : memref<128xi32, #tpu.memory_space<vmem>>)
      tpu.yield
    }) : () -> ()
    %dma_start3A_178 = arith.constant 3 : i32
    %dma_start3A_179 = arith.constant 128 : i32
    %dma_start3A_180 = arith.constant 0 : i32
    %dma_start3A_181 = tpu.memref_slice %arg6[%dma_start3A_179, %dma_start3A_180] : memref<256x128xi32, #tpu.memory_space<vmem>> -> memref<128x128xi32, #tpu.memory_space<vmem>>
    %dma_start3A_182 = arith.constant 0 : i32
    %dma_start3A_183 = arith.constant 0 : i32
    %dma_start3A_184 = tpu.memref_slice %arg4[%dma_start3A_178, %dma_start3A_182, %dma_start3A_183] : memref<4x8192x128xi32, #tpu.memory_space<hbm>> -> memref<1x8192x128xi32, #tpu.memory_space<hbm>>
    %dma_start3A_185 = tpu.memref_squeeze %dma_start3A_184 : memref<1x8192x128xi32, #tpu.memory_space<hbm>> -> memref<8192x128xi32, #tpu.memory_space<hbm>>
    %dma_start3A_186 = arith.constant 0 : i32
    %dma_start3A_187 = arith.constant 0 : i32
    %dma_start3A_188 = tpu.memref_slice %dma_start3A_185[%dma_start3A_186, %dma_start3A_187] : memref<8192x128xi32, #tpu.memory_space<hbm>> -> memref<8192x128xi32, #tpu.memory_space<hbm>>
    tpu.enqueue_indirect_dma source(%dma_start3A_181 : memref<128x128xi32, #tpu.memory_space<vmem>>) target(%dma_start3A_188 : memref<8192x128xi32, #tpu.memory_space<hbm>>) offsets(%arg5 : memref<128xi32, #tpu.memory_space<vmem>>) semaphore(%arg7 : memref<!tpu.dma_semaphore, #tpu.memory_space<semaphore_mem>>)
    %dma_wait3A_189 = arith.constant 3 : i32
    %dma_wait3A_190 = arith.constant 128 : i32
    %dma_wait3A_191 = arith.constant 0 : i32
    %dma_wait3A_192 = tpu.memref_slice %arg6[%dma_wait3A_190, %dma_wait3A_191] : memref<256x128xi32, #tpu.memory_space<vmem>> -> memref<128x128xi32, #tpu.memory_space<vmem>>
    %dma_wait3A_193 = arith.constant 0 : i32
    %dma_wait3A_194 = arith.constant 0 : i32
    %dma_wait3A_195 = tpu.memref_slice %arg4[%dma_wait3A_189, %dma_wait3A_193, %dma_wait3A_194] : memref<4x8192x128xi32, #tpu.memory_space<hbm>> -> memref<1x8192x128xi32, #tpu.memory_space<hbm>>
    %dma_wait3A_196 = tpu.memref_squeeze %dma_wait3A_195 : memref<1x8192x128xi32, #tpu.memory_space<hbm>> -> memref<8192x128xi32, #tpu.memory_space<hbm>>
    %dma_wait3A_197 = arith.constant 0 : i32
    %dma_wait3A_198 = arith.constant 0 : i32
    %dma_wait3A_199 = tpu.memref_slice %dma_wait3A_196[%dma_wait3A_197, %dma_wait3A_198] : memref<8192x128xi32, #tpu.memory_space<hbm>> -> memref<8192x128xi32, #tpu.memory_space<hbm>>
    tpu.wait_indirect_dma semaphore(%arg7 : memref<!tpu.dma_semaphore, #tpu.memory_space<semaphore_mem>>) src(%dma_wait3A_192 : memref<128x128xi32, #tpu.memory_space<vmem>>) dst(%dma_wait3A_199 : memref<8192x128xi32, #tpu.memory_space<hbm>>)
    return
  }
}

#map = affine_map<(d0, d1) -> (0, 0)>
#map1 = affine_map<(d0, d1) -> (0, 0, 0)>
module attributes {stable_mosaic.version = 14 : i64} {
  func.func @c2_gather(%arg0: i32, %arg1: i32, %arg2: memref<4x4096xi32, #tpu.memory_space<hbm>>, %arg3: memref<4x8192x768xf32, #tpu.memory_space<hbm>>, %arg4: memref<4x4096x768xf32, #tpu.memory_space<hbm>>, %arg5: memref<64xi32, #tpu.memory_space<vmem>>, %arg6: memref<64xi32, #tpu.memory_space<vmem>>, %arg7: memref<64x768xf32, #tpu.memory_space<vmem>>, %arg8: memref<64x768xf32, #tpu.memory_space<vmem>>, %arg9: memref<!tpu.dma_semaphore, #tpu.memory_space<semaphore_mem>>, %arg10: memref<!tpu.dma_semaphore, #tpu.memory_space<semaphore_mem>>) attributes {dimension_semantics = [#tpu.dimension_semantics<core_parallel>, #tpu.dimension_semantics<subcore_parallel>], iteration_bounds = array<i64: 2, 16>, scalar_prefetch = 0 : i64, scratch_operands = 6 : i64, tpu.core_type = #tpu.core_type<sc_vector_subcore>, window_params = [{transform_indices = #map}, {transform_indices = #map1}, {transform_indices = #map1}]} {
    %mul3A = arith.constant 2 : i32
    %mul3A_0 = arith.muli %arg1, %mul3A : i32
    %add3A = arith.addi %mul3A_0, %arg0 : i32
    %mul3A_1 = arith.constant 128 : i32
    %mul3A_2 = arith.muli %add3A, %mul3A_1 : i32
    %add3A_3 = arith.constant 0 : i32
    %add3A_4 = arith.addi %mul3A_2, %add3A_3 : i32
    %run_scoped3A = arith.constant 0 : i32
    "tpu.region"() ({
      %run_scoped3A_176 = tpu.sem_alloc : memref<!tpu.dma_semaphore, #tpu.memory_space<semaphore_mem>>
      %dma_start3A_177 = tpu.memref_slice %arg2[%run_scoped3A, %add3A_4] : memref<4x4096xi32, #tpu.memory_space<hbm>> -> memref<1x64xi32, #tpu.memory_space<hbm>>
      %dma_start3A_178 = tpu.memref_squeeze %dma_start3A_177 : memref<1x64xi32, #tpu.memory_space<hbm>> -> memref<64xi32, #tpu.memory_space<hbm>>
      %dma_start3A_179 = tpu.memref_slice %arg2[%run_scoped3A, %add3A_4] : memref<4x4096xi32, #tpu.memory_space<hbm>> -> memref<1x64xi32, #tpu.memory_space<hbm>>
      %dma_start3A_180 = tpu.memref_squeeze %dma_start3A_179 : memref<1x64xi32, #tpu.memory_space<hbm>> -> memref<64xi32, #tpu.memory_space<hbm>>
      tpu.enqueue_dma source(%dma_start3A_180 : memref<64xi32, #tpu.memory_space<hbm>>) target(%arg5 : memref<64xi32, #tpu.memory_space<vmem>>) target_semaphore(%run_scoped3A_176 : memref<!tpu.dma_semaphore, #tpu.memory_space<semaphore_mem>>)
      %dma_wait3A_181 = tpu.memref_slice %arg2[%run_scoped3A, %add3A_4] : memref<4x4096xi32, #tpu.memory_space<hbm>> -> memref<1x64xi32, #tpu.memory_space<hbm>>
      %dma_wait3A_182 = tpu.memref_squeeze %dma_wait3A_181 : memref<1x64xi32, #tpu.memory_space<hbm>> -> memref<64xi32, #tpu.memory_space<hbm>>
      %dma_wait3A_183 = tpu.memref_slice %arg2[%run_scoped3A, %add3A_4] : memref<4x4096xi32, #tpu.memory_space<hbm>> -> memref<1x64xi32, #tpu.memory_space<hbm>>
      %dma_wait3A_184 = tpu.memref_squeeze %dma_wait3A_183 : memref<1x64xi32, #tpu.memory_space<hbm>> -> memref<64xi32, #tpu.memory_space<hbm>>
      tpu.wait_dma2 semaphore(%run_scoped3A_176 : memref<!tpu.dma_semaphore, #tpu.memory_space<semaphore_mem>>) src(%dma_wait3A_184 : memref<64xi32, #tpu.memory_space<hbm>>) dst(%arg5 : memref<64xi32, #tpu.memory_space<vmem>>)
      tpu.yield
    }) : () -> ()
    %dma_start3A = arith.constant 0 : i32
    %dma_start3A_5 = arith.constant 0 : i32
    %dma_start3A_6 = arith.constant 0 : i32
    %dma_start3A_7 = tpu.memref_slice %arg3[%dma_start3A, %dma_start3A_5, %dma_start3A_6] : memref<4x8192x768xf32, #tpu.memory_space<hbm>> -> memref<1x8192x768xf32, #tpu.memory_space<hbm>>
    %dma_start3A_8 = tpu.memref_squeeze %dma_start3A_7 : memref<1x8192x768xf32, #tpu.memory_space<hbm>> -> memref<8192x768xf32, #tpu.memory_space<hbm>>
    %dma_start3A_9 = arith.constant 0 : i32
    %dma_start3A_10 = arith.constant 0 : i32
    %dma_start3A_11 = tpu.memref_slice %dma_start3A_8[%dma_start3A_9, %dma_start3A_10] : memref<8192x768xf32, #tpu.memory_space<hbm>> -> memref<8192x768xf32, #tpu.memory_space<hbm>>
    tpu.enqueue_indirect_dma source(%dma_start3A_11 : memref<8192x768xf32, #tpu.memory_space<hbm>>) target(%arg7 : memref<64x768xf32, #tpu.memory_space<vmem>>) offsets(%arg5 : memref<64xi32, #tpu.memory_space<vmem>>) semaphore(%arg9 : memref<!tpu.dma_semaphore, #tpu.memory_space<semaphore_mem>>)
    %add3A_12 = arith.constant 64 : i32
    %add3A_13 = arith.addi %mul3A_2, %add3A_12 : i32
    %run_scoped3A_14 = arith.constant 0 : i32
    "tpu.region"() ({
      %run_scoped3A_176 = tpu.sem_alloc : memref<!tpu.dma_semaphore, #tpu.memory_space<semaphore_mem>>
      %dma_start3A_177 = tpu.memref_slice %arg2[%run_scoped3A_14, %add3A_13] : memref<4x4096xi32, #tpu.memory_space<hbm>> -> memref<1x64xi32, #tpu.memory_space<hbm>>
      %dma_start3A_178 = tpu.memref_squeeze %dma_start3A_177 : memref<1x64xi32, #tpu.memory_space<hbm>> -> memref<64xi32, #tpu.memory_space<hbm>>
      %dma_start3A_179 = tpu.memref_slice %arg2[%run_scoped3A_14, %add3A_13] : memref<4x4096xi32, #tpu.memory_space<hbm>> -> memref<1x64xi32, #tpu.memory_space<hbm>>
      %dma_start3A_180 = tpu.memref_squeeze %dma_start3A_179 : memref<1x64xi32, #tpu.memory_space<hbm>> -> memref<64xi32, #tpu.memory_space<hbm>>
      tpu.enqueue_dma source(%dma_start3A_180 : memref<64xi32, #tpu.memory_space<hbm>>) target(%arg6 : memref<64xi32, #tpu.memory_space<vmem>>) target_semaphore(%run_scoped3A_176 : memref<!tpu.dma_semaphore, #tpu.memory_space<semaphore_mem>>)
      %dma_wait3A_181 = tpu.memref_slice %arg2[%run_scoped3A_14, %add3A_13] : memref<4x4096xi32, #tpu.memory_space<hbm>> -> memref<1x64xi32, #tpu.memory_space<hbm>>
      %dma_wait3A_182 = tpu.memref_squeeze %dma_wait3A_181 : memref<1x64xi32, #tpu.memory_space<hbm>> -> memref<64xi32, #tpu.memory_space<hbm>>
      %dma_wait3A_183 = tpu.memref_slice %arg2[%run_scoped3A_14, %add3A_13] : memref<4x4096xi32, #tpu.memory_space<hbm>> -> memref<1x64xi32, #tpu.memory_space<hbm>>
      %dma_wait3A_184 = tpu.memref_squeeze %dma_wait3A_183 : memref<1x64xi32, #tpu.memory_space<hbm>> -> memref<64xi32, #tpu.memory_space<hbm>>
      tpu.wait_dma2 semaphore(%run_scoped3A_176 : memref<!tpu.dma_semaphore, #tpu.memory_space<semaphore_mem>>) src(%dma_wait3A_184 : memref<64xi32, #tpu.memory_space<hbm>>) dst(%arg6 : memref<64xi32, #tpu.memory_space<vmem>>)
      tpu.yield
    }) : () -> ()
    %dma_start3A_15 = arith.constant 0 : i32
    %dma_start3A_16 = arith.constant 0 : i32
    %dma_start3A_17 = arith.constant 0 : i32
    %dma_start3A_18 = tpu.memref_slice %arg3[%dma_start3A_15, %dma_start3A_16, %dma_start3A_17] : memref<4x8192x768xf32, #tpu.memory_space<hbm>> -> memref<1x8192x768xf32, #tpu.memory_space<hbm>>
    %dma_start3A_19 = tpu.memref_squeeze %dma_start3A_18 : memref<1x8192x768xf32, #tpu.memory_space<hbm>> -> memref<8192x768xf32, #tpu.memory_space<hbm>>
    %dma_start3A_20 = arith.constant 0 : i32
    %dma_start3A_21 = arith.constant 0 : i32
    %dma_start3A_22 = tpu.memref_slice %dma_start3A_19[%dma_start3A_20, %dma_start3A_21] : memref<8192x768xf32, #tpu.memory_space<hbm>> -> memref<8192x768xf32, #tpu.memory_space<hbm>>
    tpu.enqueue_indirect_dma source(%dma_start3A_22 : memref<8192x768xf32, #tpu.memory_space<hbm>>) target(%arg8 : memref<64x768xf32, #tpu.memory_space<vmem>>) offsets(%arg6 : memref<64xi32, #tpu.memory_space<vmem>>) semaphore(%arg10 : memref<!tpu.dma_semaphore, #tpu.memory_space<semaphore_mem>>)
    %dma_wait3A = arith.constant 0 : i32
    %dma_wait3A_23 = arith.constant 0 : i32
    %dma_wait3A_24 = arith.constant 0 : i32
    %dma_wait3A_25 = tpu.memref_slice %arg3[%dma_wait3A, %dma_wait3A_23, %dma_wait3A_24] : memref<4x8192x768xf32, #tpu.memory_space<hbm>> -> memref<1x8192x768xf32, #tpu.memory_space<hbm>>
    %dma_wait3A_26 = tpu.memref_squeeze %dma_wait3A_25 : memref<1x8192x768xf32, #tpu.memory_space<hbm>> -> memref<8192x768xf32, #tpu.memory_space<hbm>>
    %dma_wait3A_27 = arith.constant 0 : i32
    %dma_wait3A_28 = arith.constant 0 : i32
    %dma_wait3A_29 = tpu.memref_slice %dma_wait3A_26[%dma_wait3A_27, %dma_wait3A_28] : memref<8192x768xf32, #tpu.memory_space<hbm>> -> memref<8192x768xf32, #tpu.memory_space<hbm>>
    tpu.wait_indirect_dma semaphore(%arg9 : memref<!tpu.dma_semaphore, #tpu.memory_space<semaphore_mem>>) src(%dma_wait3A_29 : memref<8192x768xf32, #tpu.memory_space<hbm>>) dst(%arg7 : memref<64x768xf32, #tpu.memory_space<vmem>>)
    %add3A_30 = arith.constant 0 : i32
    %add3A_31 = arith.addi %mul3A_2, %add3A_30 : i32
    %run_scoped3A_32 = arith.constant 0 : i32
    "tpu.region"() ({
      %run_scoped3A_176 = tpu.sem_alloc : memref<!tpu.dma_semaphore, #tpu.memory_space<semaphore_mem>>
      %dma_start3A_177 = arith.constant 0 : i32
      %dma_start3A_178 = tpu.memref_slice %arg4[%run_scoped3A_32, %add3A_31, %dma_start3A_177] : memref<4x4096x768xf32, #tpu.memory_space<hbm>> -> memref<1x64x768xf32, #tpu.memory_space<hbm>>
      %dma_start3A_179 = tpu.memref_squeeze %dma_start3A_178 : memref<1x64x768xf32, #tpu.memory_space<hbm>> -> memref<64x768xf32, #tpu.memory_space<hbm>>
      %dma_start3A_180 = arith.constant 0 : i32
      %dma_start3A_181 = tpu.memref_slice %arg4[%run_scoped3A_32, %add3A_31, %dma_start3A_180] : memref<4x4096x768xf32, #tpu.memory_space<hbm>> -> memref<1x64x768xf32, #tpu.memory_space<hbm>>
      %dma_start3A_182 = tpu.memref_squeeze %dma_start3A_181 : memref<1x64x768xf32, #tpu.memory_space<hbm>> -> memref<64x768xf32, #tpu.memory_space<hbm>>
      tpu.enqueue_dma source(%arg7 : memref<64x768xf32, #tpu.memory_space<vmem>>) target(%dma_start3A_182 : memref<64x768xf32, #tpu.memory_space<hbm>>) target_semaphore(%run_scoped3A_176 : memref<!tpu.dma_semaphore, #tpu.memory_space<semaphore_mem>>)
      %dma_wait3A_183 = arith.constant 0 : i32
      %dma_wait3A_184 = tpu.memref_slice %arg4[%run_scoped3A_32, %add3A_31, %dma_wait3A_183] : memref<4x4096x768xf32, #tpu.memory_space<hbm>> -> memref<1x64x768xf32, #tpu.memory_space<hbm>>
      %dma_wait3A_185 = tpu.memref_squeeze %dma_wait3A_184 : memref<1x64x768xf32, #tpu.memory_space<hbm>> -> memref<64x768xf32, #tpu.memory_space<hbm>>
      %dma_wait3A_186 = arith.constant 0 : i32
      %dma_wait3A_187 = tpu.memref_slice %arg4[%run_scoped3A_32, %add3A_31, %dma_wait3A_186] : memref<4x4096x768xf32, #tpu.memory_space<hbm>> -> memref<1x64x768xf32, #tpu.memory_space<hbm>>
      %dma_wait3A_188 = tpu.memref_squeeze %dma_wait3A_187 : memref<1x64x768xf32, #tpu.memory_space<hbm>> -> memref<64x768xf32, #tpu.memory_space<hbm>>
      tpu.wait_dma2 semaphore(%run_scoped3A_176 : memref<!tpu.dma_semaphore, #tpu.memory_space<semaphore_mem>>) src(%arg7 : memref<64x768xf32, #tpu.memory_space<vmem>>) dst(%dma_wait3A_188 : memref<64x768xf32, #tpu.memory_space<hbm>>)
      tpu.yield
    }) : () -> ()
    %add3A_33 = arith.constant 0 : i32
    %add3A_34 = arith.addi %mul3A_2, %add3A_33 : i32
    %run_scoped3A_35 = arith.constant 1 : i32
    "tpu.region"() ({
      %run_scoped3A_176 = tpu.sem_alloc : memref<!tpu.dma_semaphore, #tpu.memory_space<semaphore_mem>>
      %dma_start3A_177 = tpu.memref_slice %arg2[%run_scoped3A_35, %add3A_34] : memref<4x4096xi32, #tpu.memory_space<hbm>> -> memref<1x64xi32, #tpu.memory_space<hbm>>
      %dma_start3A_178 = tpu.memref_squeeze %dma_start3A_177 : memref<1x64xi32, #tpu.memory_space<hbm>> -> memref<64xi32, #tpu.memory_space<hbm>>
      %dma_start3A_179 = tpu.memref_slice %arg2[%run_scoped3A_35, %add3A_34] : memref<4x4096xi32, #tpu.memory_space<hbm>> -> memref<1x64xi32, #tpu.memory_space<hbm>>
      %dma_start3A_180 = tpu.memref_squeeze %dma_start3A_179 : memref<1x64xi32, #tpu.memory_space<hbm>> -> memref<64xi32, #tpu.memory_space<hbm>>
      tpu.enqueue_dma source(%dma_start3A_180 : memref<64xi32, #tpu.memory_space<hbm>>) target(%arg5 : memref<64xi32, #tpu.memory_space<vmem>>) target_semaphore(%run_scoped3A_176 : memref<!tpu.dma_semaphore, #tpu.memory_space<semaphore_mem>>)
      %dma_wait3A_181 = tpu.memref_slice %arg2[%run_scoped3A_35, %add3A_34] : memref<4x4096xi32, #tpu.memory_space<hbm>> -> memref<1x64xi32, #tpu.memory_space<hbm>>
      %dma_wait3A_182 = tpu.memref_squeeze %dma_wait3A_181 : memref<1x64xi32, #tpu.memory_space<hbm>> -> memref<64xi32, #tpu.memory_space<hbm>>
      %dma_wait3A_183 = tpu.memref_slice %arg2[%run_scoped3A_35, %add3A_34] : memref<4x4096xi32, #tpu.memory_space<hbm>> -> memref<1x64xi32, #tpu.memory_space<hbm>>
      %dma_wait3A_184 = tpu.memref_squeeze %dma_wait3A_183 : memref<1x64xi32, #tpu.memory_space<hbm>> -> memref<64xi32, #tpu.memory_space<hbm>>
      tpu.wait_dma2 semaphore(%run_scoped3A_176 : memref<!tpu.dma_semaphore, #tpu.memory_space<semaphore_mem>>) src(%dma_wait3A_184 : memref<64xi32, #tpu.memory_space<hbm>>) dst(%arg5 : memref<64xi32, #tpu.memory_space<vmem>>)
      tpu.yield
    }) : () -> ()
    %dma_start3A_36 = arith.constant 1 : i32
    %dma_start3A_37 = arith.constant 0 : i32
    %dma_start3A_38 = arith.constant 0 : i32
    %dma_start3A_39 = tpu.memref_slice %arg3[%dma_start3A_36, %dma_start3A_37, %dma_start3A_38] : memref<4x8192x768xf32, #tpu.memory_space<hbm>> -> memref<1x8192x768xf32, #tpu.memory_space<hbm>>
    %dma_start3A_40 = tpu.memref_squeeze %dma_start3A_39 : memref<1x8192x768xf32, #tpu.memory_space<hbm>> -> memref<8192x768xf32, #tpu.memory_space<hbm>>
    %dma_start3A_41 = arith.constant 0 : i32
    %dma_start3A_42 = arith.constant 0 : i32
    %dma_start3A_43 = tpu.memref_slice %dma_start3A_40[%dma_start3A_41, %dma_start3A_42] : memref<8192x768xf32, #tpu.memory_space<hbm>> -> memref<8192x768xf32, #tpu.memory_space<hbm>>
    tpu.enqueue_indirect_dma source(%dma_start3A_43 : memref<8192x768xf32, #tpu.memory_space<hbm>>) target(%arg7 : memref<64x768xf32, #tpu.memory_space<vmem>>) offsets(%arg5 : memref<64xi32, #tpu.memory_space<vmem>>) semaphore(%arg9 : memref<!tpu.dma_semaphore, #tpu.memory_space<semaphore_mem>>)
    %dma_wait3A_44 = arith.constant 0 : i32
    %dma_wait3A_45 = arith.constant 0 : i32
    %dma_wait3A_46 = arith.constant 0 : i32
    %dma_wait3A_47 = tpu.memref_slice %arg3[%dma_wait3A_44, %dma_wait3A_45, %dma_wait3A_46] : memref<4x8192x768xf32, #tpu.memory_space<hbm>> -> memref<1x8192x768xf32, #tpu.memory_space<hbm>>
    %dma_wait3A_48 = tpu.memref_squeeze %dma_wait3A_47 : memref<1x8192x768xf32, #tpu.memory_space<hbm>> -> memref<8192x768xf32, #tpu.memory_space<hbm>>
    %dma_wait3A_49 = arith.constant 0 : i32
    %dma_wait3A_50 = arith.constant 0 : i32
    %dma_wait3A_51 = tpu.memref_slice %dma_wait3A_48[%dma_wait3A_49, %dma_wait3A_50] : memref<8192x768xf32, #tpu.memory_space<hbm>> -> memref<8192x768xf32, #tpu.memory_space<hbm>>
    tpu.wait_indirect_dma semaphore(%arg10 : memref<!tpu.dma_semaphore, #tpu.memory_space<semaphore_mem>>) src(%dma_wait3A_51 : memref<8192x768xf32, #tpu.memory_space<hbm>>) dst(%arg8 : memref<64x768xf32, #tpu.memory_space<vmem>>)
    %add3A_52 = arith.constant 64 : i32
    %add3A_53 = arith.addi %mul3A_2, %add3A_52 : i32
    %run_scoped3A_54 = arith.constant 0 : i32
    "tpu.region"() ({
      %run_scoped3A_176 = tpu.sem_alloc : memref<!tpu.dma_semaphore, #tpu.memory_space<semaphore_mem>>
      %dma_start3A_177 = arith.constant 0 : i32
      %dma_start3A_178 = tpu.memref_slice %arg4[%run_scoped3A_54, %add3A_53, %dma_start3A_177] : memref<4x4096x768xf32, #tpu.memory_space<hbm>> -> memref<1x64x768xf32, #tpu.memory_space<hbm>>
      %dma_start3A_179 = tpu.memref_squeeze %dma_start3A_178 : memref<1x64x768xf32, #tpu.memory_space<hbm>> -> memref<64x768xf32, #tpu.memory_space<hbm>>
      %dma_start3A_180 = arith.constant 0 : i32
      %dma_start3A_181 = tpu.memref_slice %arg4[%run_scoped3A_54, %add3A_53, %dma_start3A_180] : memref<4x4096x768xf32, #tpu.memory_space<hbm>> -> memref<1x64x768xf32, #tpu.memory_space<hbm>>
      %dma_start3A_182 = tpu.memref_squeeze %dma_start3A_181 : memref<1x64x768xf32, #tpu.memory_space<hbm>> -> memref<64x768xf32, #tpu.memory_space<hbm>>
      tpu.enqueue_dma source(%arg8 : memref<64x768xf32, #tpu.memory_space<vmem>>) target(%dma_start3A_182 : memref<64x768xf32, #tpu.memory_space<hbm>>) target_semaphore(%run_scoped3A_176 : memref<!tpu.dma_semaphore, #tpu.memory_space<semaphore_mem>>)
      %dma_wait3A_183 = arith.constant 0 : i32
      %dma_wait3A_184 = tpu.memref_slice %arg4[%run_scoped3A_54, %add3A_53, %dma_wait3A_183] : memref<4x4096x768xf32, #tpu.memory_space<hbm>> -> memref<1x64x768xf32, #tpu.memory_space<hbm>>
      %dma_wait3A_185 = tpu.memref_squeeze %dma_wait3A_184 : memref<1x64x768xf32, #tpu.memory_space<hbm>> -> memref<64x768xf32, #tpu.memory_space<hbm>>
      %dma_wait3A_186 = arith.constant 0 : i32
      %dma_wait3A_187 = tpu.memref_slice %arg4[%run_scoped3A_54, %add3A_53, %dma_wait3A_186] : memref<4x4096x768xf32, #tpu.memory_space<hbm>> -> memref<1x64x768xf32, #tpu.memory_space<hbm>>
      %dma_wait3A_188 = tpu.memref_squeeze %dma_wait3A_187 : memref<1x64x768xf32, #tpu.memory_space<hbm>> -> memref<64x768xf32, #tpu.memory_space<hbm>>
      tpu.wait_dma2 semaphore(%run_scoped3A_176 : memref<!tpu.dma_semaphore, #tpu.memory_space<semaphore_mem>>) src(%arg8 : memref<64x768xf32, #tpu.memory_space<vmem>>) dst(%dma_wait3A_188 : memref<64x768xf32, #tpu.memory_space<hbm>>)
      tpu.yield
    }) : () -> ()
    %add3A_55 = arith.constant 64 : i32
    %add3A_56 = arith.addi %mul3A_2, %add3A_55 : i32
    %run_scoped3A_57 = arith.constant 1 : i32
    "tpu.region"() ({
      %run_scoped3A_176 = tpu.sem_alloc : memref<!tpu.dma_semaphore, #tpu.memory_space<semaphore_mem>>
      %dma_start3A_177 = tpu.memref_slice %arg2[%run_scoped3A_57, %add3A_56] : memref<4x4096xi32, #tpu.memory_space<hbm>> -> memref<1x64xi32, #tpu.memory_space<hbm>>
      %dma_start3A_178 = tpu.memref_squeeze %dma_start3A_177 : memref<1x64xi32, #tpu.memory_space<hbm>> -> memref<64xi32, #tpu.memory_space<hbm>>
      %dma_start3A_179 = tpu.memref_slice %arg2[%run_scoped3A_57, %add3A_56] : memref<4x4096xi32, #tpu.memory_space<hbm>> -> memref<1x64xi32, #tpu.memory_space<hbm>>
      %dma_start3A_180 = tpu.memref_squeeze %dma_start3A_179 : memref<1x64xi32, #tpu.memory_space<hbm>> -> memref<64xi32, #tpu.memory_space<hbm>>
      tpu.enqueue_dma source(%dma_start3A_180 : memref<64xi32, #tpu.memory_space<hbm>>) target(%arg6 : memref<64xi32, #tpu.memory_space<vmem>>) target_semaphore(%run_scoped3A_176 : memref<!tpu.dma_semaphore, #tpu.memory_space<semaphore_mem>>)
      %dma_wait3A_181 = tpu.memref_slice %arg2[%run_scoped3A_57, %add3A_56] : memref<4x4096xi32, #tpu.memory_space<hbm>> -> memref<1x64xi32, #tpu.memory_space<hbm>>
      %dma_wait3A_182 = tpu.memref_squeeze %dma_wait3A_181 : memref<1x64xi32, #tpu.memory_space<hbm>> -> memref<64xi32, #tpu.memory_space<hbm>>
      %dma_wait3A_183 = tpu.memref_slice %arg2[%run_scoped3A_57, %add3A_56] : memref<4x4096xi32, #tpu.memory_space<hbm>> -> memref<1x64xi32, #tpu.memory_space<hbm>>
      %dma_wait3A_184 = tpu.memref_squeeze %dma_wait3A_183 : memref<1x64xi32, #tpu.memory_space<hbm>> -> memref<64xi32, #tpu.memory_space<hbm>>
      tpu.wait_dma2 semaphore(%run_scoped3A_176 : memref<!tpu.dma_semaphore, #tpu.memory_space<semaphore_mem>>) src(%dma_wait3A_184 : memref<64xi32, #tpu.memory_space<hbm>>) dst(%arg6 : memref<64xi32, #tpu.memory_space<vmem>>)
      tpu.yield
    }) : () -> ()
    %dma_start3A_58 = arith.constant 1 : i32
    %dma_start3A_59 = arith.constant 0 : i32
    %dma_start3A_60 = arith.constant 0 : i32
    %dma_start3A_61 = tpu.memref_slice %arg3[%dma_start3A_58, %dma_start3A_59, %dma_start3A_60] : memref<4x8192x768xf32, #tpu.memory_space<hbm>> -> memref<1x8192x768xf32, #tpu.memory_space<hbm>>
    %dma_start3A_62 = tpu.memref_squeeze %dma_start3A_61 : memref<1x8192x768xf32, #tpu.memory_space<hbm>> -> memref<8192x768xf32, #tpu.memory_space<hbm>>
    %dma_start3A_63 = arith.constant 0 : i32
    %dma_start3A_64 = arith.constant 0 : i32
    %dma_start3A_65 = tpu.memref_slice %dma_start3A_62[%dma_start3A_63, %dma_start3A_64] : memref<8192x768xf32, #tpu.memory_space<hbm>> -> memref<8192x768xf32, #tpu.memory_space<hbm>>
    tpu.enqueue_indirect_dma source(%dma_start3A_65 : memref<8192x768xf32, #tpu.memory_space<hbm>>) target(%arg8 : memref<64x768xf32, #tpu.memory_space<vmem>>) offsets(%arg6 : memref<64xi32, #tpu.memory_space<vmem>>) semaphore(%arg10 : memref<!tpu.dma_semaphore, #tpu.memory_space<semaphore_mem>>)
    %dma_wait3A_66 = arith.constant 1 : i32
    %dma_wait3A_67 = arith.constant 0 : i32
    %dma_wait3A_68 = arith.constant 0 : i32
    %dma_wait3A_69 = tpu.memref_slice %arg3[%dma_wait3A_66, %dma_wait3A_67, %dma_wait3A_68] : memref<4x8192x768xf32, #tpu.memory_space<hbm>> -> memref<1x8192x768xf32, #tpu.memory_space<hbm>>
    %dma_wait3A_70 = tpu.memref_squeeze %dma_wait3A_69 : memref<1x8192x768xf32, #tpu.memory_space<hbm>> -> memref<8192x768xf32, #tpu.memory_space<hbm>>
    %dma_wait3A_71 = arith.constant 0 : i32
    %dma_wait3A_72 = arith.constant 0 : i32
    %dma_wait3A_73 = tpu.memref_slice %dma_wait3A_70[%dma_wait3A_71, %dma_wait3A_72] : memref<8192x768xf32, #tpu.memory_space<hbm>> -> memref<8192x768xf32, #tpu.memory_space<hbm>>
    tpu.wait_indirect_dma semaphore(%arg9 : memref<!tpu.dma_semaphore, #tpu.memory_space<semaphore_mem>>) src(%dma_wait3A_73 : memref<8192x768xf32, #tpu.memory_space<hbm>>) dst(%arg7 : memref<64x768xf32, #tpu.memory_space<vmem>>)
    %add3A_74 = arith.constant 0 : i32
    %add3A_75 = arith.addi %mul3A_2, %add3A_74 : i32
    %run_scoped3A_76 = arith.constant 1 : i32
    "tpu.region"() ({
      %run_scoped3A_176 = tpu.sem_alloc : memref<!tpu.dma_semaphore, #tpu.memory_space<semaphore_mem>>
      %dma_start3A_177 = arith.constant 0 : i32
      %dma_start3A_178 = tpu.memref_slice %arg4[%run_scoped3A_76, %add3A_75, %dma_start3A_177] : memref<4x4096x768xf32, #tpu.memory_space<hbm>> -> memref<1x64x768xf32, #tpu.memory_space<hbm>>
      %dma_start3A_179 = tpu.memref_squeeze %dma_start3A_178 : memref<1x64x768xf32, #tpu.memory_space<hbm>> -> memref<64x768xf32, #tpu.memory_space<hbm>>
      %dma_start3A_180 = arith.constant 0 : i32
      %dma_start3A_181 = tpu.memref_slice %arg4[%run_scoped3A_76, %add3A_75, %dma_start3A_180] : memref<4x4096x768xf32, #tpu.memory_space<hbm>> -> memref<1x64x768xf32, #tpu.memory_space<hbm>>
      %dma_start3A_182 = tpu.memref_squeeze %dma_start3A_181 : memref<1x64x768xf32, #tpu.memory_space<hbm>> -> memref<64x768xf32, #tpu.memory_space<hbm>>
      tpu.enqueue_dma source(%arg7 : memref<64x768xf32, #tpu.memory_space<vmem>>) target(%dma_start3A_182 : memref<64x768xf32, #tpu.memory_space<hbm>>) target_semaphore(%run_scoped3A_176 : memref<!tpu.dma_semaphore, #tpu.memory_space<semaphore_mem>>)
      %dma_wait3A_183 = arith.constant 0 : i32
      %dma_wait3A_184 = tpu.memref_slice %arg4[%run_scoped3A_76, %add3A_75, %dma_wait3A_183] : memref<4x4096x768xf32, #tpu.memory_space<hbm>> -> memref<1x64x768xf32, #tpu.memory_space<hbm>>
      %dma_wait3A_185 = tpu.memref_squeeze %dma_wait3A_184 : memref<1x64x768xf32, #tpu.memory_space<hbm>> -> memref<64x768xf32, #tpu.memory_space<hbm>>
      %dma_wait3A_186 = arith.constant 0 : i32
      %dma_wait3A_187 = tpu.memref_slice %arg4[%run_scoped3A_76, %add3A_75, %dma_wait3A_186] : memref<4x4096x768xf32, #tpu.memory_space<hbm>> -> memref<1x64x768xf32, #tpu.memory_space<hbm>>
      %dma_wait3A_188 = tpu.memref_squeeze %dma_wait3A_187 : memref<1x64x768xf32, #tpu.memory_space<hbm>> -> memref<64x768xf32, #tpu.memory_space<hbm>>
      tpu.wait_dma2 semaphore(%run_scoped3A_176 : memref<!tpu.dma_semaphore, #tpu.memory_space<semaphore_mem>>) src(%arg7 : memref<64x768xf32, #tpu.memory_space<vmem>>) dst(%dma_wait3A_188 : memref<64x768xf32, #tpu.memory_space<hbm>>)
      tpu.yield
    }) : () -> ()
    %add3A_77 = arith.constant 0 : i32
    %add3A_78 = arith.addi %mul3A_2, %add3A_77 : i32
    %run_scoped3A_79 = arith.constant 2 : i32
    "tpu.region"() ({
      %run_scoped3A_176 = tpu.sem_alloc : memref<!tpu.dma_semaphore, #tpu.memory_space<semaphore_mem>>
      %dma_start3A_177 = tpu.memref_slice %arg2[%run_scoped3A_79, %add3A_78] : memref<4x4096xi32, #tpu.memory_space<hbm>> -> memref<1x64xi32, #tpu.memory_space<hbm>>
      %dma_start3A_178 = tpu.memref_squeeze %dma_start3A_177 : memref<1x64xi32, #tpu.memory_space<hbm>> -> memref<64xi32, #tpu.memory_space<hbm>>
      %dma_start3A_179 = tpu.memref_slice %arg2[%run_scoped3A_79, %add3A_78] : memref<4x4096xi32, #tpu.memory_space<hbm>> -> memref<1x64xi32, #tpu.memory_space<hbm>>
      %dma_start3A_180 = tpu.memref_squeeze %dma_start3A_179 : memref<1x64xi32, #tpu.memory_space<hbm>> -> memref<64xi32, #tpu.memory_space<hbm>>
      tpu.enqueue_dma source(%dma_start3A_180 : memref<64xi32, #tpu.memory_space<hbm>>) target(%arg5 : memref<64xi32, #tpu.memory_space<vmem>>) target_semaphore(%run_scoped3A_176 : memref<!tpu.dma_semaphore, #tpu.memory_space<semaphore_mem>>)
      %dma_wait3A_181 = tpu.memref_slice %arg2[%run_scoped3A_79, %add3A_78] : memref<4x4096xi32, #tpu.memory_space<hbm>> -> memref<1x64xi32, #tpu.memory_space<hbm>>
      %dma_wait3A_182 = tpu.memref_squeeze %dma_wait3A_181 : memref<1x64xi32, #tpu.memory_space<hbm>> -> memref<64xi32, #tpu.memory_space<hbm>>
      %dma_wait3A_183 = tpu.memref_slice %arg2[%run_scoped3A_79, %add3A_78] : memref<4x4096xi32, #tpu.memory_space<hbm>> -> memref<1x64xi32, #tpu.memory_space<hbm>>
      %dma_wait3A_184 = tpu.memref_squeeze %dma_wait3A_183 : memref<1x64xi32, #tpu.memory_space<hbm>> -> memref<64xi32, #tpu.memory_space<hbm>>
      tpu.wait_dma2 semaphore(%run_scoped3A_176 : memref<!tpu.dma_semaphore, #tpu.memory_space<semaphore_mem>>) src(%dma_wait3A_184 : memref<64xi32, #tpu.memory_space<hbm>>) dst(%arg5 : memref<64xi32, #tpu.memory_space<vmem>>)
      tpu.yield
    }) : () -> ()
    %dma_start3A_80 = arith.constant 2 : i32
    %dma_start3A_81 = arith.constant 0 : i32
    %dma_start3A_82 = arith.constant 0 : i32
    %dma_start3A_83 = tpu.memref_slice %arg3[%dma_start3A_80, %dma_start3A_81, %dma_start3A_82] : memref<4x8192x768xf32, #tpu.memory_space<hbm>> -> memref<1x8192x768xf32, #tpu.memory_space<hbm>>
    %dma_start3A_84 = tpu.memref_squeeze %dma_start3A_83 : memref<1x8192x768xf32, #tpu.memory_space<hbm>> -> memref<8192x768xf32, #tpu.memory_space<hbm>>
    %dma_start3A_85 = arith.constant 0 : i32
    %dma_start3A_86 = arith.constant 0 : i32
    %dma_start3A_87 = tpu.memref_slice %dma_start3A_84[%dma_start3A_85, %dma_start3A_86] : memref<8192x768xf32, #tpu.memory_space<hbm>> -> memref<8192x768xf32, #tpu.memory_space<hbm>>
    tpu.enqueue_indirect_dma source(%dma_start3A_87 : memref<8192x768xf32, #tpu.memory_space<hbm>>) target(%arg7 : memref<64x768xf32, #tpu.memory_space<vmem>>) offsets(%arg5 : memref<64xi32, #tpu.memory_space<vmem>>) semaphore(%arg9 : memref<!tpu.dma_semaphore, #tpu.memory_space<semaphore_mem>>)
    %dma_wait3A_88 = arith.constant 1 : i32
    %dma_wait3A_89 = arith.constant 0 : i32
    %dma_wait3A_90 = arith.constant 0 : i32
    %dma_wait3A_91 = tpu.memref_slice %arg3[%dma_wait3A_88, %dma_wait3A_89, %dma_wait3A_90] : memref<4x8192x768xf32, #tpu.memory_space<hbm>> -> memref<1x8192x768xf32, #tpu.memory_space<hbm>>
    %dma_wait3A_92 = tpu.memref_squeeze %dma_wait3A_91 : memref<1x8192x768xf32, #tpu.memory_space<hbm>> -> memref<8192x768xf32, #tpu.memory_space<hbm>>
    %dma_wait3A_93 = arith.constant 0 : i32
    %dma_wait3A_94 = arith.constant 0 : i32
    %dma_wait3A_95 = tpu.memref_slice %dma_wait3A_92[%dma_wait3A_93, %dma_wait3A_94] : memref<8192x768xf32, #tpu.memory_space<hbm>> -> memref<8192x768xf32, #tpu.memory_space<hbm>>
    tpu.wait_indirect_dma semaphore(%arg10 : memref<!tpu.dma_semaphore, #tpu.memory_space<semaphore_mem>>) src(%dma_wait3A_95 : memref<8192x768xf32, #tpu.memory_space<hbm>>) dst(%arg8 : memref<64x768xf32, #tpu.memory_space<vmem>>)
    %add3A_96 = arith.constant 64 : i32
    %add3A_97 = arith.addi %mul3A_2, %add3A_96 : i32
    %run_scoped3A_98 = arith.constant 1 : i32
    "tpu.region"() ({
      %run_scoped3A_176 = tpu.sem_alloc : memref<!tpu.dma_semaphore, #tpu.memory_space<semaphore_mem>>
      %dma_start3A_177 = arith.constant 0 : i32
      %dma_start3A_178 = tpu.memref_slice %arg4[%run_scoped3A_98, %add3A_97, %dma_start3A_177] : memref<4x4096x768xf32, #tpu.memory_space<hbm>> -> memref<1x64x768xf32, #tpu.memory_space<hbm>>
      %dma_start3A_179 = tpu.memref_squeeze %dma_start3A_178 : memref<1x64x768xf32, #tpu.memory_space<hbm>> -> memref<64x768xf32, #tpu.memory_space<hbm>>
      %dma_start3A_180 = arith.constant 0 : i32
      %dma_start3A_181 = tpu.memref_slice %arg4[%run_scoped3A_98, %add3A_97, %dma_start3A_180] : memref<4x4096x768xf32, #tpu.memory_space<hbm>> -> memref<1x64x768xf32, #tpu.memory_space<hbm>>
      %dma_start3A_182 = tpu.memref_squeeze %dma_start3A_181 : memref<1x64x768xf32, #tpu.memory_space<hbm>> -> memref<64x768xf32, #tpu.memory_space<hbm>>
      tpu.enqueue_dma source(%arg8 : memref<64x768xf32, #tpu.memory_space<vmem>>) target(%dma_start3A_182 : memref<64x768xf32, #tpu.memory_space<hbm>>) target_semaphore(%run_scoped3A_176 : memref<!tpu.dma_semaphore, #tpu.memory_space<semaphore_mem>>)
      %dma_wait3A_183 = arith.constant 0 : i32
      %dma_wait3A_184 = tpu.memref_slice %arg4[%run_scoped3A_98, %add3A_97, %dma_wait3A_183] : memref<4x4096x768xf32, #tpu.memory_space<hbm>> -> memref<1x64x768xf32, #tpu.memory_space<hbm>>
      %dma_wait3A_185 = tpu.memref_squeeze %dma_wait3A_184 : memref<1x64x768xf32, #tpu.memory_space<hbm>> -> memref<64x768xf32, #tpu.memory_space<hbm>>
      %dma_wait3A_186 = arith.constant 0 : i32
      %dma_wait3A_187 = tpu.memref_slice %arg4[%run_scoped3A_98, %add3A_97, %dma_wait3A_186] : memref<4x4096x768xf32, #tpu.memory_space<hbm>> -> memref<1x64x768xf32, #tpu.memory_space<hbm>>
      %dma_wait3A_188 = tpu.memref_squeeze %dma_wait3A_187 : memref<1x64x768xf32, #tpu.memory_space<hbm>> -> memref<64x768xf32, #tpu.memory_space<hbm>>
      tpu.wait_dma2 semaphore(%run_scoped3A_176 : memref<!tpu.dma_semaphore, #tpu.memory_space<semaphore_mem>>) src(%arg8 : memref<64x768xf32, #tpu.memory_space<vmem>>) dst(%dma_wait3A_188 : memref<64x768xf32, #tpu.memory_space<hbm>>)
      tpu.yield
    }) : () -> ()
    %add3A_99 = arith.constant 64 : i32
    %add3A_100 = arith.addi %mul3A_2, %add3A_99 : i32
    %run_scoped3A_101 = arith.constant 2 : i32
    "tpu.region"() ({
      %run_scoped3A_176 = tpu.sem_alloc : memref<!tpu.dma_semaphore, #tpu.memory_space<semaphore_mem>>
      %dma_start3A_177 = tpu.memref_slice %arg2[%run_scoped3A_101, %add3A_100] : memref<4x4096xi32, #tpu.memory_space<hbm>> -> memref<1x64xi32, #tpu.memory_space<hbm>>
      %dma_start3A_178 = tpu.memref_squeeze %dma_start3A_177 : memref<1x64xi32, #tpu.memory_space<hbm>> -> memref<64xi32, #tpu.memory_space<hbm>>
      %dma_start3A_179 = tpu.memref_slice %arg2[%run_scoped3A_101, %add3A_100] : memref<4x4096xi32, #tpu.memory_space<hbm>> -> memref<1x64xi32, #tpu.memory_space<hbm>>
      %dma_start3A_180 = tpu.memref_squeeze %dma_start3A_179 : memref<1x64xi32, #tpu.memory_space<hbm>> -> memref<64xi32, #tpu.memory_space<hbm>>
      tpu.enqueue_dma source(%dma_start3A_180 : memref<64xi32, #tpu.memory_space<hbm>>) target(%arg6 : memref<64xi32, #tpu.memory_space<vmem>>) target_semaphore(%run_scoped3A_176 : memref<!tpu.dma_semaphore, #tpu.memory_space<semaphore_mem>>)
      %dma_wait3A_181 = tpu.memref_slice %arg2[%run_scoped3A_101, %add3A_100] : memref<4x4096xi32, #tpu.memory_space<hbm>> -> memref<1x64xi32, #tpu.memory_space<hbm>>
      %dma_wait3A_182 = tpu.memref_squeeze %dma_wait3A_181 : memref<1x64xi32, #tpu.memory_space<hbm>> -> memref<64xi32, #tpu.memory_space<hbm>>
      %dma_wait3A_183 = tpu.memref_slice %arg2[%run_scoped3A_101, %add3A_100] : memref<4x4096xi32, #tpu.memory_space<hbm>> -> memref<1x64xi32, #tpu.memory_space<hbm>>
      %dma_wait3A_184 = tpu.memref_squeeze %dma_wait3A_183 : memref<1x64xi32, #tpu.memory_space<hbm>> -> memref<64xi32, #tpu.memory_space<hbm>>
      tpu.wait_dma2 semaphore(%run_scoped3A_176 : memref<!tpu.dma_semaphore, #tpu.memory_space<semaphore_mem>>) src(%dma_wait3A_184 : memref<64xi32, #tpu.memory_space<hbm>>) dst(%arg6 : memref<64xi32, #tpu.memory_space<vmem>>)
      tpu.yield
    }) : () -> ()
    %dma_start3A_102 = arith.constant 2 : i32
    %dma_start3A_103 = arith.constant 0 : i32
    %dma_start3A_104 = arith.constant 0 : i32
    %dma_start3A_105 = tpu.memref_slice %arg3[%dma_start3A_102, %dma_start3A_103, %dma_start3A_104] : memref<4x8192x768xf32, #tpu.memory_space<hbm>> -> memref<1x8192x768xf32, #tpu.memory_space<hbm>>
    %dma_start3A_106 = tpu.memref_squeeze %dma_start3A_105 : memref<1x8192x768xf32, #tpu.memory_space<hbm>> -> memref<8192x768xf32, #tpu.memory_space<hbm>>
    %dma_start3A_107 = arith.constant 0 : i32
    %dma_start3A_108 = arith.constant 0 : i32
    %dma_start3A_109 = tpu.memref_slice %dma_start3A_106[%dma_start3A_107, %dma_start3A_108] : memref<8192x768xf32, #tpu.memory_space<hbm>> -> memref<8192x768xf32, #tpu.memory_space<hbm>>
    tpu.enqueue_indirect_dma source(%dma_start3A_109 : memref<8192x768xf32, #tpu.memory_space<hbm>>) target(%arg8 : memref<64x768xf32, #tpu.memory_space<vmem>>) offsets(%arg6 : memref<64xi32, #tpu.memory_space<vmem>>) semaphore(%arg10 : memref<!tpu.dma_semaphore, #tpu.memory_space<semaphore_mem>>)
    %dma_wait3A_110 = arith.constant 2 : i32
    %dma_wait3A_111 = arith.constant 0 : i32
    %dma_wait3A_112 = arith.constant 0 : i32
    %dma_wait3A_113 = tpu.memref_slice %arg3[%dma_wait3A_110, %dma_wait3A_111, %dma_wait3A_112] : memref<4x8192x768xf32, #tpu.memory_space<hbm>> -> memref<1x8192x768xf32, #tpu.memory_space<hbm>>
    %dma_wait3A_114 = tpu.memref_squeeze %dma_wait3A_113 : memref<1x8192x768xf32, #tpu.memory_space<hbm>> -> memref<8192x768xf32, #tpu.memory_space<hbm>>
    %dma_wait3A_115 = arith.constant 0 : i32
    %dma_wait3A_116 = arith.constant 0 : i32
    %dma_wait3A_117 = tpu.memref_slice %dma_wait3A_114[%dma_wait3A_115, %dma_wait3A_116] : memref<8192x768xf32, #tpu.memory_space<hbm>> -> memref<8192x768xf32, #tpu.memory_space<hbm>>
    tpu.wait_indirect_dma semaphore(%arg9 : memref<!tpu.dma_semaphore, #tpu.memory_space<semaphore_mem>>) src(%dma_wait3A_117 : memref<8192x768xf32, #tpu.memory_space<hbm>>) dst(%arg7 : memref<64x768xf32, #tpu.memory_space<vmem>>)
    %add3A_118 = arith.constant 0 : i32
    %add3A_119 = arith.addi %mul3A_2, %add3A_118 : i32
    %run_scoped3A_120 = arith.constant 2 : i32
    "tpu.region"() ({
      %run_scoped3A_176 = tpu.sem_alloc : memref<!tpu.dma_semaphore, #tpu.memory_space<semaphore_mem>>
      %dma_start3A_177 = arith.constant 0 : i32
      %dma_start3A_178 = tpu.memref_slice %arg4[%run_scoped3A_120, %add3A_119, %dma_start3A_177] : memref<4x4096x768xf32, #tpu.memory_space<hbm>> -> memref<1x64x768xf32, #tpu.memory_space<hbm>>
      %dma_start3A_179 = tpu.memref_squeeze %dma_start3A_178 : memref<1x64x768xf32, #tpu.memory_space<hbm>> -> memref<64x768xf32, #tpu.memory_space<hbm>>
      %dma_start3A_180 = arith.constant 0 : i32
      %dma_start3A_181 = tpu.memref_slice %arg4[%run_scoped3A_120, %add3A_119, %dma_start3A_180] : memref<4x4096x768xf32, #tpu.memory_space<hbm>> -> memref<1x64x768xf32, #tpu.memory_space<hbm>>
      %dma_start3A_182 = tpu.memref_squeeze %dma_start3A_181 : memref<1x64x768xf32, #tpu.memory_space<hbm>> -> memref<64x768xf32, #tpu.memory_space<hbm>>
      tpu.enqueue_dma source(%arg7 : memref<64x768xf32, #tpu.memory_space<vmem>>) target(%dma_start3A_182 : memref<64x768xf32, #tpu.memory_space<hbm>>) target_semaphore(%run_scoped3A_176 : memref<!tpu.dma_semaphore, #tpu.memory_space<semaphore_mem>>)
      %dma_wait3A_183 = arith.constant 0 : i32
      %dma_wait3A_184 = tpu.memref_slice %arg4[%run_scoped3A_120, %add3A_119, %dma_wait3A_183] : memref<4x4096x768xf32, #tpu.memory_space<hbm>> -> memref<1x64x768xf32, #tpu.memory_space<hbm>>
      %dma_wait3A_185 = tpu.memref_squeeze %dma_wait3A_184 : memref<1x64x768xf32, #tpu.memory_space<hbm>> -> memref<64x768xf32, #tpu.memory_space<hbm>>
      %dma_wait3A_186 = arith.constant 0 : i32
      %dma_wait3A_187 = tpu.memref_slice %arg4[%run_scoped3A_120, %add3A_119, %dma_wait3A_186] : memref<4x4096x768xf32, #tpu.memory_space<hbm>> -> memref<1x64x768xf32, #tpu.memory_space<hbm>>
      %dma_wait3A_188 = tpu.memref_squeeze %dma_wait3A_187 : memref<1x64x768xf32, #tpu.memory_space<hbm>> -> memref<64x768xf32, #tpu.memory_space<hbm>>
      tpu.wait_dma2 semaphore(%run_scoped3A_176 : memref<!tpu.dma_semaphore, #tpu.memory_space<semaphore_mem>>) src(%arg7 : memref<64x768xf32, #tpu.memory_space<vmem>>) dst(%dma_wait3A_188 : memref<64x768xf32, #tpu.memory_space<hbm>>)
      tpu.yield
    }) : () -> ()
    %add3A_121 = arith.constant 0 : i32
    %add3A_122 = arith.addi %mul3A_2, %add3A_121 : i32
    %run_scoped3A_123 = arith.constant 3 : i32
    "tpu.region"() ({
      %run_scoped3A_176 = tpu.sem_alloc : memref<!tpu.dma_semaphore, #tpu.memory_space<semaphore_mem>>
      %dma_start3A_177 = tpu.memref_slice %arg2[%run_scoped3A_123, %add3A_122] : memref<4x4096xi32, #tpu.memory_space<hbm>> -> memref<1x64xi32, #tpu.memory_space<hbm>>
      %dma_start3A_178 = tpu.memref_squeeze %dma_start3A_177 : memref<1x64xi32, #tpu.memory_space<hbm>> -> memref<64xi32, #tpu.memory_space<hbm>>
      %dma_start3A_179 = tpu.memref_slice %arg2[%run_scoped3A_123, %add3A_122] : memref<4x4096xi32, #tpu.memory_space<hbm>> -> memref<1x64xi32, #tpu.memory_space<hbm>>
      %dma_start3A_180 = tpu.memref_squeeze %dma_start3A_179 : memref<1x64xi32, #tpu.memory_space<hbm>> -> memref<64xi32, #tpu.memory_space<hbm>>
      tpu.enqueue_dma source(%dma_start3A_180 : memref<64xi32, #tpu.memory_space<hbm>>) target(%arg5 : memref<64xi32, #tpu.memory_space<vmem>>) target_semaphore(%run_scoped3A_176 : memref<!tpu.dma_semaphore, #tpu.memory_space<semaphore_mem>>)
      %dma_wait3A_181 = tpu.memref_slice %arg2[%run_scoped3A_123, %add3A_122] : memref<4x4096xi32, #tpu.memory_space<hbm>> -> memref<1x64xi32, #tpu.memory_space<hbm>>
      %dma_wait3A_182 = tpu.memref_squeeze %dma_wait3A_181 : memref<1x64xi32, #tpu.memory_space<hbm>> -> memref<64xi32, #tpu.memory_space<hbm>>
      %dma_wait3A_183 = tpu.memref_slice %arg2[%run_scoped3A_123, %add3A_122] : memref<4x4096xi32, #tpu.memory_space<hbm>> -> memref<1x64xi32, #tpu.memory_space<hbm>>
      %dma_wait3A_184 = tpu.memref_squeeze %dma_wait3A_183 : memref<1x64xi32, #tpu.memory_space<hbm>> -> memref<64xi32, #tpu.memory_space<hbm>>
      tpu.wait_dma2 semaphore(%run_scoped3A_176 : memref<!tpu.dma_semaphore, #tpu.memory_space<semaphore_mem>>) src(%dma_wait3A_184 : memref<64xi32, #tpu.memory_space<hbm>>) dst(%arg5 : memref<64xi32, #tpu.memory_space<vmem>>)
      tpu.yield
    }) : () -> ()
    %dma_start3A_124 = arith.constant 3 : i32
    %dma_start3A_125 = arith.constant 0 : i32
    %dma_start3A_126 = arith.constant 0 : i32
    %dma_start3A_127 = tpu.memref_slice %arg3[%dma_start3A_124, %dma_start3A_125, %dma_start3A_126] : memref<4x8192x768xf32, #tpu.memory_space<hbm>> -> memref<1x8192x768xf32, #tpu.memory_space<hbm>>
    %dma_start3A_128 = tpu.memref_squeeze %dma_start3A_127 : memref<1x8192x768xf32, #tpu.memory_space<hbm>> -> memref<8192x768xf32, #tpu.memory_space<hbm>>
    %dma_start3A_129 = arith.constant 0 : i32
    %dma_start3A_130 = arith.constant 0 : i32
    %dma_start3A_131 = tpu.memref_slice %dma_start3A_128[%dma_start3A_129, %dma_start3A_130] : memref<8192x768xf32, #tpu.memory_space<hbm>> -> memref<8192x768xf32, #tpu.memory_space<hbm>>
    tpu.enqueue_indirect_dma source(%dma_start3A_131 : memref<8192x768xf32, #tpu.memory_space<hbm>>) target(%arg7 : memref<64x768xf32, #tpu.memory_space<vmem>>) offsets(%arg5 : memref<64xi32, #tpu.memory_space<vmem>>) semaphore(%arg9 : memref<!tpu.dma_semaphore, #tpu.memory_space<semaphore_mem>>)
    %dma_wait3A_132 = arith.constant 2 : i32
    %dma_wait3A_133 = arith.constant 0 : i32
    %dma_wait3A_134 = arith.constant 0 : i32
    %dma_wait3A_135 = tpu.memref_slice %arg3[%dma_wait3A_132, %dma_wait3A_133, %dma_wait3A_134] : memref<4x8192x768xf32, #tpu.memory_space<hbm>> -> memref<1x8192x768xf32, #tpu.memory_space<hbm>>
    %dma_wait3A_136 = tpu.memref_squeeze %dma_wait3A_135 : memref<1x8192x768xf32, #tpu.memory_space<hbm>> -> memref<8192x768xf32, #tpu.memory_space<hbm>>
    %dma_wait3A_137 = arith.constant 0 : i32
    %dma_wait3A_138 = arith.constant 0 : i32
    %dma_wait3A_139 = tpu.memref_slice %dma_wait3A_136[%dma_wait3A_137, %dma_wait3A_138] : memref<8192x768xf32, #tpu.memory_space<hbm>> -> memref<8192x768xf32, #tpu.memory_space<hbm>>
    tpu.wait_indirect_dma semaphore(%arg10 : memref<!tpu.dma_semaphore, #tpu.memory_space<semaphore_mem>>) src(%dma_wait3A_139 : memref<8192x768xf32, #tpu.memory_space<hbm>>) dst(%arg8 : memref<64x768xf32, #tpu.memory_space<vmem>>)
    %add3A_140 = arith.constant 64 : i32
    %add3A_141 = arith.addi %mul3A_2, %add3A_140 : i32
    %run_scoped3A_142 = arith.constant 2 : i32
    "tpu.region"() ({
      %run_scoped3A_176 = tpu.sem_alloc : memref<!tpu.dma_semaphore, #tpu.memory_space<semaphore_mem>>
      %dma_start3A_177 = arith.constant 0 : i32
      %dma_start3A_178 = tpu.memref_slice %arg4[%run_scoped3A_142, %add3A_141, %dma_start3A_177] : memref<4x4096x768xf32, #tpu.memory_space<hbm>> -> memref<1x64x768xf32, #tpu.memory_space<hbm>>
      %dma_start3A_179 = tpu.memref_squeeze %dma_start3A_178 : memref<1x64x768xf32, #tpu.memory_space<hbm>> -> memref<64x768xf32, #tpu.memory_space<hbm>>
      %dma_start3A_180 = arith.constant 0 : i32
      %dma_start3A_181 = tpu.memref_slice %arg4[%run_scoped3A_142, %add3A_141, %dma_start3A_180] : memref<4x4096x768xf32, #tpu.memory_space<hbm>> -> memref<1x64x768xf32, #tpu.memory_space<hbm>>
      %dma_start3A_182 = tpu.memref_squeeze %dma_start3A_181 : memref<1x64x768xf32, #tpu.memory_space<hbm>> -> memref<64x768xf32, #tpu.memory_space<hbm>>
      tpu.enqueue_dma source(%arg8 : memref<64x768xf32, #tpu.memory_space<vmem>>) target(%dma_start3A_182 : memref<64x768xf32, #tpu.memory_space<hbm>>) target_semaphore(%run_scoped3A_176 : memref<!tpu.dma_semaphore, #tpu.memory_space<semaphore_mem>>)
      %dma_wait3A_183 = arith.constant 0 : i32
      %dma_wait3A_184 = tpu.memref_slice %arg4[%run_scoped3A_142, %add3A_141, %dma_wait3A_183] : memref<4x4096x768xf32, #tpu.memory_space<hbm>> -> memref<1x64x768xf32, #tpu.memory_space<hbm>>
      %dma_wait3A_185 = tpu.memref_squeeze %dma_wait3A_184 : memref<1x64x768xf32, #tpu.memory_space<hbm>> -> memref<64x768xf32, #tpu.memory_space<hbm>>
      %dma_wait3A_186 = arith.constant 0 : i32
      %dma_wait3A_187 = tpu.memref_slice %arg4[%run_scoped3A_142, %add3A_141, %dma_wait3A_186] : memref<4x4096x768xf32, #tpu.memory_space<hbm>> -> memref<1x64x768xf32, #tpu.memory_space<hbm>>
      %dma_wait3A_188 = tpu.memref_squeeze %dma_wait3A_187 : memref<1x64x768xf32, #tpu.memory_space<hbm>> -> memref<64x768xf32, #tpu.memory_space<hbm>>
      tpu.wait_dma2 semaphore(%run_scoped3A_176 : memref<!tpu.dma_semaphore, #tpu.memory_space<semaphore_mem>>) src(%arg8 : memref<64x768xf32, #tpu.memory_space<vmem>>) dst(%dma_wait3A_188 : memref<64x768xf32, #tpu.memory_space<hbm>>)
      tpu.yield
    }) : () -> ()
    %add3A_143 = arith.constant 64 : i32
    %add3A_144 = arith.addi %mul3A_2, %add3A_143 : i32
    %run_scoped3A_145 = arith.constant 3 : i32
    "tpu.region"() ({
      %run_scoped3A_176 = tpu.sem_alloc : memref<!tpu.dma_semaphore, #tpu.memory_space<semaphore_mem>>
      %dma_start3A_177 = tpu.memref_slice %arg2[%run_scoped3A_145, %add3A_144] : memref<4x4096xi32, #tpu.memory_space<hbm>> -> memref<1x64xi32, #tpu.memory_space<hbm>>
      %dma_start3A_178 = tpu.memref_squeeze %dma_start3A_177 : memref<1x64xi32, #tpu.memory_space<hbm>> -> memref<64xi32, #tpu.memory_space<hbm>>
      %dma_start3A_179 = tpu.memref_slice %arg2[%run_scoped3A_145, %add3A_144] : memref<4x4096xi32, #tpu.memory_space<hbm>> -> memref<1x64xi32, #tpu.memory_space<hbm>>
      %dma_start3A_180 = tpu.memref_squeeze %dma_start3A_179 : memref<1x64xi32, #tpu.memory_space<hbm>> -> memref<64xi32, #tpu.memory_space<hbm>>
      tpu.enqueue_dma source(%dma_start3A_180 : memref<64xi32, #tpu.memory_space<hbm>>) target(%arg6 : memref<64xi32, #tpu.memory_space<vmem>>) target_semaphore(%run_scoped3A_176 : memref<!tpu.dma_semaphore, #tpu.memory_space<semaphore_mem>>)
      %dma_wait3A_181 = tpu.memref_slice %arg2[%run_scoped3A_145, %add3A_144] : memref<4x4096xi32, #tpu.memory_space<hbm>> -> memref<1x64xi32, #tpu.memory_space<hbm>>
      %dma_wait3A_182 = tpu.memref_squeeze %dma_wait3A_181 : memref<1x64xi32, #tpu.memory_space<hbm>> -> memref<64xi32, #tpu.memory_space<hbm>>
      %dma_wait3A_183 = tpu.memref_slice %arg2[%run_scoped3A_145, %add3A_144] : memref<4x4096xi32, #tpu.memory_space<hbm>> -> memref<1x64xi32, #tpu.memory_space<hbm>>
      %dma_wait3A_184 = tpu.memref_squeeze %dma_wait3A_183 : memref<1x64xi32, #tpu.memory_space<hbm>> -> memref<64xi32, #tpu.memory_space<hbm>>
      tpu.wait_dma2 semaphore(%run_scoped3A_176 : memref<!tpu.dma_semaphore, #tpu.memory_space<semaphore_mem>>) src(%dma_wait3A_184 : memref<64xi32, #tpu.memory_space<hbm>>) dst(%arg6 : memref<64xi32, #tpu.memory_space<vmem>>)
      tpu.yield
    }) : () -> ()
    %dma_start3A_146 = arith.constant 3 : i32
    %dma_start3A_147 = arith.constant 0 : i32
    %dma_start3A_148 = arith.constant 0 : i32
    %dma_start3A_149 = tpu.memref_slice %arg3[%dma_start3A_146, %dma_start3A_147, %dma_start3A_148] : memref<4x8192x768xf32, #tpu.memory_space<hbm>> -> memref<1x8192x768xf32, #tpu.memory_space<hbm>>
    %dma_start3A_150 = tpu.memref_squeeze %dma_start3A_149 : memref<1x8192x768xf32, #tpu.memory_space<hbm>> -> memref<8192x768xf32, #tpu.memory_space<hbm>>
    %dma_start3A_151 = arith.constant 0 : i32
    %dma_start3A_152 = arith.constant 0 : i32
    %dma_start3A_153 = tpu.memref_slice %dma_start3A_150[%dma_start3A_151, %dma_start3A_152] : memref<8192x768xf32, #tpu.memory_space<hbm>> -> memref<8192x768xf32, #tpu.memory_space<hbm>>
    tpu.enqueue_indirect_dma source(%dma_start3A_153 : memref<8192x768xf32, #tpu.memory_space<hbm>>) target(%arg8 : memref<64x768xf32, #tpu.memory_space<vmem>>) offsets(%arg6 : memref<64xi32, #tpu.memory_space<vmem>>) semaphore(%arg10 : memref<!tpu.dma_semaphore, #tpu.memory_space<semaphore_mem>>)
    %dma_wait3A_154 = arith.constant 3 : i32
    %dma_wait3A_155 = arith.constant 0 : i32
    %dma_wait3A_156 = arith.constant 0 : i32
    %dma_wait3A_157 = tpu.memref_slice %arg3[%dma_wait3A_154, %dma_wait3A_155, %dma_wait3A_156] : memref<4x8192x768xf32, #tpu.memory_space<hbm>> -> memref<1x8192x768xf32, #tpu.memory_space<hbm>>
    %dma_wait3A_158 = tpu.memref_squeeze %dma_wait3A_157 : memref<1x8192x768xf32, #tpu.memory_space<hbm>> -> memref<8192x768xf32, #tpu.memory_space<hbm>>
    %dma_wait3A_159 = arith.constant 0 : i32
    %dma_wait3A_160 = arith.constant 0 : i32
    %dma_wait3A_161 = tpu.memref_slice %dma_wait3A_158[%dma_wait3A_159, %dma_wait3A_160] : memref<8192x768xf32, #tpu.memory_space<hbm>> -> memref<8192x768xf32, #tpu.memory_space<hbm>>
    tpu.wait_indirect_dma semaphore(%arg9 : memref<!tpu.dma_semaphore, #tpu.memory_space<semaphore_mem>>) src(%dma_wait3A_161 : memref<8192x768xf32, #tpu.memory_space<hbm>>) dst(%arg7 : memref<64x768xf32, #tpu.memory_space<vmem>>)
    %add3A_162 = arith.constant 0 : i32
    %add3A_163 = arith.addi %mul3A_2, %add3A_162 : i32
    %run_scoped3A_164 = arith.constant 3 : i32
    "tpu.region"() ({
      %run_scoped3A_176 = tpu.sem_alloc : memref<!tpu.dma_semaphore, #tpu.memory_space<semaphore_mem>>
      %dma_start3A_177 = arith.constant 0 : i32
      %dma_start3A_178 = tpu.memref_slice %arg4[%run_scoped3A_164, %add3A_163, %dma_start3A_177] : memref<4x4096x768xf32, #tpu.memory_space<hbm>> -> memref<1x64x768xf32, #tpu.memory_space<hbm>>
      %dma_start3A_179 = tpu.memref_squeeze %dma_start3A_178 : memref<1x64x768xf32, #tpu.memory_space<hbm>> -> memref<64x768xf32, #tpu.memory_space<hbm>>
      %dma_start3A_180 = arith.constant 0 : i32
      %dma_start3A_181 = tpu.memref_slice %arg4[%run_scoped3A_164, %add3A_163, %dma_start3A_180] : memref<4x4096x768xf32, #tpu.memory_space<hbm>> -> memref<1x64x768xf32, #tpu.memory_space<hbm>>
      %dma_start3A_182 = tpu.memref_squeeze %dma_start3A_181 : memref<1x64x768xf32, #tpu.memory_space<hbm>> -> memref<64x768xf32, #tpu.memory_space<hbm>>
      tpu.enqueue_dma source(%arg7 : memref<64x768xf32, #tpu.memory_space<vmem>>) target(%dma_start3A_182 : memref<64x768xf32, #tpu.memory_space<hbm>>) target_semaphore(%run_scoped3A_176 : memref<!tpu.dma_semaphore, #tpu.memory_space<semaphore_mem>>)
      %dma_wait3A_183 = arith.constant 0 : i32
      %dma_wait3A_184 = tpu.memref_slice %arg4[%run_scoped3A_164, %add3A_163, %dma_wait3A_183] : memref<4x4096x768xf32, #tpu.memory_space<hbm>> -> memref<1x64x768xf32, #tpu.memory_space<hbm>>
      %dma_wait3A_185 = tpu.memref_squeeze %dma_wait3A_184 : memref<1x64x768xf32, #tpu.memory_space<hbm>> -> memref<64x768xf32, #tpu.memory_space<hbm>>
      %dma_wait3A_186 = arith.constant 0 : i32
      %dma_wait3A_187 = tpu.memref_slice %arg4[%run_scoped3A_164, %add3A_163, %dma_wait3A_186] : memref<4x4096x768xf32, #tpu.memory_space<hbm>> -> memref<1x64x768xf32, #tpu.memory_space<hbm>>
      %dma_wait3A_188 = tpu.memref_squeeze %dma_wait3A_187 : memref<1x64x768xf32, #tpu.memory_space<hbm>> -> memref<64x768xf32, #tpu.memory_space<hbm>>
      tpu.wait_dma2 semaphore(%run_scoped3A_176 : memref<!tpu.dma_semaphore, #tpu.memory_space<semaphore_mem>>) src(%arg7 : memref<64x768xf32, #tpu.memory_space<vmem>>) dst(%dma_wait3A_188 : memref<64x768xf32, #tpu.memory_space<hbm>>)
      tpu.yield
    }) : () -> ()
    %dma_wait3A_165 = arith.constant 3 : i32
    %dma_wait3A_166 = arith.constant 0 : i32
    %dma_wait3A_167 = arith.constant 0 : i32
    %dma_wait3A_168 = tpu.memref_slice %arg3[%dma_wait3A_165, %dma_wait3A_166, %dma_wait3A_167] : memref<4x8192x768xf32, #tpu.memory_space<hbm>> -> memref<1x8192x768xf32, #tpu.memory_space<hbm>>
    %dma_wait3A_169 = tpu.memref_squeeze %dma_wait3A_168 : memref<1x8192x768xf32, #tpu.memory_space<hbm>> -> memref<8192x768xf32, #tpu.memory_space<hbm>>
    %dma_wait3A_170 = arith.constant 0 : i32
    %dma_wait3A_171 = arith.constant 0 : i32
    %dma_wait3A_172 = tpu.memref_slice %dma_wait3A_169[%dma_wait3A_170, %dma_wait3A_171] : memref<8192x768xf32, #tpu.memory_space<hbm>> -> memref<8192x768xf32, #tpu.memory_space<hbm>>
    tpu.wait_indirect_dma semaphore(%arg10 : memref<!tpu.dma_semaphore, #tpu.memory_space<semaphore_mem>>) src(%dma_wait3A_172 : memref<8192x768xf32, #tpu.memory_space<hbm>>) dst(%arg8 : memref<64x768xf32, #tpu.memory_space<vmem>>)
    %add3A_173 = arith.constant 64 : i32
    %add3A_174 = arith.addi %mul3A_2, %add3A_173 : i32
    %run_scoped3A_175 = arith.constant 3 : i32
    "tpu.region"() ({
      %run_scoped3A_176 = tpu.sem_alloc : memref<!tpu.dma_semaphore, #tpu.memory_space<semaphore_mem>>
      %dma_start3A_177 = arith.constant 0 : i32
      %dma_start3A_178 = tpu.memref_slice %arg4[%run_scoped3A_175, %add3A_174, %dma_start3A_177] : memref<4x4096x768xf32, #tpu.memory_space<hbm>> -> memref<1x64x768xf32, #tpu.memory_space<hbm>>
      %dma_start3A_179 = tpu.memref_squeeze %dma_start3A_178 : memref<1x64x768xf32, #tpu.memory_space<hbm>> -> memref<64x768xf32, #tpu.memory_space<hbm>>
      %dma_start3A_180 = arith.constant 0 : i32
      %dma_start3A_181 = tpu.memref_slice %arg4[%run_scoped3A_175, %add3A_174, %dma_start3A_180] : memref<4x4096x768xf32, #tpu.memory_space<hbm>> -> memref<1x64x768xf32, #tpu.memory_space<hbm>>
      %dma_start3A_182 = tpu.memref_squeeze %dma_start3A_181 : memref<1x64x768xf32, #tpu.memory_space<hbm>> -> memref<64x768xf32, #tpu.memory_space<hbm>>
      tpu.enqueue_dma source(%arg8 : memref<64x768xf32, #tpu.memory_space<vmem>>) target(%dma_start3A_182 : memref<64x768xf32, #tpu.memory_space<hbm>>) target_semaphore(%run_scoped3A_176 : memref<!tpu.dma_semaphore, #tpu.memory_space<semaphore_mem>>)
      %dma_wait3A_183 = arith.constant 0 : i32
      %dma_wait3A_184 = tpu.memref_slice %arg4[%run_scoped3A_175, %add3A_174, %dma_wait3A_183] : memref<4x4096x768xf32, #tpu.memory_space<hbm>> -> memref<1x64x768xf32, #tpu.memory_space<hbm>>
      %dma_wait3A_185 = tpu.memref_squeeze %dma_wait3A_184 : memref<1x64x768xf32, #tpu.memory_space<hbm>> -> memref<64x768xf32, #tpu.memory_space<hbm>>
      %dma_wait3A_186 = arith.constant 0 : i32
      %dma_wait3A_187 = tpu.memref_slice %arg4[%run_scoped3A_175, %add3A_174, %dma_wait3A_186] : memref<4x4096x768xf32, #tpu.memory_space<hbm>> -> memref<1x64x768xf32, #tpu.memory_space<hbm>>
      %dma_wait3A_188 = tpu.memref_squeeze %dma_wait3A_187 : memref<1x64x768xf32, #tpu.memory_space<hbm>> -> memref<64x768xf32, #tpu.memory_space<hbm>>
      tpu.wait_dma2 semaphore(%run_scoped3A_176 : memref<!tpu.dma_semaphore, #tpu.memory_space<semaphore_mem>>) src(%arg8 : memref<64x768xf32, #tpu.memory_space<vmem>>) dst(%dma_wait3A_188 : memref<64x768xf32, #tpu.memory_space<hbm>>)
      tpu.yield
    }) : () -> ()
    return
  }
}

module attributes {stable_mosaic.version = 14 : i64} {
  func.func @_a1_body(%arg0: i32, %arg1: i32, %arg2: memref<1x512x768xf32, #tpu.memory_space<vmem>>, %arg3: memref<1x8x768xf32, #tpu.memory_space<vmem>>) attributes {dimension_semantics = [#tpu.dimension_semantics<arbitrary>, #tpu.dimension_semantics<arbitrary>], iteration_bounds = array<i64: 4, 16>, scalar_prefetch = 0 : i64, scratch_operands = 0 : i64, tpu.core_type = #tpu.core_type<tc>, window_params = [{transform_indices = @transform_0, window_bounds = array<i64: 1, 512, 768>}, {transform_indices = @transform_1, window_bounds = array<i64: 1, 8, 768>}]} {
    %eq3A = arith.constant 0 : i32
    %eq3A_0 = arith.cmpi eq, %arg1, %eq3A : i32
    %convert_element_type3A = arith.extui %eq3A_0 : i1 to i32
    %cond3A = arith.constant 0 : i32
    %cond3A_1 = arith.cmpi ne, %convert_element_type3A, %cond3A : i32
    scf.if %cond3A_1 {
      %broadcast_in_dim3A = arith.constant 0.000000e+00 : f32
      %broadcast_in_dim3A_16 = vector.broadcast %broadcast_in_dim3A : f32 to vector<8x768xf32>
      %swap3A_17 = arith.constant 0 : index
      %swap3A_18 = arith.constant 0 : index
      %swap3A_19 = arith.constant 0 : index
      %swap3A_20 = vector.load %arg3[%swap3A_17, %swap3A_18, %swap3A_19] : memref<1x8x768xf32, #tpu.memory_space<vmem>>, vector<1x8x768xf32>
      %swap3A_21 = vector.shape_cast %swap3A_20 : vector<1x8x768xf32> to vector<8x768xf32>
      %swap3A_22 = vector.shape_cast %broadcast_in_dim3A_16 : vector<8x768xf32> to vector<1x8x768xf32>
      tpu.vector_store %arg3[%swap3A_17, %swap3A_18, %swap3A_19], %swap3A_22 {strides = array<i32>} : memref<1x8x768xf32, #tpu.memory_space<vmem>>, vector<1x8x768xf32>,
    } else {
    }
    %get3A = arith.constant 0 : index
    %get3A_2 = arith.constant 0 : index
    %get3A_3 = arith.constant 0 : index
    %get3A_4 = vector.load %arg3[%get3A, %get3A_2, %get3A_3] : memref<1x8x768xf32, #tpu.memory_space<vmem>>, vector<1x8x768xf32>
    %get3A_5 = vector.shape_cast %get3A_4 : vector<1x8x768xf32> to vector<8x768xf32>
    %scan3A = arith.constant 0 : i32
    %scan3A_6 = arith.constant 64 : i32
    %scan3A_7 = arith.addi %scan3A, %scan3A_6 : i32
    %scan3A_8 = arith.constant 1 : i32
    %scan3A_9 = scf.for %scan3A_16 = %scan3A to %scan3A_7 step %scan3A_8 iter_args(%scan3A_17 = %get3A_5) -> (vector<8x768xf32>)  : i32 {
      %mul3A = arith.constant 8 : i32
      %mul3A_18 = arith.muli %scan3A_16, %mul3A : i32
      %get3A_19 = arith.constant 0 : index
      %get3A_20 = arith.index_cast %mul3A_18 : i32 to index
      %get3A_21 = arith.constant 0 : index
      %get3A_22 = vector.load %arg2[%get3A_19, %get3A_20, %get3A_21] : memref<1x512x768xf32, #tpu.memory_space<vmem>>, vector<1x8x768xf32>
      %get3A_23 = vector.shape_cast %get3A_22 : vector<1x8x768xf32> to vector<8x768xf32>
      %add3A = arith.addf %scan3A_17, %get3A_23 : vector<8x768xf32>
      scf.yield %add3A : vector<8x768xf32>
    }
    %scan3A_10 = arith.constant 64 : i32
    %swap3A = arith.constant 0 : index
    %swap3A_11 = arith.constant 0 : index
    %swap3A_12 = arith.constant 0 : index
    %swap3A_13 = vector.load %arg3[%swap3A, %swap3A_11, %swap3A_12] : memref<1x8x768xf32, #tpu.memory_space<vmem>>, vector<1x8x768xf32>
    %swap3A_14 = vector.shape_cast %swap3A_13 : vector<1x8x768xf32> to vector<8x768xf32>
    %swap3A_15 = vector.shape_cast %scan3A_9 : vector<8x768xf32> to vector<1x8x768xf32>
    tpu.vector_store %arg3[%swap3A, %swap3A_11, %swap3A_12], %swap3A_15 {strides = array<i32>} : memref<1x8x768xf32, #tpu.memory_space<vmem>>, vector<1x8x768xf32>,
    return
  }
  func.func @transform_0(%arg0: i32, %arg1: i32) -> (i32, i32, i32) {
    %c0_i32 = arith.constant 0 : i32
    %c0_i32_0 = arith.constant 0 : i32
    return %arg0, %arg1, %c0_i32 : i32, i32, i32
  }
  func.func @transform_1(%arg0: i32, %arg1: i32) -> (i32, i32, i32) {
    %c0_i32 = arith.constant 0 : i32
    %c0_i32_0 = arith.constant 0 : i32
    %c0_i32_1 = arith.constant 0 : i32
    return %arg0, %c0_i32, %c0_i32_0 : i32, i32, i32
  }
}

module attributes {stable_mosaic.version = 14 : i64} {
  func.func @body(%arg0: i32, %arg1: memref<1x1024x1xf32, #tpu.memory_space<vmem>>, %arg2: memref<1x1x8192xf32, #tpu.memory_space<vmem>>, %arg3: memref<1024x1xi32, #tpu.memory_space<vmem>>, %arg4: memref<1x8192xi32, #tpu.memory_space<vmem>>, %arg5: memref<1x1024x1xi32, #tpu.memory_space<vmem>>) attributes {dimension_semantics = [#tpu.dimension_semantics<arbitrary>], iteration_bounds = array<i64: 4>, scalar_prefetch = 0 : i64, scratch_operands = 0 : i64, tpu.core_type = #tpu.core_type<tc>, window_params = [{transform_indices = @transform_0, window_bounds = array<i64: 1, 1024, 1>}, {transform_indices = @transform_1, window_bounds = array<i64: 1, 1, 8192>}, {transform_indices = @transform_2, window_bounds = array<i64: 1024, 1>}, {pipeline_mode = #tpu.pipeline_mode<synchronous>, transform_indices = @transform_3, window_bounds = array<i64: 1, 8192>}, {transform_indices = @transform_4, window_bounds = array<i64: 1, 1024, 1>}]} {
    %get3A = arith.constant 0 : index
    %get3A_0 = arith.constant 0 : index
    %get3A_1 = arith.constant 0 : index
    %get3A_2 = vector.load %arg1[%get3A, %get3A_0, %get3A_1] : memref<1x1024x1xf32, #tpu.memory_space<vmem>>, vector<1x1024x1xf32>
    %get3A_3 = vector.shape_cast %get3A_2 : vector<1x1024x1xf32> to vector<1024x1xf32>
    %get3A_4 = arith.constant 0 : index
    %get3A_5 = arith.constant 0 : index
    %get3A_6 = arith.constant 0 : index
    %get3A_7 = vector.load %arg2[%get3A_4, %get3A_5, %get3A_6] : memref<1x1x8192xf32, #tpu.memory_space<vmem>>, vector<1x1x8192xf32>
    %get3A_8 = vector.shape_cast %get3A_7 : vector<1x1x8192xf32> to vector<1x8192xf32>
    %broadcast_in_dim3A = arith.constant 0 : i32
    %broadcast_in_dim3A_9 = vector.broadcast %broadcast_in_dim3A : i32 to vector<1024x1xi32>
    %slice3A = vector.extract_strided_slice %get3A_8 {offsets = [0, 0], sizes = [1, 512], strides = [1, 1]} : vector<1x8192xf32> to vector<1x512xf32>
    %ge3A = vector.broadcast %slice3A : vector<1x512xf32> to vector<1024x512xf32>
    %ge3A_10 = vector.broadcast %get3A_3 : vector<1024x1xf32> to vector<1024x512xf32>
    %ge3A_11 = arith.cmpf oge, %ge3A, %ge3A_10 : vector<1024x512xf32>
    %convert_element_type3A = arith.extui %ge3A_11 : vector<1024x512xi1> to vector<1024x512xi32>
    %reduce_sum3A = arith.constant dense<0> : vector<1024xi32>
    %reduce_sum3A_12 = vector.multi_reduction <add>, %convert_element_type3A, %reduce_sum3A [1] : vector<1024x512xi32> to vector<1024xi32>
    %broadcast_in_dim3A_13 = vector.shape_cast %reduce_sum3A_12 : vector<1024xi32> to vector<1024x1xi32>
    %add3A = arith.addi %broadcast_in_dim3A_9, %broadcast_in_dim3A_13 : vector<1024x1xi32>
    %slice3A_14 = vector.extract_strided_slice %get3A_8 {offsets = [0, 512], sizes = [1, 512], strides = [1, 1]} : vector<1x8192xf32> to vector<1x512xf32>
    %ge3A_15 = vector.broadcast %slice3A_14 : vector<1x512xf32> to vector<1024x512xf32>
    %ge3A_16 = vector.broadcast %get3A_3 : vector<1024x1xf32> to vector<1024x512xf32>
    %ge3A_17 = arith.cmpf oge, %ge3A_15, %ge3A_16 : vector<1024x512xf32>
    %convert_element_type3A_18 = arith.extui %ge3A_17 : vector<1024x512xi1> to vector<1024x512xi32>
    %reduce_sum3A_19 = arith.constant dense<0> : vector<1024xi32>
    %reduce_sum3A_20 = vector.multi_reduction <add>, %convert_element_type3A_18, %reduce_sum3A_19 [1] : vector<1024x512xi32> to vector<1024xi32>
    %broadcast_in_dim3A_21 = vector.shape_cast %reduce_sum3A_20 : vector<1024xi32> to vector<1024x1xi32>
    %add3A_22 = arith.addi %add3A, %broadcast_in_dim3A_21 : vector<1024x1xi32>
    %slice3A_23 = vector.extract_strided_slice %get3A_8 {offsets = [0, 1024], sizes = [1, 512], strides = [1, 1]} : vector<1x8192xf32> to vector<1x512xf32>
    %ge3A_24 = vector.broadcast %slice3A_23 : vector<1x512xf32> to vector<1024x512xf32>
    %ge3A_25 = vector.broadcast %get3A_3 : vector<1024x1xf32> to vector<1024x512xf32>
    %ge3A_26 = arith.cmpf oge, %ge3A_24, %ge3A_25 : vector<1024x512xf32>
    %convert_element_type3A_27 = arith.extui %ge3A_26 : vector<1024x512xi1> to vector<1024x512xi32>
    %reduce_sum3A_28 = arith.constant dense<0> : vector<1024xi32>
    %reduce_sum3A_29 = vector.multi_reduction <add>, %convert_element_type3A_27, %reduce_sum3A_28 [1] : vector<1024x512xi32> to vector<1024xi32>
    %broadcast_in_dim3A_30 = vector.shape_cast %reduce_sum3A_29 : vector<1024xi32> to vector<1024x1xi32>
    %add3A_31 = arith.addi %add3A_22, %broadcast_in_dim3A_30 : vector<1024x1xi32>
    %slice3A_32 = vector.extract_strided_slice %get3A_8 {offsets = [0, 1536], sizes = [1, 512], strides = [1, 1]} : vector<1x8192xf32> to vector<1x512xf32>
    %ge3A_33 = vector.broadcast %slice3A_32 : vector<1x512xf32> to vector<1024x512xf32>
    %ge3A_34 = vector.broadcast %get3A_3 : vector<1024x1xf32> to vector<1024x512xf32>
    %ge3A_35 = arith.cmpf oge, %ge3A_33, %ge3A_34 : vector<1024x512xf32>
    %convert_element_type3A_36 = arith.extui %ge3A_35 : vector<1024x512xi1> to vector<1024x512xi32>
    %reduce_sum3A_37 = arith.constant dense<0> : vector<1024xi32>
    %reduce_sum3A_38 = vector.multi_reduction <add>, %convert_element_type3A_36, %reduce_sum3A_37 [1] : vector<1024x512xi32> to vector<1024xi32>
    %broadcast_in_dim3A_39 = vector.shape_cast %reduce_sum3A_38 : vector<1024xi32> to vector<1024x1xi32>
    %add3A_40 = arith.addi %add3A_31, %broadcast_in_dim3A_39 : vector<1024x1xi32>
    %slice3A_41 = vector.extract_strided_slice %get3A_8 {offsets = [0, 2048], sizes = [1, 512], strides = [1, 1]} : vector<1x8192xf32> to vector<1x512xf32>
    %ge3A_42 = vector.broadcast %slice3A_41 : vector<1x512xf32> to vector<1024x512xf32>
    %ge3A_43 = vector.broadcast %get3A_3 : vector<1024x1xf32> to vector<1024x512xf32>
    %ge3A_44 = arith.cmpf oge, %ge3A_42, %ge3A_43 : vector<1024x512xf32>
    %convert_element_type3A_45 = arith.extui %ge3A_44 : vector<1024x512xi1> to vector<1024x512xi32>
    %reduce_sum3A_46 = arith.constant dense<0> : vector<1024xi32>
    %reduce_sum3A_47 = vector.multi_reduction <add>, %convert_element_type3A_45, %reduce_sum3A_46 [1] : vector<1024x512xi32> to vector<1024xi32>
    %broadcast_in_dim3A_48 = vector.shape_cast %reduce_sum3A_47 : vector<1024xi32> to vector<1024x1xi32>
    %add3A_49 = arith.addi %add3A_40, %broadcast_in_dim3A_48 : vector<1024x1xi32>
    %slice3A_50 = vector.extract_strided_slice %get3A_8 {offsets = [0, 2560], sizes = [1, 512], strides = [1, 1]} : vector<1x8192xf32> to vector<1x512xf32>
    %ge3A_51 = vector.broadcast %slice3A_50 : vector<1x512xf32> to vector<1024x512xf32>
    %ge3A_52 = vector.broadcast %get3A_3 : vector<1024x1xf32> to vector<1024x512xf32>
    %ge3A_53 = arith.cmpf oge, %ge3A_51, %ge3A_52 : vector<1024x512xf32>
    %convert_element_type3A_54 = arith.extui %ge3A_53 : vector<1024x512xi1> to vector<1024x512xi32>
    %reduce_sum3A_55 = arith.constant dense<0> : vector<1024xi32>
    %reduce_sum3A_56 = vector.multi_reduction <add>, %convert_element_type3A_54, %reduce_sum3A_55 [1] : vector<1024x512xi32> to vector<1024xi32>
    %broadcast_in_dim3A_57 = vector.shape_cast %reduce_sum3A_56 : vector<1024xi32> to vector<1024x1xi32>
    %add3A_58 = arith.addi %add3A_49, %broadcast_in_dim3A_57 : vector<1024x1xi32>
    %slice3A_59 = vector.extract_strided_slice %get3A_8 {offsets = [0, 3072], sizes = [1, 512], strides = [1, 1]} : vector<1x8192xf32> to vector<1x512xf32>
    %ge3A_60 = vector.broadcast %slice3A_59 : vector<1x512xf32> to vector<1024x512xf32>
    %ge3A_61 = vector.broadcast %get3A_3 : vector<1024x1xf32> to vector<1024x512xf32>
    %ge3A_62 = arith.cmpf oge, %ge3A_60, %ge3A_61 : vector<1024x512xf32>
    %convert_element_type3A_63 = arith.extui %ge3A_62 : vector<1024x512xi1> to vector<1024x512xi32>
    %reduce_sum3A_64 = arith.constant dense<0> : vector<1024xi32>
    %reduce_sum3A_65 = vector.multi_reduction <add>, %convert_element_type3A_63, %reduce_sum3A_64 [1] : vector<1024x512xi32> to vector<1024xi32>
    %broadcast_in_dim3A_66 = vector.shape_cast %reduce_sum3A_65 : vector<1024xi32> to vector<1024x1xi32>
    %add3A_67 = arith.addi %add3A_58, %broadcast_in_dim3A_66 : vector<1024x1xi32>
    %slice3A_68 = vector.extract_strided_slice %get3A_8 {offsets = [0, 3584], sizes = [1, 512], strides = [1, 1]} : vector<1x8192xf32> to vector<1x512xf32>
    %ge3A_69 = vector.broadcast %slice3A_68 : vector<1x512xf32> to vector<1024x512xf32>
    %ge3A_70 = vector.broadcast %get3A_3 : vector<1024x1xf32> to vector<1024x512xf32>
    %ge3A_71 = arith.cmpf oge, %ge3A_69, %ge3A_70 : vector<1024x512xf32>
    %convert_element_type3A_72 = arith.extui %ge3A_71 : vector<1024x512xi1> to vector<1024x512xi32>
    %reduce_sum3A_73 = arith.constant dense<0> : vector<1024xi32>
    %reduce_sum3A_74 = vector.multi_reduction <add>, %convert_element_type3A_72, %reduce_sum3A_73 [1] : vector<1024x512xi32> to vector<1024xi32>
    %broadcast_in_dim3A_75 = vector.shape_cast %reduce_sum3A_74 : vector<1024xi32> to vector<1024x1xi32>
    %add3A_76 = arith.addi %add3A_67, %broadcast_in_dim3A_75 : vector<1024x1xi32>
    %slice3A_77 = vector.extract_strided_slice %get3A_8 {offsets = [0, 4096], sizes = [1, 512], strides = [1, 1]} : vector<1x8192xf32> to vector<1x512xf32>
    %ge3A_78 = vector.broadcast %slice3A_77 : vector<1x512xf32> to vector<1024x512xf32>
    %ge3A_79 = vector.broadcast %get3A_3 : vector<1024x1xf32> to vector<1024x512xf32>
    %ge3A_80 = arith.cmpf oge, %ge3A_78, %ge3A_79 : vector<1024x512xf32>
    %convert_element_type3A_81 = arith.extui %ge3A_80 : vector<1024x512xi1> to vector<1024x512xi32>
    %reduce_sum3A_82 = arith.constant dense<0> : vector<1024xi32>
    %reduce_sum3A_83 = vector.multi_reduction <add>, %convert_element_type3A_81, %reduce_sum3A_82 [1] : vector<1024x512xi32> to vector<1024xi32>
    %broadcast_in_dim3A_84 = vector.shape_cast %reduce_sum3A_83 : vector<1024xi32> to vector<1024x1xi32>
    %add3A_85 = arith.addi %add3A_76, %broadcast_in_dim3A_84 : vector<1024x1xi32>
    %slice3A_86 = vector.extract_strided_slice %get3A_8 {offsets = [0, 4608], sizes = [1, 512], strides = [1, 1]} : vector<1x8192xf32> to vector<1x512xf32>
    %ge3A_87 = vector.broadcast %slice3A_86 : vector<1x512xf32> to vector<1024x512xf32>
    %ge3A_88 = vector.broadcast %get3A_3 : vector<1024x1xf32> to vector<1024x512xf32>
    %ge3A_89 = arith.cmpf oge, %ge3A_87, %ge3A_88 : vector<1024x512xf32>
    %convert_element_type3A_90 = arith.extui %ge3A_89 : vector<1024x512xi1> to vector<1024x512xi32>
    %reduce_sum3A_91 = arith.constant dense<0> : vector<1024xi32>
    %reduce_sum3A_92 = vector.multi_reduction <add>, %convert_element_type3A_90, %reduce_sum3A_91 [1] : vector<1024x512xi32> to vector<1024xi32>
    %broadcast_in_dim3A_93 = vector.shape_cast %reduce_sum3A_92 : vector<1024xi32> to vector<1024x1xi32>
    %add3A_94 = arith.addi %add3A_85, %broadcast_in_dim3A_93 : vector<1024x1xi32>
    %slice3A_95 = vector.extract_strided_slice %get3A_8 {offsets = [0, 5120], sizes = [1, 512], strides = [1, 1]} : vector<1x8192xf32> to vector<1x512xf32>
    %ge3A_96 = vector.broadcast %slice3A_95 : vector<1x512xf32> to vector<1024x512xf32>
    %ge3A_97 = vector.broadcast %get3A_3 : vector<1024x1xf32> to vector<1024x512xf32>
    %ge3A_98 = arith.cmpf oge, %ge3A_96, %ge3A_97 : vector<1024x512xf32>
    %convert_element_type3A_99 = arith.extui %ge3A_98 : vector<1024x512xi1> to vector<1024x512xi32>
    %reduce_sum3A_100 = arith.constant dense<0> : vector<1024xi32>
    %reduce_sum3A_101 = vector.multi_reduction <add>, %convert_element_type3A_99, %reduce_sum3A_100 [1] : vector<1024x512xi32> to vector<1024xi32>
    %broadcast_in_dim3A_102 = vector.shape_cast %reduce_sum3A_101 : vector<1024xi32> to vector<1024x1xi32>
    %add3A_103 = arith.addi %add3A_94, %broadcast_in_dim3A_102 : vector<1024x1xi32>
    %slice3A_104 = vector.extract_strided_slice %get3A_8 {offsets = [0, 5632], sizes = [1, 512], strides = [1, 1]} : vector<1x8192xf32> to vector<1x512xf32>
    %ge3A_105 = vector.broadcast %slice3A_104 : vector<1x512xf32> to vector<1024x512xf32>
    %ge3A_106 = vector.broadcast %get3A_3 : vector<1024x1xf32> to vector<1024x512xf32>
    %ge3A_107 = arith.cmpf oge, %ge3A_105, %ge3A_106 : vector<1024x512xf32>
    %convert_element_type3A_108 = arith.extui %ge3A_107 : vector<1024x512xi1> to vector<1024x512xi32>
    %reduce_sum3A_109 = arith.constant dense<0> : vector<1024xi32>
    %reduce_sum3A_110 = vector.multi_reduction <add>, %convert_element_type3A_108, %reduce_sum3A_109 [1] : vector<1024x512xi32> to vector<1024xi32>
    %broadcast_in_dim3A_111 = vector.shape_cast %reduce_sum3A_110 : vector<1024xi32> to vector<1024x1xi32>
    %add3A_112 = arith.addi %add3A_103, %broadcast_in_dim3A_111 : vector<1024x1xi32>
    %slice3A_113 = vector.extract_strided_slice %get3A_8 {offsets = [0, 6144], sizes = [1, 512], strides = [1, 1]} : vector<1x8192xf32> to vector<1x512xf32>
    %ge3A_114 = vector.broadcast %slice3A_113 : vector<1x512xf32> to vector<1024x512xf32>
    %ge3A_115 = vector.broadcast %get3A_3 : vector<1024x1xf32> to vector<1024x512xf32>
    %ge3A_116 = arith.cmpf oge, %ge3A_114, %ge3A_115 : vector<1024x512xf32>
    %convert_element_type3A_117 = arith.extui %ge3A_116 : vector<1024x512xi1> to vector<1024x512xi32>
    %reduce_sum3A_118 = arith.constant dense<0> : vector<1024xi32>
    %reduce_sum3A_119 = vector.multi_reduction <add>, %convert_element_type3A_117, %reduce_sum3A_118 [1] : vector<1024x512xi32> to vector<1024xi32>
    %broadcast_in_dim3A_120 = vector.shape_cast %reduce_sum3A_119 : vector<1024xi32> to vector<1024x1xi32>
    %add3A_121 = arith.addi %add3A_112, %broadcast_in_dim3A_120 : vector<1024x1xi32>
    %slice3A_122 = vector.extract_strided_slice %get3A_8 {offsets = [0, 6656], sizes = [1, 512], strides = [1, 1]} : vector<1x8192xf32> to vector<1x512xf32>
    %ge3A_123 = vector.broadcast %slice3A_122 : vector<1x512xf32> to vector<1024x512xf32>
    %ge3A_124 = vector.broadcast %get3A_3 : vector<1024x1xf32> to vector<1024x512xf32>
    %ge3A_125 = arith.cmpf oge, %ge3A_123, %ge3A_124 : vector<1024x512xf32>
    %convert_element_type3A_126 = arith.extui %ge3A_125 : vector<1024x512xi1> to vector<1024x512xi32>
    %reduce_sum3A_127 = arith.constant dense<0> : vector<1024xi32>
    %reduce_sum3A_128 = vector.multi_reduction <add>, %convert_element_type3A_126, %reduce_sum3A_127 [1] : vector<1024x512xi32> to vector<1024xi32>
    %broadcast_in_dim3A_129 = vector.shape_cast %reduce_sum3A_128 : vector<1024xi32> to vector<1024x1xi32>
    %add3A_130 = arith.addi %add3A_121, %broadcast_in_dim3A_129 : vector<1024x1xi32>
    %slice3A_131 = vector.extract_strided_slice %get3A_8 {offsets = [0, 7168], sizes = [1, 512], strides = [1, 1]} : vector<1x8192xf32> to vector<1x512xf32>
    %get3A_132 = arith.constant 0 : index
    %get3A_133 = arith.constant 0 : index
    %get3A_134 = vector.load %arg3[%get3A_132, %get3A_133] : memref<1024x1xi32, #tpu.memory_space<vmem>>, vector<1024x1xi32>
    %get3A_135 = arith.constant 0 : index
    %get3A_136 = arith.constant 7168 : index
    %get3A_137 = vector.load %arg4[%get3A_135, %get3A_136] : memref<1x8192xi32, #tpu.memory_space<vmem>>, vector<1x512xi32>
    %gt3A = vector.broadcast %slice3A_131 : vector<1x512xf32> to vector<1024x512xf32>
    %gt3A_138 = vector.broadcast %get3A_3 : vector<1024x1xf32> to vector<1024x512xf32>
    %gt3A_139 = arith.cmpf ogt, %gt3A, %gt3A_138 : vector<1024x512xf32>
    %eq3A = vector.broadcast %slice3A_131 : vector<1x512xf32> to vector<1024x512xf32>
    %eq3A_140 = vector.broadcast %get3A_3 : vector<1024x1xf32> to vector<1024x512xf32>
    %eq3A_141 = arith.cmpf oeq, %eq3A, %eq3A_140 : vector<1024x512xf32>
    %lt3A = vector.broadcast %get3A_137 : vector<1x512xi32> to vector<1024x512xi32>
    %lt3A_142 = vector.broadcast %get3A_134 : vector<1024x1xi32> to vector<1024x512xi32>
    %lt3A_143 = arith.cmpi slt, %lt3A, %lt3A_142 : vector<1024x512xi32>
    %and3A = arith.andi %eq3A_141, %lt3A_143 : vector<1024x512xi1>
    %or3A = arith.ori %gt3A_139, %and3A : vector<1024x512xi1>
    %convert_element_type3A_144 = arith.extui %or3A : vector<1024x512xi1> to vector<1024x512xi32>
    %reduce_sum3A_145 = arith.constant dense<0> : vector<1024xi32>
    %reduce_sum3A_146 = vector.multi_reduction <add>, %convert_element_type3A_144, %reduce_sum3A_145 [1] : vector<1024x512xi32> to vector<1024xi32>
    %broadcast_in_dim3A_147 = vector.shape_cast %reduce_sum3A_146 : vector<1024xi32> to vector<1024x1xi32>
    %add3A_148 = arith.addi %add3A_130, %broadcast_in_dim3A_147 : vector<1024x1xi32>
    %slice3A_149 = vector.extract_strided_slice %get3A_8 {offsets = [0, 7680], sizes = [1, 512], strides = [1, 1]} : vector<1x8192xf32> to vector<1x512xf32>
    %get3A_150 = arith.constant 0 : index
    %get3A_151 = arith.constant 0 : index
    %get3A_152 = vector.load %arg3[%get3A_150, %get3A_151] : memref<1024x1xi32, #tpu.memory_space<vmem>>, vector<1024x1xi32>
    %get3A_153 = arith.constant 0 : index
    %get3A_154 = arith.constant 7680 : index
    %get3A_155 = vector.load %arg4[%get3A_153, %get3A_154] : memref<1x8192xi32, #tpu.memory_space<vmem>>, vector<1x512xi32>
    %gt3A_156 = vector.broadcast %slice3A_149 : vector<1x512xf32> to vector<1024x512xf32>
    %gt3A_157 = vector.broadcast %get3A_3 : vector<1024x1xf32> to vector<1024x512xf32>
    %gt3A_158 = arith.cmpf ogt, %gt3A_156, %gt3A_157 : vector<1024x512xf32>
    %eq3A_159 = vector.broadcast %slice3A_149 : vector<1x512xf32> to vector<1024x512xf32>
    %eq3A_160 = vector.broadcast %get3A_3 : vector<1024x1xf32> to vector<1024x512xf32>
    %eq3A_161 = arith.cmpf oeq, %eq3A_159, %eq3A_160 : vector<1024x512xf32>
    %lt3A_162 = vector.broadcast %get3A_155 : vector<1x512xi32> to vector<1024x512xi32>
    %lt3A_163 = vector.broadcast %get3A_152 : vector<1024x1xi32> to vector<1024x512xi32>
    %lt3A_164 = arith.cmpi slt, %lt3A_162, %lt3A_163 : vector<1024x512xi32>
    %and3A_165 = arith.andi %eq3A_161, %lt3A_164 : vector<1024x512xi1>
    %or3A_166 = arith.ori %gt3A_158, %and3A_165 : vector<1024x512xi1>
    %convert_element_type3A_167 = arith.extui %or3A_166 : vector<1024x512xi1> to vector<1024x512xi32>
    %reduce_sum3A_168 = arith.constant dense<0> : vector<1024xi32>
    %reduce_sum3A_169 = vector.multi_reduction <add>, %convert_element_type3A_167, %reduce_sum3A_168 [1] : vector<1024x512xi32> to vector<1024xi32>
    %broadcast_in_dim3A_170 = vector.shape_cast %reduce_sum3A_169 : vector<1024xi32> to vector<1024x1xi32>
    %add3A_171 = arith.addi %add3A_148, %broadcast_in_dim3A_170 : vector<1024x1xi32>
    %swap3A = arith.constant 0 : index
    %swap3A_172 = arith.constant 0 : index
    %swap3A_173 = arith.constant 0 : index
    %swap3A_174 = vector.load %arg5[%swap3A, %swap3A_172, %swap3A_173] : memref<1x1024x1xi32, #tpu.memory_space<vmem>>, vector<1x1024x1xi32>
    %swap3A_175 = vector.shape_cast %swap3A_174 : vector<1x1024x1xi32> to vector<1024x1xi32>
    %swap3A_176 = vector.shape_cast %add3A_171 : vector<1024x1xi32> to vector<1x1024x1xi32>
    tpu.vector_store %arg5[%swap3A, %swap3A_172, %swap3A_173], %swap3A_176 {strides = array<i32>} : memref<1x1024x1xi32, #tpu.memory_space<vmem>>, vector<1x1024x1xi32>,
    return
  }
  func.func @transform_0(%arg0: i32) -> (i32, i32, i32) {
    %c7_i32 = arith.constant 7 : i32
    %c0_i32 = arith.constant 0 : i32
    %c0_i32_0 = arith.constant 0 : i32
    return %arg0, %c7_i32, %c0_i32 : i32, i32, i32
  }
  func.func @transform_1(%arg0: i32) -> (i32, i32, i32) {
    %c0_i32 = arith.constant 0 : i32
    %c0_i32_0 = arith.constant 0 : i32
    %c0_i32_1 = arith.constant 0 : i32
    return %arg0, %c0_i32, %c0_i32_0 : i32, i32, i32
  }
  func.func @transform_2(%arg0: i32) -> (i32, i32) {
    %c7_i32 = arith.constant 7 : i32
    %c0_i32 = arith.constant 0 : i32
    %c0_i32_0 = arith.constant 0 : i32
    return %c7_i32, %c0_i32 : i32, i32
  }
  func.func @transform_3(%arg0: i32) -> (i32, i32) {
    %c0_i32 = arith.constant 0 : i32
    %c0_i32_0 = arith.constant 0 : i32
    %c0_i32_1 = arith.constant 0 : i32
    return %c0_i32, %c0_i32_0 : i32, i32
  }
  func.func @transform_4(%arg0: i32) -> (i32, i32, i32) {
    %c0_i32 = arith.constant 0 : i32
    %c0_i32_0 = arith.constant 0 : i32
    %c0_i32_1 = arith.constant 0 : i32
    return %arg0, %c0_i32, %c0_i32_0 : i32, i32, i32
  }
}

module attributes {stable_mosaic.version = 14 : i64} {
  func.func @body(%arg0: i32, %arg1: memref<1x1024x1xf32, #tpu.memory_space<vmem>>, %arg2: memref<1x1x8192xf32, #tpu.memory_space<vmem>>, %arg3: memref<1024x1xi32, #tpu.memory_space<vmem>>, %arg4: memref<1x8192xi32, #tpu.memory_space<vmem>>, %arg5: memref<1x1024x1xi32, #tpu.memory_space<vmem>>) attributes {dimension_semantics = [#tpu.dimension_semantics<arbitrary>], iteration_bounds = array<i64: 4>, scalar_prefetch = 0 : i64, scratch_operands = 0 : i64, tpu.core_type = #tpu.core_type<tc>, window_params = [{transform_indices = @transform_0, window_bounds = array<i64: 1, 1024, 1>}, {transform_indices = @transform_1, window_bounds = array<i64: 1, 1, 8192>}, {transform_indices = @transform_2, window_bounds = array<i64: 1024, 1>}, {pipeline_mode = #tpu.pipeline_mode<synchronous>, transform_indices = @transform_3, window_bounds = array<i64: 1, 8192>}, {transform_indices = @transform_4, window_bounds = array<i64: 1, 1024, 1>}]} {
    %get3A = arith.constant 0 : index
    %get3A_0 = arith.constant 0 : index
    %get3A_1 = arith.constant 0 : index
    %get3A_2 = vector.load %arg1[%get3A, %get3A_0, %get3A_1] : memref<1x1024x1xf32, #tpu.memory_space<vmem>>, vector<1x1024x1xf32>
    %get3A_3 = vector.shape_cast %get3A_2 : vector<1x1024x1xf32> to vector<1024x1xf32>
    %get3A_4 = arith.constant 0 : index
    %get3A_5 = arith.constant 0 : index
    %get3A_6 = arith.constant 0 : index
    %get3A_7 = vector.load %arg2[%get3A_4, %get3A_5, %get3A_6] : memref<1x1x8192xf32, #tpu.memory_space<vmem>>, vector<1x1x8192xf32>
    %get3A_8 = vector.shape_cast %get3A_7 : vector<1x1x8192xf32> to vector<1x8192xf32>
    %broadcast_in_dim3A = arith.constant 0 : i32
    %broadcast_in_dim3A_9 = vector.broadcast %broadcast_in_dim3A : i32 to vector<1024x1xi32>
    %slice3A = vector.extract_strided_slice %get3A_8 {offsets = [0, 0], sizes = [1, 512], strides = [1, 1]} : vector<1x8192xf32> to vector<1x512xf32>
    %ge3A = vector.broadcast %slice3A : vector<1x512xf32> to vector<1024x512xf32>
    %ge3A_10 = vector.broadcast %get3A_3 : vector<1024x1xf32> to vector<1024x512xf32>
    %ge3A_11 = arith.cmpf oge, %ge3A, %ge3A_10 : vector<1024x512xf32>
    %convert_element_type3A = arith.extui %ge3A_11 : vector<1024x512xi1> to vector<1024x512xi32>
    %reduce_sum3A = arith.constant dense<0> : vector<1024xi32>
    %reduce_sum3A_12 = vector.multi_reduction <add>, %convert_element_type3A, %reduce_sum3A [1] : vector<1024x512xi32> to vector<1024xi32>
    %broadcast_in_dim3A_13 = vector.shape_cast %reduce_sum3A_12 : vector<1024xi32> to vector<1024x1xi32>
    %add3A = arith.addi %broadcast_in_dim3A_9, %broadcast_in_dim3A_13 : vector<1024x1xi32>
    %slice3A_14 = vector.extract_strided_slice %get3A_8 {offsets = [0, 512], sizes = [1, 512], strides = [1, 1]} : vector<1x8192xf32> to vector<1x512xf32>
    %ge3A_15 = vector.broadcast %slice3A_14 : vector<1x512xf32> to vector<1024x512xf32>
    %ge3A_16 = vector.broadcast %get3A_3 : vector<1024x1xf32> to vector<1024x512xf32>
    %ge3A_17 = arith.cmpf oge, %ge3A_15, %ge3A_16 : vector<1024x512xf32>
    %convert_element_type3A_18 = arith.extui %ge3A_17 : vector<1024x512xi1> to vector<1024x512xi32>
    %reduce_sum3A_19 = arith.constant dense<0> : vector<1024xi32>
    %reduce_sum3A_20 = vector.multi_reduction <add>, %convert_element_type3A_18, %reduce_sum3A_19 [1] : vector<1024x512xi32> to vector<1024xi32>
    %broadcast_in_dim3A_21 = vector.shape_cast %reduce_sum3A_20 : vector<1024xi32> to vector<1024x1xi32>
    %add3A_22 = arith.addi %add3A, %broadcast_in_dim3A_21 : vector<1024x1xi32>
    %slice3A_23 = vector.extract_strided_slice %get3A_8 {offsets = [0, 1024], sizes = [1, 512], strides = [1, 1]} : vector<1x8192xf32> to vector<1x512xf32>
    %ge3A_24 = vector.broadcast %slice3A_23 : vector<1x512xf32> to vector<1024x512xf32>
    %ge3A_25 = vector.broadcast %get3A_3 : vector<1024x1xf32> to vector<1024x512xf32>
    %ge3A_26 = arith.cmpf oge, %ge3A_24, %ge3A_25 : vector<1024x512xf32>
    %convert_element_type3A_27 = arith.extui %ge3A_26 : vector<1024x512xi1> to vector<1024x512xi32>
    %reduce_sum3A_28 = arith.constant dense<0> : vector<1024xi32>
    %reduce_sum3A_29 = vector.multi_reduction <add>, %convert_element_type3A_27, %reduce_sum3A_28 [1] : vector<1024x512xi32> to vector<1024xi32>
    %broadcast_in_dim3A_30 = vector.shape_cast %reduce_sum3A_29 : vector<1024xi32> to vector<1024x1xi32>
    %add3A_31 = arith.addi %add3A_22, %broadcast_in_dim3A_30 : vector<1024x1xi32>
    %slice3A_32 = vector.extract_strided_slice %get3A_8 {offsets = [0, 1536], sizes = [1, 512], strides = [1, 1]} : vector<1x8192xf32> to vector<1x512xf32>
    %ge3A_33 = vector.broadcast %slice3A_32 : vector<1x512xf32> to vector<1024x512xf32>
    %ge3A_34 = vector.broadcast %get3A_3 : vector<1024x1xf32> to vector<1024x512xf32>
    %ge3A_35 = arith.cmpf oge, %ge3A_33, %ge3A_34 : vector<1024x512xf32>
    %convert_element_type3A_36 = arith.extui %ge3A_35 : vector<1024x512xi1> to vector<1024x512xi32>
    %reduce_sum3A_37 = arith.constant dense<0> : vector<1024xi32>
    %reduce_sum3A_38 = vector.multi_reduction <add>, %convert_element_type3A_36, %reduce_sum3A_37 [1] : vector<1024x512xi32> to vector<1024xi32>
    %broadcast_in_dim3A_39 = vector.shape_cast %reduce_sum3A_38 : vector<1024xi32> to vector<1024x1xi32>
    %add3A_40 = arith.addi %add3A_31, %broadcast_in_dim3A_39 : vector<1024x1xi32>
    %slice3A_41 = vector.extract_strided_slice %get3A_8 {offsets = [0, 2048], sizes = [1, 512], strides = [1, 1]} : vector<1x8192xf32> to vector<1x512xf32>
    %ge3A_42 = vector.broadcast %slice3A_41 : vector<1x512xf32> to vector<1024x512xf32>
    %ge3A_43 = vector.broadcast %get3A_3 : vector<1024x1xf32> to vector<1024x512xf32>
    %ge3A_44 = arith.cmpf oge, %ge3A_42, %ge3A_43 : vector<1024x512xf32>
    %convert_element_type3A_45 = arith.extui %ge3A_44 : vector<1024x512xi1> to vector<1024x512xi32>
    %reduce_sum3A_46 = arith.constant dense<0> : vector<1024xi32>
    %reduce_sum3A_47 = vector.multi_reduction <add>, %convert_element_type3A_45, %reduce_sum3A_46 [1] : vector<1024x512xi32> to vector<1024xi32>
    %broadcast_in_dim3A_48 = vector.shape_cast %reduce_sum3A_47 : vector<1024xi32> to vector<1024x1xi32>
    %add3A_49 = arith.addi %add3A_40, %broadcast_in_dim3A_48 : vector<1024x1xi32>
    %slice3A_50 = vector.extract_strided_slice %get3A_8 {offsets = [0, 2560], sizes = [1, 512], strides = [1, 1]} : vector<1x8192xf32> to vector<1x512xf32>
    %ge3A_51 = vector.broadcast %slice3A_50 : vector<1x512xf32> to vector<1024x512xf32>
    %ge3A_52 = vector.broadcast %get3A_3 : vector<1024x1xf32> to vector<1024x512xf32>
    %ge3A_53 = arith.cmpf oge, %ge3A_51, %ge3A_52 : vector<1024x512xf32>
    %convert_element_type3A_54 = arith.extui %ge3A_53 : vector<1024x512xi1> to vector<1024x512xi32>
    %reduce_sum3A_55 = arith.constant dense<0> : vector<1024xi32>
    %reduce_sum3A_56 = vector.multi_reduction <add>, %convert_element_type3A_54, %reduce_sum3A_55 [1] : vector<1024x512xi32> to vector<1024xi32>
    %broadcast_in_dim3A_57 = vector.shape_cast %reduce_sum3A_56 : vector<1024xi32> to vector<1024x1xi32>
    %add3A_58 = arith.addi %add3A_49, %broadcast_in_dim3A_57 : vector<1024x1xi32>
    %slice3A_59 = vector.extract_strided_slice %get3A_8 {offsets = [0, 3072], sizes = [1, 512], strides = [1, 1]} : vector<1x8192xf32> to vector<1x512xf32>
    %ge3A_60 = vector.broadcast %slice3A_59 : vector<1x512xf32> to vector<1024x512xf32>
    %ge3A_61 = vector.broadcast %get3A_3 : vector<1024x1xf32> to vector<1024x512xf32>
    %ge3A_62 = arith.cmpf oge, %ge3A_60, %ge3A_61 : vector<1024x512xf32>
    %convert_element_type3A_63 = arith.extui %ge3A_62 : vector<1024x512xi1> to vector<1024x512xi32>
    %reduce_sum3A_64 = arith.constant dense<0> : vector<1024xi32>
    %reduce_sum3A_65 = vector.multi_reduction <add>, %convert_element_type3A_63, %reduce_sum3A_64 [1] : vector<1024x512xi32> to vector<1024xi32>
    %broadcast_in_dim3A_66 = vector.shape_cast %reduce_sum3A_65 : vector<1024xi32> to vector<1024x1xi32>
    %add3A_67 = arith.addi %add3A_58, %broadcast_in_dim3A_66 : vector<1024x1xi32>
    %slice3A_68 = vector.extract_strided_slice %get3A_8 {offsets = [0, 3584], sizes = [1, 512], strides = [1, 1]} : vector<1x8192xf32> to vector<1x512xf32>
    %ge3A_69 = vector.broadcast %slice3A_68 : vector<1x512xf32> to vector<1024x512xf32>
    %ge3A_70 = vector.broadcast %get3A_3 : vector<1024x1xf32> to vector<1024x512xf32>
    %ge3A_71 = arith.cmpf oge, %ge3A_69, %ge3A_70 : vector<1024x512xf32>
    %convert_element_type3A_72 = arith.extui %ge3A_71 : vector<1024x512xi1> to vector<1024x512xi32>
    %reduce_sum3A_73 = arith.constant dense<0> : vector<1024xi32>
    %reduce_sum3A_74 = vector.multi_reduction <add>, %convert_element_type3A_72, %reduce_sum3A_73 [1] : vector<1024x512xi32> to vector<1024xi32>
    %broadcast_in_dim3A_75 = vector.shape_cast %reduce_sum3A_74 : vector<1024xi32> to vector<1024x1xi32>
    %add3A_76 = arith.addi %add3A_67, %broadcast_in_dim3A_75 : vector<1024x1xi32>
    %slice3A_77 = vector.extract_strided_slice %get3A_8 {offsets = [0, 4096], sizes = [1, 512], strides = [1, 1]} : vector<1x8192xf32> to vector<1x512xf32>
    %ge3A_78 = vector.broadcast %slice3A_77 : vector<1x512xf32> to vector<1024x512xf32>
    %ge3A_79 = vector.broadcast %get3A_3 : vector<1024x1xf32> to vector<1024x512xf32>
    %ge3A_80 = arith.cmpf oge, %ge3A_78, %ge3A_79 : vector<1024x512xf32>
    %convert_element_type3A_81 = arith.extui %ge3A_80 : vector<1024x512xi1> to vector<1024x512xi32>
    %reduce_sum3A_82 = arith.constant dense<0> : vector<1024xi32>
    %reduce_sum3A_83 = vector.multi_reduction <add>, %convert_element_type3A_81, %reduce_sum3A_82 [1] : vector<1024x512xi32> to vector<1024xi32>
    %broadcast_in_dim3A_84 = vector.shape_cast %reduce_sum3A_83 : vector<1024xi32> to vector<1024x1xi32>
    %add3A_85 = arith.addi %add3A_76, %broadcast_in_dim3A_84 : vector<1024x1xi32>
    %slice3A_86 = vector.extract_strided_slice %get3A_8 {offsets = [0, 4608], sizes = [1, 512], strides = [1, 1]} : vector<1x8192xf32> to vector<1x512xf32>
    %ge3A_87 = vector.broadcast %slice3A_86 : vector<1x512xf32> to vector<1024x512xf32>
    %ge3A_88 = vector.broadcast %get3A_3 : vector<1024x1xf32> to vector<1024x512xf32>
    %ge3A_89 = arith.cmpf oge, %ge3A_87, %ge3A_88 : vector<1024x512xf32>
    %convert_element_type3A_90 = arith.extui %ge3A_89 : vector<1024x512xi1> to vector<1024x512xi32>
    %reduce_sum3A_91 = arith.constant dense<0> : vector<1024xi32>
    %reduce_sum3A_92 = vector.multi_reduction <add>, %convert_element_type3A_90, %reduce_sum3A_91 [1] : vector<1024x512xi32> to vector<1024xi32>
    %broadcast_in_dim3A_93 = vector.shape_cast %reduce_sum3A_92 : vector<1024xi32> to vector<1024x1xi32>
    %add3A_94 = arith.addi %add3A_85, %broadcast_in_dim3A_93 : vector<1024x1xi32>
    %slice3A_95 = vector.extract_strided_slice %get3A_8 {offsets = [0, 5120], sizes = [1, 512], strides = [1, 1]} : vector<1x8192xf32> to vector<1x512xf32>
    %ge3A_96 = vector.broadcast %slice3A_95 : vector<1x512xf32> to vector<1024x512xf32>
    %ge3A_97 = vector.broadcast %get3A_3 : vector<1024x1xf32> to vector<1024x512xf32>
    %ge3A_98 = arith.cmpf oge, %ge3A_96, %ge3A_97 : vector<1024x512xf32>
    %convert_element_type3A_99 = arith.extui %ge3A_98 : vector<1024x512xi1> to vector<1024x512xi32>
    %reduce_sum3A_100 = arith.constant dense<0> : vector<1024xi32>
    %reduce_sum3A_101 = vector.multi_reduction <add>, %convert_element_type3A_99, %reduce_sum3A_100 [1] : vector<1024x512xi32> to vector<1024xi32>
    %broadcast_in_dim3A_102 = vector.shape_cast %reduce_sum3A_101 : vector<1024xi32> to vector<1024x1xi32>
    %add3A_103 = arith.addi %add3A_94, %broadcast_in_dim3A_102 : vector<1024x1xi32>
    %slice3A_104 = vector.extract_strided_slice %get3A_8 {offsets = [0, 5632], sizes = [1, 512], strides = [1, 1]} : vector<1x8192xf32> to vector<1x512xf32>
    %ge3A_105 = vector.broadcast %slice3A_104 : vector<1x512xf32> to vector<1024x512xf32>
    %ge3A_106 = vector.broadcast %get3A_3 : vector<1024x1xf32> to vector<1024x512xf32>
    %ge3A_107 = arith.cmpf oge, %ge3A_105, %ge3A_106 : vector<1024x512xf32>
    %convert_element_type3A_108 = arith.extui %ge3A_107 : vector<1024x512xi1> to vector<1024x512xi32>
    %reduce_sum3A_109 = arith.constant dense<0> : vector<1024xi32>
    %reduce_sum3A_110 = vector.multi_reduction <add>, %convert_element_type3A_108, %reduce_sum3A_109 [1] : vector<1024x512xi32> to vector<1024xi32>
    %broadcast_in_dim3A_111 = vector.shape_cast %reduce_sum3A_110 : vector<1024xi32> to vector<1024x1xi32>
    %add3A_112 = arith.addi %add3A_103, %broadcast_in_dim3A_111 : vector<1024x1xi32>
    %slice3A_113 = vector.extract_strided_slice %get3A_8 {offsets = [0, 6144], sizes = [1, 512], strides = [1, 1]} : vector<1x8192xf32> to vector<1x512xf32>
    %get3A_114 = arith.constant 0 : index
    %get3A_115 = arith.constant 0 : index
    %get3A_116 = vector.load %arg3[%get3A_114, %get3A_115] : memref<1024x1xi32, #tpu.memory_space<vmem>>, vector<1024x1xi32>
    %get3A_117 = arith.constant 0 : index
    %get3A_118 = arith.constant 6144 : index
    %get3A_119 = vector.load %arg4[%get3A_117, %get3A_118] : memref<1x8192xi32, #tpu.memory_space<vmem>>, vector<1x512xi32>
    %gt3A = vector.broadcast %slice3A_113 : vector<1x512xf32> to vector<1024x512xf32>
    %gt3A_120 = vector.broadcast %get3A_3 : vector<1024x1xf32> to vector<1024x512xf32>
    %gt3A_121 = arith.cmpf ogt, %gt3A, %gt3A_120 : vector<1024x512xf32>
    %eq3A = vector.broadcast %slice3A_113 : vector<1x512xf32> to vector<1024x512xf32>
    %eq3A_122 = vector.broadcast %get3A_3 : vector<1024x1xf32> to vector<1024x512xf32>
    %eq3A_123 = arith.cmpf oeq, %eq3A, %eq3A_122 : vector<1024x512xf32>
    %lt3A = vector.broadcast %get3A_119 : vector<1x512xi32> to vector<1024x512xi32>
    %lt3A_124 = vector.broadcast %get3A_116 : vector<1024x1xi32> to vector<1024x512xi32>
    %lt3A_125 = arith.cmpi slt, %lt3A, %lt3A_124 : vector<1024x512xi32>
    %and3A = arith.andi %eq3A_123, %lt3A_125 : vector<1024x512xi1>
    %or3A = arith.ori %gt3A_121, %and3A : vector<1024x512xi1>
    %convert_element_type3A_126 = arith.extui %or3A : vector<1024x512xi1> to vector<1024x512xi32>
    %reduce_sum3A_127 = arith.constant dense<0> : vector<1024xi32>
    %reduce_sum3A_128 = vector.multi_reduction <add>, %convert_element_type3A_126, %reduce_sum3A_127 [1] : vector<1024x512xi32> to vector<1024xi32>
    %broadcast_in_dim3A_129 = vector.shape_cast %reduce_sum3A_128 : vector<1024xi32> to vector<1024x1xi32>
    %add3A_130 = arith.addi %add3A_112, %broadcast_in_dim3A_129 : vector<1024x1xi32>
    %slice3A_131 = vector.extract_strided_slice %get3A_8 {offsets = [0, 6656], sizes = [1, 512], strides = [1, 1]} : vector<1x8192xf32> to vector<1x512xf32>
    %get3A_132 = arith.constant 0 : index
    %get3A_133 = arith.constant 0 : index
    %get3A_134 = vector.load %arg3[%get3A_132, %get3A_133] : memref<1024x1xi32, #tpu.memory_space<vmem>>, vector<1024x1xi32>
    %get3A_135 = arith.constant 0 : index
    %get3A_136 = arith.constant 6656 : index
    %get3A_137 = vector.load %arg4[%get3A_135, %get3A_136] : memref<1x8192xi32, #tpu.memory_space<vmem>>, vector<1x512xi32>
    %gt3A_138 = vector.broadcast %slice3A_131 : vector<1x512xf32> to vector<1024x512xf32>
    %gt3A_139 = vector.broadcast %get3A_3 : vector<1024x1xf32> to vector<1024x512xf32>
    %gt3A_140 = arith.cmpf ogt, %gt3A_138, %gt3A_139 : vector<1024x512xf32>
    %eq3A_141 = vector.broadcast %slice3A_131 : vector<1x512xf32> to vector<1024x512xf32>
    %eq3A_142 = vector.broadcast %get3A_3 : vector<1024x1xf32> to vector<1024x512xf32>
    %eq3A_143 = arith.cmpf oeq, %eq3A_141, %eq3A_142 : vector<1024x512xf32>
    %lt3A_144 = vector.broadcast %get3A_137 : vector<1x512xi32> to vector<1024x512xi32>
    %lt3A_145 = vector.broadcast %get3A_134 : vector<1024x1xi32> to vector<1024x512xi32>
    %lt3A_146 = arith.cmpi slt, %lt3A_144, %lt3A_145 : vector<1024x512xi32>
    %and3A_147 = arith.andi %eq3A_143, %lt3A_146 : vector<1024x512xi1>
    %or3A_148 = arith.ori %gt3A_140, %and3A_147 : vector<1024x512xi1>
    %convert_element_type3A_149 = arith.extui %or3A_148 : vector<1024x512xi1> to vector<1024x512xi32>
    %reduce_sum3A_150 = arith.constant dense<0> : vector<1024xi32>
    %reduce_sum3A_151 = vector.multi_reduction <add>, %convert_element_type3A_149, %reduce_sum3A_150 [1] : vector<1024x512xi32> to vector<1024xi32>
    %broadcast_in_dim3A_152 = vector.shape_cast %reduce_sum3A_151 : vector<1024xi32> to vector<1024x1xi32>
    %add3A_153 = arith.addi %add3A_130, %broadcast_in_dim3A_152 : vector<1024x1xi32>
    %slice3A_154 = vector.extract_strided_slice %get3A_8 {offsets = [0, 7168], sizes = [1, 512], strides = [1, 1]} : vector<1x8192xf32> to vector<1x512xf32>
    %gt3A_155 = vector.broadcast %slice3A_154 : vector<1x512xf32> to vector<1024x512xf32>
    %gt3A_156 = vector.broadcast %get3A_3 : vector<1024x1xf32> to vector<1024x512xf32>
    %gt3A_157 = arith.cmpf ogt, %gt3A_155, %gt3A_156 : vector<1024x512xf32>
    %convert_element_type3A_158 = arith.extui %gt3A_157 : vector<1024x512xi1> to vector<1024x512xi32>
    %reduce_sum3A_159 = arith.constant dense<0> : vector<1024xi32>
    %reduce_sum3A_160 = vector.multi_reduction <add>, %convert_element_type3A_158, %reduce_sum3A_159 [1] : vector<1024x512xi32> to vector<1024xi32>
    %broadcast_in_dim3A_161 = vector.shape_cast %reduce_sum3A_160 : vector<1024xi32> to vector<1024x1xi32>
    %add3A_162 = arith.addi %add3A_153, %broadcast_in_dim3A_161 : vector<1024x1xi32>
    %slice3A_163 = vector.extract_strided_slice %get3A_8 {offsets = [0, 7680], sizes = [1, 512], strides = [1, 1]} : vector<1x8192xf32> to vector<1x512xf32>
    %gt3A_164 = vector.broadcast %slice3A_163 : vector<1x512xf32> to vector<1024x512xf32>
    %gt3A_165 = vector.broadcast %get3A_3 : vector<1024x1xf32> to vector<1024x512xf32>
    %gt3A_166 = arith.cmpf ogt, %gt3A_164, %gt3A_165 : vector<1024x512xf32>
    %convert_element_type3A_167 = arith.extui %gt3A_166 : vector<1024x512xi1> to vector<1024x512xi32>
    %reduce_sum3A_168 = arith.constant dense<0> : vector<1024xi32>
    %reduce_sum3A_169 = vector.multi_reduction <add>, %convert_element_type3A_167, %reduce_sum3A_168 [1] : vector<1024x512xi32> to vector<1024xi32>
    %broadcast_in_dim3A_170 = vector.shape_cast %reduce_sum3A_169 : vector<1024xi32> to vector<1024x1xi32>
    %add3A_171 = arith.addi %add3A_162, %broadcast_in_dim3A_170 : vector<1024x1xi32>
    %swap3A = arith.constant 0 : index
    %swap3A_172 = arith.constant 0 : index
    %swap3A_173 = arith.constant 0 : index
    %swap3A_174 = vector.load %arg5[%swap3A, %swap3A_172, %swap3A_173] : memref<1x1024x1xi32, #tpu.memory_space<vmem>>, vector<1x1024x1xi32>
    %swap3A_175 = vector.shape_cast %swap3A_174 : vector<1x1024x1xi32> to vector<1024x1xi32>
    %swap3A_176 = vector.shape_cast %add3A_171 : vector<1024x1xi32> to vector<1x1024x1xi32>
    tpu.vector_store %arg5[%swap3A, %swap3A_172, %swap3A_173], %swap3A_176 {strides = array<i32>} : memref<1x1024x1xi32, #tpu.memory_space<vmem>>, vector<1x1024x1xi32>,
    return
  }
  func.func @transform_0(%arg0: i32) -> (i32, i32, i32) {
    %c6_i32 = arith.constant 6 : i32
    %c0_i32 = arith.constant 0 : i32
    %c0_i32_0 = arith.constant 0 : i32
    return %arg0, %c6_i32, %c0_i32 : i32, i32, i32
  }
  func.func @transform_1(%arg0: i32) -> (i32, i32, i32) {
    %c0_i32 = arith.constant 0 : i32
    %c0_i32_0 = arith.constant 0 : i32
    %c0_i32_1 = arith.constant 0 : i32
    return %arg0, %c0_i32, %c0_i32_0 : i32, i32, i32
  }
  func.func @transform_2(%arg0: i32) -> (i32, i32) {
    %c6_i32 = arith.constant 6 : i32
    %c0_i32 = arith.constant 0 : i32
    %c0_i32_0 = arith.constant 0 : i32
    return %c6_i32, %c0_i32 : i32, i32
  }
  func.func @transform_3(%arg0: i32) -> (i32, i32) {
    %c0_i32 = arith.constant 0 : i32
    %c0_i32_0 = arith.constant 0 : i32
    %c0_i32_1 = arith.constant 0 : i32
    return %c0_i32, %c0_i32_0 : i32, i32
  }
  func.func @transform_4(%arg0: i32) -> (i32, i32, i32) {
    %c0_i32 = arith.constant 0 : i32
    %c0_i32_0 = arith.constant 0 : i32
    %c0_i32_1 = arith.constant 0 : i32
    return %arg0, %c0_i32, %c0_i32_0 : i32, i32, i32
  }
}

module attributes {stable_mosaic.version = 14 : i64} {
  func.func @body(%arg0: i32, %arg1: memref<1x1024x1xf32, #tpu.memory_space<vmem>>, %arg2: memref<1x1x8192xf32, #tpu.memory_space<vmem>>, %arg3: memref<1024x1xi32, #tpu.memory_space<vmem>>, %arg4: memref<1x8192xi32, #tpu.memory_space<vmem>>, %arg5: memref<1x1024x1xi32, #tpu.memory_space<vmem>>) attributes {dimension_semantics = [#tpu.dimension_semantics<arbitrary>], iteration_bounds = array<i64: 4>, scalar_prefetch = 0 : i64, scratch_operands = 0 : i64, tpu.core_type = #tpu.core_type<tc>, window_params = [{transform_indices = @transform_0, window_bounds = array<i64: 1, 1024, 1>}, {transform_indices = @transform_1, window_bounds = array<i64: 1, 1, 8192>}, {transform_indices = @transform_2, window_bounds = array<i64: 1024, 1>}, {pipeline_mode = #tpu.pipeline_mode<synchronous>, transform_indices = @transform_3, window_bounds = array<i64: 1, 8192>}, {transform_indices = @transform_4, window_bounds = array<i64: 1, 1024, 1>}]} {
    %get3A = arith.constant 0 : index
    %get3A_0 = arith.constant 0 : index
    %get3A_1 = arith.constant 0 : index
    %get3A_2 = vector.load %arg1[%get3A, %get3A_0, %get3A_1] : memref<1x1024x1xf32, #tpu.memory_space<vmem>>, vector<1x1024x1xf32>
    %get3A_3 = vector.shape_cast %get3A_2 : vector<1x1024x1xf32> to vector<1024x1xf32>
    %get3A_4 = arith.constant 0 : index
    %get3A_5 = arith.constant 0 : index
    %get3A_6 = arith.constant 0 : index
    %get3A_7 = vector.load %arg2[%get3A_4, %get3A_5, %get3A_6] : memref<1x1x8192xf32, #tpu.memory_space<vmem>>, vector<1x1x8192xf32>
    %get3A_8 = vector.shape_cast %get3A_7 : vector<1x1x8192xf32> to vector<1x8192xf32>
    %broadcast_in_dim3A = arith.constant 0 : i32
    %broadcast_in_dim3A_9 = vector.broadcast %broadcast_in_dim3A : i32 to vector<1024x1xi32>
    %slice3A = vector.extract_strided_slice %get3A_8 {offsets = [0, 0], sizes = [1, 512], strides = [1, 1]} : vector<1x8192xf32> to vector<1x512xf32>
    %ge3A = vector.broadcast %slice3A : vector<1x512xf32> to vector<1024x512xf32>
    %ge3A_10 = vector.broadcast %get3A_3 : vector<1024x1xf32> to vector<1024x512xf32>
    %ge3A_11 = arith.cmpf oge, %ge3A, %ge3A_10 : vector<1024x512xf32>
    %convert_element_type3A = arith.extui %ge3A_11 : vector<1024x512xi1> to vector<1024x512xi32>
    %reduce_sum3A = arith.constant dense<0> : vector<1024xi32>
    %reduce_sum3A_12 = vector.multi_reduction <add>, %convert_element_type3A, %reduce_sum3A [1] : vector<1024x512xi32> to vector<1024xi32>
    %broadcast_in_dim3A_13 = vector.shape_cast %reduce_sum3A_12 : vector<1024xi32> to vector<1024x1xi32>
    %add3A = arith.addi %broadcast_in_dim3A_9, %broadcast_in_dim3A_13 : vector<1024x1xi32>
    %slice3A_14 = vector.extract_strided_slice %get3A_8 {offsets = [0, 512], sizes = [1, 512], strides = [1, 1]} : vector<1x8192xf32> to vector<1x512xf32>
    %ge3A_15 = vector.broadcast %slice3A_14 : vector<1x512xf32> to vector<1024x512xf32>
    %ge3A_16 = vector.broadcast %get3A_3 : vector<1024x1xf32> to vector<1024x512xf32>
    %ge3A_17 = arith.cmpf oge, %ge3A_15, %ge3A_16 : vector<1024x512xf32>
    %convert_element_type3A_18 = arith.extui %ge3A_17 : vector<1024x512xi1> to vector<1024x512xi32>
    %reduce_sum3A_19 = arith.constant dense<0> : vector<1024xi32>
    %reduce_sum3A_20 = vector.multi_reduction <add>, %convert_element_type3A_18, %reduce_sum3A_19 [1] : vector<1024x512xi32> to vector<1024xi32>
    %broadcast_in_dim3A_21 = vector.shape_cast %reduce_sum3A_20 : vector<1024xi32> to vector<1024x1xi32>
    %add3A_22 = arith.addi %add3A, %broadcast_in_dim3A_21 : vector<1024x1xi32>
    %slice3A_23 = vector.extract_strided_slice %get3A_8 {offsets = [0, 1024], sizes = [1, 512], strides = [1, 1]} : vector<1x8192xf32> to vector<1x512xf32>
    %ge3A_24 = vector.broadcast %slice3A_23 : vector<1x512xf32> to vector<1024x512xf32>
    %ge3A_25 = vector.broadcast %get3A_3 : vector<1024x1xf32> to vector<1024x512xf32>
    %ge3A_26 = arith.cmpf oge, %ge3A_24, %ge3A_25 : vector<1024x512xf32>
    %convert_element_type3A_27 = arith.extui %ge3A_26 : vector<1024x512xi1> to vector<1024x512xi32>
    %reduce_sum3A_28 = arith.constant dense<0> : vector<1024xi32>
    %reduce_sum3A_29 = vector.multi_reduction <add>, %convert_element_type3A_27, %reduce_sum3A_28 [1] : vector<1024x512xi32> to vector<1024xi32>
    %broadcast_in_dim3A_30 = vector.shape_cast %reduce_sum3A_29 : vector<1024xi32> to vector<1024x1xi32>
    %add3A_31 = arith.addi %add3A_22, %broadcast_in_dim3A_30 : vector<1024x1xi32>
    %slice3A_32 = vector.extract_strided_slice %get3A_8 {offsets = [0, 1536], sizes = [1, 512], strides = [1, 1]} : vector<1x8192xf32> to vector<1x512xf32>
    %ge3A_33 = vector.broadcast %slice3A_32 : vector<1x512xf32> to vector<1024x512xf32>
    %ge3A_34 = vector.broadcast %get3A_3 : vector<1024x1xf32> to vector<1024x512xf32>
    %ge3A_35 = arith.cmpf oge, %ge3A_33, %ge3A_34 : vector<1024x512xf32>
    %convert_element_type3A_36 = arith.extui %ge3A_35 : vector<1024x512xi1> to vector<1024x512xi32>
    %reduce_sum3A_37 = arith.constant dense<0> : vector<1024xi32>
    %reduce_sum3A_38 = vector.multi_reduction <add>, %convert_element_type3A_36, %reduce_sum3A_37 [1] : vector<1024x512xi32> to vector<1024xi32>
    %broadcast_in_dim3A_39 = vector.shape_cast %reduce_sum3A_38 : vector<1024xi32> to vector<1024x1xi32>
    %add3A_40 = arith.addi %add3A_31, %broadcast_in_dim3A_39 : vector<1024x1xi32>
    %slice3A_41 = vector.extract_strided_slice %get3A_8 {offsets = [0, 2048], sizes = [1, 512], strides = [1, 1]} : vector<1x8192xf32> to vector<1x512xf32>
    %ge3A_42 = vector.broadcast %slice3A_41 : vector<1x512xf32> to vector<1024x512xf32>
    %ge3A_43 = vector.broadcast %get3A_3 : vector<1024x1xf32> to vector<1024x512xf32>
    %ge3A_44 = arith.cmpf oge, %ge3A_42, %ge3A_43 : vector<1024x512xf32>
    %convert_element_type3A_45 = arith.extui %ge3A_44 : vector<1024x512xi1> to vector<1024x512xi32>
    %reduce_sum3A_46 = arith.constant dense<0> : vector<1024xi32>
    %reduce_sum3A_47 = vector.multi_reduction <add>, %convert_element_type3A_45, %reduce_sum3A_46 [1] : vector<1024x512xi32> to vector<1024xi32>
    %broadcast_in_dim3A_48 = vector.shape_cast %reduce_sum3A_47 : vector<1024xi32> to vector<1024x1xi32>
    %add3A_49 = arith.addi %add3A_40, %broadcast_in_dim3A_48 : vector<1024x1xi32>
    %slice3A_50 = vector.extract_strided_slice %get3A_8 {offsets = [0, 2560], sizes = [1, 512], strides = [1, 1]} : vector<1x8192xf32> to vector<1x512xf32>
    %ge3A_51 = vector.broadcast %slice3A_50 : vector<1x512xf32> to vector<1024x512xf32>
    %ge3A_52 = vector.broadcast %get3A_3 : vector<1024x1xf32> to vector<1024x512xf32>
    %ge3A_53 = arith.cmpf oge, %ge3A_51, %ge3A_52 : vector<1024x512xf32>
    %convert_element_type3A_54 = arith.extui %ge3A_53 : vector<1024x512xi1> to vector<1024x512xi32>
    %reduce_sum3A_55 = arith.constant dense<0> : vector<1024xi32>
    %reduce_sum3A_56 = vector.multi_reduction <add>, %convert_element_type3A_54, %reduce_sum3A_55 [1] : vector<1024x512xi32> to vector<1024xi32>
    %broadcast_in_dim3A_57 = vector.shape_cast %reduce_sum3A_56 : vector<1024xi32> to vector<1024x1xi32>
    %add3A_58 = arith.addi %add3A_49, %broadcast_in_dim3A_57 : vector<1024x1xi32>
    %slice3A_59 = vector.extract_strided_slice %get3A_8 {offsets = [0, 3072], sizes = [1, 512], strides = [1, 1]} : vector<1x8192xf32> to vector<1x512xf32>
    %ge3A_60 = vector.broadcast %slice3A_59 : vector<1x512xf32> to vector<1024x512xf32>
    %ge3A_61 = vector.broadcast %get3A_3 : vector<1024x1xf32> to vector<1024x512xf32>
    %ge3A_62 = arith.cmpf oge, %ge3A_60, %ge3A_61 : vector<1024x512xf32>
    %convert_element_type3A_63 = arith.extui %ge3A_62 : vector<1024x512xi1> to vector<1024x512xi32>
    %reduce_sum3A_64 = arith.constant dense<0> : vector<1024xi32>
    %reduce_sum3A_65 = vector.multi_reduction <add>, %convert_element_type3A_63, %reduce_sum3A_64 [1] : vector<1024x512xi32> to vector<1024xi32>
    %broadcast_in_dim3A_66 = vector.shape_cast %reduce_sum3A_65 : vector<1024xi32> to vector<1024x1xi32>
    %add3A_67 = arith.addi %add3A_58, %broadcast_in_dim3A_66 : vector<1024x1xi32>
    %slice3A_68 = vector.extract_strided_slice %get3A_8 {offsets = [0, 3584], sizes = [1, 512], strides = [1, 1]} : vector<1x8192xf32> to vector<1x512xf32>
    %ge3A_69 = vector.broadcast %slice3A_68 : vector<1x512xf32> to vector<1024x512xf32>
    %ge3A_70 = vector.broadcast %get3A_3 : vector<1024x1xf32> to vector<1024x512xf32>
    %ge3A_71 = arith.cmpf oge, %ge3A_69, %ge3A_70 : vector<1024x512xf32>
    %convert_element_type3A_72 = arith.extui %ge3A_71 : vector<1024x512xi1> to vector<1024x512xi32>
    %reduce_sum3A_73 = arith.constant dense<0> : vector<1024xi32>
    %reduce_sum3A_74 = vector.multi_reduction <add>, %convert_element_type3A_72, %reduce_sum3A_73 [1] : vector<1024x512xi32> to vector<1024xi32>
    %broadcast_in_dim3A_75 = vector.shape_cast %reduce_sum3A_74 : vector<1024xi32> to vector<1024x1xi32>
    %add3A_76 = arith.addi %add3A_67, %broadcast_in_dim3A_75 : vector<1024x1xi32>
    %slice3A_77 = vector.extract_strided_slice %get3A_8 {offsets = [0, 4096], sizes = [1, 512], strides = [1, 1]} : vector<1x8192xf32> to vector<1x512xf32>
    %ge3A_78 = vector.broadcast %slice3A_77 : vector<1x512xf32> to vector<1024x512xf32>
    %ge3A_79 = vector.broadcast %get3A_3 : vector<1024x1xf32> to vector<1024x512xf32>
    %ge3A_80 = arith.cmpf oge, %ge3A_78, %ge3A_79 : vector<1024x512xf32>
    %convert_element_type3A_81 = arith.extui %ge3A_80 : vector<1024x512xi1> to vector<1024x512xi32>
    %reduce_sum3A_82 = arith.constant dense<0> : vector<1024xi32>
    %reduce_sum3A_83 = vector.multi_reduction <add>, %convert_element_type3A_81, %reduce_sum3A_82 [1] : vector<1024x512xi32> to vector<1024xi32>
    %broadcast_in_dim3A_84 = vector.shape_cast %reduce_sum3A_83 : vector<1024xi32> to vector<1024x1xi32>
    %add3A_85 = arith.addi %add3A_76, %broadcast_in_dim3A_84 : vector<1024x1xi32>
    %slice3A_86 = vector.extract_strided_slice %get3A_8 {offsets = [0, 4608], sizes = [1, 512], strides = [1, 1]} : vector<1x8192xf32> to vector<1x512xf32>
    %ge3A_87 = vector.broadcast %slice3A_86 : vector<1x512xf32> to vector<1024x512xf32>
    %ge3A_88 = vector.broadcast %get3A_3 : vector<1024x1xf32> to vector<1024x512xf32>
    %ge3A_89 = arith.cmpf oge, %ge3A_87, %ge3A_88 : vector<1024x512xf32>
    %convert_element_type3A_90 = arith.extui %ge3A_89 : vector<1024x512xi1> to vector<1024x512xi32>
    %reduce_sum3A_91 = arith.constant dense<0> : vector<1024xi32>
    %reduce_sum3A_92 = vector.multi_reduction <add>, %convert_element_type3A_90, %reduce_sum3A_91 [1] : vector<1024x512xi32> to vector<1024xi32>
    %broadcast_in_dim3A_93 = vector.shape_cast %reduce_sum3A_92 : vector<1024xi32> to vector<1024x1xi32>
    %add3A_94 = arith.addi %add3A_85, %broadcast_in_dim3A_93 : vector<1024x1xi32>
    %slice3A_95 = vector.extract_strided_slice %get3A_8 {offsets = [0, 5120], sizes = [1, 512], strides = [1, 1]} : vector<1x8192xf32> to vector<1x512xf32>
    %get3A_96 = arith.constant 0 : index
    %get3A_97 = arith.constant 0 : index
    %get3A_98 = vector.load %arg3[%get3A_96, %get3A_97] : memref<1024x1xi32, #tpu.memory_space<vmem>>, vector<1024x1xi32>
    %get3A_99 = arith.constant 0 : index
    %get3A_100 = arith.constant 5120 : index
    %get3A_101 = vector.load %arg4[%get3A_99, %get3A_100] : memref<1x8192xi32, #tpu.memory_space<vmem>>, vector<1x512xi32>
    %gt3A = vector.broadcast %slice3A_95 : vector<1x512xf32> to vector<1024x512xf32>
    %gt3A_102 = vector.broadcast %get3A_3 : vector<1024x1xf32> to vector<1024x512xf32>
    %gt3A_103 = arith.cmpf ogt, %gt3A, %gt3A_102 : vector<1024x512xf32>
    %eq3A = vector.broadcast %slice3A_95 : vector<1x512xf32> to vector<1024x512xf32>
    %eq3A_104 = vector.broadcast %get3A_3 : vector<1024x1xf32> to vector<1024x512xf32>
    %eq3A_105 = arith.cmpf oeq, %eq3A, %eq3A_104 : vector<1024x512xf32>
    %lt3A = vector.broadcast %get3A_101 : vector<1x512xi32> to vector<1024x512xi32>
    %lt3A_106 = vector.broadcast %get3A_98 : vector<1024x1xi32> to vector<1024x512xi32>
    %lt3A_107 = arith.cmpi slt, %lt3A, %lt3A_106 : vector<1024x512xi32>
    %and3A = arith.andi %eq3A_105, %lt3A_107 : vector<1024x512xi1>
    %or3A = arith.ori %gt3A_103, %and3A : vector<1024x512xi1>
    %convert_element_type3A_108 = arith.extui %or3A : vector<1024x512xi1> to vector<1024x512xi32>
    %reduce_sum3A_109 = arith.constant dense<0> : vector<1024xi32>
    %reduce_sum3A_110 = vector.multi_reduction <add>, %convert_element_type3A_108, %reduce_sum3A_109 [1] : vector<1024x512xi32> to vector<1024xi32>
    %broadcast_in_dim3A_111 = vector.shape_cast %reduce_sum3A_110 : vector<1024xi32> to vector<1024x1xi32>
    %add3A_112 = arith.addi %add3A_94, %broadcast_in_dim3A_111 : vector<1024x1xi32>
    %slice3A_113 = vector.extract_strided_slice %get3A_8 {offsets = [0, 5632], sizes = [1, 512], strides = [1, 1]} : vector<1x8192xf32> to vector<1x512xf32>
    %get3A_114 = arith.constant 0 : index
    %get3A_115 = arith.constant 0 : index
    %get3A_116 = vector.load %arg3[%get3A_114, %get3A_115] : memref<1024x1xi32, #tpu.memory_space<vmem>>, vector<1024x1xi32>
    %get3A_117 = arith.constant 0 : index
    %get3A_118 = arith.constant 5632 : index
    %get3A_119 = vector.load %arg4[%get3A_117, %get3A_118] : memref<1x8192xi32, #tpu.memory_space<vmem>>, vector<1x512xi32>
    %gt3A_120 = vector.broadcast %slice3A_113 : vector<1x512xf32> to vector<1024x512xf32>
    %gt3A_121 = vector.broadcast %get3A_3 : vector<1024x1xf32> to vector<1024x512xf32>
    %gt3A_122 = arith.cmpf ogt, %gt3A_120, %gt3A_121 : vector<1024x512xf32>
    %eq3A_123 = vector.broadcast %slice3A_113 : vector<1x512xf32> to vector<1024x512xf32>
    %eq3A_124 = vector.broadcast %get3A_3 : vector<1024x1xf32> to vector<1024x512xf32>
    %eq3A_125 = arith.cmpf oeq, %eq3A_123, %eq3A_124 : vector<1024x512xf32>
    %lt3A_126 = vector.broadcast %get3A_119 : vector<1x512xi32> to vector<1024x512xi32>
    %lt3A_127 = vector.broadcast %get3A_116 : vector<1024x1xi32> to vector<1024x512xi32>
    %lt3A_128 = arith.cmpi slt, %lt3A_126, %lt3A_127 : vector<1024x512xi32>
    %and3A_129 = arith.andi %eq3A_125, %lt3A_128 : vector<1024x512xi1>
    %or3A_130 = arith.ori %gt3A_122, %and3A_129 : vector<1024x512xi1>
    %convert_element_type3A_131 = arith.extui %or3A_130 : vector<1024x512xi1> to vector<1024x512xi32>
    %reduce_sum3A_132 = arith.constant dense<0> : vector<1024xi32>
    %reduce_sum3A_133 = vector.multi_reduction <add>, %convert_element_type3A_131, %reduce_sum3A_132 [1] : vector<1024x512xi32> to vector<1024xi32>
    %broadcast_in_dim3A_134 = vector.shape_cast %reduce_sum3A_133 : vector<1024xi32> to vector<1024x1xi32>
    %add3A_135 = arith.addi %add3A_112, %broadcast_in_dim3A_134 : vector<1024x1xi32>
    %slice3A_136 = vector.extract_strided_slice %get3A_8 {offsets = [0, 6144], sizes = [1, 512], strides = [1, 1]} : vector<1x8192xf32> to vector<1x512xf32>
    %gt3A_137 = vector.broadcast %slice3A_136 : vector<1x512xf32> to vector<1024x512xf32>
    %gt3A_138 = vector.broadcast %get3A_3 : vector<1024x1xf32> to vector<1024x512xf32>
    %gt3A_139 = arith.cmpf ogt, %gt3A_137, %gt3A_138 : vector<1024x512xf32>
    %convert_element_type3A_140 = arith.extui %gt3A_139 : vector<1024x512xi1> to vector<1024x512xi32>
    %reduce_sum3A_141 = arith.constant dense<0> : vector<1024xi32>
    %reduce_sum3A_142 = vector.multi_reduction <add>, %convert_element_type3A_140, %reduce_sum3A_141 [1] : vector<1024x512xi32> to vector<1024xi32>
    %broadcast_in_dim3A_143 = vector.shape_cast %reduce_sum3A_142 : vector<1024xi32> to vector<1024x1xi32>
    %add3A_144 = arith.addi %add3A_135, %broadcast_in_dim3A_143 : vector<1024x1xi32>
    %slice3A_145 = vector.extract_strided_slice %get3A_8 {offsets = [0, 6656], sizes = [1, 512], strides = [1, 1]} : vector<1x8192xf32> to vector<1x512xf32>
    %gt3A_146 = vector.broadcast %slice3A_145 : vector<1x512xf32> to vector<1024x512xf32>
    %gt3A_147 = vector.broadcast %get3A_3 : vector<1024x1xf32> to vector<1024x512xf32>
    %gt3A_148 = arith.cmpf ogt, %gt3A_146, %gt3A_147 : vector<1024x512xf32>
    %convert_element_type3A_149 = arith.extui %gt3A_148 : vector<1024x512xi1> to vector<1024x512xi32>
    %reduce_sum3A_150 = arith.constant dense<0> : vector<1024xi32>
    %reduce_sum3A_151 = vector.multi_reduction <add>, %convert_element_type3A_149, %reduce_sum3A_150 [1] : vector<1024x512xi32> to vector<1024xi32>
    %broadcast_in_dim3A_152 = vector.shape_cast %reduce_sum3A_151 : vector<1024xi32> to vector<1024x1xi32>
    %add3A_153 = arith.addi %add3A_144, %broadcast_in_dim3A_152 : vector<1024x1xi32>
    %slice3A_154 = vector.extract_strided_slice %get3A_8 {offsets = [0, 7168], sizes = [1, 512], strides = [1, 1]} : vector<1x8192xf32> to vector<1x512xf32>
    %gt3A_155 = vector.broadcast %slice3A_154 : vector<1x512xf32> to vector<1024x512xf32>
    %gt3A_156 = vector.broadcast %get3A_3 : vector<1024x1xf32> to vector<1024x512xf32>
    %gt3A_157 = arith.cmpf ogt, %gt3A_155, %gt3A_156 : vector<1024x512xf32>
    %convert_element_type3A_158 = arith.extui %gt3A_157 : vector<1024x512xi1> to vector<1024x512xi32>
    %reduce_sum3A_159 = arith.constant dense<0> : vector<1024xi32>
    %reduce_sum3A_160 = vector.multi_reduction <add>, %convert_element_type3A_158, %reduce_sum3A_159 [1] : vector<1024x512xi32> to vector<1024xi32>
    %broadcast_in_dim3A_161 = vector.shape_cast %reduce_sum3A_160 : vector<1024xi32> to vector<1024x1xi32>
    %add3A_162 = arith.addi %add3A_153, %broadcast_in_dim3A_161 : vector<1024x1xi32>
    %slice3A_163 = vector.extract_strided_slice %get3A_8 {offsets = [0, 7680], sizes = [1, 512], strides = [1, 1]} : vector<1x8192xf32> to vector<1x512xf32>
    %gt3A_164 = vector.broadcast %slice3A_163 : vector<1x512xf32> to vector<1024x512xf32>
    %gt3A_165 = vector.broadcast %get3A_3 : vector<1024x1xf32> to vector<1024x512xf32>
    %gt3A_166 = arith.cmpf ogt, %gt3A_164, %gt3A_165 : vector<1024x512xf32>
    %convert_element_type3A_167 = arith.extui %gt3A_166 : vector<1024x512xi1> to vector<1024x512xi32>
    %reduce_sum3A_168 = arith.constant dense<0> : vector<1024xi32>
    %reduce_sum3A_169 = vector.multi_reduction <add>, %convert_element_type3A_167, %reduce_sum3A_168 [1] : vector<1024x512xi32> to vector<1024xi32>
    %broadcast_in_dim3A_170 = vector.shape_cast %reduce_sum3A_169 : vector<1024xi32> to vector<1024x1xi32>
    %add3A_171 = arith.addi %add3A_162, %broadcast_in_dim3A_170 : vector<1024x1xi32>
    %swap3A = arith.constant 0 : index
    %swap3A_172 = arith.constant 0 : index
    %swap3A_173 = arith.constant 0 : index
    %swap3A_174 = vector.load %arg5[%swap3A, %swap3A_172, %swap3A_173] : memref<1x1024x1xi32, #tpu.memory_space<vmem>>, vector<1x1024x1xi32>
    %swap3A_175 = vector.shape_cast %swap3A_174 : vector<1x1024x1xi32> to vector<1024x1xi32>
    %swap3A_176 = vector.shape_cast %add3A_171 : vector<1024x1xi32> to vector<1x1024x1xi32>
    tpu.vector_store %arg5[%swap3A, %swap3A_172, %swap3A_173], %swap3A_176 {strides = array<i32>} : memref<1x1024x1xi32, #tpu.memory_space<vmem>>, vector<1x1024x1xi32>,
    return
  }
  func.func @transform_0(%arg0: i32) -> (i32, i32, i32) {
    %c5_i32 = arith.constant 5 : i32
    %c0_i32 = arith.constant 0 : i32
    %c0_i32_0 = arith.constant 0 : i32
    return %arg0, %c5_i32, %c0_i32 : i32, i32, i32
  }
  func.func @transform_1(%arg0: i32) -> (i32, i32, i32) {
    %c0_i32 = arith.constant 0 : i32
    %c0_i32_0 = arith.constant 0 : i32
    %c0_i32_1 = arith.constant 0 : i32
    return %arg0, %c0_i32, %c0_i32_0 : i32, i32, i32
  }
  func.func @transform_2(%arg0: i32) -> (i32, i32) {
    %c5_i32 = arith.constant 5 : i32
    %c0_i32 = arith.constant 0 : i32
    %c0_i32_0 = arith.constant 0 : i32
    return %c5_i32, %c0_i32 : i32, i32
  }
  func.func @transform_3(%arg0: i32) -> (i32, i32) {
    %c0_i32 = arith.constant 0 : i32
    %c0_i32_0 = arith.constant 0 : i32
    %c0_i32_1 = arith.constant 0 : i32
    return %c0_i32, %c0_i32_0 : i32, i32
  }
  func.func @transform_4(%arg0: i32) -> (i32, i32, i32) {
    %c0_i32 = arith.constant 0 : i32
    %c0_i32_0 = arith.constant 0 : i32
    %c0_i32_1 = arith.constant 0 : i32
    return %arg0, %c0_i32, %c0_i32_0 : i32, i32, i32
  }
}

module attributes {stable_mosaic.version = 14 : i64} {
  func.func @body(%arg0: i32, %arg1: memref<1x1024x1xf32, #tpu.memory_space<vmem>>, %arg2: memref<1x1x8192xf32, #tpu.memory_space<vmem>>, %arg3: memref<1024x1xi32, #tpu.memory_space<vmem>>, %arg4: memref<1x8192xi32, #tpu.memory_space<vmem>>, %arg5: memref<1x1024x1xi32, #tpu.memory_space<vmem>>) attributes {dimension_semantics = [#tpu.dimension_semantics<arbitrary>], iteration_bounds = array<i64: 4>, scalar_prefetch = 0 : i64, scratch_operands = 0 : i64, tpu.core_type = #tpu.core_type<tc>, window_params = [{transform_indices = @transform_0, window_bounds = array<i64: 1, 1024, 1>}, {transform_indices = @transform_1, window_bounds = array<i64: 1, 1, 8192>}, {transform_indices = @transform_2, window_bounds = array<i64: 1024, 1>}, {pipeline_mode = #tpu.pipeline_mode<synchronous>, transform_indices = @transform_3, window_bounds = array<i64: 1, 8192>}, {transform_indices = @transform_4, window_bounds = array<i64: 1, 1024, 1>}]} {
    %get3A = arith.constant 0 : index
    %get3A_0 = arith.constant 0 : index
    %get3A_1 = arith.constant 0 : index
    %get3A_2 = vector.load %arg1[%get3A, %get3A_0, %get3A_1] : memref<1x1024x1xf32, #tpu.memory_space<vmem>>, vector<1x1024x1xf32>
    %get3A_3 = vector.shape_cast %get3A_2 : vector<1x1024x1xf32> to vector<1024x1xf32>
    %get3A_4 = arith.constant 0 : index
    %get3A_5 = arith.constant 0 : index
    %get3A_6 = arith.constant 0 : index
    %get3A_7 = vector.load %arg2[%get3A_4, %get3A_5, %get3A_6] : memref<1x1x8192xf32, #tpu.memory_space<vmem>>, vector<1x1x8192xf32>
    %get3A_8 = vector.shape_cast %get3A_7 : vector<1x1x8192xf32> to vector<1x8192xf32>
    %broadcast_in_dim3A = arith.constant 0 : i32
    %broadcast_in_dim3A_9 = vector.broadcast %broadcast_in_dim3A : i32 to vector<1024x1xi32>
    %slice3A = vector.extract_strided_slice %get3A_8 {offsets = [0, 0], sizes = [1, 512], strides = [1, 1]} : vector<1x8192xf32> to vector<1x512xf32>
    %ge3A = vector.broadcast %slice3A : vector<1x512xf32> to vector<1024x512xf32>
    %ge3A_10 = vector.broadcast %get3A_3 : vector<1024x1xf32> to vector<1024x512xf32>
    %ge3A_11 = arith.cmpf oge, %ge3A, %ge3A_10 : vector<1024x512xf32>
    %convert_element_type3A = arith.extui %ge3A_11 : vector<1024x512xi1> to vector<1024x512xi32>
    %reduce_sum3A = arith.constant dense<0> : vector<1024xi32>
    %reduce_sum3A_12 = vector.multi_reduction <add>, %convert_element_type3A, %reduce_sum3A [1] : vector<1024x512xi32> to vector<1024xi32>
    %broadcast_in_dim3A_13 = vector.shape_cast %reduce_sum3A_12 : vector<1024xi32> to vector<1024x1xi32>
    %add3A = arith.addi %broadcast_in_dim3A_9, %broadcast_in_dim3A_13 : vector<1024x1xi32>
    %slice3A_14 = vector.extract_strided_slice %get3A_8 {offsets = [0, 512], sizes = [1, 512], strides = [1, 1]} : vector<1x8192xf32> to vector<1x512xf32>
    %ge3A_15 = vector.broadcast %slice3A_14 : vector<1x512xf32> to vector<1024x512xf32>
    %ge3A_16 = vector.broadcast %get3A_3 : vector<1024x1xf32> to vector<1024x512xf32>
    %ge3A_17 = arith.cmpf oge, %ge3A_15, %ge3A_16 : vector<1024x512xf32>
    %convert_element_type3A_18 = arith.extui %ge3A_17 : vector<1024x512xi1> to vector<1024x512xi32>
    %reduce_sum3A_19 = arith.constant dense<0> : vector<1024xi32>
    %reduce_sum3A_20 = vector.multi_reduction <add>, %convert_element_type3A_18, %reduce_sum3A_19 [1] : vector<1024x512xi32> to vector<1024xi32>
    %broadcast_in_dim3A_21 = vector.shape_cast %reduce_sum3A_20 : vector<1024xi32> to vector<1024x1xi32>
    %add3A_22 = arith.addi %add3A, %broadcast_in_dim3A_21 : vector<1024x1xi32>
    %slice3A_23 = vector.extract_strided_slice %get3A_8 {offsets = [0, 1024], sizes = [1, 512], strides = [1, 1]} : vector<1x8192xf32> to vector<1x512xf32>
    %ge3A_24 = vector.broadcast %slice3A_23 : vector<1x512xf32> to vector<1024x512xf32>
    %ge3A_25 = vector.broadcast %get3A_3 : vector<1024x1xf32> to vector<1024x512xf32>
    %ge3A_26 = arith.cmpf oge, %ge3A_24, %ge3A_25 : vector<1024x512xf32>
    %convert_element_type3A_27 = arith.extui %ge3A_26 : vector<1024x512xi1> to vector<1024x512xi32>
    %reduce_sum3A_28 = arith.constant dense<0> : vector<1024xi32>
    %reduce_sum3A_29 = vector.multi_reduction <add>, %convert_element_type3A_27, %reduce_sum3A_28 [1] : vector<1024x512xi32> to vector<1024xi32>
    %broadcast_in_dim3A_30 = vector.shape_cast %reduce_sum3A_29 : vector<1024xi32> to vector<1024x1xi32>
    %add3A_31 = arith.addi %add3A_22, %broadcast_in_dim3A_30 : vector<1024x1xi32>
    %slice3A_32 = vector.extract_strided_slice %get3A_8 {offsets = [0, 1536], sizes = [1, 512], strides = [1, 1]} : vector<1x8192xf32> to vector<1x512xf32>
    %ge3A_33 = vector.broadcast %slice3A_32 : vector<1x512xf32> to vector<1024x512xf32>
    %ge3A_34 = vector.broadcast %get3A_3 : vector<1024x1xf32> to vector<1024x512xf32>
    %ge3A_35 = arith.cmpf oge, %ge3A_33, %ge3A_34 : vector<1024x512xf32>
    %convert_element_type3A_36 = arith.extui %ge3A_35 : vector<1024x512xi1> to vector<1024x512xi32>
    %reduce_sum3A_37 = arith.constant dense<0> : vector<1024xi32>
    %reduce_sum3A_38 = vector.multi_reduction <add>, %convert_element_type3A_36, %reduce_sum3A_37 [1] : vector<1024x512xi32> to vector<1024xi32>
    %broadcast_in_dim3A_39 = vector.shape_cast %reduce_sum3A_38 : vector<1024xi32> to vector<1024x1xi32>
    %add3A_40 = arith.addi %add3A_31, %broadcast_in_dim3A_39 : vector<1024x1xi32>
    %slice3A_41 = vector.extract_strided_slice %get3A_8 {offsets = [0, 2048], sizes = [1, 512], strides = [1, 1]} : vector<1x8192xf32> to vector<1x512xf32>
    %ge3A_42 = vector.broadcast %slice3A_41 : vector<1x512xf32> to vector<1024x512xf32>
    %ge3A_43 = vector.broadcast %get3A_3 : vector<1024x1xf32> to vector<1024x512xf32>
    %ge3A_44 = arith.cmpf oge, %ge3A_42, %ge3A_43 : vector<1024x512xf32>
    %convert_element_type3A_45 = arith.extui %ge3A_44 : vector<1024x512xi1> to vector<1024x512xi32>
    %reduce_sum3A_46 = arith.constant dense<0> : vector<1024xi32>
    %reduce_sum3A_47 = vector.multi_reduction <add>, %convert_element_type3A_45, %reduce_sum3A_46 [1] : vector<1024x512xi32> to vector<1024xi32>
    %broadcast_in_dim3A_48 = vector.shape_cast %reduce_sum3A_47 : vector<1024xi32> to vector<1024x1xi32>
    %add3A_49 = arith.addi %add3A_40, %broadcast_in_dim3A_48 : vector<1024x1xi32>
    %slice3A_50 = vector.extract_strided_slice %get3A_8 {offsets = [0, 2560], sizes = [1, 512], strides = [1, 1]} : vector<1x8192xf32> to vector<1x512xf32>
    %ge3A_51 = vector.broadcast %slice3A_50 : vector<1x512xf32> to vector<1024x512xf32>
    %ge3A_52 = vector.broadcast %get3A_3 : vector<1024x1xf32> to vector<1024x512xf32>
    %ge3A_53 = arith.cmpf oge, %ge3A_51, %ge3A_52 : vector<1024x512xf32>
    %convert_element_type3A_54 = arith.extui %ge3A_53 : vector<1024x512xi1> to vector<1024x512xi32>
    %reduce_sum3A_55 = arith.constant dense<0> : vector<1024xi32>
    %reduce_sum3A_56 = vector.multi_reduction <add>, %convert_element_type3A_54, %reduce_sum3A_55 [1] : vector<1024x512xi32> to vector<1024xi32>
    %broadcast_in_dim3A_57 = vector.shape_cast %reduce_sum3A_56 : vector<1024xi32> to vector<1024x1xi32>
    %add3A_58 = arith.addi %add3A_49, %broadcast_in_dim3A_57 : vector<1024x1xi32>
    %slice3A_59 = vector.extract_strided_slice %get3A_8 {offsets = [0, 3072], sizes = [1, 512], strides = [1, 1]} : vector<1x8192xf32> to vector<1x512xf32>
    %ge3A_60 = vector.broadcast %slice3A_59 : vector<1x512xf32> to vector<1024x512xf32>
    %ge3A_61 = vector.broadcast %get3A_3 : vector<1024x1xf32> to vector<1024x512xf32>
    %ge3A_62 = arith.cmpf oge, %ge3A_60, %ge3A_61 : vector<1024x512xf32>
    %convert_element_type3A_63 = arith.extui %ge3A_62 : vector<1024x512xi1> to vector<1024x512xi32>
    %reduce_sum3A_64 = arith.constant dense<0> : vector<1024xi32>
    %reduce_sum3A_65 = vector.multi_reduction <add>, %convert_element_type3A_63, %reduce_sum3A_64 [1] : vector<1024x512xi32> to vector<1024xi32>
    %broadcast_in_dim3A_66 = vector.shape_cast %reduce_sum3A_65 : vector<1024xi32> to vector<1024x1xi32>
    %add3A_67 = arith.addi %add3A_58, %broadcast_in_dim3A_66 : vector<1024x1xi32>
    %slice3A_68 = vector.extract_strided_slice %get3A_8 {offsets = [0, 3584], sizes = [1, 512], strides = [1, 1]} : vector<1x8192xf32> to vector<1x512xf32>
    %ge3A_69 = vector.broadcast %slice3A_68 : vector<1x512xf32> to vector<1024x512xf32>
    %ge3A_70 = vector.broadcast %get3A_3 : vector<1024x1xf32> to vector<1024x512xf32>
    %ge3A_71 = arith.cmpf oge, %ge3A_69, %ge3A_70 : vector<1024x512xf32>
    %convert_element_type3A_72 = arith.extui %ge3A_71 : vector<1024x512xi1> to vector<1024x512xi32>
    %reduce_sum3A_73 = arith.constant dense<0> : vector<1024xi32>
    %reduce_sum3A_74 = vector.multi_reduction <add>, %convert_element_type3A_72, %reduce_sum3A_73 [1] : vector<1024x512xi32> to vector<1024xi32>
    %broadcast_in_dim3A_75 = vector.shape_cast %reduce_sum3A_74 : vector<1024xi32> to vector<1024x1xi32>
    %add3A_76 = arith.addi %add3A_67, %broadcast_in_dim3A_75 : vector<1024x1xi32>
    %slice3A_77 = vector.extract_strided_slice %get3A_8 {offsets = [0, 4096], sizes = [1, 512], strides = [1, 1]} : vector<1x8192xf32> to vector<1x512xf32>
    %get3A_78 = arith.constant 0 : index
    %get3A_79 = arith.constant 0 : index
    %get3A_80 = vector.load %arg3[%get3A_78, %get3A_79] : memref<1024x1xi32, #tpu.memory_space<vmem>>, vector<1024x1xi32>
    %get3A_81 = arith.constant 0 : index
    %get3A_82 = arith.constant 4096 : index
    %get3A_83 = vector.load %arg4[%get3A_81, %get3A_82] : memref<1x8192xi32, #tpu.memory_space<vmem>>, vector<1x512xi32>
    %gt3A = vector.broadcast %slice3A_77 : vector<1x512xf32> to vector<1024x512xf32>
    %gt3A_84 = vector.broadcast %get3A_3 : vector<1024x1xf32> to vector<1024x512xf32>
    %gt3A_85 = arith.cmpf ogt, %gt3A, %gt3A_84 : vector<1024x512xf32>
    %eq3A = vector.broadcast %slice3A_77 : vector<1x512xf32> to vector<1024x512xf32>
    %eq3A_86 = vector.broadcast %get3A_3 : vector<1024x1xf32> to vector<1024x512xf32>
    %eq3A_87 = arith.cmpf oeq, %eq3A, %eq3A_86 : vector<1024x512xf32>
    %lt3A = vector.broadcast %get3A_83 : vector<1x512xi32> to vector<1024x512xi32>
    %lt3A_88 = vector.broadcast %get3A_80 : vector<1024x1xi32> to vector<1024x512xi32>
    %lt3A_89 = arith.cmpi slt, %lt3A, %lt3A_88 : vector<1024x512xi32>
    %and3A = arith.andi %eq3A_87, %lt3A_89 : vector<1024x512xi1>
    %or3A = arith.ori %gt3A_85, %and3A : vector<1024x512xi1>
    %convert_element_type3A_90 = arith.extui %or3A : vector<1024x512xi1> to vector<1024x512xi32>
    %reduce_sum3A_91 = arith.constant dense<0> : vector<1024xi32>
    %reduce_sum3A_92 = vector.multi_reduction <add>, %convert_element_type3A_90, %reduce_sum3A_91 [1] : vector<1024x512xi32> to vector<1024xi32>
    %broadcast_in_dim3A_93 = vector.shape_cast %reduce_sum3A_92 : vector<1024xi32> to vector<1024x1xi32>
    %add3A_94 = arith.addi %add3A_76, %broadcast_in_dim3A_93 : vector<1024x1xi32>
    %slice3A_95 = vector.extract_strided_slice %get3A_8 {offsets = [0, 4608], sizes = [1, 512], strides = [1, 1]} : vector<1x8192xf32> to vector<1x512xf32>
    %get3A_96 = arith.constant 0 : index
    %get3A_97 = arith.constant 0 : index
    %get3A_98 = vector.load %arg3[%get3A_96, %get3A_97] : memref<1024x1xi32, #tpu.memory_space<vmem>>, vector<1024x1xi32>
    %get3A_99 = arith.constant 0 : index
    %get3A_100 = arith.constant 4608 : index
    %get3A_101 = vector.load %arg4[%get3A_99, %get3A_100] : memref<1x8192xi32, #tpu.memory_space<vmem>>, vector<1x512xi32>
    %gt3A_102 = vector.broadcast %slice3A_95 : vector<1x512xf32> to vector<1024x512xf32>
    %gt3A_103 = vector.broadcast %get3A_3 : vector<1024x1xf32> to vector<1024x512xf32>
    %gt3A_104 = arith.cmpf ogt, %gt3A_102, %gt3A_103 : vector<1024x512xf32>
    %eq3A_105 = vector.broadcast %slice3A_95 : vector<1x512xf32> to vector<1024x512xf32>
    %eq3A_106 = vector.broadcast %get3A_3 : vector<1024x1xf32> to vector<1024x512xf32>
    %eq3A_107 = arith.cmpf oeq, %eq3A_105, %eq3A_106 : vector<1024x512xf32>
    %lt3A_108 = vector.broadcast %get3A_101 : vector<1x512xi32> to vector<1024x512xi32>
    %lt3A_109 = vector.broadcast %get3A_98 : vector<1024x1xi32> to vector<1024x512xi32>
    %lt3A_110 = arith.cmpi slt, %lt3A_108, %lt3A_109 : vector<1024x512xi32>
    %and3A_111 = arith.andi %eq3A_107, %lt3A_110 : vector<1024x512xi1>
    %or3A_112 = arith.ori %gt3A_104, %and3A_111 : vector<1024x512xi1>
    %convert_element_type3A_113 = arith.extui %or3A_112 : vector<1024x512xi1> to vector<1024x512xi32>
    %reduce_sum3A_114 = arith.constant dense<0> : vector<1024xi32>
    %reduce_sum3A_115 = vector.multi_reduction <add>, %convert_element_type3A_113, %reduce_sum3A_114 [1] : vector<1024x512xi32> to vector<1024xi32>
    %broadcast_in_dim3A_116 = vector.shape_cast %reduce_sum3A_115 : vector<1024xi32> to vector<1024x1xi32>
    %add3A_117 = arith.addi %add3A_94, %broadcast_in_dim3A_116 : vector<1024x1xi32>
    %slice3A_118 = vector.extract_strided_slice %get3A_8 {offsets = [0, 5120], sizes = [1, 512], strides = [1, 1]} : vector<1x8192xf32> to vector<1x512xf32>
    %gt3A_119 = vector.broadcast %slice3A_118 : vector<1x512xf32> to vector<1024x512xf32>
    %gt3A_120 = vector.broadcast %get3A_3 : vector<1024x1xf32> to vector<1024x512xf32>
    %gt3A_121 = arith.cmpf ogt, %gt3A_119, %gt3A_120 : vector<1024x512xf32>
    %convert_element_type3A_122 = arith.extui %gt3A_121 : vector<1024x512xi1> to vector<1024x512xi32>
    %reduce_sum3A_123 = arith.constant dense<0> : vector<1024xi32>
    %reduce_sum3A_124 = vector.multi_reduction <add>, %convert_element_type3A_122, %reduce_sum3A_123 [1] : vector<1024x512xi32> to vector<1024xi32>
    %broadcast_in_dim3A_125 = vector.shape_cast %reduce_sum3A_124 : vector<1024xi32> to vector<1024x1xi32>
    %add3A_126 = arith.addi %add3A_117, %broadcast_in_dim3A_125 : vector<1024x1xi32>
    %slice3A_127 = vector.extract_strided_slice %get3A_8 {offsets = [0, 5632], sizes = [1, 512], strides = [1, 1]} : vector<1x8192xf32> to vector<1x512xf32>
    %gt3A_128 = vector.broadcast %slice3A_127 : vector<1x512xf32> to vector<1024x512xf32>
    %gt3A_129 = vector.broadcast %get3A_3 : vector<1024x1xf32> to vector<1024x512xf32>
    %gt3A_130 = arith.cmpf ogt, %gt3A_128, %gt3A_129 : vector<1024x512xf32>
    %convert_element_type3A_131 = arith.extui %gt3A_130 : vector<1024x512xi1> to vector<1024x512xi32>
    %reduce_sum3A_132 = arith.constant dense<0> : vector<1024xi32>
    %reduce_sum3A_133 = vector.multi_reduction <add>, %convert_element_type3A_131, %reduce_sum3A_132 [1] : vector<1024x512xi32> to vector<1024xi32>
    %broadcast_in_dim3A_134 = vector.shape_cast %reduce_sum3A_133 : vector<1024xi32> to vector<1024x1xi32>
    %add3A_135 = arith.addi %add3A_126, %broadcast_in_dim3A_134 : vector<1024x1xi32>
    %slice3A_136 = vector.extract_strided_slice %get3A_8 {offsets = [0, 6144], sizes = [1, 512], strides = [1, 1]} : vector<1x8192xf32> to vector<1x512xf32>
    %gt3A_137 = vector.broadcast %slice3A_136 : vector<1x512xf32> to vector<1024x512xf32>
    %gt3A_138 = vector.broadcast %get3A_3 : vector<1024x1xf32> to vector<1024x512xf32>
    %gt3A_139 = arith.cmpf ogt, %gt3A_137, %gt3A_138 : vector<1024x512xf32>
    %convert_element_type3A_140 = arith.extui %gt3A_139 : vector<1024x512xi1> to vector<1024x512xi32>
    %reduce_sum3A_141 = arith.constant dense<0> : vector<1024xi32>
    %reduce_sum3A_142 = vector.multi_reduction <add>, %convert_element_type3A_140, %reduce_sum3A_141 [1] : vector<1024x512xi32> to vector<1024xi32>
    %broadcast_in_dim3A_143 = vector.shape_cast %reduce_sum3A_142 : vector<1024xi32> to vector<1024x1xi32>
    %add3A_144 = arith.addi %add3A_135, %broadcast_in_dim3A_143 : vector<1024x1xi32>
    %slice3A_145 = vector.extract_strided_slice %get3A_8 {offsets = [0, 6656], sizes = [1, 512], strides = [1, 1]} : vector<1x8192xf32> to vector<1x512xf32>
    %gt3A_146 = vector.broadcast %slice3A_145 : vector<1x512xf32> to vector<1024x512xf32>
    %gt3A_147 = vector.broadcast %get3A_3 : vector<1024x1xf32> to vector<1024x512xf32>
    %gt3A_148 = arith.cmpf ogt, %gt3A_146, %gt3A_147 : vector<1024x512xf32>
    %convert_element_type3A_149 = arith.extui %gt3A_148 : vector<1024x512xi1> to vector<1024x512xi32>
    %reduce_sum3A_150 = arith.constant dense<0> : vector<1024xi32>
    %reduce_sum3A_151 = vector.multi_reduction <add>, %convert_element_type3A_149, %reduce_sum3A_150 [1] : vector<1024x512xi32> to vector<1024xi32>
    %broadcast_in_dim3A_152 = vector.shape_cast %reduce_sum3A_151 : vector<1024xi32> to vector<1024x1xi32>
    %add3A_153 = arith.addi %add3A_144, %broadcast_in_dim3A_152 : vector<1024x1xi32>
    %slice3A_154 = vector.extract_strided_slice %get3A_8 {offsets = [0, 7168], sizes = [1, 512], strides = [1, 1]} : vector<1x8192xf32> to vector<1x512xf32>
    %gt3A_155 = vector.broadcast %slice3A_154 : vector<1x512xf32> to vector<1024x512xf32>
    %gt3A_156 = vector.broadcast %get3A_3 : vector<1024x1xf32> to vector<1024x512xf32>
    %gt3A_157 = arith.cmpf ogt, %gt3A_155, %gt3A_156 : vector<1024x512xf32>
    %convert_element_type3A_158 = arith.extui %gt3A_157 : vector<1024x512xi1> to vector<1024x512xi32>
    %reduce_sum3A_159 = arith.constant dense<0> : vector<1024xi32>
    %reduce_sum3A_160 = vector.multi_reduction <add>, %convert_element_type3A_158, %reduce_sum3A_159 [1] : vector<1024x512xi32> to vector<1024xi32>
    %broadcast_in_dim3A_161 = vector.shape_cast %reduce_sum3A_160 : vector<1024xi32> to vector<1024x1xi32>
    %add3A_162 = arith.addi %add3A_153, %broadcast_in_dim3A_161 : vector<1024x1xi32>
    %slice3A_163 = vector.extract_strided_slice %get3A_8 {offsets = [0, 7680], sizes = [1, 512], strides = [1, 1]} : vector<1x8192xf32> to vector<1x512xf32>
    %gt3A_164 = vector.broadcast %slice3A_163 : vector<1x512xf32> to vector<1024x512xf32>
    %gt3A_165 = vector.broadcast %get3A_3 : vector<1024x1xf32> to vector<1024x512xf32>
    %gt3A_166 = arith.cmpf ogt, %gt3A_164, %gt3A_165 : vector<1024x512xf32>
    %convert_element_type3A_167 = arith.extui %gt3A_166 : vector<1024x512xi1> to vector<1024x512xi32>
    %reduce_sum3A_168 = arith.constant dense<0> : vector<1024xi32>
    %reduce_sum3A_169 = vector.multi_reduction <add>, %convert_element_type3A_167, %reduce_sum3A_168 [1] : vector<1024x512xi32> to vector<1024xi32>
    %broadcast_in_dim3A_170 = vector.shape_cast %reduce_sum3A_169 : vector<1024xi32> to vector<1024x1xi32>
    %add3A_171 = arith.addi %add3A_162, %broadcast_in_dim3A_170 : vector<1024x1xi32>
    %swap3A = arith.constant 0 : index
    %swap3A_172 = arith.constant 0 : index
    %swap3A_173 = arith.constant 0 : index
    %swap3A_174 = vector.load %arg5[%swap3A, %swap3A_172, %swap3A_173] : memref<1x1024x1xi32, #tpu.memory_space<vmem>>, vector<1x1024x1xi32>
    %swap3A_175 = vector.shape_cast %swap3A_174 : vector<1x1024x1xi32> to vector<1024x1xi32>
    %swap3A_176 = vector.shape_cast %add3A_171 : vector<1024x1xi32> to vector<1x1024x1xi32>
    tpu.vector_store %arg5[%swap3A, %swap3A_172, %swap3A_173], %swap3A_176 {strides = array<i32>} : memref<1x1024x1xi32, #tpu.memory_space<vmem>>, vector<1x1024x1xi32>,
    return
  }
  func.func @transform_0(%arg0: i32) -> (i32, i32, i32) {
    %c4_i32 = arith.constant 4 : i32
    %c0_i32 = arith.constant 0 : i32
    %c0_i32_0 = arith.constant 0 : i32
    return %arg0, %c4_i32, %c0_i32 : i32, i32, i32
  }
  func.func @transform_1(%arg0: i32) -> (i32, i32, i32) {
    %c0_i32 = arith.constant 0 : i32
    %c0_i32_0 = arith.constant 0 : i32
    %c0_i32_1 = arith.constant 0 : i32
    return %arg0, %c0_i32, %c0_i32_0 : i32, i32, i32
  }
  func.func @transform_2(%arg0: i32) -> (i32, i32) {
    %c4_i32 = arith.constant 4 : i32
    %c0_i32 = arith.constant 0 : i32
    %c0_i32_0 = arith.constant 0 : i32
    return %c4_i32, %c0_i32 : i32, i32
  }
  func.func @transform_3(%arg0: i32) -> (i32, i32) {
    %c0_i32 = arith.constant 0 : i32
    %c0_i32_0 = arith.constant 0 : i32
    %c0_i32_1 = arith.constant 0 : i32
    return %c0_i32, %c0_i32_0 : i32, i32
  }
  func.func @transform_4(%arg0: i32) -> (i32, i32, i32) {
    %c0_i32 = arith.constant 0 : i32
    %c0_i32_0 = arith.constant 0 : i32
    %c0_i32_1 = arith.constant 0 : i32
    return %arg0, %c0_i32, %c0_i32_0 : i32, i32, i32
  }
}

module attributes {stable_mosaic.version = 14 : i64} {
  func.func @body(%arg0: i32, %arg1: memref<1x1024x1xf32, #tpu.memory_space<vmem>>, %arg2: memref<1x1x8192xf32, #tpu.memory_space<vmem>>, %arg3: memref<1024x1xi32, #tpu.memory_space<vmem>>, %arg4: memref<1x8192xi32, #tpu.memory_space<vmem>>, %arg5: memref<1x1024x1xi32, #tpu.memory_space<vmem>>) attributes {dimension_semantics = [#tpu.dimension_semantics<arbitrary>], iteration_bounds = array<i64: 4>, scalar_prefetch = 0 : i64, scratch_operands = 0 : i64, tpu.core_type = #tpu.core_type<tc>, window_params = [{transform_indices = @transform_0, window_bounds = array<i64: 1, 1024, 1>}, {transform_indices = @transform_1, window_bounds = array<i64: 1, 1, 8192>}, {transform_indices = @transform_2, window_bounds = array<i64: 1024, 1>}, {pipeline_mode = #tpu.pipeline_mode<synchronous>, transform_indices = @transform_3, window_bounds = array<i64: 1, 8192>}, {transform_indices = @transform_4, window_bounds = array<i64: 1, 1024, 1>}]} {
    %get3A = arith.constant 0 : index
    %get3A_0 = arith.constant 0 : index
    %get3A_1 = arith.constant 0 : index
    %get3A_2 = vector.load %arg1[%get3A, %get3A_0, %get3A_1] : memref<1x1024x1xf32, #tpu.memory_space<vmem>>, vector<1x1024x1xf32>
    %get3A_3 = vector.shape_cast %get3A_2 : vector<1x1024x1xf32> to vector<1024x1xf32>
    %get3A_4 = arith.constant 0 : index
    %get3A_5 = arith.constant 0 : index
    %get3A_6 = arith.constant 0 : index
    %get3A_7 = vector.load %arg2[%get3A_4, %get3A_5, %get3A_6] : memref<1x1x8192xf32, #tpu.memory_space<vmem>>, vector<1x1x8192xf32>
    %get3A_8 = vector.shape_cast %get3A_7 : vector<1x1x8192xf32> to vector<1x8192xf32>
    %broadcast_in_dim3A = arith.constant 0 : i32
    %broadcast_in_dim3A_9 = vector.broadcast %broadcast_in_dim3A : i32 to vector<1024x1xi32>
    %slice3A = vector.extract_strided_slice %get3A_8 {offsets = [0, 0], sizes = [1, 512], strides = [1, 1]} : vector<1x8192xf32> to vector<1x512xf32>
    %ge3A = vector.broadcast %slice3A : vector<1x512xf32> to vector<1024x512xf32>
    %ge3A_10 = vector.broadcast %get3A_3 : vector<1024x1xf32> to vector<1024x512xf32>
    %ge3A_11 = arith.cmpf oge, %ge3A, %ge3A_10 : vector<1024x512xf32>
    %convert_element_type3A = arith.extui %ge3A_11 : vector<1024x512xi1> to vector<1024x512xi32>
    %reduce_sum3A = arith.constant dense<0> : vector<1024xi32>
    %reduce_sum3A_12 = vector.multi_reduction <add>, %convert_element_type3A, %reduce_sum3A [1] : vector<1024x512xi32> to vector<1024xi32>
    %broadcast_in_dim3A_13 = vector.shape_cast %reduce_sum3A_12 : vector<1024xi32> to vector<1024x1xi32>
    %add3A = arith.addi %broadcast_in_dim3A_9, %broadcast_in_dim3A_13 : vector<1024x1xi32>
    %slice3A_14 = vector.extract_strided_slice %get3A_8 {offsets = [0, 512], sizes = [1, 512], strides = [1, 1]} : vector<1x8192xf32> to vector<1x512xf32>
    %ge3A_15 = vector.broadcast %slice3A_14 : vector<1x512xf32> to vector<1024x512xf32>
    %ge3A_16 = vector.broadcast %get3A_3 : vector<1024x1xf32> to vector<1024x512xf32>
    %ge3A_17 = arith.cmpf oge, %ge3A_15, %ge3A_16 : vector<1024x512xf32>
    %convert_element_type3A_18 = arith.extui %ge3A_17 : vector<1024x512xi1> to vector<1024x512xi32>
    %reduce_sum3A_19 = arith.constant dense<0> : vector<1024xi32>
    %reduce_sum3A_20 = vector.multi_reduction <add>, %convert_element_type3A_18, %reduce_sum3A_19 [1] : vector<1024x512xi32> to vector<1024xi32>
    %broadcast_in_dim3A_21 = vector.shape_cast %reduce_sum3A_20 : vector<1024xi32> to vector<1024x1xi32>
    %add3A_22 = arith.addi %add3A, %broadcast_in_dim3A_21 : vector<1024x1xi32>
    %slice3A_23 = vector.extract_strided_slice %get3A_8 {offsets = [0, 1024], sizes = [1, 512], strides = [1, 1]} : vector<1x8192xf32> to vector<1x512xf32>
    %ge3A_24 = vector.broadcast %slice3A_23 : vector<1x512xf32> to vector<1024x512xf32>
    %ge3A_25 = vector.broadcast %get3A_3 : vector<1024x1xf32> to vector<1024x512xf32>
    %ge3A_26 = arith.cmpf oge, %ge3A_24, %ge3A_25 : vector<1024x512xf32>
    %convert_element_type3A_27 = arith.extui %ge3A_26 : vector<1024x512xi1> to vector<1024x512xi32>
    %reduce_sum3A_28 = arith.constant dense<0> : vector<1024xi32>
    %reduce_sum3A_29 = vector.multi_reduction <add>, %convert_element_type3A_27, %reduce_sum3A_28 [1] : vector<1024x512xi32> to vector<1024xi32>
    %broadcast_in_dim3A_30 = vector.shape_cast %reduce_sum3A_29 : vector<1024xi32> to vector<1024x1xi32>
    %add3A_31 = arith.addi %add3A_22, %broadcast_in_dim3A_30 : vector<1024x1xi32>
    %slice3A_32 = vector.extract_strided_slice %get3A_8 {offsets = [0, 1536], sizes = [1, 512], strides = [1, 1]} : vector<1x8192xf32> to vector<1x512xf32>
    %ge3A_33 = vector.broadcast %slice3A_32 : vector<1x512xf32> to vector<1024x512xf32>
    %ge3A_34 = vector.broadcast %get3A_3 : vector<1024x1xf32> to vector<1024x512xf32>
    %ge3A_35 = arith.cmpf oge, %ge3A_33, %ge3A_34 : vector<1024x512xf32>
    %convert_element_type3A_36 = arith.extui %ge3A_35 : vector<1024x512xi1> to vector<1024x512xi32>
    %reduce_sum3A_37 = arith.constant dense<0> : vector<1024xi32>
    %reduce_sum3A_38 = vector.multi_reduction <add>, %convert_element_type3A_36, %reduce_sum3A_37 [1] : vector<1024x512xi32> to vector<1024xi32>
    %broadcast_in_dim3A_39 = vector.shape_cast %reduce_sum3A_38 : vector<1024xi32> to vector<1024x1xi32>
    %add3A_40 = arith.addi %add3A_31, %broadcast_in_dim3A_39 : vector<1024x1xi32>
    %slice3A_41 = vector.extract_strided_slice %get3A_8 {offsets = [0, 2048], sizes = [1, 512], strides = [1, 1]} : vector<1x8192xf32> to vector<1x512xf32>
    %ge3A_42 = vector.broadcast %slice3A_41 : vector<1x512xf32> to vector<1024x512xf32>
    %ge3A_43 = vector.broadcast %get3A_3 : vector<1024x1xf32> to vector<1024x512xf32>
    %ge3A_44 = arith.cmpf oge, %ge3A_42, %ge3A_43 : vector<1024x512xf32>
    %convert_element_type3A_45 = arith.extui %ge3A_44 : vector<1024x512xi1> to vector<1024x512xi32>
    %reduce_sum3A_46 = arith.constant dense<0> : vector<1024xi32>
    %reduce_sum3A_47 = vector.multi_reduction <add>, %convert_element_type3A_45, %reduce_sum3A_46 [1] : vector<1024x512xi32> to vector<1024xi32>
    %broadcast_in_dim3A_48 = vector.shape_cast %reduce_sum3A_47 : vector<1024xi32> to vector<1024x1xi32>
    %add3A_49 = arith.addi %add3A_40, %broadcast_in_dim3A_48 : vector<1024x1xi32>
    %slice3A_50 = vector.extract_strided_slice %get3A_8 {offsets = [0, 2560], sizes = [1, 512], strides = [1, 1]} : vector<1x8192xf32> to vector<1x512xf32>
    %ge3A_51 = vector.broadcast %slice3A_50 : vector<1x512xf32> to vector<1024x512xf32>
    %ge3A_52 = vector.broadcast %get3A_3 : vector<1024x1xf32> to vector<1024x512xf32>
    %ge3A_53 = arith.cmpf oge, %ge3A_51, %ge3A_52 : vector<1024x512xf32>
    %convert_element_type3A_54 = arith.extui %ge3A_53 : vector<1024x512xi1> to vector<1024x512xi32>
    %reduce_sum3A_55 = arith.constant dense<0> : vector<1024xi32>
    %reduce_sum3A_56 = vector.multi_reduction <add>, %convert_element_type3A_54, %reduce_sum3A_55 [1] : vector<1024x512xi32> to vector<1024xi32>
    %broadcast_in_dim3A_57 = vector.shape_cast %reduce_sum3A_56 : vector<1024xi32> to vector<1024x1xi32>
    %add3A_58 = arith.addi %add3A_49, %broadcast_in_dim3A_57 : vector<1024x1xi32>
    %slice3A_59 = vector.extract_strided_slice %get3A_8 {offsets = [0, 3072], sizes = [1, 512], strides = [1, 1]} : vector<1x8192xf32> to vector<1x512xf32>
    %get3A_60 = arith.constant 0 : index
    %get3A_61 = arith.constant 0 : index
    %get3A_62 = vector.load %arg3[%get3A_60, %get3A_61] : memref<1024x1xi32, #tpu.memory_space<vmem>>, vector<1024x1xi32>
    %get3A_63 = arith.constant 0 : index
    %get3A_64 = arith.constant 3072 : index
    %get3A_65 = vector.load %arg4[%get3A_63, %get3A_64] : memref<1x8192xi32, #tpu.memory_space<vmem>>, vector<1x512xi32>
    %gt3A = vector.broadcast %slice3A_59 : vector<1x512xf32> to vector<1024x512xf32>
    %gt3A_66 = vector.broadcast %get3A_3 : vector<1024x1xf32> to vector<1024x512xf32>
    %gt3A_67 = arith.cmpf ogt, %gt3A, %gt3A_66 : vector<1024x512xf32>
    %eq3A = vector.broadcast %slice3A_59 : vector<1x512xf32> to vector<1024x512xf32>
    %eq3A_68 = vector.broadcast %get3A_3 : vector<1024x1xf32> to vector<1024x512xf32>
    %eq3A_69 = arith.cmpf oeq, %eq3A, %eq3A_68 : vector<1024x512xf32>
    %lt3A = vector.broadcast %get3A_65 : vector<1x512xi32> to vector<1024x512xi32>
    %lt3A_70 = vector.broadcast %get3A_62 : vector<1024x1xi32> to vector<1024x512xi32>
    %lt3A_71 = arith.cmpi slt, %lt3A, %lt3A_70 : vector<1024x512xi32>
    %and3A = arith.andi %eq3A_69, %lt3A_71 : vector<1024x512xi1>
    %or3A = arith.ori %gt3A_67, %and3A : vector<1024x512xi1>
    %convert_element_type3A_72 = arith.extui %or3A : vector<1024x512xi1> to vector<1024x512xi32>
    %reduce_sum3A_73 = arith.constant dense<0> : vector<1024xi32>
    %reduce_sum3A_74 = vector.multi_reduction <add>, %convert_element_type3A_72, %reduce_sum3A_73 [1] : vector<1024x512xi32> to vector<1024xi32>
    %broadcast_in_dim3A_75 = vector.shape_cast %reduce_sum3A_74 : vector<1024xi32> to vector<1024x1xi32>
    %add3A_76 = arith.addi %add3A_58, %broadcast_in_dim3A_75 : vector<1024x1xi32>
    %slice3A_77 = vector.extract_strided_slice %get3A_8 {offsets = [0, 3584], sizes = [1, 512], strides = [1, 1]} : vector<1x8192xf32> to vector<1x512xf32>
    %get3A_78 = arith.constant 0 : index
    %get3A_79 = arith.constant 0 : index
    %get3A_80 = vector.load %arg3[%get3A_78, %get3A_79] : memref<1024x1xi32, #tpu.memory_space<vmem>>, vector<1024x1xi32>
    %get3A_81 = arith.constant 0 : index
    %get3A_82 = arith.constant 3584 : index
    %get3A_83 = vector.load %arg4[%get3A_81, %get3A_82] : memref<1x8192xi32, #tpu.memory_space<vmem>>, vector<1x512xi32>
    %gt3A_84 = vector.broadcast %slice3A_77 : vector<1x512xf32> to vector<1024x512xf32>
    %gt3A_85 = vector.broadcast %get3A_3 : vector<1024x1xf32> to vector<1024x512xf32>
    %gt3A_86 = arith.cmpf ogt, %gt3A_84, %gt3A_85 : vector<1024x512xf32>
    %eq3A_87 = vector.broadcast %slice3A_77 : vector<1x512xf32> to vector<1024x512xf32>
    %eq3A_88 = vector.broadcast %get3A_3 : vector<1024x1xf32> to vector<1024x512xf32>
    %eq3A_89 = arith.cmpf oeq, %eq3A_87, %eq3A_88 : vector<1024x512xf32>
    %lt3A_90 = vector.broadcast %get3A_83 : vector<1x512xi32> to vector<1024x512xi32>
    %lt3A_91 = vector.broadcast %get3A_80 : vector<1024x1xi32> to vector<1024x512xi32>
    %lt3A_92 = arith.cmpi slt, %lt3A_90, %lt3A_91 : vector<1024x512xi32>
    %and3A_93 = arith.andi %eq3A_89, %lt3A_92 : vector<1024x512xi1>
    %or3A_94 = arith.ori %gt3A_86, %and3A_93 : vector<1024x512xi1>
    %convert_element_type3A_95 = arith.extui %or3A_94 : vector<1024x512xi1> to vector<1024x512xi32>
    %reduce_sum3A_96 = arith.constant dense<0> : vector<1024xi32>
    %reduce_sum3A_97 = vector.multi_reduction <add>, %convert_element_type3A_95, %reduce_sum3A_96 [1] : vector<1024x512xi32> to vector<1024xi32>
    %broadcast_in_dim3A_98 = vector.shape_cast %reduce_sum3A_97 : vector<1024xi32> to vector<1024x1xi32>
    %add3A_99 = arith.addi %add3A_76, %broadcast_in_dim3A_98 : vector<1024x1xi32>
    %slice3A_100 = vector.extract_strided_slice %get3A_8 {offsets = [0, 4096], sizes = [1, 512], strides = [1, 1]} : vector<1x8192xf32> to vector<1x512xf32>
    %gt3A_101 = vector.broadcast %slice3A_100 : vector<1x512xf32> to vector<1024x512xf32>
    %gt3A_102 = vector.broadcast %get3A_3 : vector<1024x1xf32> to vector<1024x512xf32>
    %gt3A_103 = arith.cmpf ogt, %gt3A_101, %gt3A_102 : vector<1024x512xf32>
    %convert_element_type3A_104 = arith.extui %gt3A_103 : vector<1024x512xi1> to vector<1024x512xi32>
    %reduce_sum3A_105 = arith.constant dense<0> : vector<1024xi32>
    %reduce_sum3A_106 = vector.multi_reduction <add>, %convert_element_type3A_104, %reduce_sum3A_105 [1] : vector<1024x512xi32> to vector<1024xi32>
    %broadcast_in_dim3A_107 = vector.shape_cast %reduce_sum3A_106 : vector<1024xi32> to vector<1024x1xi32>
    %add3A_108 = arith.addi %add3A_99, %broadcast_in_dim3A_107 : vector<1024x1xi32>
    %slice3A_109 = vector.extract_strided_slice %get3A_8 {offsets = [0, 4608], sizes = [1, 512], strides = [1, 1]} : vector<1x8192xf32> to vector<1x512xf32>
    %gt3A_110 = vector.broadcast %slice3A_109 : vector<1x512xf32> to vector<1024x512xf32>
    %gt3A_111 = vector.broadcast %get3A_3 : vector<1024x1xf32> to vector<1024x512xf32>
    %gt3A_112 = arith.cmpf ogt, %gt3A_110, %gt3A_111 : vector<1024x512xf32>
    %convert_element_type3A_113 = arith.extui %gt3A_112 : vector<1024x512xi1> to vector<1024x512xi32>
    %reduce_sum3A_114 = arith.constant dense<0> : vector<1024xi32>
    %reduce_sum3A_115 = vector.multi_reduction <add>, %convert_element_type3A_113, %reduce_sum3A_114 [1] : vector<1024x512xi32> to vector<1024xi32>
    %broadcast_in_dim3A_116 = vector.shape_cast %reduce_sum3A_115 : vector<1024xi32> to vector<1024x1xi32>
    %add3A_117 = arith.addi %add3A_108, %broadcast_in_dim3A_116 : vector<1024x1xi32>
    %slice3A_118 = vector.extract_strided_slice %get3A_8 {offsets = [0, 5120], sizes = [1, 512], strides = [1, 1]} : vector<1x8192xf32> to vector<1x512xf32>
    %gt3A_119 = vector.broadcast %slice3A_118 : vector<1x512xf32> to vector<1024x512xf32>
    %gt3A_120 = vector.broadcast %get3A_3 : vector<1024x1xf32> to vector<1024x512xf32>
    %gt3A_121 = arith.cmpf ogt, %gt3A_119, %gt3A_120 : vector<1024x512xf32>
    %convert_element_type3A_122 = arith.extui %gt3A_121 : vector<1024x512xi1> to vector<1024x512xi32>
    %reduce_sum3A_123 = arith.constant dense<0> : vector<1024xi32>
    %reduce_sum3A_124 = vector.multi_reduction <add>, %convert_element_type3A_122, %reduce_sum3A_123 [1] : vector<1024x512xi32> to vector<1024xi32>
    %broadcast_in_dim3A_125 = vector.shape_cast %reduce_sum3A_124 : vector<1024xi32> to vector<1024x1xi32>
    %add3A_126 = arith.addi %add3A_117, %broadcast_in_dim3A_125 : vector<1024x1xi32>
    %slice3A_127 = vector.extract_strided_slice %get3A_8 {offsets = [0, 5632], sizes = [1, 512], strides = [1, 1]} : vector<1x8192xf32> to vector<1x512xf32>
    %gt3A_128 = vector.broadcast %slice3A_127 : vector<1x512xf32> to vector<1024x512xf32>
    %gt3A_129 = vector.broadcast %get3A_3 : vector<1024x1xf32> to vector<1024x512xf32>
    %gt3A_130 = arith.cmpf ogt, %gt3A_128, %gt3A_129 : vector<1024x512xf32>
    %convert_element_type3A_131 = arith.extui %gt3A_130 : vector<1024x512xi1> to vector<1024x512xi32>
    %reduce_sum3A_132 = arith.constant dense<0> : vector<1024xi32>
    %reduce_sum3A_133 = vector.multi_reduction <add>, %convert_element_type3A_131, %reduce_sum3A_132 [1] : vector<1024x512xi32> to vector<1024xi32>
    %broadcast_in_dim3A_134 = vector.shape_cast %reduce_sum3A_133 : vector<1024xi32> to vector<1024x1xi32>
    %add3A_135 = arith.addi %add3A_126, %broadcast_in_dim3A_134 : vector<1024x1xi32>
    %slice3A_136 = vector.extract_strided_slice %get3A_8 {offsets = [0, 6144], sizes = [1, 512], strides = [1, 1]} : vector<1x8192xf32> to vector<1x512xf32>
    %gt3A_137 = vector.broadcast %slice3A_136 : vector<1x512xf32> to vector<1024x512xf32>
    %gt3A_138 = vector.broadcast %get3A_3 : vector<1024x1xf32> to vector<1024x512xf32>
    %gt3A_139 = arith.cmpf ogt, %gt3A_137, %gt3A_138 : vector<1024x512xf32>
    %convert_element_type3A_140 = arith.extui %gt3A_139 : vector<1024x512xi1> to vector<1024x512xi32>
    %reduce_sum3A_141 = arith.constant dense<0> : vector<1024xi32>
    %reduce_sum3A_142 = vector.multi_reduction <add>, %convert_element_type3A_140, %reduce_sum3A_141 [1] : vector<1024x512xi32> to vector<1024xi32>
    %broadcast_in_dim3A_143 = vector.shape_cast %reduce_sum3A_142 : vector<1024xi32> to vector<1024x1xi32>
    %add3A_144 = arith.addi %add3A_135, %broadcast_in_dim3A_143 : vector<1024x1xi32>
    %slice3A_145 = vector.extract_strided_slice %get3A_8 {offsets = [0, 6656], sizes = [1, 512], strides = [1, 1]} : vector<1x8192xf32> to vector<1x512xf32>
    %gt3A_146 = vector.broadcast %slice3A_145 : vector<1x512xf32> to vector<1024x512xf32>
    %gt3A_147 = vector.broadcast %get3A_3 : vector<1024x1xf32> to vector<1024x512xf32>
    %gt3A_148 = arith.cmpf ogt, %gt3A_146, %gt3A_147 : vector<1024x512xf32>
    %convert_element_type3A_149 = arith.extui %gt3A_148 : vector<1024x512xi1> to vector<1024x512xi32>
    %reduce_sum3A_150 = arith.constant dense<0> : vector<1024xi32>
    %reduce_sum3A_151 = vector.multi_reduction <add>, %convert_element_type3A_149, %reduce_sum3A_150 [1] : vector<1024x512xi32> to vector<1024xi32>
    %broadcast_in_dim3A_152 = vector.shape_cast %reduce_sum3A_151 : vector<1024xi32> to vector<1024x1xi32>
    %add3A_153 = arith.addi %add3A_144, %broadcast_in_dim3A_152 : vector<1024x1xi32>
    %slice3A_154 = vector.extract_strided_slice %get3A_8 {offsets = [0, 7168], sizes = [1, 512], strides = [1, 1]} : vector<1x8192xf32> to vector<1x512xf32>
    %gt3A_155 = vector.broadcast %slice3A_154 : vector<1x512xf32> to vector<1024x512xf32>
    %gt3A_156 = vector.broadcast %get3A_3 : vector<1024x1xf32> to vector<1024x512xf32>
    %gt3A_157 = arith.cmpf ogt, %gt3A_155, %gt3A_156 : vector<1024x512xf32>
    %convert_element_type3A_158 = arith.extui %gt3A_157 : vector<1024x512xi1> to vector<1024x512xi32>
    %reduce_sum3A_159 = arith.constant dense<0> : vector<1024xi32>
    %reduce_sum3A_160 = vector.multi_reduction <add>, %convert_element_type3A_158, %reduce_sum3A_159 [1] : vector<1024x512xi32> to vector<1024xi32>
    %broadcast_in_dim3A_161 = vector.shape_cast %reduce_sum3A_160 : vector<1024xi32> to vector<1024x1xi32>
    %add3A_162 = arith.addi %add3A_153, %broadcast_in_dim3A_161 : vector<1024x1xi32>
    %slice3A_163 = vector.extract_strided_slice %get3A_8 {offsets = [0, 7680], sizes = [1, 512], strides = [1, 1]} : vector<1x8192xf32> to vector<1x512xf32>
    %gt3A_164 = vector.broadcast %slice3A_163 : vector<1x512xf32> to vector<1024x512xf32>
    %gt3A_165 = vector.broadcast %get3A_3 : vector<1024x1xf32> to vector<1024x512xf32>
    %gt3A_166 = arith.cmpf ogt, %gt3A_164, %gt3A_165 : vector<1024x512xf32>
    %convert_element_type3A_167 = arith.extui %gt3A_166 : vector<1024x512xi1> to vector<1024x512xi32>
    %reduce_sum3A_168 = arith.constant dense<0> : vector<1024xi32>
    %reduce_sum3A_169 = vector.multi_reduction <add>, %convert_element_type3A_167, %reduce_sum3A_168 [1] : vector<1024x512xi32> to vector<1024xi32>
    %broadcast_in_dim3A_170 = vector.shape_cast %reduce_sum3A_169 : vector<1024xi32> to vector<1024x1xi32>
    %add3A_171 = arith.addi %add3A_162, %broadcast_in_dim3A_170 : vector<1024x1xi32>
    %swap3A = arith.constant 0 : index
    %swap3A_172 = arith.constant 0 : index
    %swap3A_173 = arith.constant 0 : index
    %swap3A_174 = vector.load %arg5[%swap3A, %swap3A_172, %swap3A_173] : memref<1x1024x1xi32, #tpu.memory_space<vmem>>, vector<1x1024x1xi32>
    %swap3A_175 = vector.shape_cast %swap3A_174 : vector<1x1024x1xi32> to vector<1024x1xi32>
    %swap3A_176 = vector.shape_cast %add3A_171 : vector<1024x1xi32> to vector<1x1024x1xi32>
    tpu.vector_store %arg5[%swap3A, %swap3A_172, %swap3A_173], %swap3A_176 {strides = array<i32>} : memref<1x1024x1xi32, #tpu.memory_space<vmem>>, vector<1x1024x1xi32>,
    return
  }
  func.func @transform_0(%arg0: i32) -> (i32, i32, i32) {
    %c3_i32 = arith.constant 3 : i32
    %c0_i32 = arith.constant 0 : i32
    %c0_i32_0 = arith.constant 0 : i32
    return %arg0, %c3_i32, %c0_i32 : i32, i32, i32
  }
  func.func @transform_1(%arg0: i32) -> (i32, i32, i32) {
    %c0_i32 = arith.constant 0 : i32
    %c0_i32_0 = arith.constant 0 : i32
    %c0_i32_1 = arith.constant 0 : i32
    return %arg0, %c0_i32, %c0_i32_0 : i32, i32, i32
  }
  func.func @transform_2(%arg0: i32) -> (i32, i32) {
    %c3_i32 = arith.constant 3 : i32
    %c0_i32 = arith.constant 0 : i32
    %c0_i32_0 = arith.constant 0 : i32
    return %c3_i32, %c0_i32 : i32, i32
  }
  func.func @transform_3(%arg0: i32) -> (i32, i32) {
    %c0_i32 = arith.constant 0 : i32
    %c0_i32_0 = arith.constant 0 : i32
    %c0_i32_1 = arith.constant 0 : i32
    return %c0_i32, %c0_i32_0 : i32, i32
  }
  func.func @transform_4(%arg0: i32) -> (i32, i32, i32) {
    %c0_i32 = arith.constant 0 : i32
    %c0_i32_0 = arith.constant 0 : i32
    %c0_i32_1 = arith.constant 0 : i32
    return %arg0, %c0_i32, %c0_i32_0 : i32, i32, i32
  }
}

module attributes {stable_mosaic.version = 14 : i64} {
  func.func @body(%arg0: i32, %arg1: memref<1x1024x1xf32, #tpu.memory_space<vmem>>, %arg2: memref<1x1x8192xf32, #tpu.memory_space<vmem>>, %arg3: memref<1024x1xi32, #tpu.memory_space<vmem>>, %arg4: memref<1x8192xi32, #tpu.memory_space<vmem>>, %arg5: memref<1x1024x1xi32, #tpu.memory_space<vmem>>) attributes {dimension_semantics = [#tpu.dimension_semantics<arbitrary>], iteration_bounds = array<i64: 4>, scalar_prefetch = 0 : i64, scratch_operands = 0 : i64, tpu.core_type = #tpu.core_type<tc>, window_params = [{transform_indices = @transform_0, window_bounds = array<i64: 1, 1024, 1>}, {transform_indices = @transform_1, window_bounds = array<i64: 1, 1, 8192>}, {transform_indices = @transform_2, window_bounds = array<i64: 1024, 1>}, {pipeline_mode = #tpu.pipeline_mode<synchronous>, transform_indices = @transform_3, window_bounds = array<i64: 1, 8192>}, {transform_indices = @transform_4, window_bounds = array<i64: 1, 1024, 1>}]} {
    %get3A = arith.constant 0 : index
    %get3A_0 = arith.constant 0 : index
    %get3A_1 = arith.constant 0 : index
    %get3A_2 = vector.load %arg1[%get3A, %get3A_0, %get3A_1] : memref<1x1024x1xf32, #tpu.memory_space<vmem>>, vector<1x1024x1xf32>
    %get3A_3 = vector.shape_cast %get3A_2 : vector<1x1024x1xf32> to vector<1024x1xf32>
    %get3A_4 = arith.constant 0 : index
    %get3A_5 = arith.constant 0 : index
    %get3A_6 = arith.constant 0 : index
    %get3A_7 = vector.load %arg2[%get3A_4, %get3A_5, %get3A_6] : memref<1x1x8192xf32, #tpu.memory_space<vmem>>, vector<1x1x8192xf32>
    %get3A_8 = vector.shape_cast %get3A_7 : vector<1x1x8192xf32> to vector<1x8192xf32>
    %broadcast_in_dim3A = arith.constant 0 : i32
    %broadcast_in_dim3A_9 = vector.broadcast %broadcast_in_dim3A : i32 to vector<1024x1xi32>
    %slice3A = vector.extract_strided_slice %get3A_8 {offsets = [0, 0], sizes = [1, 512], strides = [1, 1]} : vector<1x8192xf32> to vector<1x512xf32>
    %ge3A = vector.broadcast %slice3A : vector<1x512xf32> to vector<1024x512xf32>
    %ge3A_10 = vector.broadcast %get3A_3 : vector<1024x1xf32> to vector<1024x512xf32>
    %ge3A_11 = arith.cmpf oge, %ge3A, %ge3A_10 : vector<1024x512xf32>
    %convert_element_type3A = arith.extui %ge3A_11 : vector<1024x512xi1> to vector<1024x512xi32>
    %reduce_sum3A = arith.constant dense<0> : vector<1024xi32>
    %reduce_sum3A_12 = vector.multi_reduction <add>, %convert_element_type3A, %reduce_sum3A [1] : vector<1024x512xi32> to vector<1024xi32>
    %broadcast_in_dim3A_13 = vector.shape_cast %reduce_sum3A_12 : vector<1024xi32> to vector<1024x1xi32>
    %add3A = arith.addi %broadcast_in_dim3A_9, %broadcast_in_dim3A_13 : vector<1024x1xi32>
    %slice3A_14 = vector.extract_strided_slice %get3A_8 {offsets = [0, 512], sizes = [1, 512], strides = [1, 1]} : vector<1x8192xf32> to vector<1x512xf32>
    %ge3A_15 = vector.broadcast %slice3A_14 : vector<1x512xf32> to vector<1024x512xf32>
    %ge3A_16 = vector.broadcast %get3A_3 : vector<1024x1xf32> to vector<1024x512xf32>
    %ge3A_17 = arith.cmpf oge, %ge3A_15, %ge3A_16 : vector<1024x512xf32>
    %convert_element_type3A_18 = arith.extui %ge3A_17 : vector<1024x512xi1> to vector<1024x512xi32>
    %reduce_sum3A_19 = arith.constant dense<0> : vector<1024xi32>
    %reduce_sum3A_20 = vector.multi_reduction <add>, %convert_element_type3A_18, %reduce_sum3A_19 [1] : vector<1024x512xi32> to vector<1024xi32>
    %broadcast_in_dim3A_21 = vector.shape_cast %reduce_sum3A_20 : vector<1024xi32> to vector<1024x1xi32>
    %add3A_22 = arith.addi %add3A, %broadcast_in_dim3A_21 : vector<1024x1xi32>
    %slice3A_23 = vector.extract_strided_slice %get3A_8 {offsets = [0, 1024], sizes = [1, 512], strides = [1, 1]} : vector<1x8192xf32> to vector<1x512xf32>
    %ge3A_24 = vector.broadcast %slice3A_23 : vector<1x512xf32> to vector<1024x512xf32>
    %ge3A_25 = vector.broadcast %get3A_3 : vector<1024x1xf32> to vector<1024x512xf32>
    %ge3A_26 = arith.cmpf oge, %ge3A_24, %ge3A_25 : vector<1024x512xf32>
    %convert_element_type3A_27 = arith.extui %ge3A_26 : vector<1024x512xi1> to vector<1024x512xi32>
    %reduce_sum3A_28 = arith.constant dense<0> : vector<1024xi32>
    %reduce_sum3A_29 = vector.multi_reduction <add>, %convert_element_type3A_27, %reduce_sum3A_28 [1] : vector<1024x512xi32> to vector<1024xi32>
    %broadcast_in_dim3A_30 = vector.shape_cast %reduce_sum3A_29 : vector<1024xi32> to vector<1024x1xi32>
    %add3A_31 = arith.addi %add3A_22, %broadcast_in_dim3A_30 : vector<1024x1xi32>
    %slice3A_32 = vector.extract_strided_slice %get3A_8 {offsets = [0, 1536], sizes = [1, 512], strides = [1, 1]} : vector<1x8192xf32> to vector<1x512xf32>
    %ge3A_33 = vector.broadcast %slice3A_32 : vector<1x512xf32> to vector<1024x512xf32>
    %ge3A_34 = vector.broadcast %get3A_3 : vector<1024x1xf32> to vector<1024x512xf32>
    %ge3A_35 = arith.cmpf oge, %ge3A_33, %ge3A_34 : vector<1024x512xf32>
    %convert_element_type3A_36 = arith.extui %ge3A_35 : vector<1024x512xi1> to vector<1024x512xi32>
    %reduce_sum3A_37 = arith.constant dense<0> : vector<1024xi32>
    %reduce_sum3A_38 = vector.multi_reduction <add>, %convert_element_type3A_36, %reduce_sum3A_37 [1] : vector<1024x512xi32> to vector<1024xi32>
    %broadcast_in_dim3A_39 = vector.shape_cast %reduce_sum3A_38 : vector<1024xi32> to vector<1024x1xi32>
    %add3A_40 = arith.addi %add3A_31, %broadcast_in_dim3A_39 : vector<1024x1xi32>
    %slice3A_41 = vector.extract_strided_slice %get3A_8 {offsets = [0, 2048], sizes = [1, 512], strides = [1, 1]} : vector<1x8192xf32> to vector<1x512xf32>
    %get3A_42 = arith.constant 0 : index
    %get3A_43 = arith.constant 0 : index
    %get3A_44 = vector.load %arg3[%get3A_42, %get3A_43] : memref<1024x1xi32, #tpu.memory_space<vmem>>, vector<1024x1xi32>
    %get3A_45 = arith.constant 0 : index
    %get3A_46 = arith.constant 2048 : index
    %get3A_47 = vector.load %arg4[%get3A_45, %get3A_46] : memref<1x8192xi32, #tpu.memory_space<vmem>>, vector<1x512xi32>
    %gt3A = vector.broadcast %slice3A_41 : vector<1x512xf32> to vector<1024x512xf32>
    %gt3A_48 = vector.broadcast %get3A_3 : vector<1024x1xf32> to vector<1024x512xf32>
    %gt3A_49 = arith.cmpf ogt, %gt3A, %gt3A_48 : vector<1024x512xf32>
    %eq3A = vector.broadcast %slice3A_41 : vector<1x512xf32> to vector<1024x512xf32>
    %eq3A_50 = vector.broadcast %get3A_3 : vector<1024x1xf32> to vector<1024x512xf32>
    %eq3A_51 = arith.cmpf oeq, %eq3A, %eq3A_50 : vector<1024x512xf32>
    %lt3A = vector.broadcast %get3A_47 : vector<1x512xi32> to vector<1024x512xi32>
    %lt3A_52 = vector.broadcast %get3A_44 : vector<1024x1xi32> to vector<1024x512xi32>
    %lt3A_53 = arith.cmpi slt, %lt3A, %lt3A_52 : vector<1024x512xi32>
    %and3A = arith.andi %eq3A_51, %lt3A_53 : vector<1024x512xi1>
    %or3A = arith.ori %gt3A_49, %and3A : vector<1024x512xi1>
    %convert_element_type3A_54 = arith.extui %or3A : vector<1024x512xi1> to vector<1024x512xi32>
    %reduce_sum3A_55 = arith.constant dense<0> : vector<1024xi32>
    %reduce_sum3A_56 = vector.multi_reduction <add>, %convert_element_type3A_54, %reduce_sum3A_55 [1] : vector<1024x512xi32> to vector<1024xi32>
    %broadcast_in_dim3A_57 = vector.shape_cast %reduce_sum3A_56 : vector<1024xi32> to vector<1024x1xi32>
    %add3A_58 = arith.addi %add3A_40, %broadcast_in_dim3A_57 : vector<1024x1xi32>
    %slice3A_59 = vector.extract_strided_slice %get3A_8 {offsets = [0, 2560], sizes = [1, 512], strides = [1, 1]} : vector<1x8192xf32> to vector<1x512xf32>
    %get3A_60 = arith.constant 0 : index
    %get3A_61 = arith.constant 0 : index
    %get3A_62 = vector.load %arg3[%get3A_60, %get3A_61] : memref<1024x1xi32, #tpu.memory_space<vmem>>, vector<1024x1xi32>
    %get3A_63 = arith.constant 0 : index
    %get3A_64 = arith.constant 2560 : index
    %get3A_65 = vector.load %arg4[%get3A_63, %get3A_64] : memref<1x8192xi32, #tpu.memory_space<vmem>>, vector<1x512xi32>
    %gt3A_66 = vector.broadcast %slice3A_59 : vector<1x512xf32> to vector<1024x512xf32>
    %gt3A_67 = vector.broadcast %get3A_3 : vector<1024x1xf32> to vector<1024x512xf32>
    %gt3A_68 = arith.cmpf ogt, %gt3A_66, %gt3A_67 : vector<1024x512xf32>
    %eq3A_69 = vector.broadcast %slice3A_59 : vector<1x512xf32> to vector<1024x512xf32>
    %eq3A_70 = vector.broadcast %get3A_3 : vector<1024x1xf32> to vector<1024x512xf32>
    %eq3A_71 = arith.cmpf oeq, %eq3A_69, %eq3A_70 : vector<1024x512xf32>
    %lt3A_72 = vector.broadcast %get3A_65 : vector<1x512xi32> to vector<1024x512xi32>
    %lt3A_73 = vector.broadcast %get3A_62 : vector<1024x1xi32> to vector<1024x512xi32>
    %lt3A_74 = arith.cmpi slt, %lt3A_72, %lt3A_73 : vector<1024x512xi32>
    %and3A_75 = arith.andi %eq3A_71, %lt3A_74 : vector<1024x512xi1>
    %or3A_76 = arith.ori %gt3A_68, %and3A_75 : vector<1024x512xi1>
    %convert_element_type3A_77 = arith.extui %or3A_76 : vector<1024x512xi1> to vector<1024x512xi32>
    %reduce_sum3A_78 = arith.constant dense<0> : vector<1024xi32>
    %reduce_sum3A_79 = vector.multi_reduction <add>, %convert_element_type3A_77, %reduce_sum3A_78 [1] : vector<1024x512xi32> to vector<1024xi32>
    %broadcast_in_dim3A_80 = vector.shape_cast %reduce_sum3A_79 : vector<1024xi32> to vector<1024x1xi32>
    %add3A_81 = arith.addi %add3A_58, %broadcast_in_dim3A_80 : vector<1024x1xi32>
    %slice3A_82 = vector.extract_strided_slice %get3A_8 {offsets = [0, 3072], sizes = [1, 512], strides = [1, 1]} : vector<1x8192xf32> to vector<1x512xf32>
    %gt3A_83 = vector.broadcast %slice3A_82 : vector<1x512xf32> to vector<1024x512xf32>
    %gt3A_84 = vector.broadcast %get3A_3 : vector<1024x1xf32> to vector<1024x512xf32>
    %gt3A_85 = arith.cmpf ogt, %gt3A_83, %gt3A_84 : vector<1024x512xf32>
    %convert_element_type3A_86 = arith.extui %gt3A_85 : vector<1024x512xi1> to vector<1024x512xi32>
    %reduce_sum3A_87 = arith.constant dense<0> : vector<1024xi32>
    %reduce_sum3A_88 = vector.multi_reduction <add>, %convert_element_type3A_86, %reduce_sum3A_87 [1] : vector<1024x512xi32> to vector<1024xi32>
    %broadcast_in_dim3A_89 = vector.shape_cast %reduce_sum3A_88 : vector<1024xi32> to vector<1024x1xi32>
    %add3A_90 = arith.addi %add3A_81, %broadcast_in_dim3A_89 : vector<1024x1xi32>
    %slice3A_91 = vector.extract_strided_slice %get3A_8 {offsets = [0, 3584], sizes = [1, 512], strides = [1, 1]} : vector<1x8192xf32> to vector<1x512xf32>
    %gt3A_92 = vector.broadcast %slice3A_91 : vector<1x512xf32> to vector<1024x512xf32>
    %gt3A_93 = vector.broadcast %get3A_3 : vector<1024x1xf32> to vector<1024x512xf32>
    %gt3A_94 = arith.cmpf ogt, %gt3A_92, %gt3A_93 : vector<1024x512xf32>
    %convert_element_type3A_95 = arith.extui %gt3A_94 : vector<1024x512xi1> to vector<1024x512xi32>
    %reduce_sum3A_96 = arith.constant dense<0> : vector<1024xi32>
    %reduce_sum3A_97 = vector.multi_reduction <add>, %convert_element_type3A_95, %reduce_sum3A_96 [1] : vector<1024x512xi32> to vector<1024xi32>
    %broadcast_in_dim3A_98 = vector.shape_cast %reduce_sum3A_97 : vector<1024xi32> to vector<1024x1xi32>
    %add3A_99 = arith.addi %add3A_90, %broadcast_in_dim3A_98 : vector<1024x1xi32>
    %slice3A_100 = vector.extract_strided_slice %get3A_8 {offsets = [0, 4096], sizes = [1, 512], strides = [1, 1]} : vector<1x8192xf32> to vector<1x512xf32>
    %gt3A_101 = vector.broadcast %slice3A_100 : vector<1x512xf32> to vector<1024x512xf32>
    %gt3A_102 = vector.broadcast %get3A_3 : vector<1024x1xf32> to vector<1024x512xf32>
    %gt3A_103 = arith.cmpf ogt, %gt3A_101, %gt3A_102 : vector<1024x512xf32>
    %convert_element_type3A_104 = arith.extui %gt3A_103 : vector<1024x512xi1> to vector<1024x512xi32>
    %reduce_sum3A_105 = arith.constant dense<0> : vector<1024xi32>
    %reduce_sum3A_106 = vector.multi_reduction <add>, %convert_element_type3A_104, %reduce_sum3A_105 [1] : vector<1024x512xi32> to vector<1024xi32>
    %broadcast_in_dim3A_107 = vector.shape_cast %reduce_sum3A_106 : vector<1024xi32> to vector<1024x1xi32>
    %add3A_108 = arith.addi %add3A_99, %broadcast_in_dim3A_107 : vector<1024x1xi32>
    %slice3A_109 = vector.extract_strided_slice %get3A_8 {offsets = [0, 4608], sizes = [1, 512], strides = [1, 1]} : vector<1x8192xf32> to vector<1x512xf32>
    %gt3A_110 = vector.broadcast %slice3A_109 : vector<1x512xf32> to vector<1024x512xf32>
    %gt3A_111 = vector.broadcast %get3A_3 : vector<1024x1xf32> to vector<1024x512xf32>
    %gt3A_112 = arith.cmpf ogt, %gt3A_110, %gt3A_111 : vector<1024x512xf32>
    %convert_element_type3A_113 = arith.extui %gt3A_112 : vector<1024x512xi1> to vector<1024x512xi32>
    %reduce_sum3A_114 = arith.constant dense<0> : vector<1024xi32>
    %reduce_sum3A_115 = vector.multi_reduction <add>, %convert_element_type3A_113, %reduce_sum3A_114 [1] : vector<1024x512xi32> to vector<1024xi32>
    %broadcast_in_dim3A_116 = vector.shape_cast %reduce_sum3A_115 : vector<1024xi32> to vector<1024x1xi32>
    %add3A_117 = arith.addi %add3A_108, %broadcast_in_dim3A_116 : vector<1024x1xi32>
    %slice3A_118 = vector.extract_strided_slice %get3A_8 {offsets = [0, 5120], sizes = [1, 512], strides = [1, 1]} : vector<1x8192xf32> to vector<1x512xf32>
    %gt3A_119 = vector.broadcast %slice3A_118 : vector<1x512xf32> to vector<1024x512xf32>
    %gt3A_120 = vector.broadcast %get3A_3 : vector<1024x1xf32> to vector<1024x512xf32>
    %gt3A_121 = arith.cmpf ogt, %gt3A_119, %gt3A_120 : vector<1024x512xf32>
    %convert_element_type3A_122 = arith.extui %gt3A_121 : vector<1024x512xi1> to vector<1024x512xi32>
    %reduce_sum3A_123 = arith.constant dense<0> : vector<1024xi32>
    %reduce_sum3A_124 = vector.multi_reduction <add>, %convert_element_type3A_122, %reduce_sum3A_123 [1] : vector<1024x512xi32> to vector<1024xi32>
    %broadcast_in_dim3A_125 = vector.shape_cast %reduce_sum3A_124 : vector<1024xi32> to vector<1024x1xi32>
    %add3A_126 = arith.addi %add3A_117, %broadcast_in_dim3A_125 : vector<1024x1xi32>
    %slice3A_127 = vector.extract_strided_slice %get3A_8 {offsets = [0, 5632], sizes = [1, 512], strides = [1, 1]} : vector<1x8192xf32> to vector<1x512xf32>
    %gt3A_128 = vector.broadcast %slice3A_127 : vector<1x512xf32> to vector<1024x512xf32>
    %gt3A_129 = vector.broadcast %get3A_3 : vector<1024x1xf32> to vector<1024x512xf32>
    %gt3A_130 = arith.cmpf ogt, %gt3A_128, %gt3A_129 : vector<1024x512xf32>
    %convert_element_type3A_131 = arith.extui %gt3A_130 : vector<1024x512xi1> to vector<1024x512xi32>
    %reduce_sum3A_132 = arith.constant dense<0> : vector<1024xi32>
    %reduce_sum3A_133 = vector.multi_reduction <add>, %convert_element_type3A_131, %reduce_sum3A_132 [1] : vector<1024x512xi32> to vector<1024xi32>
    %broadcast_in_dim3A_134 = vector.shape_cast %reduce_sum3A_133 : vector<1024xi32> to vector<1024x1xi32>
    %add3A_135 = arith.addi %add3A_126, %broadcast_in_dim3A_134 : vector<1024x1xi32>
    %slice3A_136 = vector.extract_strided_slice %get3A_8 {offsets = [0, 6144], sizes = [1, 512], strides = [1, 1]} : vector<1x8192xf32> to vector<1x512xf32>
    %gt3A_137 = vector.broadcast %slice3A_136 : vector<1x512xf32> to vector<1024x512xf32>
    %gt3A_138 = vector.broadcast %get3A_3 : vector<1024x1xf32> to vector<1024x512xf32>
    %gt3A_139 = arith.cmpf ogt, %gt3A_137, %gt3A_138 : vector<1024x512xf32>
    %convert_element_type3A_140 = arith.extui %gt3A_139 : vector<1024x512xi1> to vector<1024x512xi32>
    %reduce_sum3A_141 = arith.constant dense<0> : vector<1024xi32>
    %reduce_sum3A_142 = vector.multi_reduction <add>, %convert_element_type3A_140, %reduce_sum3A_141 [1] : vector<1024x512xi32> to vector<1024xi32>
    %broadcast_in_dim3A_143 = vector.shape_cast %reduce_sum3A_142 : vector<1024xi32> to vector<1024x1xi32>
    %add3A_144 = arith.addi %add3A_135, %broadcast_in_dim3A_143 : vector<1024x1xi32>
    %slice3A_145 = vector.extract_strided_slice %get3A_8 {offsets = [0, 6656], sizes = [1, 512], strides = [1, 1]} : vector<1x8192xf32> to vector<1x512xf32>
    %gt3A_146 = vector.broadcast %slice3A_145 : vector<1x512xf32> to vector<1024x512xf32>
    %gt3A_147 = vector.broadcast %get3A_3 : vector<1024x1xf32> to vector<1024x512xf32>
    %gt3A_148 = arith.cmpf ogt, %gt3A_146, %gt3A_147 : vector<1024x512xf32>
    %convert_element_type3A_149 = arith.extui %gt3A_148 : vector<1024x512xi1> to vector<1024x512xi32>
    %reduce_sum3A_150 = arith.constant dense<0> : vector<1024xi32>
    %reduce_sum3A_151 = vector.multi_reduction <add>, %convert_element_type3A_149, %reduce_sum3A_150 [1] : vector<1024x512xi32> to vector<1024xi32>
    %broadcast_in_dim3A_152 = vector.shape_cast %reduce_sum3A_151 : vector<1024xi32> to vector<1024x1xi32>
    %add3A_153 = arith.addi %add3A_144, %broadcast_in_dim3A_152 : vector<1024x1xi32>
    %slice3A_154 = vector.extract_strided_slice %get3A_8 {offsets = [0, 7168], sizes = [1, 512], strides = [1, 1]} : vector<1x8192xf32> to vector<1x512xf32>
    %gt3A_155 = vector.broadcast %slice3A_154 : vector<1x512xf32> to vector<1024x512xf32>
    %gt3A_156 = vector.broadcast %get3A_3 : vector<1024x1xf32> to vector<1024x512xf32>
    %gt3A_157 = arith.cmpf ogt, %gt3A_155, %gt3A_156 : vector<1024x512xf32>
    %convert_element_type3A_158 = arith.extui %gt3A_157 : vector<1024x512xi1> to vector<1024x512xi32>
    %reduce_sum3A_159 = arith.constant dense<0> : vector<1024xi32>
    %reduce_sum3A_160 = vector.multi_reduction <add>, %convert_element_type3A_158, %reduce_sum3A_159 [1] : vector<1024x512xi32> to vector<1024xi32>
    %broadcast_in_dim3A_161 = vector.shape_cast %reduce_sum3A_160 : vector<1024xi32> to vector<1024x1xi32>
    %add3A_162 = arith.addi %add3A_153, %broadcast_in_dim3A_161 : vector<1024x1xi32>
    %slice3A_163 = vector.extract_strided_slice %get3A_8 {offsets = [0, 7680], sizes = [1, 512], strides = [1, 1]} : vector<1x8192xf32> to vector<1x512xf32>
    %gt3A_164 = vector.broadcast %slice3A_163 : vector<1x512xf32> to vector<1024x512xf32>
    %gt3A_165 = vector.broadcast %get3A_3 : vector<1024x1xf32> to vector<1024x512xf32>
    %gt3A_166 = arith.cmpf ogt, %gt3A_164, %gt3A_165 : vector<1024x512xf32>
    %convert_element_type3A_167 = arith.extui %gt3A_166 : vector<1024x512xi1> to vector<1024x512xi32>
    %reduce_sum3A_168 = arith.constant dense<0> : vector<1024xi32>
    %reduce_sum3A_169 = vector.multi_reduction <add>, %convert_element_type3A_167, %reduce_sum3A_168 [1] : vector<1024x512xi32> to vector<1024xi32>
    %broadcast_in_dim3A_170 = vector.shape_cast %reduce_sum3A_169 : vector<1024xi32> to vector<1024x1xi32>
    %add3A_171 = arith.addi %add3A_162, %broadcast_in_dim3A_170 : vector<1024x1xi32>
    %swap3A = arith.constant 0 : index
    %swap3A_172 = arith.constant 0 : index
    %swap3A_173 = arith.constant 0 : index
    %swap3A_174 = vector.load %arg5[%swap3A, %swap3A_172, %swap3A_173] : memref<1x1024x1xi32, #tpu.memory_space<vmem>>, vector<1x1024x1xi32>
    %swap3A_175 = vector.shape_cast %swap3A_174 : vector<1x1024x1xi32> to vector<1024x1xi32>
    %swap3A_176 = vector.shape_cast %add3A_171 : vector<1024x1xi32> to vector<1x1024x1xi32>
    tpu.vector_store %arg5[%swap3A, %swap3A_172, %swap3A_173], %swap3A_176 {strides = array<i32>} : memref<1x1024x1xi32, #tpu.memory_space<vmem>>, vector<1x1024x1xi32>,
    return
  }
  func.func @transform_0(%arg0: i32) -> (i32, i32, i32) {
    %c2_i32 = arith.constant 2 : i32
    %c0_i32 = arith.constant 0 : i32
    %c0_i32_0 = arith.constant 0 : i32
    return %arg0, %c2_i32, %c0_i32 : i32, i32, i32
  }
  func.func @transform_1(%arg0: i32) -> (i32, i32, i32) {
    %c0_i32 = arith.constant 0 : i32
    %c0_i32_0 = arith.constant 0 : i32
    %c0_i32_1 = arith.constant 0 : i32
    return %arg0, %c0_i32, %c0_i32_0 : i32, i32, i32
  }
  func.func @transform_2(%arg0: i32) -> (i32, i32) {
    %c2_i32 = arith.constant 2 : i32
    %c0_i32 = arith.constant 0 : i32
    %c0_i32_0 = arith.constant 0 : i32
    return %c2_i32, %c0_i32 : i32, i32
  }
  func.func @transform_3(%arg0: i32) -> (i32, i32) {
    %c0_i32 = arith.constant 0 : i32
    %c0_i32_0 = arith.constant 0 : i32
    %c0_i32_1 = arith.constant 0 : i32
    return %c0_i32, %c0_i32_0 : i32, i32
  }
  func.func @transform_4(%arg0: i32) -> (i32, i32, i32) {
    %c0_i32 = arith.constant 0 : i32
    %c0_i32_0 = arith.constant 0 : i32
    %c0_i32_1 = arith.constant 0 : i32
    return %arg0, %c0_i32, %c0_i32_0 : i32, i32, i32
  }
}

module attributes {stable_mosaic.version = 14 : i64} {
  func.func @body(%arg0: i32, %arg1: memref<1x1024x1xf32, #tpu.memory_space<vmem>>, %arg2: memref<1x1x8192xf32, #tpu.memory_space<vmem>>, %arg3: memref<1024x1xi32, #tpu.memory_space<vmem>>, %arg4: memref<1x8192xi32, #tpu.memory_space<vmem>>, %arg5: memref<1x1024x1xi32, #tpu.memory_space<vmem>>) attributes {dimension_semantics = [#tpu.dimension_semantics<arbitrary>], iteration_bounds = array<i64: 4>, scalar_prefetch = 0 : i64, scratch_operands = 0 : i64, tpu.core_type = #tpu.core_type<tc>, window_params = [{transform_indices = @transform_0, window_bounds = array<i64: 1, 1024, 1>}, {transform_indices = @transform_1, window_bounds = array<i64: 1, 1, 8192>}, {transform_indices = @transform_2, window_bounds = array<i64: 1024, 1>}, {pipeline_mode = #tpu.pipeline_mode<synchronous>, transform_indices = @transform_3, window_bounds = array<i64: 1, 8192>}, {transform_indices = @transform_4, window_bounds = array<i64: 1, 1024, 1>}]} {
    %get3A = arith.constant 0 : index
    %get3A_0 = arith.constant 0 : index
    %get3A_1 = arith.constant 0 : index
    %get3A_2 = vector.load %arg1[%get3A, %get3A_0, %get3A_1] : memref<1x1024x1xf32, #tpu.memory_space<vmem>>, vector<1x1024x1xf32>
    %get3A_3 = vector.shape_cast %get3A_2 : vector<1x1024x1xf32> to vector<1024x1xf32>
    %get3A_4 = arith.constant 0 : index
    %get3A_5 = arith.constant 0 : index
    %get3A_6 = arith.constant 0 : index
    %get3A_7 = vector.load %arg2[%get3A_4, %get3A_5, %get3A_6] : memref<1x1x8192xf32, #tpu.memory_space<vmem>>, vector<1x1x8192xf32>
    %get3A_8 = vector.shape_cast %get3A_7 : vector<1x1x8192xf32> to vector<1x8192xf32>
    %broadcast_in_dim3A = arith.constant 0 : i32
    %broadcast_in_dim3A_9 = vector.broadcast %broadcast_in_dim3A : i32 to vector<1024x1xi32>
    %slice3A = vector.extract_strided_slice %get3A_8 {offsets = [0, 0], sizes = [1, 512], strides = [1, 1]} : vector<1x8192xf32> to vector<1x512xf32>
    %ge3A = vector.broadcast %slice3A : vector<1x512xf32> to vector<1024x512xf32>
    %ge3A_10 = vector.broadcast %get3A_3 : vector<1024x1xf32> to vector<1024x512xf32>
    %ge3A_11 = arith.cmpf oge, %ge3A, %ge3A_10 : vector<1024x512xf32>
    %convert_element_type3A = arith.extui %ge3A_11 : vector<1024x512xi1> to vector<1024x512xi32>
    %reduce_sum3A = arith.constant dense<0> : vector<1024xi32>
    %reduce_sum3A_12 = vector.multi_reduction <add>, %convert_element_type3A, %reduce_sum3A [1] : vector<1024x512xi32> to vector<1024xi32>
    %broadcast_in_dim3A_13 = vector.shape_cast %reduce_sum3A_12 : vector<1024xi32> to vector<1024x1xi32>
    %add3A = arith.addi %broadcast_in_dim3A_9, %broadcast_in_dim3A_13 : vector<1024x1xi32>
    %slice3A_14 = vector.extract_strided_slice %get3A_8 {offsets = [0, 512], sizes = [1, 512], strides = [1, 1]} : vector<1x8192xf32> to vector<1x512xf32>
    %ge3A_15 = vector.broadcast %slice3A_14 : vector<1x512xf32> to vector<1024x512xf32>
    %ge3A_16 = vector.broadcast %get3A_3 : vector<1024x1xf32> to vector<1024x512xf32>
    %ge3A_17 = arith.cmpf oge, %ge3A_15, %ge3A_16 : vector<1024x512xf32>
    %convert_element_type3A_18 = arith.extui %ge3A_17 : vector<1024x512xi1> to vector<1024x512xi32>
    %reduce_sum3A_19 = arith.constant dense<0> : vector<1024xi32>
    %reduce_sum3A_20 = vector.multi_reduction <add>, %convert_element_type3A_18, %reduce_sum3A_19 [1] : vector<1024x512xi32> to vector<1024xi32>
    %broadcast_in_dim3A_21 = vector.shape_cast %reduce_sum3A_20 : vector<1024xi32> to vector<1024x1xi32>
    %add3A_22 = arith.addi %add3A, %broadcast_in_dim3A_21 : vector<1024x1xi32>
    %slice3A_23 = vector.extract_strided_slice %get3A_8 {offsets = [0, 1024], sizes = [1, 512], strides = [1, 1]} : vector<1x8192xf32> to vector<1x512xf32>
    %get3A_24 = arith.constant 0 : index
    %get3A_25 = arith.constant 0 : index
    %get3A_26 = vector.load %arg3[%get3A_24, %get3A_25] : memref<1024x1xi32, #tpu.memory_space<vmem>>, vector<1024x1xi32>
    %get3A_27 = arith.constant 0 : index
    %get3A_28 = arith.constant 1024 : index
    %get3A_29 = vector.load %arg4[%get3A_27, %get3A_28] : memref<1x8192xi32, #tpu.memory_space<vmem>>, vector<1x512xi32>
    %gt3A = vector.broadcast %slice3A_23 : vector<1x512xf32> to vector<1024x512xf32>
    %gt3A_30 = vector.broadcast %get3A_3 : vector<1024x1xf32> to vector<1024x512xf32>
    %gt3A_31 = arith.cmpf ogt, %gt3A, %gt3A_30 : vector<1024x512xf32>
    %eq3A = vector.broadcast %slice3A_23 : vector<1x512xf32> to vector<1024x512xf32>
    %eq3A_32 = vector.broadcast %get3A_3 : vector<1024x1xf32> to vector<1024x512xf32>
    %eq3A_33 = arith.cmpf oeq, %eq3A, %eq3A_32 : vector<1024x512xf32>
    %lt3A = vector.broadcast %get3A_29 : vector<1x512xi32> to vector<1024x512xi32>
    %lt3A_34 = vector.broadcast %get3A_26 : vector<1024x1xi32> to vector<1024x512xi32>
    %lt3A_35 = arith.cmpi slt, %lt3A, %lt3A_34 : vector<1024x512xi32>
    %and3A = arith.andi %eq3A_33, %lt3A_35 : vector<1024x512xi1>
    %or3A = arith.ori %gt3A_31, %and3A : vector<1024x512xi1>
    %convert_element_type3A_36 = arith.extui %or3A : vector<1024x512xi1> to vector<1024x512xi32>
    %reduce_sum3A_37 = arith.constant dense<0> : vector<1024xi32>
    %reduce_sum3A_38 = vector.multi_reduction <add>, %convert_element_type3A_36, %reduce_sum3A_37 [1] : vector<1024x512xi32> to vector<1024xi32>
    %broadcast_in_dim3A_39 = vector.shape_cast %reduce_sum3A_38 : vector<1024xi32> to vector<1024x1xi32>
    %add3A_40 = arith.addi %add3A_22, %broadcast_in_dim3A_39 : vector<1024x1xi32>
    %slice3A_41 = vector.extract_strided_slice %get3A_8 {offsets = [0, 1536], sizes = [1, 512], strides = [1, 1]} : vector<1x8192xf32> to vector<1x512xf32>
    %get3A_42 = arith.constant 0 : index
    %get3A_43 = arith.constant 0 : index
    %get3A_44 = vector.load %arg3[%get3A_42, %get3A_43] : memref<1024x1xi32, #tpu.memory_space<vmem>>, vector<1024x1xi32>
    %get3A_45 = arith.constant 0 : index
    %get3A_46 = arith.constant 1536 : index
    %get3A_47 = vector.load %arg4[%get3A_45, %get3A_46] : memref<1x8192xi32, #tpu.memory_space<vmem>>, vector<1x512xi32>
    %gt3A_48 = vector.broadcast %slice3A_41 : vector<1x512xf32> to vector<1024x512xf32>
    %gt3A_49 = vector.broadcast %get3A_3 : vector<1024x1xf32> to vector<1024x512xf32>
    %gt3A_50 = arith.cmpf ogt, %gt3A_48, %gt3A_49 : vector<1024x512xf32>
    %eq3A_51 = vector.broadcast %slice3A_41 : vector<1x512xf32> to vector<1024x512xf32>
    %eq3A_52 = vector.broadcast %get3A_3 : vector<1024x1xf32> to vector<1024x512xf32>
    %eq3A_53 = arith.cmpf oeq, %eq3A_51, %eq3A_52 : vector<1024x512xf32>
    %lt3A_54 = vector.broadcast %get3A_47 : vector<1x512xi32> to vector<1024x512xi32>
    %lt3A_55 = vector.broadcast %get3A_44 : vector<1024x1xi32> to vector<1024x512xi32>
    %lt3A_56 = arith.cmpi slt, %lt3A_54, %lt3A_55 : vector<1024x512xi32>
    %and3A_57 = arith.andi %eq3A_53, %lt3A_56 : vector<1024x512xi1>
    %or3A_58 = arith.ori %gt3A_50, %and3A_57 : vector<1024x512xi1>
    %convert_element_type3A_59 = arith.extui %or3A_58 : vector<1024x512xi1> to vector<1024x512xi32>
    %reduce_sum3A_60 = arith.constant dense<0> : vector<1024xi32>
    %reduce_sum3A_61 = vector.multi_reduction <add>, %convert_element_type3A_59, %reduce_sum3A_60 [1] : vector<1024x512xi32> to vector<1024xi32>
    %broadcast_in_dim3A_62 = vector.shape_cast %reduce_sum3A_61 : vector<1024xi32> to vector<1024x1xi32>
    %add3A_63 = arith.addi %add3A_40, %broadcast_in_dim3A_62 : vector<1024x1xi32>
    %slice3A_64 = vector.extract_strided_slice %get3A_8 {offsets = [0, 2048], sizes = [1, 512], strides = [1, 1]} : vector<1x8192xf32> to vector<1x512xf32>
    %gt3A_65 = vector.broadcast %slice3A_64 : vector<1x512xf32> to vector<1024x512xf32>
    %gt3A_66 = vector.broadcast %get3A_3 : vector<1024x1xf32> to vector<1024x512xf32>
    %gt3A_67 = arith.cmpf ogt, %gt3A_65, %gt3A_66 : vector<1024x512xf32>
    %convert_element_type3A_68 = arith.extui %gt3A_67 : vector<1024x512xi1> to vector<1024x512xi32>
    %reduce_sum3A_69 = arith.constant dense<0> : vector<1024xi32>
    %reduce_sum3A_70 = vector.multi_reduction <add>, %convert_element_type3A_68, %reduce_sum3A_69 [1] : vector<1024x512xi32> to vector<1024xi32>
    %broadcast_in_dim3A_71 = vector.shape_cast %reduce_sum3A_70 : vector<1024xi32> to vector<1024x1xi32>
    %add3A_72 = arith.addi %add3A_63, %broadcast_in_dim3A_71 : vector<1024x1xi32>
    %slice3A_73 = vector.extract_strided_slice %get3A_8 {offsets = [0, 2560], sizes = [1, 512], strides = [1, 1]} : vector<1x8192xf32> to vector<1x512xf32>
    %gt3A_74 = vector.broadcast %slice3A_73 : vector<1x512xf32> to vector<1024x512xf32>
    %gt3A_75 = vector.broadcast %get3A_3 : vector<1024x1xf32> to vector<1024x512xf32>
    %gt3A_76 = arith.cmpf ogt, %gt3A_74, %gt3A_75 : vector<1024x512xf32>
    %convert_element_type3A_77 = arith.extui %gt3A_76 : vector<1024x512xi1> to vector<1024x512xi32>
    %reduce_sum3A_78 = arith.constant dense<0> : vector<1024xi32>
    %reduce_sum3A_79 = vector.multi_reduction <add>, %convert_element_type3A_77, %reduce_sum3A_78 [1] : vector<1024x512xi32> to vector<1024xi32>
    %broadcast_in_dim3A_80 = vector.shape_cast %reduce_sum3A_79 : vector<1024xi32> to vector<1024x1xi32>
    %add3A_81 = arith.addi %add3A_72, %broadcast_in_dim3A_80 : vector<1024x1xi32>
    %slice3A_82 = vector.extract_strided_slice %get3A_8 {offsets = [0, 3072], sizes = [1, 512], strides = [1, 1]} : vector<1x8192xf32> to vector<1x512xf32>
    %gt3A_83 = vector.broadcast %slice3A_82 : vector<1x512xf32> to vector<1024x512xf32>
    %gt3A_84 = vector.broadcast %get3A_3 : vector<1024x1xf32> to vector<1024x512xf32>
    %gt3A_85 = arith.cmpf ogt, %gt3A_83, %gt3A_84 : vector<1024x512xf32>
    %convert_element_type3A_86 = arith.extui %gt3A_85 : vector<1024x512xi1> to vector<1024x512xi32>
    %reduce_sum3A_87 = arith.constant dense<0> : vector<1024xi32>
    %reduce_sum3A_88 = vector.multi_reduction <add>, %convert_element_type3A_86, %reduce_sum3A_87 [1] : vector<1024x512xi32> to vector<1024xi32>
    %broadcast_in_dim3A_89 = vector.shape_cast %reduce_sum3A_88 : vector<1024xi32> to vector<1024x1xi32>
    %add3A_90 = arith.addi %add3A_81, %broadcast_in_dim3A_89 : vector<1024x1xi32>
    %slice3A_91 = vector.extract_strided_slice %get3A_8 {offsets = [0, 3584], sizes = [1, 512], strides = [1, 1]} : vector<1x8192xf32> to vector<1x512xf32>
    %gt3A_92 = vector.broadcast %slice3A_91 : vector<1x512xf32> to vector<1024x512xf32>
    %gt3A_93 = vector.broadcast %get3A_3 : vector<1024x1xf32> to vector<1024x512xf32>
    %gt3A_94 = arith.cmpf ogt, %gt3A_92, %gt3A_93 : vector<1024x512xf32>
    %convert_element_type3A_95 = arith.extui %gt3A_94 : vector<1024x512xi1> to vector<1024x512xi32>
    %reduce_sum3A_96 = arith.constant dense<0> : vector<1024xi32>
    %reduce_sum3A_97 = vector.multi_reduction <add>, %convert_element_type3A_95, %reduce_sum3A_96 [1] : vector<1024x512xi32> to vector<1024xi32>
    %broadcast_in_dim3A_98 = vector.shape_cast %reduce_sum3A_97 : vector<1024xi32> to vector<1024x1xi32>
    %add3A_99 = arith.addi %add3A_90, %broadcast_in_dim3A_98 : vector<1024x1xi32>
    %slice3A_100 = vector.extract_strided_slice %get3A_8 {offsets = [0, 4096], sizes = [1, 512], strides = [1, 1]} : vector<1x8192xf32> to vector<1x512xf32>
    %gt3A_101 = vector.broadcast %slice3A_100 : vector<1x512xf32> to vector<1024x512xf32>
    %gt3A_102 = vector.broadcast %get3A_3 : vector<1024x1xf32> to vector<1024x512xf32>
    %gt3A_103 = arith.cmpf ogt, %gt3A_101, %gt3A_102 : vector<1024x512xf32>
    %convert_element_type3A_104 = arith.extui %gt3A_103 : vector<1024x512xi1> to vector<1024x512xi32>
    %reduce_sum3A_105 = arith.constant dense<0> : vector<1024xi32>
    %reduce_sum3A_106 = vector.multi_reduction <add>, %convert_element_type3A_104, %reduce_sum3A_105 [1] : vector<1024x512xi32> to vector<1024xi32>
    %broadcast_in_dim3A_107 = vector.shape_cast %reduce_sum3A_106 : vector<1024xi32> to vector<1024x1xi32>
    %add3A_108 = arith.addi %add3A_99, %broadcast_in_dim3A_107 : vector<1024x1xi32>
    %slice3A_109 = vector.extract_strided_slice %get3A_8 {offsets = [0, 4608], sizes = [1, 512], strides = [1, 1]} : vector<1x8192xf32> to vector<1x512xf32>
    %gt3A_110 = vector.broadcast %slice3A_109 : vector<1x512xf32> to vector<1024x512xf32>
    %gt3A_111 = vector.broadcast %get3A_3 : vector<1024x1xf32> to vector<1024x512xf32>
    %gt3A_112 = arith.cmpf ogt, %gt3A_110, %gt3A_111 : vector<1024x512xf32>
    %convert_element_type3A_113 = arith.extui %gt3A_112 : vector<1024x512xi1> to vector<1024x512xi32>
    %reduce_sum3A_114 = arith.constant dense<0> : vector<1024xi32>
    %reduce_sum3A_115 = vector.multi_reduction <add>, %convert_element_type3A_113, %reduce_sum3A_114 [1] : vector<1024x512xi32> to vector<1024xi32>
    %broadcast_in_dim3A_116 = vector.shape_cast %reduce_sum3A_115 : vector<1024xi32> to vector<1024x1xi32>
    %add3A_117 = arith.addi %add3A_108, %broadcast_in_dim3A_116 : vector<1024x1xi32>
    %slice3A_118 = vector.extract_strided_slice %get3A_8 {offsets = [0, 5120], sizes = [1, 512], strides = [1, 1]} : vector<1x8192xf32> to vector<1x512xf32>
    %gt3A_119 = vector.broadcast %slice3A_118 : vector<1x512xf32> to vector<1024x512xf32>
    %gt3A_120 = vector.broadcast %get3A_3 : vector<1024x1xf32> to vector<1024x512xf32>
    %gt3A_121 = arith.cmpf ogt, %gt3A_119, %gt3A_120 : vector<1024x512xf32>
    %convert_element_type3A_122 = arith.extui %gt3A_121 : vector<1024x512xi1> to vector<1024x512xi32>
    %reduce_sum3A_123 = arith.constant dense<0> : vector<1024xi32>
    %reduce_sum3A_124 = vector.multi_reduction <add>, %convert_element_type3A_122, %reduce_sum3A_123 [1] : vector<1024x512xi32> to vector<1024xi32>
    %broadcast_in_dim3A_125 = vector.shape_cast %reduce_sum3A_124 : vector<1024xi32> to vector<1024x1xi32>
    %add3A_126 = arith.addi %add3A_117, %broadcast_in_dim3A_125 : vector<1024x1xi32>
    %slice3A_127 = vector.extract_strided_slice %get3A_8 {offsets = [0, 5632], sizes = [1, 512], strides = [1, 1]} : vector<1x8192xf32> to vector<1x512xf32>
    %gt3A_128 = vector.broadcast %slice3A_127 : vector<1x512xf32> to vector<1024x512xf32>
    %gt3A_129 = vector.broadcast %get3A_3 : vector<1024x1xf32> to vector<1024x512xf32>
    %gt3A_130 = arith.cmpf ogt, %gt3A_128, %gt3A_129 : vector<1024x512xf32>
    %convert_element_type3A_131 = arith.extui %gt3A_130 : vector<1024x512xi1> to vector<1024x512xi32>
    %reduce_sum3A_132 = arith.constant dense<0> : vector<1024xi32>
    %reduce_sum3A_133 = vector.multi_reduction <add>, %convert_element_type3A_131, %reduce_sum3A_132 [1] : vector<1024x512xi32> to vector<1024xi32>
    %broadcast_in_dim3A_134 = vector.shape_cast %reduce_sum3A_133 : vector<1024xi32> to vector<1024x1xi32>
    %add3A_135 = arith.addi %add3A_126, %broadcast_in_dim3A_134 : vector<1024x1xi32>
    %slice3A_136 = vector.extract_strided_slice %get3A_8 {offsets = [0, 6144], sizes = [1, 512], strides = [1, 1]} : vector<1x8192xf32> to vector<1x512xf32>
    %gt3A_137 = vector.broadcast %slice3A_136 : vector<1x512xf32> to vector<1024x512xf32>
    %gt3A_138 = vector.broadcast %get3A_3 : vector<1024x1xf32> to vector<1024x512xf32>
    %gt3A_139 = arith.cmpf ogt, %gt3A_137, %gt3A_138 : vector<1024x512xf32>
    %convert_element_type3A_140 = arith.extui %gt3A_139 : vector<1024x512xi1> to vector<1024x512xi32>
    %reduce_sum3A_141 = arith.constant dense<0> : vector<1024xi32>
    %reduce_sum3A_142 = vector.multi_reduction <add>, %convert_element_type3A_140, %reduce_sum3A_141 [1] : vector<1024x512xi32> to vector<1024xi32>
    %broadcast_in_dim3A_143 = vector.shape_cast %reduce_sum3A_142 : vector<1024xi32> to vector<1024x1xi32>
    %add3A_144 = arith.addi %add3A_135, %broadcast_in_dim3A_143 : vector<1024x1xi32>
    %slice3A_145 = vector.extract_strided_slice %get3A_8 {offsets = [0, 6656], sizes = [1, 512], strides = [1, 1]} : vector<1x8192xf32> to vector<1x512xf32>
    %gt3A_146 = vector.broadcast %slice3A_145 : vector<1x512xf32> to vector<1024x512xf32>
    %gt3A_147 = vector.broadcast %get3A_3 : vector<1024x1xf32> to vector<1024x512xf32>
    %gt3A_148 = arith.cmpf ogt, %gt3A_146, %gt3A_147 : vector<1024x512xf32>
    %convert_element_type3A_149 = arith.extui %gt3A_148 : vector<1024x512xi1> to vector<1024x512xi32>
    %reduce_sum3A_150 = arith.constant dense<0> : vector<1024xi32>
    %reduce_sum3A_151 = vector.multi_reduction <add>, %convert_element_type3A_149, %reduce_sum3A_150 [1] : vector<1024x512xi32> to vector<1024xi32>
    %broadcast_in_dim3A_152 = vector.shape_cast %reduce_sum3A_151 : vector<1024xi32> to vector<1024x1xi32>
    %add3A_153 = arith.addi %add3A_144, %broadcast_in_dim3A_152 : vector<1024x1xi32>
    %slice3A_154 = vector.extract_strided_slice %get3A_8 {offsets = [0, 7168], sizes = [1, 512], strides = [1, 1]} : vector<1x8192xf32> to vector<1x512xf32>
    %gt3A_155 = vector.broadcast %slice3A_154 : vector<1x512xf32> to vector<1024x512xf32>
    %gt3A_156 = vector.broadcast %get3A_3 : vector<1024x1xf32> to vector<1024x512xf32>
    %gt3A_157 = arith.cmpf ogt, %gt3A_155, %gt3A_156 : vector<1024x512xf32>
    %convert_element_type3A_158 = arith.extui %gt3A_157 : vector<1024x512xi1> to vector<1024x512xi32>
    %reduce_sum3A_159 = arith.constant dense<0> : vector<1024xi32>
    %reduce_sum3A_160 = vector.multi_reduction <add>, %convert_element_type3A_158, %reduce_sum3A_159 [1] : vector<1024x512xi32> to vector<1024xi32>
    %broadcast_in_dim3A_161 = vector.shape_cast %reduce_sum3A_160 : vector<1024xi32> to vector<1024x1xi32>
    %add3A_162 = arith.addi %add3A_153, %broadcast_in_dim3A_161 : vector<1024x1xi32>
    %slice3A_163 = vector.extract_strided_slice %get3A_8 {offsets = [0, 7680], sizes = [1, 512], strides = [1, 1]} : vector<1x8192xf32> to vector<1x512xf32>
    %gt3A_164 = vector.broadcast %slice3A_163 : vector<1x512xf32> to vector<1024x512xf32>
    %gt3A_165 = vector.broadcast %get3A_3 : vector<1024x1xf32> to vector<1024x512xf32>
    %gt3A_166 = arith.cmpf ogt, %gt3A_164, %gt3A_165 : vector<1024x512xf32>
    %convert_element_type3A_167 = arith.extui %gt3A_166 : vector<1024x512xi1> to vector<1024x512xi32>
    %reduce_sum3A_168 = arith.constant dense<0> : vector<1024xi32>
    %reduce_sum3A_169 = vector.multi_reduction <add>, %convert_element_type3A_167, %reduce_sum3A_168 [1] : vector<1024x512xi32> to vector<1024xi32>
    %broadcast_in_dim3A_170 = vector.shape_cast %reduce_sum3A_169 : vector<1024xi32> to vector<1024x1xi32>
    %add3A_171 = arith.addi %add3A_162, %broadcast_in_dim3A_170 : vector<1024x1xi32>
    %swap3A = arith.constant 0 : index
    %swap3A_172 = arith.constant 0 : index
    %swap3A_173 = arith.constant 0 : index
    %swap3A_174 = vector.load %arg5[%swap3A, %swap3A_172, %swap3A_173] : memref<1x1024x1xi32, #tpu.memory_space<vmem>>, vector<1x1024x1xi32>
    %swap3A_175 = vector.shape_cast %swap3A_174 : vector<1x1024x1xi32> to vector<1024x1xi32>
    %swap3A_176 = vector.shape_cast %add3A_171 : vector<1024x1xi32> to vector<1x1024x1xi32>
    tpu.vector_store %arg5[%swap3A, %swap3A_172, %swap3A_173], %swap3A_176 {strides = array<i32>} : memref<1x1024x1xi32, #tpu.memory_space<vmem>>, vector<1x1024x1xi32>,
    return
  }
  func.func @transform_0(%arg0: i32) -> (i32, i32, i32) {
    %c1_i32 = arith.constant 1 : i32
    %c0_i32 = arith.constant 0 : i32
    %c0_i32_0 = arith.constant 0 : i32
    return %arg0, %c1_i32, %c0_i32 : i32, i32, i32
  }
  func.func @transform_1(%arg0: i32) -> (i32, i32, i32) {
    %c0_i32 = arith.constant 0 : i32
    %c0_i32_0 = arith.constant 0 : i32
    %c0_i32_1 = arith.constant 0 : i32
    return %arg0, %c0_i32, %c0_i32_0 : i32, i32, i32
  }
  func.func @transform_2(%arg0: i32) -> (i32, i32) {
    %c1_i32 = arith.constant 1 : i32
    %c0_i32 = arith.constant 0 : i32
    %c0_i32_0 = arith.constant 0 : i32
    return %c1_i32, %c0_i32 : i32, i32
  }
  func.func @transform_3(%arg0: i32) -> (i32, i32) {
    %c0_i32 = arith.constant 0 : i32
    %c0_i32_0 = arith.constant 0 : i32
    %c0_i32_1 = arith.constant 0 : i32
    return %c0_i32, %c0_i32_0 : i32, i32
  }
  func.func @transform_4(%arg0: i32) -> (i32, i32, i32) {
    %c0_i32 = arith.constant 0 : i32
    %c0_i32_0 = arith.constant 0 : i32
    %c0_i32_1 = arith.constant 0 : i32
    return %arg0, %c0_i32, %c0_i32_0 : i32, i32, i32
  }
}

module attributes {stable_mosaic.version = 14 : i64} {
  func.func @body(%arg0: i32, %arg1: memref<1x1024x1xf32, #tpu.memory_space<vmem>>, %arg2: memref<1x1x8192xf32, #tpu.memory_space<vmem>>, %arg3: memref<1024x1xi32, #tpu.memory_space<vmem>>, %arg4: memref<1x8192xi32, #tpu.memory_space<vmem>>, %arg5: memref<1x1024x1xi32, #tpu.memory_space<vmem>>) attributes {dimension_semantics = [#tpu.dimension_semantics<arbitrary>], iteration_bounds = array<i64: 4>, scalar_prefetch = 0 : i64, scratch_operands = 0 : i64, tpu.core_type = #tpu.core_type<tc>, window_params = [{transform_indices = @transform_0, window_bounds = array<i64: 1, 1024, 1>}, {transform_indices = @transform_1, window_bounds = array<i64: 1, 1, 8192>}, {transform_indices = @transform_2, window_bounds = array<i64: 1024, 1>}, {pipeline_mode = #tpu.pipeline_mode<synchronous>, transform_indices = @transform_3, window_bounds = array<i64: 1, 8192>}, {transform_indices = @transform_4, window_bounds = array<i64: 1, 1024, 1>}]} {
    %get3A = arith.constant 0 : index
    %get3A_0 = arith.constant 0 : index
    %get3A_1 = arith.constant 0 : index
    %get3A_2 = vector.load %arg1[%get3A, %get3A_0, %get3A_1] : memref<1x1024x1xf32, #tpu.memory_space<vmem>>, vector<1x1024x1xf32>
    %get3A_3 = vector.shape_cast %get3A_2 : vector<1x1024x1xf32> to vector<1024x1xf32>
    %get3A_4 = arith.constant 0 : index
    %get3A_5 = arith.constant 0 : index
    %get3A_6 = arith.constant 0 : index
    %get3A_7 = vector.load %arg2[%get3A_4, %get3A_5, %get3A_6] : memref<1x1x8192xf32, #tpu.memory_space<vmem>>, vector<1x1x8192xf32>
    %get3A_8 = vector.shape_cast %get3A_7 : vector<1x1x8192xf32> to vector<1x8192xf32>
    %broadcast_in_dim3A = arith.constant 0 : i32
    %broadcast_in_dim3A_9 = vector.broadcast %broadcast_in_dim3A : i32 to vector<1024x1xi32>
    %slice3A = vector.extract_strided_slice %get3A_8 {offsets = [0, 0], sizes = [1, 512], strides = [1, 1]} : vector<1x8192xf32> to vector<1x512xf32>
    %get3A_10 = arith.constant 0 : index
    %get3A_11 = arith.constant 0 : index
    %get3A_12 = vector.load %arg3[%get3A_10, %get3A_11] : memref<1024x1xi32, #tpu.memory_space<vmem>>, vector<1024x1xi32>
    %get3A_13 = arith.constant 0 : index
    %get3A_14 = arith.constant 0 : index
    %get3A_15 = vector.load %arg4[%get3A_13, %get3A_14] : memref<1x8192xi32, #tpu.memory_space<vmem>>, vector<1x512xi32>
    %gt3A = vector.broadcast %slice3A : vector<1x512xf32> to vector<1024x512xf32>
    %gt3A_16 = vector.broadcast %get3A_3 : vector<1024x1xf32> to vector<1024x512xf32>
    %gt3A_17 = arith.cmpf ogt, %gt3A, %gt3A_16 : vector<1024x512xf32>
    %eq3A = vector.broadcast %slice3A : vector<1x512xf32> to vector<1024x512xf32>
    %eq3A_18 = vector.broadcast %get3A_3 : vector<1024x1xf32> to vector<1024x512xf32>
    %eq3A_19 = arith.cmpf oeq, %eq3A, %eq3A_18 : vector<1024x512xf32>
    %lt3A = vector.broadcast %get3A_15 : vector<1x512xi32> to vector<1024x512xi32>
    %lt3A_20 = vector.broadcast %get3A_12 : vector<1024x1xi32> to vector<1024x512xi32>
    %lt3A_21 = arith.cmpi slt, %lt3A, %lt3A_20 : vector<1024x512xi32>
    %and3A = arith.andi %eq3A_19, %lt3A_21 : vector<1024x512xi1>
    %or3A = arith.ori %gt3A_17, %and3A : vector<1024x512xi1>
    %convert_element_type3A = arith.extui %or3A : vector<1024x512xi1> to vector<1024x512xi32>
    %reduce_sum3A = arith.constant dense<0> : vector<1024xi32>
    %reduce_sum3A_22 = vector.multi_reduction <add>, %convert_element_type3A, %reduce_sum3A [1] : vector<1024x512xi32> to vector<1024xi32>
    %broadcast_in_dim3A_23 = vector.shape_cast %reduce_sum3A_22 : vector<1024xi32> to vector<1024x1xi32>
    %add3A = arith.addi %broadcast_in_dim3A_9, %broadcast_in_dim3A_23 : vector<1024x1xi32>
    %slice3A_24 = vector.extract_strided_slice %get3A_8 {offsets = [0, 512], sizes = [1, 512], strides = [1, 1]} : vector<1x8192xf32> to vector<1x512xf32>
    %get3A_25 = arith.constant 0 : index
    %get3A_26 = arith.constant 0 : index
    %get3A_27 = vector.load %arg3[%get3A_25, %get3A_26] : memref<1024x1xi32, #tpu.memory_space<vmem>>, vector<1024x1xi32>
    %get3A_28 = arith.constant 0 : index
    %get3A_29 = arith.constant 512 : index
    %get3A_30 = vector.load %arg4[%get3A_28, %get3A_29] : memref<1x8192xi32, #tpu.memory_space<vmem>>, vector<1x512xi32>
    %gt3A_31 = vector.broadcast %slice3A_24 : vector<1x512xf32> to vector<1024x512xf32>
    %gt3A_32 = vector.broadcast %get3A_3 : vector<1024x1xf32> to vector<1024x512xf32>
    %gt3A_33 = arith.cmpf ogt, %gt3A_31, %gt3A_32 : vector<1024x512xf32>
    %eq3A_34 = vector.broadcast %slice3A_24 : vector<1x512xf32> to vector<1024x512xf32>
    %eq3A_35 = vector.broadcast %get3A_3 : vector<1024x1xf32> to vector<1024x512xf32>
    %eq3A_36 = arith.cmpf oeq, %eq3A_34, %eq3A_35 : vector<1024x512xf32>
    %lt3A_37 = vector.broadcast %get3A_30 : vector<1x512xi32> to vector<1024x512xi32>
    %lt3A_38 = vector.broadcast %get3A_27 : vector<1024x1xi32> to vector<1024x512xi32>
    %lt3A_39 = arith.cmpi slt, %lt3A_37, %lt3A_38 : vector<1024x512xi32>
    %and3A_40 = arith.andi %eq3A_36, %lt3A_39 : vector<1024x512xi1>
    %or3A_41 = arith.ori %gt3A_33, %and3A_40 : vector<1024x512xi1>
    %convert_element_type3A_42 = arith.extui %or3A_41 : vector<1024x512xi1> to vector<1024x512xi32>
    %reduce_sum3A_43 = arith.constant dense<0> : vector<1024xi32>
    %reduce_sum3A_44 = vector.multi_reduction <add>, %convert_element_type3A_42, %reduce_sum3A_43 [1] : vector<1024x512xi32> to vector<1024xi32>
    %broadcast_in_dim3A_45 = vector.shape_cast %reduce_sum3A_44 : vector<1024xi32> to vector<1024x1xi32>
    %add3A_46 = arith.addi %add3A, %broadcast_in_dim3A_45 : vector<1024x1xi32>
    %slice3A_47 = vector.extract_strided_slice %get3A_8 {offsets = [0, 1024], sizes = [1, 512], strides = [1, 1]} : vector<1x8192xf32> to vector<1x512xf32>
    %gt3A_48 = vector.broadcast %slice3A_47 : vector<1x512xf32> to vector<1024x512xf32>
    %gt3A_49 = vector.broadcast %get3A_3 : vector<1024x1xf32> to vector<1024x512xf32>
    %gt3A_50 = arith.cmpf ogt, %gt3A_48, %gt3A_49 : vector<1024x512xf32>
    %convert_element_type3A_51 = arith.extui %gt3A_50 : vector<1024x512xi1> to vector<1024x512xi32>
    %reduce_sum3A_52 = arith.constant dense<0> : vector<1024xi32>
    %reduce_sum3A_53 = vector.multi_reduction <add>, %convert_element_type3A_51, %reduce_sum3A_52 [1] : vector<1024x512xi32> to vector<1024xi32>
    %broadcast_in_dim3A_54 = vector.shape_cast %reduce_sum3A_53 : vector<1024xi32> to vector<1024x1xi32>
    %add3A_55 = arith.addi %add3A_46, %broadcast_in_dim3A_54 : vector<1024x1xi32>
    %slice3A_56 = vector.extract_strided_slice %get3A_8 {offsets = [0, 1536], sizes = [1, 512], strides = [1, 1]} : vector<1x8192xf32> to vector<1x512xf32>
    %gt3A_57 = vector.broadcast %slice3A_56 : vector<1x512xf32> to vector<1024x512xf32>
    %gt3A_58 = vector.broadcast %get3A_3 : vector<1024x1xf32> to vector<1024x512xf32>
    %gt3A_59 = arith.cmpf ogt, %gt3A_57, %gt3A_58 : vector<1024x512xf32>
    %convert_element_type3A_60 = arith.extui %gt3A_59 : vector<1024x512xi1> to vector<1024x512xi32>
    %reduce_sum3A_61 = arith.constant dense<0> : vector<1024xi32>
    %reduce_sum3A_62 = vector.multi_reduction <add>, %convert_element_type3A_60, %reduce_sum3A_61 [1] : vector<1024x512xi32> to vector<1024xi32>
    %broadcast_in_dim3A_63 = vector.shape_cast %reduce_sum3A_62 : vector<1024xi32> to vector<1024x1xi32>
    %add3A_64 = arith.addi %add3A_55, %broadcast_in_dim3A_63 : vector<1024x1xi32>
    %slice3A_65 = vector.extract_strided_slice %get3A_8 {offsets = [0, 2048], sizes = [1, 512], strides = [1, 1]} : vector<1x8192xf32> to vector<1x512xf32>
    %gt3A_66 = vector.broadcast %slice3A_65 : vector<1x512xf32> to vector<1024x512xf32>
    %gt3A_67 = vector.broadcast %get3A_3 : vector<1024x1xf32> to vector<1024x512xf32>
    %gt3A_68 = arith.cmpf ogt, %gt3A_66, %gt3A_67 : vector<1024x512xf32>
    %convert_element_type3A_69 = arith.extui %gt3A_68 : vector<1024x512xi1> to vector<1024x512xi32>
    %reduce_sum3A_70 = arith.constant dense<0> : vector<1024xi32>
    %reduce_sum3A_71 = vector.multi_reduction <add>, %convert_element_type3A_69, %reduce_sum3A_70 [1] : vector<1024x512xi32> to vector<1024xi32>
    %broadcast_in_dim3A_72 = vector.shape_cast %reduce_sum3A_71 : vector<1024xi32> to vector<1024x1xi32>
    %add3A_73 = arith.addi %add3A_64, %broadcast_in_dim3A_72 : vector<1024x1xi32>
    %slice3A_74 = vector.extract_strided_slice %get3A_8 {offsets = [0, 2560], sizes = [1, 512], strides = [1, 1]} : vector<1x8192xf32> to vector<1x512xf32>
    %gt3A_75 = vector.broadcast %slice3A_74 : vector<1x512xf32> to vector<1024x512xf32>
    %gt3A_76 = vector.broadcast %get3A_3 : vector<1024x1xf32> to vector<1024x512xf32>
    %gt3A_77 = arith.cmpf ogt, %gt3A_75, %gt3A_76 : vector<1024x512xf32>
    %convert_element_type3A_78 = arith.extui %gt3A_77 : vector<1024x512xi1> to vector<1024x512xi32>
    %reduce_sum3A_79 = arith.constant dense<0> : vector<1024xi32>
    %reduce_sum3A_80 = vector.multi_reduction <add>, %convert_element_type3A_78, %reduce_sum3A_79 [1] : vector<1024x512xi32> to vector<1024xi32>
    %broadcast_in_dim3A_81 = vector.shape_cast %reduce_sum3A_80 : vector<1024xi32> to vector<1024x1xi32>
    %add3A_82 = arith.addi %add3A_73, %broadcast_in_dim3A_81 : vector<1024x1xi32>
    %slice3A_83 = vector.extract_strided_slice %get3A_8 {offsets = [0, 3072], sizes = [1, 512], strides = [1, 1]} : vector<1x8192xf32> to vector<1x512xf32>
    %gt3A_84 = vector.broadcast %slice3A_83 : vector<1x512xf32> to vector<1024x512xf32>
    %gt3A_85 = vector.broadcast %get3A_3 : vector<1024x1xf32> to vector<1024x512xf32>
    %gt3A_86 = arith.cmpf ogt, %gt3A_84, %gt3A_85 : vector<1024x512xf32>
    %convert_element_type3A_87 = arith.extui %gt3A_86 : vector<1024x512xi1> to vector<1024x512xi32>
    %reduce_sum3A_88 = arith.constant dense<0> : vector<1024xi32>
    %reduce_sum3A_89 = vector.multi_reduction <add>, %convert_element_type3A_87, %reduce_sum3A_88 [1] : vector<1024x512xi32> to vector<1024xi32>
    %broadcast_in_dim3A_90 = vector.shape_cast %reduce_sum3A_89 : vector<1024xi32> to vector<1024x1xi32>
    %add3A_91 = arith.addi %add3A_82, %broadcast_in_dim3A_90 : vector<1024x1xi32>
    %slice3A_92 = vector.extract_strided_slice %get3A_8 {offsets = [0, 3584], sizes = [1, 512], strides = [1, 1]} : vector<1x8192xf32> to vector<1x512xf32>
    %gt3A_93 = vector.broadcast %slice3A_92 : vector<1x512xf32> to vector<1024x512xf32>
    %gt3A_94 = vector.broadcast %get3A_3 : vector<1024x1xf32> to vector<1024x512xf32>
    %gt3A_95 = arith.cmpf ogt, %gt3A_93, %gt3A_94 : vector<1024x512xf32>
    %convert_element_type3A_96 = arith.extui %gt3A_95 : vector<1024x512xi1> to vector<1024x512xi32>
    %reduce_sum3A_97 = arith.constant dense<0> : vector<1024xi32>
    %reduce_sum3A_98 = vector.multi_reduction <add>, %convert_element_type3A_96, %reduce_sum3A_97 [1] : vector<1024x512xi32> to vector<1024xi32>
    %broadcast_in_dim3A_99 = vector.shape_cast %reduce_sum3A_98 : vector<1024xi32> to vector<1024x1xi32>
    %add3A_100 = arith.addi %add3A_91, %broadcast_in_dim3A_99 : vector<1024x1xi32>
    %slice3A_101 = vector.extract_strided_slice %get3A_8 {offsets = [0, 4096], sizes = [1, 512], strides = [1, 1]} : vector<1x8192xf32> to vector<1x512xf32>
    %gt3A_102 = vector.broadcast %slice3A_101 : vector<1x512xf32> to vector<1024x512xf32>
    %gt3A_103 = vector.broadcast %get3A_3 : vector<1024x1xf32> to vector<1024x512xf32>
    %gt3A_104 = arith.cmpf ogt, %gt3A_102, %gt3A_103 : vector<1024x512xf32>
    %convert_element_type3A_105 = arith.extui %gt3A_104 : vector<1024x512xi1> to vector<1024x512xi32>
    %reduce_sum3A_106 = arith.constant dense<0> : vector<1024xi32>
    %reduce_sum3A_107 = vector.multi_reduction <add>, %convert_element_type3A_105, %reduce_sum3A_106 [1] : vector<1024x512xi32> to vector<1024xi32>
    %broadcast_in_dim3A_108 = vector.shape_cast %reduce_sum3A_107 : vector<1024xi32> to vector<1024x1xi32>
    %add3A_109 = arith.addi %add3A_100, %broadcast_in_dim3A_108 : vector<1024x1xi32>
    %slice3A_110 = vector.extract_strided_slice %get3A_8 {offsets = [0, 4608], sizes = [1, 512], strides = [1, 1]} : vector<1x8192xf32> to vector<1x512xf32>
    %gt3A_111 = vector.broadcast %slice3A_110 : vector<1x512xf32> to vector<1024x512xf32>
    %gt3A_112 = vector.broadcast %get3A_3 : vector<1024x1xf32> to vector<1024x512xf32>
    %gt3A_113 = arith.cmpf ogt, %gt3A_111, %gt3A_112 : vector<1024x512xf32>
    %convert_element_type3A_114 = arith.extui %gt3A_113 : vector<1024x512xi1> to vector<1024x512xi32>
    %reduce_sum3A_115 = arith.constant dense<0> : vector<1024xi32>
    %reduce_sum3A_116 = vector.multi_reduction <add>, %convert_element_type3A_114, %reduce_sum3A_115 [1] : vector<1024x512xi32> to vector<1024xi32>
    %broadcast_in_dim3A_117 = vector.shape_cast %reduce_sum3A_116 : vector<1024xi32> to vector<1024x1xi32>
    %add3A_118 = arith.addi %add3A_109, %broadcast_in_dim3A_117 : vector<1024x1xi32>
    %slice3A_119 = vector.extract_strided_slice %get3A_8 {offsets = [0, 5120], sizes = [1, 512], strides = [1, 1]} : vector<1x8192xf32> to vector<1x512xf32>
    %gt3A_120 = vector.broadcast %slice3A_119 : vector<1x512xf32> to vector<1024x512xf32>
    %gt3A_121 = vector.broadcast %get3A_3 : vector<1024x1xf32> to vector<1024x512xf32>
    %gt3A_122 = arith.cmpf ogt, %gt3A_120, %gt3A_121 : vector<1024x512xf32>
    %convert_element_type3A_123 = arith.extui %gt3A_122 : vector<1024x512xi1> to vector<1024x512xi32>
    %reduce_sum3A_124 = arith.constant dense<0> : vector<1024xi32>
    %reduce_sum3A_125 = vector.multi_reduction <add>, %convert_element_type3A_123, %reduce_sum3A_124 [1] : vector<1024x512xi32> to vector<1024xi32>
    %broadcast_in_dim3A_126 = vector.shape_cast %reduce_sum3A_125 : vector<1024xi32> to vector<1024x1xi32>
    %add3A_127 = arith.addi %add3A_118, %broadcast_in_dim3A_126 : vector<1024x1xi32>
    %slice3A_128 = vector.extract_strided_slice %get3A_8 {offsets = [0, 5632], sizes = [1, 512], strides = [1, 1]} : vector<1x8192xf32> to vector<1x512xf32>
    %gt3A_129 = vector.broadcast %slice3A_128 : vector<1x512xf32> to vector<1024x512xf32>
    %gt3A_130 = vector.broadcast %get3A_3 : vector<1024x1xf32> to vector<1024x512xf32>
    %gt3A_131 = arith.cmpf ogt, %gt3A_129, %gt3A_130 : vector<1024x512xf32>
    %convert_element_type3A_132 = arith.extui %gt3A_131 : vector<1024x512xi1> to vector<1024x512xi32>
    %reduce_sum3A_133 = arith.constant dense<0> : vector<1024xi32>
    %reduce_sum3A_134 = vector.multi_reduction <add>, %convert_element_type3A_132, %reduce_sum3A_133 [1] : vector<1024x512xi32> to vector<1024xi32>
    %broadcast_in_dim3A_135 = vector.shape_cast %reduce_sum3A_134 : vector<1024xi32> to vector<1024x1xi32>
    %add3A_136 = arith.addi %add3A_127, %broadcast_in_dim3A_135 : vector<1024x1xi32>
    %slice3A_137 = vector.extract_strided_slice %get3A_8 {offsets = [0, 6144], sizes = [1, 512], strides = [1, 1]} : vector<1x8192xf32> to vector<1x512xf32>
    %gt3A_138 = vector.broadcast %slice3A_137 : vector<1x512xf32> to vector<1024x512xf32>
    %gt3A_139 = vector.broadcast %get3A_3 : vector<1024x1xf32> to vector<1024x512xf32>
    %gt3A_140 = arith.cmpf ogt, %gt3A_138, %gt3A_139 : vector<1024x512xf32>
    %convert_element_type3A_141 = arith.extui %gt3A_140 : vector<1024x512xi1> to vector<1024x512xi32>
    %reduce_sum3A_142 = arith.constant dense<0> : vector<1024xi32>
    %reduce_sum3A_143 = vector.multi_reduction <add>, %convert_element_type3A_141, %reduce_sum3A_142 [1] : vector<1024x512xi32> to vector<1024xi32>
    %broadcast_in_dim3A_144 = vector.shape_cast %reduce_sum3A_143 : vector<1024xi32> to vector<1024x1xi32>
    %add3A_145 = arith.addi %add3A_136, %broadcast_in_dim3A_144 : vector<1024x1xi32>
    %slice3A_146 = vector.extract_strided_slice %get3A_8 {offsets = [0, 6656], sizes = [1, 512], strides = [1, 1]} : vector<1x8192xf32> to vector<1x512xf32>
    %gt3A_147 = vector.broadcast %slice3A_146 : vector<1x512xf32> to vector<1024x512xf32>
    %gt3A_148 = vector.broadcast %get3A_3 : vector<1024x1xf32> to vector<1024x512xf32>
    %gt3A_149 = arith.cmpf ogt, %gt3A_147, %gt3A_148 : vector<1024x512xf32>
    %convert_element_type3A_150 = arith.extui %gt3A_149 : vector<1024x512xi1> to vector<1024x512xi32>
    %reduce_sum3A_151 = arith.constant dense<0> : vector<1024xi32>
    %reduce_sum3A_152 = vector.multi_reduction <add>, %convert_element_type3A_150, %reduce_sum3A_151 [1] : vector<1024x512xi32> to vector<1024xi32>
    %broadcast_in_dim3A_153 = vector.shape_cast %reduce_sum3A_152 : vector<1024xi32> to vector<1024x1xi32>
    %add3A_154 = arith.addi %add3A_145, %broadcast_in_dim3A_153 : vector<1024x1xi32>
    %slice3A_155 = vector.extract_strided_slice %get3A_8 {offsets = [0, 7168], sizes = [1, 512], strides = [1, 1]} : vector<1x8192xf32> to vector<1x512xf32>
    %gt3A_156 = vector.broadcast %slice3A_155 : vector<1x512xf32> to vector<1024x512xf32>
    %gt3A_157 = vector.broadcast %get3A_3 : vector<1024x1xf32> to vector<1024x512xf32>
    %gt3A_158 = arith.cmpf ogt, %gt3A_156, %gt3A_157 : vector<1024x512xf32>
    %convert_element_type3A_159 = arith.extui %gt3A_158 : vector<1024x512xi1> to vector<1024x512xi32>
    %reduce_sum3A_160 = arith.constant dense<0> : vector<1024xi32>
    %reduce_sum3A_161 = vector.multi_reduction <add>, %convert_element_type3A_159, %reduce_sum3A_160 [1] : vector<1024x512xi32> to vector<1024xi32>
    %broadcast_in_dim3A_162 = vector.shape_cast %reduce_sum3A_161 : vector<1024xi32> to vector<1024x1xi32>
    %add3A_163 = arith.addi %add3A_154, %broadcast_in_dim3A_162 : vector<1024x1xi32>
    %slice3A_164 = vector.extract_strided_slice %get3A_8 {offsets = [0, 7680], sizes = [1, 512], strides = [1, 1]} : vector<1x8192xf32> to vector<1x512xf32>
    %gt3A_165 = vector.broadcast %slice3A_164 : vector<1x512xf32> to vector<1024x512xf32>
    %gt3A_166 = vector.broadcast %get3A_3 : vector<1024x1xf32> to vector<1024x512xf32>
    %gt3A_167 = arith.cmpf ogt, %gt3A_165, %gt3A_166 : vector<1024x512xf32>
    %convert_element_type3A_168 = arith.extui %gt3A_167 : vector<1024x512xi1> to vector<1024x512xi32>
    %reduce_sum3A_169 = arith.constant dense<0> : vector<1024xi32>
    %reduce_sum3A_170 = vector.multi_reduction <add>, %convert_element_type3A_168, %reduce_sum3A_169 [1] : vector<1024x512xi32> to vector<1024xi32>
    %broadcast_in_dim3A_171 = vector.shape_cast %reduce_sum3A_170 : vector<1024xi32> to vector<1024x1xi32>
    %add3A_172 = arith.addi %add3A_163, %broadcast_in_dim3A_171 : vector<1024x1xi32>
    %swap3A = arith.constant 0 : index
    %swap3A_173 = arith.constant 0 : index
    %swap3A_174 = arith.constant 0 : index
    %swap3A_175 = vector.load %arg5[%swap3A, %swap3A_173, %swap3A_174] : memref<1x1024x1xi32, #tpu.memory_space<vmem>>, vector<1x1024x1xi32>
    %swap3A_176 = vector.shape_cast %swap3A_175 : vector<1x1024x1xi32> to vector<1024x1xi32>
    %swap3A_177 = vector.shape_cast %add3A_172 : vector<1024x1xi32> to vector<1x1024x1xi32>
    tpu.vector_store %arg5[%swap3A, %swap3A_173, %swap3A_174], %swap3A_177 {strides = array<i32>} : memref<1x1024x1xi32, #tpu.memory_space<vmem>>, vector<1x1024x1xi32>,
    return
  }
  func.func @transform_0(%arg0: i32) -> (i32, i32, i32) {
    %c0_i32 = arith.constant 0 : i32
    %c0_i32_0 = arith.constant 0 : i32
    %c0_i32_1 = arith.constant 0 : i32
    return %arg0, %c0_i32, %c0_i32_0 : i32, i32, i32
  }
  func.func @transform_1(%arg0: i32) -> (i32, i32, i32) {
    %c0_i32 = arith.constant 0 : i32
    %c0_i32_0 = arith.constant 0 : i32
    %c0_i32_1 = arith.constant 0 : i32
    return %arg0, %c0_i32, %c0_i32_0 : i32, i32, i32
  }
  func.func @transform_2(%arg0: i32) -> (i32, i32) {
    %c0_i32 = arith.constant 0 : i32
    %c0_i32_0 = arith.constant 0 : i32
    %c0_i32_1 = arith.constant 0 : i32
    return %c0_i32, %c0_i32_0 : i32, i32
  }
  func.func @transform_3(%arg0: i32) -> (i32, i32) {
    %c0_i32 = arith.constant 0 : i32
    %c0_i32_0 = arith.constant 0 : i32
    %c0_i32_1 = arith.constant 0 : i32
    return %c0_i32, %c0_i32_0 : i32, i32
  }
  func.func @transform_4(%arg0: i32) -> (i32, i32, i32) {
    %c0_i32 = arith.constant 0 : i32
    %c0_i32_0 = arith.constant 0 : i32
    %c0_i32_1 = arith.constant 0 : i32
    return %arg0, %c0_i32, %c0_i32_0 : i32, i32, i32
  }
}

</mosaic_0001>

<sc_bundles>
// kernel: kernel.13.cloned.1.call-start
scs
__scs_entry_jumppad:
0x0: {  	(pc) =	sbr.rel $0x88, $3  }
0x1: {  	(tag) =	ssettag $0x0;
	lr =	simm.s32 $0x1  }
0x2: {  	[smem:$0x3FA0] =	sst lr;
	_ =	strace $0xD0000000  }
0x3: {  	_ = 	snop  }
0x4: {  	_ = 	snop  }
0x5: {  	_ = 	snop  }
0x6: {  	_ = 	snop  }
0x7: {  	_ = 	snop  }
__scs_overlays_trampoline_lowered:
0x8: {  	[smem:$0x3FAF] =	sst s0  }
0x9: {  	[smem:$0x3FB0] =	sst s1  }
0xa: {  	[smem:$0x3FB1] =	sst s2  }
0xb: {  	[smem:$0x3FB2] =	sst s3  }
0xc: {  	[smem:$0x3FB3] =	sst s4  }
0xd: {  	[smem:$0x3FB4] =	sst s5  }
0xe: {  	[smem:$0x3FB5] =	sst s6  }
0xf: {  	[smem:$0x3FB6] =	sst s7  }
0x10: {  	[smem:$0x3FB7] =	sst s8  }
0x11: {  	[smem:$0x3FB8] =	sst s9;
	s0 =	simm.s32 @!p0 $0x0  }
0x12: {  	s1 =	sld [smem:$0x3F9E];
	s0 =	simm.s32 @p0 $0x1  }
0x13: {  	[smem:$0x3FB9] =	sst s0;
	s0 =	simm.s32 @!p1 $0x0  }
0x14: {  	s2 =	sld [smem:$0x3F9D];
	s0 =	simm.s32 @p1 $0x1  }
0x15: {  	[smem:$0x3FBA] =	sst s0;
	s0 =	simm.s32 @!p2 $0x0  }
0x16: {  	s3 =	sld [smem:$0x3FDB];
	s0 =	simm.s32 @p2 $0x1  }
0x17: {  	s4 =	simm.s32 $0x1BF5;
	[smem:$0x3FBC] =	sst s0  }
0x18: {  	s0 =	sld [smem:$0x3F9F];
	_ =	swait.ge [sflag:s4], $0x0  }
0x19: {  	s7 =	sld [smem:$0x3FA0]  }
0x1a: {  	s8 =	sadd.s32 $0xFFFFE003, lr  }
0x1b: {  	s9 =	sadd.s32 $0xFFFFFEF7, lr;
	s5 =	simm.s32 $0xFFFFFFFF;
	p2 =	slt.u32 s8, $0xFFFFF086  }
0x1c: {  	p1 =	slt.u32 s9, $0xF7A;
	s5 =	simm.s32 @!p2 $0x0  }
0x1d: {  	s5 =	simm.s32 @p1 $0x1;
	p0 =	seq.s32 s7, s2  }
0x1e: {  	s7 =	smul.u32 @!p0 $0xF7A, s2;
	p2 =	seq.s32 @!p0 s5, $0x0  }
0x1f: {  	s9 =	smul.u32 $0xF7A, s1;
	s8 =	simm.s32 @!p0 $0x1BF5;
	p2 =	por !p2, p0  }
0x20: {  	[sflag:s8] =	ssyncset.s32 @!p0 $0xFFFFF086;
	s6 =	sadd.s32 @!p0 s3, s7;
	s7 =	simm.s32 @!p0 $0x108  }
0x21: {  	s3 =	sadd.s32 s3, s9;
	s6 =	sadd.s32 @!p0 $0x88, s6;
	s7 =	simm.s32 @p2 $0x1082  }
0x22: {  	[simem:s7], [sflag:s8] =	dma.local @!p0 [hbm:s6], $0xF7A  }
0x23: {  	s9 =	sor.u32 $0xD0000000, s2;
	s6 =	simm.s32 $0x108;
	_ =	swait.ge @!p0 [sflag:s8], $0x0  }
0x24: {  	s3 =	sadd.s32 $0x88, s3;
	s6 =	simm.s32 @!p1 $0x1082;
	[sflag:s4] =	ssyncset.s32 $0xFFFFF086  }
0x25: {  	[simem:s6], [sflag:s4] =	dma.local [hbm:s3], $0xF7A  }
0x26: {  	[smem:$0x3FA0] =	sst s1;
	(tag) =	ssettag s2;
	_ =	strace s9  }
0x27: {  	s1 =	sld [smem:$0x3FB0]  }
0x28: {  	s2 =	sld [smem:$0x3FB1]  }
0x29: {  	s4 =	sld [smem:$0x3FB3]  }
0x2a: {  	p0 =	seq.s32 s5, $0x0;
	s5 =	sld [smem:$0x3FB4]  }
0x2b: {  	s6 =	sld [smem:$0x3FB5]  }
0x2c: {  	s7 =	sld [smem:$0x3FB6]  }
0x2d: {  	s3 =	simm.s32 $0x108;
	s8 =	sld [smem:$0x3FB7]  }
0x2e: {  	s3 =	simm.s32 @!p0 $0x1082;
	s9 =	sld [smem:$0x3FB8]  }
0x2f: {  	lr =	sadd.s32 s0, s3;
	s0 =	sld [smem:$0x3FAF]  }
0x30: {  	s3 =	sld [smem:$0x3FB2]  }
0x31: {  	[smem:$0x3FBB] =	sst s10  }
0x32: {  	s10 =	sld [smem:$0x3FB9];
	_ =	sdelay $0x3  }
0x33: {  	p0 =	seq.s32 s10, $0x1;
	s10 =	sld [smem:$0x3FBB];
	_ =	sdelay $0x3  }
0x34: {  	[smem:$0x3FBB] =	sst s10  }
0x35: {  	s10 =	sld [smem:$0x3FBA];
	_ =	sdelay $0x3  }
0x36: {  	p1 =	seq.s32 s10, $0x1;
	s10 =	sld [smem:$0x3FBB];
	_ =	sdelay $0x3  }
0x37: {  	[smem:$0x3FBB] =	sst s10  }
0x38: {  	s10 =	sld [smem:$0x3FBC]  }
0x39: {  	_ = 	snop;
	(pc) =	sbr.ind lr, $3  }
0x3a: {  	_ = 	snop  }
0x3b: {  	_ = 	snop  }
0x3c: {  	p2 =	seq.s32 s10, $0x1;
	s10 =	sld [smem:$0x3FBB]  }
0x3d: {  	_ =	shalt  }
0x3e: {  	_ =	shalt  }
0x3f: {  	_ =	shalt  }
0x40: {  	_ =	shalt  }
0x41: {  	_ =	shalt  }
0x42: {  	_ =	shalt  }
0x43: {  	_ =	shalt  }
0x44: {  	_ =	shalt  }
0x45: {  	_ =	shalt  }
0x46: {  	_ =	shalt  }
0x47: {  	_ =	shalt  }
0x48: {  	_ =	shalt  }
0x49: {  	_ =	shalt  }
0x4a: {  	_ =	shalt  }
0x4b: {  	_ =	shalt  }
0x4c: {  	_ =	shalt  }
0x4d: {  	_ =	shalt  }
0x4e: {  	_ =	shalt  }
0x4f: {  	_ =	shalt  }
0x50: {  	_ =	shalt  }
0x51: {  	_ =	shalt  }
0x52: {  	_ =	shalt  }
0x53: {  	_ =	shalt  }
0x54: {  	_ =	shalt  }
0x55: {  	_ =	shalt  }
0x56: {  	_ =	shalt  }
0x57: {  	_ =	shalt  }
0x58: {  	_ =	shalt  }
0x59: {  	_ =	shalt  }
0x5a: {  	_ =	shalt  }
0x5b: {  	_ =	shalt  }
0x5c: {  	_ =	shalt  }
0x5d: {  	_ =	shalt  }
0x5e: {  	_ =	shalt  }
0x5f: {  	_ =	shalt  }
0x60: {  	_ =	shalt  }
0x61: {  	_ =	shalt  }
0x62: {  	_ =	shalt  }
0x63: {  	_ =	shalt  }
0x64: {  	_ =	shalt  }
0x65: {  	_ =	shalt  }
0x66: {  	_ =	shalt  }
0x67: {  	_ =	shalt  }
0x68: {  	_ =	shalt  }
0x69: {  	_ =	shalt  }
0x6a: {  	_ =	shalt  }
0x6b: {  	_ =	shalt  }
0x6c: {  	_ =	shalt  }
0x6d: {  	_ =	shalt  }
0x6e: {  	_ =	shalt  }
0x6f: {  	_ =	shalt  }
0x70: {  	_ =	shalt  }
0x71: {  	_ =	shalt  }
0x72: {  	_ =	shalt  }
0x73: {  	_ =	shalt  }
0x74: {  	_ =	shalt  }
0x75: {  	_ =	shalt  }
0x76: {  	_ =	shalt  }
0x77: {  	_ =	shalt  }
0x78: {  	_ =	shalt  }
0x79: {  	_ =	shalt  }
0x7a: {  	_ =	shalt  }
0x7b: {  	_ =	shalt  }
0x7c: {  	_ =	shalt  }
0x7d: {  	_ =	shalt  }
0x7e: {  	_ =	shalt  }
0x7f: {  	_ =	shalt  }
0x80: {  	_ =	shalt  }
0x81: {  	_ =	shalt  }
0x82: {  	_ =	shalt  }
0x83: {  	_ =	shalt  }
0x84: {  	_ =	shalt  }
0x85: {  	_ =	shalt  }
0x86: {  	_ =	shalt  }
0x87: {  	_ =	shalt  }
.Lfunc_end0:
.L_simem_size_0:
called_computation_lowered:
.L_overlay_start_0:
0x88: {  	s2 =	sld [smem:$0x3FD9]  }
0x89: {  	s3 =	sld [smem:$0x3FFE];
	_ =	sdelay $0x1  }
0x8a: {  	s1 =	srdreg.scid  }
0x8b: {  	s0 =	sand.u32 $0x1, s1  }
0x8c: {  	s17 =	sshll.u32 s0, $0xA;
	s2 =	sadd.s32 s3, s2  }
0x8d: {  	s2 =	sadd.s32 s2, s17  }
0x8e: {  	[smem:$0x3FC7] =	sst s2  }
0x8f: {  	_ = 	snop  }
0x90: {  	s2 =	sld [smem:$0x3FD0];
	(tm) =	ssettm $0x1  }
0x91: {  	s18 =	sld [smem:$0x3FFB];
	_ =	sdelay $0x3  }
0x92: {  	_ =	strace s18  }
0x93: {  	s3 =	sld [smem:$0x3FFC];
	_ =	sdelay $0x3  }
0x94: {  	_ =	strace s3  }
0x95: {  	s3 =	sld [smem:$0x3FFD];
	_ =	sdelay $0x3  }
0x96: {  	_ =	strace s3  }
0x97: {  	_ =	strace $0x8FFFFFFF  }
0x98: {  	s19 =	sld [smem:$0x3FDB];
	_ =	sdelay $0x1  }
0x99: {  	s4 =	simm.s32 $_scs_section_size  }
0x9a: {  	s5 =	simm.s32 $_size__tile_overlayer_lowered;
	s6 =	simm.s32 $_tile_overlayer_lowered  }
0x9b: {  	s22 =	simm.s32 $0x1BFF;
	s21 =	sshll.u32 s6, $0x1;
	s3 =	sadd.s32 s4, s19  }
0x9c: {  	s7 =	simm.s32 $0x0;
	s20 =	sshll.u32 s5, $0x1;
	s5 =	sadd.s32 s21, s3  }
0x9d: {  	[timem:s7], [sflag:s22] =	dma.local [hbm:s5], s20  }
0x9e: {  	_ =	swait.ge [sflag:s22], s20  }
0x9f: {  	s4 =	ssub.s32 $0x0, s20;
	[sflag:s22] =	ssyncset.done $0x0  }
0xa0: {  	[sflag:s22] =	ssyncadd.s32 s4;
	_ =	sdelay $0x1  }
0xa1: {  	s23 =	simm.s32 $0x1B8B  }
0xa2: {  	_ =	swait.ge [sflag:s23], $0x1  }
0xa3: {  	[sflag:s23] =	ssyncset.done $0x0  }
0xa4: {  	s25 =	simm.s32 $0x1B8E;
	s24 =	sld [smem:$0x3FFE];
	[sflag:s23] =	ssyncadd.s32 $0xFFFFFFFF  }
0xa5: {  	s26 =	simm.s32 $execute0_lowered;
	[smem:$0x3FD2] =	sst s25  }
0xa6: {  	s5 =	sshll.u32 s26, $0x1;
	_ =	strace $0x80000046;
	[dreg:$0x1] =	wrdreg $0xFFFFFFFF  }
0xa7: {  	s28 =	simm.s32 $_size_execute0_lowered;
	s3 =	sadd.s32 s3, s5;
	[dreg:$0x0] =	wrdreg $0x0  }
0xa8: {  	s5 =	sshll.u32 s28, $0x1;
	[dreg:$0x2] =	wrdreg s3  }
0xa9: {  	[dreg:$0x3] =	wrdreg s5  }
0xaa: {  	[dreg:$0x4] =	wrdreg $0xC0  }
0xab: {  	_ =	task [dreg:s7], $0x5FFFF  }
0xac: {  	[dreg:$0x1] =	wrdreg $0xFFFFFFFF  }
0xad: {  	[dreg:$0x0] =	wrdreg $0x60  }
0xae: {  	[dreg:$0x2] =	wrdreg s24  }
0xaf: {  	[dreg:$0x3] =	wrdreg s2  }
0xb0: {  	[dreg:$0x4] =	wrdreg $0x9  }
0xb1: {  	_ =	task.clear_ibuf [dreg:s7], $0x5FFFF;
	_ =	strace $0x90000046  }
0xb2: {  	s29 =	simm.s32 $0x9;
	_ =	strace $0x80000048  }
0xb3: {  	_ =	swait.ge [sflag:s29], $0x1  }
0xb4: {  	[sflag:s29] =	ssyncadd.s32 $0xFFFFFFFF  }
0xb5: {  	_ =	strace $0x90000048  }
0xb6: {  	_ =	sfence  }
0xb7: {  	s30 =	sld [smem:$0x0];
	_ =	sdelay $0x2  }
0xb8: {  	s31 =	sshll.u32 s1, $0xD;
	s1 =	sshrl.u32 s1, $0x2  }
0xb9: {  	s3 =	sand.u32 $0x4000, s31;
	s1 =	sadd.s32 s1, s30  }
0xba: {  	s0 =	sor.u32 s3, s0;
	s1 =	sshll.u32 s1, $0x11  }
0xbb: {  	s0 =	sor.u32 s1, s0  }
0xbc: {  	s0 =	sadd.s32 $0x8F2B, s0  }
0xbd: {  	[sflag:s0] =	ssyncadd.remote.s32 $0x1  }
0xbe: {  	_ =	sfence.sel $0xFFFF  }
0xbf: {  	[dreg:$0x0] =	wrdreg $0xFFFFFFFF;
	(pc) =	sbr.abs _section_cstart, $3  }
0xc0: {  	[dreg:$0x1] =	wrdreg $0xFFFFFFFF  }
0xc1: {  	_ =	task.clear_ibuf [dreg:s7], $0x2FFFF;
	_ =	strace $0x9FFFFFFF  }
0xc2: {  	(tm) =	ssettm $0x7FFFFFFF  }
0xc3: {  	_ =	shalt  }
tec
execute0_lowered:
.L_overlay_start_1:
0x0: {  	(tag) =	ssettag $0x1  }
0x1: {  	s1 =	srdreg.scid  }
0x2: {  	s0 =	stileid.u32;
	s19 =	sand.u32 $0x1, s1  }
0x3: {  	s7 =	rddreg [dreg:$0x0];
	s4 =	sshll.u32 s0, $0x9;
	s5 =	sshll.u32 s19, $0x8  }
0x4: {  	s2 =	rddreg [dreg:$0x1];
	s8 =	sor.u32 s5, s4  }
0x5: {  	s3 =	simm.s32 $0x0;
	s1 =	rddreg [dreg:$0x2];
	s4 =	sshll.u32 s8, $0x4  }
0x6: {  	s6 =	simm.s32 $0x2;
	[smem:$0x7FF] =	sst s3;
	s4 =	sadd.s32 s4, s7  }
0x7: {  	_ =	strace $0x80000047;
	s5 =	simm.s32 $0x80;
	s4 =	sadd.s32 $0x1800, s4  }
0x8: {  	[tilespmem:s5], [sflag:$0x2] =	stream.linear.gather [hbm4b:s4+s3], $0x8000, $0x38;
	[tilespmem:$0x8080] =	vst v63  }
0x9: {  	s8 =	sshrl.u32 s8, $0x1;
	_ =	swait.ge [sflag:s6], $0x8000  }
0xa: {  	s20 =	sadd.s32 s8, s7;
	[sflag:s6] =	ssyncset.done $0x0  }
0xb: {  	s7 =	sadd.s32 $0x800, s20;
	[sflag:s6] =	ssyncadd.s32 $0xFFFF8000  }
0xc: {  	[tilespmem:s3], [sflag:$0x2] =	stream.linear.gather [hbm4b:s7+s3], $0x80, $0x38;
	[tilespmem:$0x8080] =	vst v63  }
0xd: {  	_ =	swait.ge [sflag:s6], $0x80  }
0xe: {  	[sflag:s6] =	ssyncset.done $0x0  }
0xf: {  	s8 =	simm.s32 $0x1;
	[sflag:s6] =	ssyncadd.s32 $0xFFFFFF80  }
0x10: {  	[hbm4b:s2+s5] =	stream.indirect.scatter [tilespmem:s5], [sflag:$0x1], $0x80, s3, s5, $0xb8;
	[tilespmem:$0x8080] =	vst v63  }
0x11: {  	_ =	swait.ge [sflag:s8], $0x4000  }
0x12: {  	[sflag:s8] =	ssyncset.done $0x0  }
0x13: {  	s9 =	sadd.s32 $0x840, s20;
	[sflag:s8] =	ssyncadd.s32 $0xFFFFC000  }
0x14: {  	[tilespmem:s3], [sflag:$0x2] =	stream.linear.gather [hbm4b:s9+s3], $0x80, $0x38;
	[tilespmem:$0x8080] =	vst v63  }
0x15: {  	_ =	swait.ge [sflag:s6], $0x80  }
0x16: {  	[sflag:s6] =	ssyncset.done $0x0  }
0x17: {  	s10 =	simm.s32 $0x4080;
	[sflag:s6] =	ssyncadd.s32 $0xFFFFFF80  }
0x18: {  	[hbm4b:s2+s5] =	stream.indirect.scatter [tilespmem:s10], [sflag:$0x1], $0x80, s3, s5, $0xb8;
	[tilespmem:$0x8080] =	vst v63  }
0x19: {  	_ =	swait.ge [sflag:s8], $0x4000  }
0x1a: {  	[sflag:s8] =	ssyncset.done $0x0  }
0x1b: {  	s11 =	sadd.s32 $0x810, s20;
	[sflag:s8] =	ssyncadd.s32 $0xFFFFC000  }
0x1c: {  	[tilespmem:s3], [sflag:$0x2] =	stream.linear.gather [hbm4b:s11+s3], $0x80, $0x38;
	[tilespmem:$0x8080] =	vst v63  }
0x1d: {  	_ =	swait.ge [sflag:s6], $0x80  }
0x1e: {  	[sflag:s6] =	ssyncset.done $0x0  }
0x1f: {  	s12 =	sadd.s32 $0x20000, s2;
	[sflag:s6] =	ssyncadd.s32 $0xFFFFFF80  }
0x20: {  	[hbm4b:s12+s5] =	stream.indirect.scatter [tilespmem:s5], [sflag:$0x1], $0x80, s3, s5, $0xb8;
	[tilespmem:$0x8080] =	vst v63  }
0x21: {  	_ =	swait.ge [sflag:s8], $0x4000  }
0x22: {  	[sflag:s8] =	ssyncset.done $0x0  }
0x23: {  	s13 =	sadd.s32 $0x850, s20;
	[sflag:s8] =	ssyncadd.s32 $0xFFFFC000  }
0x24: {  	[tilespmem:s3], [sflag:$0x2] =	stream.linear.gather [hbm4b:s13+s3], $0x80, $0x38;
	[tilespmem:$0x8080] =	vst v63  }
0x25: {  	_ =	swait.ge [sflag:s6], $0x80  }
0x26: {  	[sflag:s6] =	ssyncset.done $0x0  }
0x27: {  	[sflag:s6] =	ssyncadd.s32 $0xFFFFFF80  }
0x28: {  	[hbm4b:s12+s5] =	stream.indirect.scatter [tilespmem:s10], [sflag:$0x1], $0x80, s3, s5, $0xb8;
	[tilespmem:$0x8080] =	vst v63  }
0x29: {  	_ =	swait.ge [sflag:s8], $0x4000  }
0x2a: {  	[sflag:s8] =	ssyncset.done $0x0  }
0x2b: {  	s14 =	sadd.s32 $0x820, s20;
	[sflag:s8] =	ssyncadd.s32 $0xFFFFC000  }
0x2c: {  	[tilespmem:s3], [sflag:$0x2] =	stream.linear.gather [hbm4b:s14+s3], $0x80, $0x38;
	[tilespmem:$0x8080] =	vst v63  }
0x2d: {  	_ =	swait.ge [sflag:s6], $0x80  }
0x2e: {  	[sflag:s6] =	ssyncset.done $0x0  }
0x2f: {  	s15 =	sadd.s32 $0x40000, s2;
	[sflag:s6] =	ssyncadd.s32 $0xFFFFFF80  }
0x30: {  	[hbm4b:s15+s5] =	stream.indirect.scatter [tilespmem:s5], [sflag:$0x1], $0x80, s3, s5, $0xb8;
	[tilespmem:$0x8080] =	vst v63  }
0x31: {  	_ =	swait.ge [sflag:s8], $0x4000  }
0x32: {  	[sflag:s8] =	ssyncset.done $0x0  }
0x33: {  	s16 =	sadd.s32 $0x860, s20;
	[sflag:s8] =	ssyncadd.s32 $0xFFFFC000  }
0x34: {  	[tilespmem:s3], [sflag:$0x2] =	stream.linear.gather [hbm4b:s16+s3], $0x80, $0x38;
	[tilespmem:$0x8080] =	vst v63  }
0x35: {  	_ =	swait.ge [sflag:s6], $0x80  }
0x36: {  	[sflag:s6] =	ssyncset.done $0x0  }
0x37: {  	[sflag:s6] =	ssyncadd.s32 $0xFFFFFF80  }
0x38: {  	[hbm4b:s15+s5] =	stream.indirect.scatter [tilespmem:s10], [sflag:$0x1], $0x80, s3, s5, $0xb8;
	[tilespmem:$0x8080] =	vst v63  }
0x39: {  	_ =	swait.ge [sflag:s8], $0x4000  }
0x3a: {  	[sflag:s8] =	ssyncset.done $0x0  }
0x3b: {  	s17 =	sadd.s32 $0x830, s20;
	[sflag:s8] =	ssyncadd.s32 $0xFFFFC000  }
0x3c: {  	[tilespmem:s3], [sflag:$0x2] =	stream.linear.gather [hbm4b:s17+s3], $0x80, $0x38;
	[tilespmem:$0x8080] =	vst v63  }
0x3d: {  	_ =	swait.ge [sflag:s6], $0x80  }
0x3e: {  	[sflag:s6] =	ssyncset.done $0x0  }
0x3f: {  	s18 =	sadd.s32 $0x60000, s2;
	s21 =	ssub.s32 $0x2, s19;
	[sflag:s6] =	ssyncadd.s32 $0xFFFFFF80  }
0x40: {  	[hbm4b:s18+s5] =	stream.indirect.scatter [tilespmem:s5], [sflag:$0x1], $0x80, s3, s5, $0xb8;
	[tilespmem:$0x8080] =	vst v63  }
0x41: {  	s31 =	sshrl.u32 s21, $0x1;
	_ =	swait.ge [sflag:s8], $0x4000  }
0x42: {  	s19 =	sadd.s32 $0x870, s20;
	s20 =	ssub.s32 s21, s31;
	[sflag:s8] =	ssyncset.done $0x0  }
0x43: {  	s20 =	smax.u32 s20, $0x1;
	[sflag:s8] =	ssyncadd.s32 $0xFFFFC000  }
0x44: {  	[tilespmem:s3], [sflag:$0x2] =	stream.linear.gather [hbm4b:s19+s3], $0x80, $0x38;
	[tilespmem:$0x8080] =	vst v63  }
0x45: {  	p0 =	sne.s32 s20, $0x1;
	_ =	swait.ge [sflag:s6], $0x80  }
.Ltmp0:
0x46: {  	[sflag:s6] =	ssyncset.done $0x0;
	(pc) =	sbr.rel @!p0 .LBB2_2-.Ltmp0, $4  }
0x47: {  	[sflag:s6] =	ssyncadd.s32 $0xFFFFFF80  }
0x48: {  	[hbm4b:s18+s5] =	stream.indirect.scatter [tilespmem:s10], [sflag:$0x1], $0x80, s3, s5, $0xb8;
	[tilespmem:$0x8080] =	vst v63  }
0x49: {  	_ =	swait.ge [sflag:s8], $0x4000  }
0x4a: {  	s20 =	sadd.s32 $0xFFFFFFFF, s20;
	[sflag:s8] =	ssyncset.done $0x0  }
.LBB2_1:
0x4b: {  	p0 =	sne.s32 s20, $0x1;
	s20 =	sadd.s32 $0xFFFFFFFF, s20;
	[sflag:s8] =	ssyncadd.s32 $0xFFFFC000  }
0x4c: {  	[tilespmem:s5], [sflag:$0x2] =	stream.linear.gather [hbm4b:s4+s3], $0x8000, $0x38;
	[tilespmem:$0x8080] =	vst v63  }
0x4d: {  	_ =	swait.ge [sflag:s6], $0x8000  }
0x4e: {  	[sflag:s6] =	ssyncset.done $0x0  }
0x4f: {  	[sflag:s6] =	ssyncadd.s32 $0xFFFF8000  }
0x50: {  	[tilespmem:s3], [sflag:$0x2] =	stream.linear.gather [hbm4b:s7+s3], $0x80, $0x38;
	[tilespmem:$0x8080] =	vst v63  }
0x51: {  	_ =	swait.ge [sflag:s6], $0x80  }
0x52: {  	[sflag:s6] =	ssyncset.done $0x0  }
0x53: {  	[sflag:s6] =	ssyncadd.s32 $0xFFFFFF80  }
0x54: {  	[hbm4b:s2+s5] =	stream.indirect.scatter [tilespmem:s5], [sflag:$0x1], $0x80, s3, s5, $0xb8;
	[tilespmem:$0x8080] =	vst v63  }
0x55: {  	_ =	swait.ge [sflag:s8], $0x4000  }
0x56: {  	[sflag:s8] =	ssyncset.done $0x0  }
0x57: {  	[sflag:s8] =	ssyncadd.s32 $0xFFFFC000  }
0x58: {  	[tilespmem:s3], [sflag:$0x2] =	stream.linear.gather [hbm4b:s9+s3], $0x80, $0x38;
	[tilespmem:$0x8080] =	vst v63  }
0x59: {  	_ =	swait.ge [sflag:s6], $0x80  }
0x5a: {  	[sflag:s6] =	ssyncset.done $0x0  }
0x5b: {  	[sflag:s6] =	ssyncadd.s32 $0xFFFFFF80  }
0x5c: {  	[hbm4b:s2+s5] =	stream.indirect.scatter [tilespmem:s10], [sflag:$0x1], $0x80, s3, s5, $0xb8;
	[tilespmem:$0x8080] =	vst v63  }
0x5d: {  	_ =	swait.ge [sflag:s8], $0x4000  }
0x5e: {  	[sflag:s8] =	ssyncset.done $0x0  }
0x5f: {  	[sflag:s8] =	ssyncadd.s32 $0xFFFFC000  }
0x60: {  	[tilespmem:s3], [sflag:$0x2] =	stream.linear.gather [hbm4b:s11+s3], $0x80, $0x38;
	[tilespmem:$0x8080] =	vst v63  }
0x61: {  	_ =	swait.ge [sflag:s6], $0x80  }
0x62: {  	[sflag:s6] =	ssyncset.done $0x0  }
0x63: {  	[sflag:s6] =	ssyncadd.s32 $0xFFFFFF80  }
0x64: {  	[hbm4b:s12+s5] =	stream.indirect.scatter [tilespmem:s5], [sflag:$0x1], $0x80, s3, s5, $0xb8;
	[tilespmem:$0x8080] =	vst v63  }
0x65: {  	_ =	swait.ge [sflag:s8], $0x4000  }
0x66: {  	[sflag:s8] =	ssyncset.done $0x0  }
0x67: {  	[sflag:s8] =	ssyncadd.s32 $0xFFFFC000  }
0x68: {  	[tilespmem:s3], [sflag:$0x2] =	stream.linear.gather [hbm4b:s13+s3], $0x80, $0x38;
	[tilespmem:$0x8080] =	vst v63  }
0x69: {  	_ =	swait.ge [sflag:s6], $0x80  }
0x6a: {  	[sflag:s6] =	ssyncset.done $0x0  }
0x6b: {  	[sflag:s6] =	ssyncadd.s32 $0xFFFFFF80  }
0x6c: {  	[hbm4b:s12+s5] =	stream.indirect.scatter [tilespmem:s10], [sflag:$0x1], $0x80, s3, s5, $0xb8;
	[tilespmem:$0x8080] =	vst v63  }
0x6d: {  	_ =	swait.ge [sflag:s8], $0x4000  }
0x6e: {  	[sflag:s8] =	ssyncset.done $0x0  }
0x6f: {  	[sflag:s8] =	ssyncadd.s32 $0xFFFFC000  }
0x70: {  	[tilespmem:s3], [sflag:$0x2] =	stream.linear.gather [hbm4b:s14+s3], $0x80, $0x38;
	[tilespmem:$0x8080] =	vst v63  }
0x71: {  	_ =	swait.ge [sflag:s6], $0x80  }
0x72: {  	[sflag:s6] =	ssyncset.done $0x0  }
0x73: {  	[sflag:s6] =	ssyncadd.s32 $0xFFFFFF80  }
0x74: {  	[hbm4b:s15+s5] =	stream.indirect.scatter [tilespmem:s5], [sflag:$0x1], $0x80, s3, s5, $0xb8;
	[tilespmem:$0x8080] =	vst v63  }
0x75: {  	_ =	swait.ge [sflag:s8], $0x4000  }
0x76: {  	[sflag:s8] =	ssyncset.done $0x0  }
0x77: {  	[sflag:s8] =	ssyncadd.s32 $0xFFFFC000  }
0x78: {  	[tilespmem:s3], [sflag:$0x2] =	stream.linear.gather [hbm4b:s16+s3], $0x80, $0x38;
	[tilespmem:$0x8080] =	vst v63  }
0x79: {  	_ =	swait.ge [sflag:s6], $0x80  }
0x7a: {  	[sflag:s6] =	ssyncset.done $0x0  }
0x7b: {  	[sflag:s6] =	ssyncadd.s32 $0xFFFFFF80  }
0x7c: {  	[hbm4b:s15+s5] =	stream.indirect.scatter [tilespmem:s10], [sflag:$0x1], $0x80, s3, s5, $0xb8;
	[tilespmem:$0x8080] =	vst v63  }
0x7d: {  	_ =	swait.ge [sflag:s8], $0x4000  }
0x7e: {  	[sflag:s8] =	ssyncset.done $0x0  }
0x7f: {  	[sflag:s8] =	ssyncadd.s32 $0xFFFFC000  }
0x80: {  	[tilespmem:s3], [sflag:$0x2] =	stream.linear.gather [hbm4b:s17+s3], $0x80, $0x38;
	[tilespmem:$0x8080] =	vst v63  }
0x81: {  	_ =	swait.ge [sflag:s6], $0x80  }
0x82: {  	[sflag:s6] =	ssyncset.done $0x0  }
0x83: {  	[sflag:s6] =	ssyncadd.s32 $0xFFFFFF80  }
0x84: {  	[hbm4b:s18+s5] =	stream.indirect.scatter [tilespmem:s5], [sflag:$0x1], $0x80, s3, s5, $0xb8;
	[tilespmem:$0x8080] =	vst v63  }
0x85: {  	_ =	swait.ge [sflag:s8], $0x4000  }
0x86: {  	[sflag:s8] =	ssyncset.done $0x0  }
0x87: {  	[sflag:s8] =	ssyncadd.s32 $0xFFFFC000  }
0x88: {  	[tilespmem:s3], [sflag:$0x2] =	stream.linear.gather [hbm4b:s19+s3], $0x80, $0x38;
	[tilespmem:$0x8080] =	vst v63  }
0x89: {  	_ =	swait.ge [sflag:s6], $0x80  }
.Ltmp1:
0x8a: {  	[sflag:s6] =	ssyncset.done $0x0;
	(pc) =	sbr.rel @p0 .LBB2_1-.Ltmp1, $4  }
0x8b: {  	[sflag:s6] =	ssyncadd.s32 $0xFFFFFF80  }
0x8c: {  	[hbm4b:s18+s5] =	stream.indirect.scatter [tilespmem:s10], [sflag:$0x1], $0x80, s3, s5, $0xb8;
	[tilespmem:$0x8080] =	vst v63  }
0x8d: {  	_ =	swait.ge [sflag:s8], $0x4000  }
0x8e: {  	[sflag:s8] =	ssyncset.done $0x0  }
.LBB2_2:
0x8f: {  	[sflag:s8] =	ssyncadd.s32 $0xFFFFC000  }
0x90: {  	_ =	sfence.sel $0x180000  }
0x91: {  	[bflag:$0x0] =	sbarrier.arrive $0xFFFF  }
0x92: {  	p0 =	sne.s32 s0, $0x0;
	_ =	strace $0x90000047  }
0x93: {  	s0 =	sadd.s32 @!p0 $0x100000, s1;
	[bflag:$0x2] =	sbarrier.arrive $0xFFFF  }
0x94: {  	[sflag:s0] =	ssyncadd.tile.s32 @!p0 $0x1;
	_ =	shalt  }
.Lfunc_end2:
_tile_overlayer_lowered:
.L_overlay_start_2:
0x95: {  	(tag) =	ssettag $0x2  }
0x96: {  	s0 =	rddreg [dreg:$0x0];
	s2 =	stileid.u32  }
0x97: {  	s1 =	rddreg [dreg:$0x1];
	p0 =	sne.s32 s2, $0x0  }
0x98: {  	s3 =	rddreg [dreg:$0x2];
	[bflag:$0x3] =	sbarrier.arrive $0xFFFF;
	s2 =	simm.s32 @!p0 $0x1C02  }
0x99: {  	[timem:s3], [sflag:s2] =	dma.local @!p0 [hbm:s0], s1  }
0x9a: {  	s0 =	simm.s32 @!p0 $0x2  }
0x9b: {  	_ =	swait.ge @!p0 [sflag:s0], s1  }
0x9c: {  	s1 =	ssub.s32 @!p0 $0x0, s1;
	[sflag:s0] =	ssyncset.done @!p0 $0x0  }
0x9d: {  	[sflag:s0] =	ssyncadd.s32 @!p0 s1  }
0x9e: {  	[bflag:$0x3] =	sbarrier.arrive $0xFFFF  }
0x9f: {  	_ =	shalt  }

// kernel: kernel.16.cloned.1.call-start
scs
__scs_entry_jumppad:
0x0: {  	(pc) =	sbr.rel $0x88, $3  }
0x1: {  	(tag) =	ssettag $0x0;
	lr =	simm.s32 $0x1  }
0x2: {  	[smem:$0x3FA0] =	sst lr;
	_ =	strace $0xD0000000  }
0x3: {  	_ = 	snop  }
0x4: {  	_ = 	snop  }
0x5: {  	_ = 	snop  }
0x6: {  	_ = 	snop  }
0x7: {  	_ = 	snop  }
__scs_overlays_trampoline_lowered:
0x8: {  	[smem:$0x3FAF] =	sst s0  }
0x9: {  	[smem:$0x3FB0] =	sst s1  }
0xa: {  	[smem:$0x3FB1] =	sst s2  }
0xb: {  	[smem:$0x3FB2] =	sst s3  }
0xc: {  	[smem:$0x3FB3] =	sst s4  }
0xd: {  	[smem:$0x3FB4] =	sst s5  }
0xe: {  	[smem:$0x3FB5] =	sst s6  }
0xf: {  	[smem:$0x3FB6] =	sst s7  }
0x10: {  	[smem:$0x3FB7] =	sst s8  }
0x11: {  	[smem:$0x3FB8] =	sst s9;
	s0 =	simm.s32 @!p0 $0x0  }
0x12: {  	s1 =	sld [smem:$0x3F9E];
	s0 =	simm.s32 @p0 $0x1  }
0x13: {  	[smem:$0x3FB9] =	sst s0;
	s0 =	simm.s32 @!p1 $0x0  }
0x14: {  	s2 =	sld [smem:$0x3F9D];
	s0 =	simm.s32 @p1 $0x1  }
0x15: {  	[smem:$0x3FBA] =	sst s0;
	s0 =	simm.s32 @!p2 $0x0  }
0x16: {  	s3 =	sld [smem:$0x3FDB];
	s0 =	simm.s32 @p2 $0x1  }
0x17: {  	s4 =	simm.s32 $0x1BF5;
	[smem:$0x3FBC] =	sst s0  }
0x18: {  	s0 =	sld [smem:$0x3F9F];
	_ =	swait.ge [sflag:s4], $0x0  }
0x19: {  	s7 =	sld [smem:$0x3FA0]  }
0x1a: {  	s8 =	sadd.s32 $0xFFFFE003, lr  }
0x1b: {  	s9 =	sadd.s32 $0xFFFFFEF7, lr;
	s5 =	simm.s32 $0xFFFFFFFF;
	p2 =	slt.u32 s8, $0xFFFFF086  }
0x1c: {  	p1 =	slt.u32 s9, $0xF7A;
	s5 =	simm.s32 @!p2 $0x0  }
0x1d: {  	s5 =	simm.s32 @p1 $0x1;
	p0 =	seq.s32 s7, s2  }
0x1e: {  	s7 =	smul.u32 @!p0 $0xF7A, s2;
	p2 =	seq.s32 @!p0 s5, $0x0  }
0x1f: {  	s9 =	smul.u32 $0xF7A, s1;
	s8 =	simm.s32 @!p0 $0x1BF5;
	p2 =	por !p2, p0  }
0x20: {  	[sflag:s8] =	ssyncset.s32 @!p0 $0xFFFFF086;
	s6 =	sadd.s32 @!p0 s3, s7;
	s7 =	simm.s32 @!p0 $0x108  }
0x21: {  	s3 =	sadd.s32 s3, s9;
	s6 =	sadd.s32 @!p0 $0x88, s6;
	s7 =	simm.s32 @p2 $0x1082  }
0x22: {  	[simem:s7], [sflag:s8] =	dma.local @!p0 [hbm:s6], $0xF7A  }
0x23: {  	s9 =	sor.u32 $0xD0000000, s2;
	s6 =	simm.s32 $0x108;
	_ =	swait.ge @!p0 [sflag:s8], $0x0  }
0x24: {  	s3 =	sadd.s32 $0x88, s3;
	s6 =	simm.s32 @!p1 $0x1082;
	[sflag:s4] =	ssyncset.s32 $0xFFFFF086  }
0x25: {  	[simem:s6], [sflag:s4] =	dma.local [hbm:s3], $0xF7A  }
0x26: {  	[smem:$0x3FA0] =	sst s1;
	(tag) =	ssettag s2;
	_ =	strace s9  }
0x27: {  	s1 =	sld [smem:$0x3FB0]  }
0x28: {  	s2 =	sld [smem:$0x3FB1]  }
0x29: {  	s4 =	sld [smem:$0x3FB3]  }
0x2a: {  	p0 =	seq.s32 s5, $0x0;
	s5 =	sld [smem:$0x3FB4]  }
0x2b: {  	s6 =	sld [smem:$0x3FB5]  }
0x2c: {  	s7 =	sld [smem:$0x3FB6]  }
0x2d: {  	s3 =	simm.s32 $0x108;
	s8 =	sld [smem:$0x3FB7]  }
0x2e: {  	s3 =	simm.s32 @!p0 $0x1082;
	s9 =	sld [smem:$0x3FB8]  }
0x2f: {  	lr =	sadd.s32 s0, s3;
	s0 =	sld [smem:$0x3FAF]  }
0x30: {  	s3 =	sld [smem:$0x3FB2]  }
0x31: {  	[smem:$0x3FBB] =	sst s10  }
0x32: {  	s10 =	sld [smem:$0x3FB9];
	_ =	sdelay $0x3  }
0x33: {  	p0 =	seq.s32 s10, $0x1;
	s10 =	sld [smem:$0x3FBB];
	_ =	sdelay $0x3  }
0x34: {  	[smem:$0x3FBB] =	sst s10  }
0x35: {  	s10 =	sld [smem:$0x3FBA];
	_ =	sdelay $0x3  }
0x36: {  	p1 =	seq.s32 s10, $0x1;
	s10 =	sld [smem:$0x3FBB];
	_ =	sdelay $0x3  }
0x37: {  	[smem:$0x3FBB] =	sst s10  }
0x38: {  	s10 =	sld [smem:$0x3FBC]  }
0x39: {  	_ = 	snop;
	(pc) =	sbr.ind lr, $3  }
0x3a: {  	_ = 	snop  }
0x3b: {  	_ = 	snop  }
0x3c: {  	p2 =	seq.s32 s10, $0x1;
	s10 =	sld [smem:$0x3FBB]  }
0x3d: {  	_ =	shalt  }
0x3e: {  	_ =	shalt  }
0x3f: {  	_ =	shalt  }
0x40: {  	_ =	shalt  }
0x41: {  	_ =	shalt  }
0x42: {  	_ =	shalt  }
0x43: {  	_ =	shalt  }
0x44: {  	_ =	shalt  }
0x45: {  	_ =	shalt  }
0x46: {  	_ =	shalt  }
0x47: {  	_ =	shalt  }
0x48: {  	_ =	shalt  }
0x49: {  	_ =	shalt  }
0x4a: {  	_ =	shalt  }
0x4b: {  	_ =	shalt  }
0x4c: {  	_ =	shalt  }
0x4d: {  	_ =	shalt  }
0x4e: {  	_ =	shalt  }
0x4f: {  	_ =	shalt  }
0x50: {  	_ =	shalt  }
0x51: {  	_ =	shalt  }
0x52: {  	_ =	shalt  }
0x53: {  	_ =	shalt  }
0x54: {  	_ =	shalt  }
0x55: {  	_ =	shalt  }
0x56: {  	_ =	shalt  }
0x57: {  	_ =	shalt  }
0x58: {  	_ =	shalt  }
0x59: {  	_ =	shalt  }
0x5a: {  	_ =	shalt  }
0x5b: {  	_ =	shalt  }
0x5c: {  	_ =	shalt  }
0x5d: {  	_ =	shalt  }
0x5e: {  	_ =	shalt  }
0x5f: {  	_ =	shalt  }
0x60: {  	_ =	shalt  }
0x61: {  	_ =	shalt  }
0x62: {  	_ =	shalt  }
0x63: {  	_ =	shalt  }
0x64: {  	_ =	shalt  }
0x65: {  	_ =	shalt  }
0x66: {  	_ =	shalt  }
0x67: {  	_ =	shalt  }
0x68: {  	_ =	shalt  }
0x69: {  	_ =	shalt  }
0x6a: {  	_ =	shalt  }
0x6b: {  	_ =	shalt  }
0x6c: {  	_ =	shalt  }
0x6d: {  	_ =	shalt  }
0x6e: {  	_ =	shalt  }
0x6f: {  	_ =	shalt  }
0x70: {  	_ =	shalt  }
0x71: {  	_ =	shalt  }
0x72: {  	_ =	shalt  }
0x73: {  	_ =	shalt  }
0x74: {  	_ =	shalt  }
0x75: {  	_ =	shalt  }
0x76: {  	_ =	shalt  }
0x77: {  	_ =	shalt  }
0x78: {  	_ =	shalt  }
0x79: {  	_ =	shalt  }
0x7a: {  	_ =	shalt  }
0x7b: {  	_ =	shalt  }
0x7c: {  	_ =	shalt  }
0x7d: {  	_ =	shalt  }
0x7e: {  	_ =	shalt  }
0x7f: {  	_ =	shalt  }
0x80: {  	_ =	shalt  }
0x81: {  	_ =	shalt  }
0x82: {  	_ =	shalt  }
0x83: {  	_ =	shalt  }
0x84: {  	_ =	shalt  }
0x85: {  	_ =	shalt  }
0x86: {  	_ =	shalt  }
0x87: {  	_ =	shalt  }
.Lfunc_end0:
.L_simem_size_0:
called_computation.1_lowered:
.L_overlay_start_0:
0x88: {  	s2 =	sld [smem:$0x3FD9]  }
0x89: {  	s3 =	sld [smem:$0x3FFE];
	_ =	sdelay $0x1  }
0x8a: {  	s1 =	srdreg.scid  }
0x8b: {  	s0 =	sand.u32 $0x1, s1  }
0x8c: {  	s17 =	sshll.u32 s0, $0xA;
	s2 =	sadd.s32 s3, s2  }
0x8d: {  	s2 =	sadd.s32 s2, s17  }
0x8e: {  	[smem:$0x3FC7] =	sst s2  }
0x8f: {  	_ = 	snop  }
0x90: {  	s2 =	sld [smem:$0x3FC9]  }
0x91: {  	s18 =	sld [smem:$0x3FD0];
	(tm) =	ssettm $0x1  }
0x92: {  	s4 =	sld [smem:$0x3FFB];
	_ =	sdelay $0x3  }
0x93: {  	_ =	strace s4  }
0x94: {  	s4 =	sld [smem:$0x3FFC];
	_ =	sdelay $0x3  }
0x95: {  	_ =	strace s4  }
0x96: {  	s4 =	sld [smem:$0x3FFD];
	_ =	sdelay $0x3  }
0x97: {  	_ =	strace s4  }
0x98: {  	_ =	strace $0x8FFFFFFF  }
0x99: {  	s19 =	sld [smem:$0x3FDB];
	_ =	sdelay $0x1  }
0x9a: {  	s5 =	simm.s32 $_scs_section_size  }
0x9b: {  	s6 =	simm.s32 $_size__tile_overlayer_lowered;
	s7 =	simm.s32 $_tile_overlayer_lowered  }
0x9c: {  	s22 =	simm.s32 $0x1BFF;
	s21 =	sshll.u32 s7, $0x1;
	s4 =	sadd.s32 s5, s19  }
0x9d: {  	s8 =	simm.s32 $0x0;
	s20 =	sshll.u32 s6, $0x1;
	s6 =	sadd.s32 s21, s4  }
0x9e: {  	[timem:s8], [sflag:s22] =	dma.local [hbm:s6], s20  }
0x9f: {  	_ =	swait.ge [sflag:s22], s20  }
0xa0: {  	s5 =	ssub.s32 $0x0, s20;
	[sflag:s22] =	ssyncset.done $0x0  }
0xa1: {  	[sflag:s22] =	ssyncadd.s32 s5;
	_ =	sdelay $0x1  }
0xa2: {  	s23 =	simm.s32 $0x1B8B  }
0xa3: {  	_ =	swait.ge [sflag:s23], $0x1  }
0xa4: {  	[sflag:s23] =	ssyncset.done $0x0  }
0xa5: {  	s25 =	simm.s32 $0x1B8E;
	s24 =	sld [smem:$0x3FFE];
	[sflag:s23] =	ssyncadd.s32 $0xFFFFFFFF  }
0xa6: {  	s26 =	simm.s32 $execute0_lowered;
	[smem:$0x3FD2] =	sst s25  }
0xa7: {  	s6 =	sshll.u32 s26, $0x1;
	_ =	strace $0x80000049;
	[dreg:$0x1] =	wrdreg $0xFFFFFFFF  }
0xa8: {  	s28 =	simm.s32 $_size_execute0_lowered;
	s4 =	sadd.s32 s4, s6;
	[dreg:$0x0] =	wrdreg $0x0  }
0xa9: {  	s6 =	sshll.u32 s28, $0x1;
	[dreg:$0x2] =	wrdreg s4  }
0xaa: {  	[dreg:$0x3] =	wrdreg s6  }
0xab: {  	[dreg:$0x4] =	wrdreg $0xC0  }
0xac: {  	_ =	task [dreg:s8], $0x5FFFF  }
0xad: {  	[dreg:$0x1] =	wrdreg $0xFFFFFFFF  }
0xae: {  	[dreg:$0x0] =	wrdreg $0x60  }
0xaf: {  	[dreg:$0x2] =	wrdreg s24  }
0xb0: {  	[dreg:$0x3] =	wrdreg s2  }
0xb1: {  	[dreg:$0x4] =	wrdreg s18  }
0xb2: {  	[dreg:$0x5] =	wrdreg $0x9  }
0xb3: {  	_ =	task.clear_ibuf [dreg:s8], $0x6FFFF;
	_ =	strace $0x90000049  }
0xb4: {  	s29 =	simm.s32 $0x9;
	_ =	strace $0x8000004B  }
0xb5: {  	_ =	swait.ge [sflag:s29], $0x1  }
0xb6: {  	[sflag:s29] =	ssyncadd.s32 $0xFFFFFFFF  }
0xb7: {  	_ =	strace $0x9000004B  }
0xb8: {  	_ =	sfence  }
0xb9: {  	s30 =	sld [smem:$0x0];
	_ =	sdelay $0x2  }
0xba: {  	s31 =	sshll.u32 s1, $0xD;
	s1 =	sshrl.u32 s1, $0x2  }
0xbb: {  	s3 =	sand.u32 $0x4000, s31;
	s1 =	sadd.s32 s1, s30  }
0xbc: {  	s0 =	sor.u32 s3, s0;
	s1 =	sshll.u32 s1, $0x11  }
0xbd: {  	s0 =	sor.u32 s1, s0  }
0xbe: {  	s0 =	sadd.s32 $0x8F2B, s0  }
0xbf: {  	[sflag:s0] =	ssyncadd.remote.s32 $0x1  }
0xc0: {  	_ =	sfence.sel $0xFFFF  }
0xc1: {  	[dreg:$0x0] =	wrdreg $0xFFFFFFFF;
	(pc) =	sbr.abs _section_cstart, $3  }
0xc2: {  	[dreg:$0x1] =	wrdreg $0xFFFFFFFF  }
0xc3: {  	_ =	task.clear_ibuf [dreg:s8], $0x2FFFF;
	_ =	strace $0x9FFFFFFF  }
0xc4: {  	(tm) =	ssettm $0x7FFFFFFF  }
0xc5: {  	_ =	shalt  }
tec
execute0_lowered:
.L_overlay_start_1:
0x0: {  	(tag) =	ssettag $0x1  }
0x1: {  	s1 =	srdreg.scid  }
0x2: {  	s3 =	stileid.u32;
	s1 =	sand.u32 $0x1, s1  }
0x3: {  	s3 =	sshll.u32 s3, $0x8;
	s5 =	sshll.u32 s1, $0x7  }
0x4: {  	s0 =	rddreg [dreg:$0x0];
	s5 =	sor.u32 s5, s3  }
0x5: {  	s2 =	rddreg [dreg:$0x1];
	s6 =	sshrl.u32 s5, $0x1  }
0x6: {  	s4 =	rddreg [dreg:$0x2];
	s3 =	simm.s32 $0x0;
	s0 =	sadd.s32 s6, s0  }
0x7: {  	s11 =	simm.s32 $0x3;
	[smem:$0x7FF] =	sst s3;
	s6 =	sadd.s32 $0x800, s0  }
0x8: {  	_ =	strace $0x8000004A;
	s16 =	sadd.s32 $0x808, s0;
	[dreg:$0x4] =	wrdreg s6  }
0x9: {  	s31 =	simm.s32 $0x100;
	s17 =	sadd.s32 $0x810, s0;
	[dreg:$0x5] =	wrdreg s16  }
0xa: {  	s7 =	sadd.s32 $0xC0000, s2;
	s19 =	sadd.s32 $0x818, s0;
	[dreg:$0x6] =	wrdreg s17  }
0xb: {  	s5 =	sshrl.u32 s5, $0x3;
	s21 =	sadd.s32 $0x820, s0;
	[dreg:$0x8] =	wrdreg s19  }
0xc: {  	s5 =	smul.u32 $0x1800, s5;
	s24 =	sadd.s32 $0x828, s0;
	[dreg:$0xa] =	wrdreg s21  }
0xd: {  	s8 =	sadd.s32 $0x180000, s2;
	s26 =	sadd.s32 $0x830, s0;
	[dreg:$0xc] =	wrdreg s24  }
0xe: {  	s0 =	sadd.s32 $0x838, s0;
	s5 =	sshrl.u32 s5, $0x3;
	[dreg:$0xe] =	wrdreg s26  }
0xf: {  	s9 =	sadd.s32 $0x240000, s2;
	[dreg:$0x10] =	wrdreg s0;
	s10 =	sadd.s32 s4, s5  }
0x10: {  	s1 =	ssub.s32 $0x2, s1;
	s18 =	sadd.s32 $0x1800, s10;
	[dreg:$0x13] =	wrdreg s10  }
0x11: {  	s23 =	sshrl.u32 s1, $0x1;
	s20 =	sadd.s32 $0x60000, s10;
	[dreg:$0x7] =	wrdreg s18  }
0x12: {  	s1 =	ssub.s32 s1, s23;
	s22 =	sadd.s32 $0x61800, s10;
	[dreg:$0x9] =	wrdreg s20  }
0x13: {  	s6 =	sadd.s32 $0x200, s2;
	s25 =	sadd.s32 $0xC0000, s10;
	[dreg:$0xb] =	wrdreg s22  }
0x14: {  	s16 =	simm.s32 $0xC100;
	s28 =	sadd.s32 $0xC1800, s10;
	[dreg:$0xd] =	wrdreg s25  }
0x15: {  	v2 =	vlaneseq.u32;
	s21 =	simm.s32 $0x2;
	s29 =	sadd.s32 $0x120000, s10;
	[dreg:$0xf] =	wrdreg s28  }
0x16: {  	vm0 =	vmmov $0xffff;
	v1 =	vshrl.u32 v2, $0x3;
	s5 =	sadd.s32 $0x100, s2;
	s30 =	sadd.s32 $0x121800, s10;
	[dreg:$0x11] =	wrdreg s29  }
0x17: {  	v0 =	vand.u32 $0x7, v2;
	v2 =	vor.u32 $0x8, v2;
	v1 =	vmul.u32 $0x8, v1;
	s10 =	smax.u32 s1, $0x1;
	[dreg:$0x12] =	wrdreg s30;
	s20 =	simm.s32 $0x1  }
.LBB2_1:
0x18: {  	s22 =	rddreg [dreg:$0x4]  }
0x19: {  	[tilespmem:s3], [sflag:$0x3] =	stream.linear.gather [hbm4b:s22+s3], $0x40, $0x38;
	[tilespmem:$0x18100] =	vst v63  }
0x1a: {  	_ =	swait.ge [sflag:s11], $0x40  }
0x1b: {  	[sflag:s11] =	ssyncset.done $0x0  }
0x1c: {  	[sflag:s11] =	ssyncadd.s32 $0xFFFFFFC0  }
0x1d: {  	v3 =	vld [tilespmem:$0x0];
	_ =	sdelay $0x4  }
0x1e: {  	v4 =	vshrl.u32 v3, $0x3  }
0x1f: {  	v4 =	vmul.u32 $0x30, v4  }
0x20: {  	v3 =	vand.u32 $0x7, v3  }
0x21: {  	v3 =	vor.u32 v3, v4  }
0x22: {  	v4 =	vperm.xlane v3, v0;
	_ =	sdelay $0x1  }
0x23: {  	v4 =	vadd.s32 v1, v4;
	_ =	sdelay $0x3  }
0x24: {  	v3 =	vperm.xlane v3, v2  }
0x25: {  	[tilespmem:s31], [sflag:$0x1] =	stream.indirect_vreg.gather [hbm4b:s2+s3], $0x80, v4, vm0, $0xb8;
	[tilespmem:$0x18100] =	vst v63  }
0x26: {  	s0 =	simm.s32 $0x900;
	v3 =	vadd.s32 v1, v3  }
0x27: {  	[tilespmem:s0], [sflag:$0x1] =	stream.indirect_vreg.gather [hbm4b:s5+s3], $0x80, v4, vm0, $0xb8;
	[tilespmem:$0x18100] =	vst v63  }
0x28: {  	s30 =	simm.s32 $0x1100  }
0x29: {  	[tilespmem:s30], [sflag:$0x1] =	stream.indirect_vreg.gather [hbm4b:s6+s3], $0x80, v4, vm0, $0xb8;
	[tilespmem:$0x18100] =	vst v63  }
0x2a: {  	s4 =	simm.s32 $0x1900  }
0x2b: {  	[tilespmem:s4], [sflag:$0x1] =	stream.indirect_vreg.gather [hbm4b:s2+s3], $0x80, v3, vm0, $0xb8;
	[tilespmem:$0x18100] =	vst v63  }
0x2c: {  	s12 =	simm.s32 $0x2100  }
0x2d: {  	[tilespmem:s12], [sflag:$0x1] =	stream.indirect_vreg.gather [hbm4b:s5+s3], $0x80, v3, vm0, $0xb8;
	[tilespmem:$0x18100] =	vst v63  }
0x2e: {  	s13 =	simm.s32 $0x2900  }
0x2f: {  	[tilespmem:s13], [sflag:$0x1] =	stream.indirect_vreg.gather [hbm4b:s6+s3], $0x80, v3, vm0, $0xb8;
	[tilespmem:$0x18100] =	vst v63  }
0x30: {  	v3 =	vld [tilespmem:$0x10];
	_ =	sdelay $0x4  }
0x31: {  	v33 =	vshrl.u32 v3, $0x3  }
0x32: {  	v4 =	vmul.u32 $0x30, v33  }
0x33: {  	v3 =	vand.u32 $0x7, v3  }
0x34: {  	v3 =	vor.u32 v3, v4  }
0x35: {  	v4 =	vperm.xlane v3, v0;
	_ =	sdelay $0x1  }
0x36: {  	v4 =	vadd.s32 v1, v4;
	_ =	sdelay $0x3  }
0x37: {  	s14 =	simm.s32 $0x3100;
	v3 =	vperm.xlane v3, v2  }
0x38: {  	[tilespmem:s14], [sflag:$0x1] =	stream.indirect_vreg.gather [hbm4b:s2+s3], $0x80, v4, vm0, $0xb8;
	[tilespmem:$0x18100] =	vst v63  }
0x39: {  	s15 =	simm.s32 $0x3900;
	v3 =	vadd.s32 v1, v3  }
0x3a: {  	[tilespmem:s15], [sflag:$0x1] =	stream.indirect_vreg.gather [hbm4b:s5+s3], $0x80, v4, vm0, $0xb8;
	[tilespmem:$0x18100] =	vst v63  }
0x3b: {  	s17 =	simm.s32 $0x4100  }
0x3c: {  	[tilespmem:s17], [sflag:$0x1] =	stream.indirect_vreg.gather [hbm4b:s6+s3], $0x80, v4, vm0, $0xb8;
	[tilespmem:$0x18100] =	vst v63  }
0x3d: {  	s18 =	simm.s32 $0x4900  }
0x3e: {  	[tilespmem:s18], [sflag:$0x1] =	stream.indirect_vreg.gather [hbm4b:s2+s3], $0x80, v3, vm0, $0xb8;
	[tilespmem:$0x18100] =	vst v63  }
0x3f: {  	s19 =	simm.s32 $0x5100  }
0x40: {  	[tilespmem:s19], [sflag:$0x1] =	stream.indirect_vreg.gather [hbm4b:s5+s3], $0x80, v3, vm0, $0xb8;
	[tilespmem:$0x18100] =	vst v63  }
0x41: {  	s22 =	simm.s32 $0x5900  }
0x42: {  	[tilespmem:s22], [sflag:$0x1] =	stream.indirect_vreg.gather [hbm4b:s6+s3], $0x80, v3, vm0, $0xb8;
	[tilespmem:$0x18100] =	vst v63  }
0x43: {  	v3 =	vld [tilespmem:$0x20];
	_ =	sdelay $0x4  }
0x44: {  	v34 =	vshrl.u32 v3, $0x3  }
0x45: {  	v4 =	vmul.u32 $0x30, v34  }
0x46: {  	v3 =	vand.u32 $0x7, v3  }
0x47: {  	v3 =	vor.u32 v3, v4  }
0x48: {  	v4 =	vperm.xlane v3, v0;
	_ =	sdelay $0x1  }
0x49: {  	v4 =	vadd.s32 v1, v4;
	_ =	sdelay $0x3  }
0x4a: {  	s23 =	simm.s32 $0x6100;
	v3 =	vperm.xlane v3, v2  }
0x4b: {  	[tilespmem:s23], [sflag:$0x1] =	stream.indirect_vreg.gather [hbm4b:s2+s3], $0x80, v4, vm0, $0xb8;
	[tilespmem:$0x18100] =	vst v63  }
0x4c: {  	s25 =	simm.s32 $0x6900;
	v3 =	vadd.s32 v1, v3  }
0x4d: {  	[tilespmem:s25], [sflag:$0x1] =	stream.indirect_vreg.gather [hbm4b:s5+s3], $0x80, v4, vm0, $0xb8;
	[tilespmem:$0x18100] =	vst v63  }
0x4e: {  	s26 =	simm.s32 $0x7100  }
0x4f: {  	[tilespmem:s26], [sflag:$0x1] =	stream.indirect_vreg.gather [hbm4b:s6+s3], $0x80, v4, vm0, $0xb8;
	[tilespmem:$0x18100] =	vst v63  }
0x50: {  	s28 =	simm.s32 $0x7900  }
0x51: {  	[tilespmem:s28], [sflag:$0x1] =	stream.indirect_vreg.gather [hbm4b:s2+s3], $0x80, v3, vm0, $0xb8;
	[tilespmem:$0x18100] =	vst v63  }
0x52: {  	s29 =	simm.s32 $0x8100  }
0x53: {  	[tilespmem:s29], [sflag:$0x1] =	stream.indirect_vreg.gather [hbm4b:s5+s3], $0x80, v3, vm0, $0xb8;
	[tilespmem:$0x18100] =	vst v63  }
0x54: {  	s30 =	simm.s32 $0x8900  }
0x55: {  	[tilespmem:s30], [sflag:$0x1] =	stream.indirect_vreg.gather [hbm4b:s6+s3], $0x80, v3, vm0, $0xb8;
	[tilespmem:$0x18100] =	vst v63  }
0x56: {  	v3 =	vld [tilespmem:$0x30];
	_ =	sdelay $0x4  }
0x57: {  	v35 =	vshrl.u32 v3, $0x3  }
0x58: {  	v4 =	vmul.u32 $0x30, v35  }
0x59: {  	v3 =	vand.u32 $0x7, v3  }
0x5a: {  	v3 =	vor.u32 v3, v4  }
0x5b: {  	v4 =	vperm.xlane v3, v0;
	_ =	sdelay $0x1  }
0x5c: {  	v4 =	vadd.s32 v1, v4;
	_ =	sdelay $0x3  }
0x5d: {  	s13 =	simm.s32 $0x9100;
	v3 =	vperm.xlane v3, v2  }
0x5e: {  	[tilespmem:s13], [sflag:$0x1] =	stream.indirect_vreg.gather [hbm4b:s2+s3], $0x80, v4, vm0, $0xb8;
	[tilespmem:$0x18100] =	vst v63  }
0x5f: {  	s14 =	simm.s32 $0x9900;
	v3 =	vadd.s32 v1, v3  }
0x60: {  	[tilespmem:s14], [sflag:$0x1] =	stream.indirect_vreg.gather [hbm4b:s5+s3], $0x80, v4, vm0, $0xb8;
	[tilespmem:$0x18100] =	vst v63  }
0x61: {  	s18 =	simm.s32 $0xA100  }
0x62: {  	[tilespmem:s18], [sflag:$0x1] =	stream.indirect_vreg.gather [hbm4b:s6+s3], $0x80, v4, vm0, $0xb8;
	[tilespmem:$0x18100] =	vst v63  }
0x63: {  	s22 =	simm.s32 $0xA900  }
0x64: {  	[tilespmem:s22], [sflag:$0x1] =	stream.indirect_vreg.gather [hbm4b:s2+s3], $0x80, v3, vm0, $0xb8;
	[tilespmem:$0x18100] =	vst v63  }
0x65: {  	s23 =	simm.s32 $0xB100  }
0x66: {  	[tilespmem:s23], [sflag:$0x1] =	stream.indirect_vreg.gather [hbm4b:s5+s3], $0x80, v3, vm0, $0xb8;
	[tilespmem:$0x18100] =	vst v63  }
0x67: {  	s28 =	simm.s32 $0xB900  }
0x68: {  	[tilespmem:s28], [sflag:$0x1] =	stream.indirect_vreg.gather [hbm4b:s6+s3], $0x80, v3, vm0, $0xb8;
	[tilespmem:$0x18100] =	vst v63  }
0x69: {  	s26 =	rddreg [dreg:$0x5];
	s23 =	simm.s32 $0x80  }
0x6a: {  	[tilespmem:s23], [sflag:$0x3] =	stream.linear.gather [hbm4b:s26+s3], $0x40, $0x38;
	[tilespmem:$0x18100] =	vst v63  }
0x6b: {  	_ =	swait.ge [sflag:s11], $0x40  }
0x6c: {  	[sflag:s11] =	ssyncset.done $0x0  }
0x6d: {  	[sflag:s11] =	ssyncadd.s32 $0xFFFFFFC0  }
0x6e: {  	v3 =	vld [tilespmem:$0x80];
	_ =	sdelay $0x4  }
0x6f: {  	v36 =	vshrl.u32 v3, $0x3  }
0x70: {  	v4 =	vmul.u32 $0x30, v36  }
0x71: {  	v3 =	vand.u32 $0x7, v3  }
0x72: {  	v3 =	vor.u32 v3, v4  }
0x73: {  	v4 =	vperm.xlane v3, v0;
	_ =	sdelay $0x1  }
0x74: {  	v4 =	vadd.s32 v1, v4;
	_ =	sdelay $0x3  }
0x75: {  	v3 =	vperm.xlane v3, v2  }
0x76: {  	[tilespmem:s16], [sflag:$0x2] =	stream.indirect_vreg.gather [hbm4b:s2+s3], $0x80, v4, vm0, $0xb8;
	[tilespmem:$0x18100] =	vst v63  }
0x77: {  	s29 =	simm.s32 $0xC900;
	v3 =	vadd.s32 v1, v3  }
0x78: {  	[tilespmem:s29], [sflag:$0x2] =	stream.indirect_vreg.gather [hbm4b:s5+s3], $0x80, v4, vm0, $0xb8;
	[tilespmem:$0x18100] =	vst v63  }
0x79: {  	s0 =	simm.s32 $0xD100  }
0x7a: {  	[tilespmem:s0], [sflag:$0x2] =	stream.indirect_vreg.gather [hbm4b:s6+s3], $0x80, v4, vm0, $0xb8;
	[tilespmem:$0x18100] =	vst v63  }
0x7b: {  	s13 =	simm.s32 $0xD900  }
0x7c: {  	[tilespmem:s13], [sflag:$0x2] =	stream.indirect_vreg.gather [hbm4b:s2+s3], $0x80, v3, vm0, $0xb8;
	[tilespmem:$0x18100] =	vst v63  }
0x7d: {  	s14 =	simm.s32 $0xE100  }
0x7e: {  	[tilespmem:s14], [sflag:$0x2] =	stream.indirect_vreg.gather [hbm4b:s5+s3], $0x80, v3, vm0, $0xb8;
	[tilespmem:$0x18100] =	vst v63  }
0x7f: {  	s18 =	simm.s32 $0xE900  }
0x80: {  	[tilespmem:s18], [sflag:$0x2] =	stream.indirect_vreg.gather [hbm4b:s6+s3], $0x80, v3, vm0, $0xb8;
	[tilespmem:$0x18100] =	vst v63  }
0x81: {  	v3 =	vld [tilespmem:$0x90];
	_ =	sdelay $0x4  }
0x82: {  	v37 =	vshrl.u32 v3, $0x3  }
0x83: {  	v4 =	vmul.u32 $0x30, v37  }
0x84: {  	v3 =	vand.u32 $0x7, v3  }
0x85: {  	v3 =	vor.u32 v3, v4  }
0x86: {  	v4 =	vperm.xlane v3, v0;
	_ =	sdelay $0x1  }
0x87: {  	v4 =	vadd.s32 v1, v4;
	_ =	sdelay $0x3  }
0x88: {  	s23 =	simm.s32 $0xF100;
	v3 =	vperm.xlane v3, v2  }
0x89: {  	[tilespmem:s23], [sflag:$0x2] =	stream.indirect_vreg.gather [hbm4b:s2+s3], $0x80, v4, vm0, $0xb8;
	[tilespmem:$0x18100] =	vst v63  }
0x8a: {  	s26 =	simm.s32 $0xF900;
	v3 =	vadd.s32 v1, v3  }
0x8b: {  	[tilespmem:s26], [sflag:$0x2] =	stream.indirect_vreg.gather [hbm4b:s5+s3], $0x80, v4, vm0, $0xb8;
	[tilespmem:$0x18100] =	vst v63  }
0x8c: {  	s28 =	simm.s32 $0x10100  }
0x8d: {  	[tilespmem:s28], [sflag:$0x2] =	stream.indirect_vreg.gather [hbm4b:s6+s3], $0x80, v4, vm0, $0xb8;
	[tilespmem:$0x18100] =	vst v63  }
0x8e: {  	s29 =	simm.s32 $0x10900  }
0x8f: {  	[tilespmem:s29], [sflag:$0x2] =	stream.indirect_vreg.gather [hbm4b:s2+s3], $0x80, v3, vm0, $0xb8;
	[tilespmem:$0x18100] =	vst v63  }
0x90: {  	s0 =	simm.s32 $0x11100  }
0x91: {  	[tilespmem:s0], [sflag:$0x2] =	stream.indirect_vreg.gather [hbm4b:s5+s3], $0x80, v3, vm0, $0xb8;
	[tilespmem:$0x18100] =	vst v63  }
0x92: {  	s13 =	simm.s32 $0x11900  }
0x93: {  	[tilespmem:s13], [sflag:$0x2] =	stream.indirect_vreg.gather [hbm4b:s6+s3], $0x80, v3, vm0, $0xb8;
	[tilespmem:$0x18100] =	vst v63  }
0x94: {  	v3 =	vld [tilespmem:$0xA0];
	_ =	sdelay $0x4  }
0x95: {  	v38 =	vshrl.u32 v3, $0x3  }
0x96: {  	v4 =	vmul.u32 $0x30, v38  }
0x97: {  	v3 =	vand.u32 $0x7, v3  }
0x98: {  	v3 =	vor.u32 v3, v4  }
0x99: {  	v4 =	vperm.xlane v3, v0;
	_ =	sdelay $0x1  }
0x9a: {  	v4 =	vadd.s32 v1, v4;
	_ =	sdelay $0x3  }
0x9b: {  	s14 =	simm.s32 $0x12100;
	v3 =	vperm.xlane v3, v2  }
0x9c: {  	[tilespmem:s14], [sflag:$0x2] =	stream.indirect_vreg.gather [hbm4b:s2+s3], $0x80, v4, vm0, $0xb8;
	[tilespmem:$0x18100] =	vst v63  }
0x9d: {  	s18 =	simm.s32 $0x12900;
	v3 =	vadd.s32 v1, v3  }
0x9e: {  	[tilespmem:s18], [sflag:$0x2] =	stream.indirect_vreg.gather [hbm4b:s5+s3], $0x80, v4, vm0, $0xb8;
	[tilespmem:$0x18100] =	vst v63  }
0x9f: {  	s23 =	simm.s32 $0x13100  }
0xa0: {  	[tilespmem:s23], [sflag:$0x2] =	stream.indirect_vreg.gather [hbm4b:s6+s3], $0x80, v4, vm0, $0xb8;
	[tilespmem:$0x18100] =	vst v63  }
0xa1: {  	s26 =	simm.s32 $0x13900  }
0xa2: {  	[tilespmem:s26], [sflag:$0x2] =	stream.indirect_vreg.gather [hbm4b:s2+s3], $0x80, v3, vm0, $0xb8;
	[tilespmem:$0x18100] =	vst v63  }
0xa3: {  	s28 =	simm.s32 $0x14100  }
0xa4: {  	[tilespmem:s28], [sflag:$0x2] =	stream.indirect_vreg.gather [hbm4b:s5+s3], $0x80, v3, vm0, $0xb8;
	[tilespmem:$0x18100] =	vst v63  }
0xa5: {  	s29 =	simm.s32 $0x14900  }
0xa6: {  	[tilespmem:s29], [sflag:$0x2] =	stream.indirect_vreg.gather [hbm4b:s6+s3], $0x80, v3, vm0, $0xb8;
	[tilespmem:$0x18100] =	vst v63  }
0xa7: {  	v3 =	vld [tilespmem:$0xB0];
	_ =	sdelay $0x4  }
0xa8: {  	v39 =	vshrl.u32 v3, $0x3  }
0xa9: {  	v4 =	vmul.u32 $0x30, v39  }
0xaa: {  	v3 =	vand.u32 $0x7, v3  }
0xab: {  	v3 =	vor.u32 v3, v4  }
0xac: {  	v4 =	vperm.xlane v3, v0;
	_ =	sdelay $0x1  }
0xad: {  	v4 =	vadd.s32 v1, v4;
	_ =	sdelay $0x3  }
0xae: {  	s0 =	simm.s32 $0x15100;
	v3 =	vperm.xlane v3, v2  }
0xaf: {  	[tilespmem:s0], [sflag:$0x2] =	stream.indirect_vreg.gather [hbm4b:s2+s3], $0x80, v4, vm0, $0xb8;
	[tilespmem:$0x18100] =	vst v63  }
0xb0: {  	s13 =	simm.s32 $0x15900;
	v3 =	vadd.s32 v1, v3  }
0xb1: {  	[tilespmem:s13], [sflag:$0x2] =	stream.indirect_vreg.gather [hbm4b:s5+s3], $0x80, v4, vm0, $0xb8;
	[tilespmem:$0x18100] =	vst v63  }
0xb2: {  	s14 =	simm.s32 $0x16100  }
0xb3: {  	[tilespmem:s14], [sflag:$0x2] =	stream.indirect_vreg.gather [hbm4b:s6+s3], $0x80, v4, vm0, $0xb8;
	[tilespmem:$0x18100] =	vst v63  }
0xb4: {  	s18 =	simm.s32 $0x16900  }
0xb5: {  	[tilespmem:s18], [sflag:$0x2] =	stream.indirect_vreg.gather [hbm4b:s2+s3], $0x80, v3, vm0, $0xb8;
	[tilespmem:$0x18100] =	vst v63  }
0xb6: {  	s23 =	simm.s32 $0x17100  }
0xb7: {  	[tilespmem:s23], [sflag:$0x2] =	stream.indirect_vreg.gather [hbm4b:s5+s3], $0x80, v3, vm0, $0xb8;
	[tilespmem:$0x18100] =	vst v63  }
0xb8: {  	s26 =	simm.s32 $0x17900  }
0xb9: {  	[tilespmem:s26], [sflag:$0x2] =	stream.indirect_vreg.gather [hbm4b:s6+s3], $0x80, v3, vm0, $0xb8;
	[tilespmem:$0x18100] =	vst v63  }
0xba: {  	_ =	swait.ge [sflag:s20], $0xC000  }
0xbb: {  	[sflag:s20] =	ssyncset.done $0x0  }
0xbc: {  	s28 =	rddreg [dreg:$0x13];
	[sflag:s20] =	ssyncadd.s32 $0xFFFF4000  }
0xbd: {  	[hbm4b:s28+s3] =	stream.linear.scatter [tilespmem:s31], [sflag:$0x3], $0xC000, $0x38;
	[tilespmem:$0x18100] =	vst v63  }
0xbe: {  	_ =	swait.ge [sflag:s11], $0xC000  }
0xbf: {  	[sflag:s11] =	ssyncset.done $0x0  }
0xc0: {  	s29 =	rddreg [dreg:$0x6];
	[sflag:s11] =	ssyncadd.s32 $0xFFFF4000  }
0xc1: {  	[tilespmem:s3], [sflag:$0x3] =	stream.linear.gather [hbm4b:s29+s3], $0x40, $0x38;
	[tilespmem:$0x18100] =	vst v63  }
0xc2: {  	_ =	swait.ge [sflag:s11], $0x40  }
0xc3: {  	[sflag:s11] =	ssyncset.done $0x0  }
0xc4: {  	[sflag:s11] =	ssyncadd.s32 $0xFFFFFFC0  }
0xc5: {  	v3 =	vld [tilespmem:$0x0];
	_ =	sdelay $0x4  }
0xc6: {  	v40 =	vshrl.u32 v3, $0x3  }
0xc7: {  	v4 =	vmul.u32 $0x30, v40  }
0xc8: {  	v3 =	vand.u32 $0x7, v3  }
0xc9: {  	v3 =	vor.u32 v3, v4  }
0xca: {  	v4 =	vperm.xlane v3, v0;
	_ =	sdelay $0x1  }
0xcb: {  	v4 =	vadd.s32 v1, v4;
	_ =	sdelay $0x3  }
0xcc: {  	v3 =	vperm.xlane v3, v2  }
0xcd: {  	[tilespmem:s31], [sflag:$0x1] =	stream.indirect_vreg.gather [hbm4b:s7+s3], $0x80, v4, vm0, $0xb8;
	[tilespmem:$0x18100] =	vst v63  }
0xce: {  	s1 =	simm.s32 $0x900;
	s22 =	sadd.s32 $0x100, s7;
	v3 =	vadd.s32 v1, v3  }
0xcf: {  	[tilespmem:s1], [sflag:$0x1] =	stream.indirect_vreg.gather [hbm4b:s22+s3], $0x80, v4, vm0, $0xb8;
	[tilespmem:$0x18100] =	vst v63  }
0xd0: {  	s24 =	simm.s32 $0x1100;
	s23 =	sadd.s32 $0x200, s7  }
0xd1: {  	[tilespmem:s24], [sflag:$0x1] =	stream.indirect_vreg.gather [hbm4b:s23+s3], $0x80, v4, vm0, $0xb8;
	[tilespmem:$0x18100] =	vst v63  }
0xd2: {  	s0 =	simm.s32 $0x1900  }
0xd3: {  	[tilespmem:s0], [sflag:$0x1] =	stream.indirect_vreg.gather [hbm4b:s7+s3], $0x80, v3, vm0, $0xb8;
	[tilespmem:$0x18100] =	vst v63  }
0xd4: {  	s1 =	simm.s32 $0x2100  }
0xd5: {  	[tilespmem:s1], [sflag:$0x1] =	stream.indirect_vreg.gather [hbm4b:s22+s3], $0x80, v3, vm0, $0xb8;
	[tilespmem:$0x18100] =	vst v63  }
0xd6: {  	s4 =	simm.s32 $0x2900  }
0xd7: {  	[tilespmem:s4], [sflag:$0x1] =	stream.indirect_vreg.gather [hbm4b:s23+s3], $0x80, v3, vm0, $0xb8;
	[tilespmem:$0x18100] =	vst v63  }
0xd8: {  	v3 =	vld [tilespmem:$0x10];
	_ =	sdelay $0x4  }
0xd9: {  	v41 =	vshrl.u32 v3, $0x3  }
0xda: {  	v4 =	vmul.u32 $0x30, v41  }
0xdb: {  	v3 =	vand.u32 $0x7, v3  }
0xdc: {  	v3 =	vor.u32 v3, v4  }
0xdd: {  	v4 =	vperm.xlane v3, v0;
	_ =	sdelay $0x1  }
0xde: {  	v4 =	vadd.s32 v1, v4;
	_ =	sdelay $0x3  }
0xdf: {  	s12 =	simm.s32 $0x3100;
	v3 =	vperm.xlane v3, v2  }
0xe0: {  	[tilespmem:s12], [sflag:$0x1] =	stream.indirect_vreg.gather [hbm4b:s7+s3], $0x80, v4, vm0, $0xb8;
	[tilespmem:$0x18100] =	vst v63  }
0xe1: {  	s4 =	simm.s32 $0x3900;
	v3 =	vadd.s32 v1, v3  }
0xe2: {  	[tilespmem:s4], [sflag:$0x1] =	stream.indirect_vreg.gather [hbm4b:s22+s3], $0x80, v4, vm0, $0xb8;
	[tilespmem:$0x18100] =	vst v63  }
0xe3: {  	s12 =	simm.s32 $0x4100  }
0xe4: {  	[tilespmem:s12], [sflag:$0x1] =	stream.indirect_vreg.gather [hbm4b:s23+s3], $0x80, v4, vm0, $0xb8;
	[tilespmem:$0x18100] =	vst v63  }
0xe5: {  	s13 =	simm.s32 $0x4900  }
0xe6: {  	[tilespmem:s13], [sflag:$0x1] =	stream.indirect_vreg.gather [hbm4b:s7+s3], $0x80, v3, vm0, $0xb8;
	[tilespmem:$0x18100] =	vst v63  }
0xe7: {  	s14 =	simm.s32 $0x5100  }
0xe8: {  	[tilespmem:s14], [sflag:$0x1] =	stream.indirect_vreg.gather [hbm4b:s22+s3], $0x80, v3, vm0, $0xb8;
	[tilespmem:$0x18100] =	vst v63  }
0xe9: {  	s15 =	simm.s32 $0x5900  }
0xea: {  	[tilespmem:s15], [sflag:$0x1] =	stream.indirect_vreg.gather [hbm4b:s23+s3], $0x80, v3, vm0, $0xb8;
	[tilespmem:$0x18100] =	vst v63  }
0xeb: {  	v3 =	vld [tilespmem:$0x20];
	_ =	sdelay $0x4  }
0xec: {  	v42 =	vshrl.u32 v3, $0x3  }
0xed: {  	v4 =	vmul.u32 $0x30, v42  }
0xee: {  	v3 =	vand.u32 $0x7, v3  }
0xef: {  	v3 =	vor.u32 v3, v4  }
0xf0: {  	v4 =	vperm.xlane v3, v0;
	_ =	sdelay $0x1  }
0xf1: {  	v4 =	vadd.s32 v1, v4;
	_ =	sdelay $0x3  }
0xf2: {  	s17 =	simm.s32 $0x6100;
	v3 =	vperm.xlane v3, v2  }
0xf3: {  	[tilespmem:s17], [sflag:$0x1] =	stream.indirect_vreg.gather [hbm4b:s7+s3], $0x80, v4, vm0, $0xb8;
	[tilespmem:$0x18100] =	vst v63  }
0xf4: {  	s15 =	simm.s32 $0x6900;
	v3 =	vadd.s32 v1, v3  }
0xf5: {  	[tilespmem:s15], [sflag:$0x1] =	stream.indirect_vreg.gather [hbm4b:s22+s3], $0x80, v4, vm0, $0xb8;
	[tilespmem:$0x18100] =	vst v63  }
0xf6: {  	s28 =	simm.s32 $0x7100  }
0xf7: {  	[tilespmem:s28], [sflag:$0x1] =	stream.indirect_vreg.gather [hbm4b:s23+s3], $0x80, v4, vm0, $0xb8;
	[tilespmem:$0x18100] =	vst v63  }
0xf8: {  	s17 =	simm.s32 $0x7900  }
0xf9: {  	[tilespmem:s17], [sflag:$0x1] =	stream.indirect_vreg.gather [hbm4b:s7+s3], $0x80, v3, vm0, $0xb8;
	[tilespmem:$0x18100] =	vst v63  }
0xfa: {  	s18 =	simm.s32 $0x8100  }
0xfb: {  	[tilespmem:s18], [sflag:$0x1] =	stream.indirect_vreg.gather [hbm4b:s22+s3], $0x80, v3, vm0, $0xb8;
	[tilespmem:$0x18100] =	vst v63  }
0xfc: {  	s19 =	simm.s32 $0x8900  }
0xfd: {  	[tilespmem:s19], [sflag:$0x1] =	stream.indirect_vreg.gather [hbm4b:s23+s3], $0x80, v3, vm0, $0xb8;
	[tilespmem:$0x18100] =	vst v63  }
0xfe: {  	v3 =	vld [tilespmem:$0x30];
	_ =	sdelay $0x4  }
0xff: {  	v43 =	vshrl.u32 v3, $0x3  }
0x100: {  	v4 =	vmul.u32 $0x30, v43  }
0x101: {  	v3 =	vand.u32 $0x7, v3  }
0x102: {  	v3 =	vor.u32 v3, v4  }
0x103: {  	v4 =	vperm.xlane v3, v0;
	_ =	sdelay $0x1  }
0x104: {  	v4 =	vadd.s32 v1, v4;
	_ =	sdelay $0x3  }
0x105: {  	s25 =	simm.s32 $0x9100;
	v3 =	vperm.xlane v3, v2  }
0x106: {  	[tilespmem:s25], [sflag:$0x1] =	stream.indirect_vreg.gather [hbm4b:s7+s3], $0x80, v4, vm0, $0xb8;
	[tilespmem:$0x18100] =	vst v63  }
0x107: {  	s19 =	simm.s32 $0x9900;
	v3 =	vadd.s32 v1, v3  }
0x108: {  	[tilespmem:s19], [sflag:$0x1] =	stream.indirect_vreg.gather [hbm4b:s22+s3], $0x80, v4, vm0, $0xb8;
	[tilespmem:$0x18100] =	vst v63  }
0x109: {  	s25 =	simm.s32 $0xA100  }
0x10a: {  	[tilespmem:s25], [sflag:$0x1] =	stream.indirect_vreg.gather [hbm4b:s23+s3], $0x80, v4, vm0, $0xb8;
	[tilespmem:$0x18100] =	vst v63  }
0x10b: {  	s26 =	simm.s32 $0xA900  }
0x10c: {  	[tilespmem:s26], [sflag:$0x1] =	stream.indirect_vreg.gather [hbm4b:s7+s3], $0x80, v3, vm0, $0xb8;
	[tilespmem:$0x18100] =	vst v63  }
0x10d: {  	s29 =	simm.s32 $0xB100  }
0x10e: {  	[tilespmem:s29], [sflag:$0x1] =	stream.indirect_vreg.gather [hbm4b:s22+s3], $0x80, v3, vm0, $0xb8;
	[tilespmem:$0x18100] =	vst v63  }
0x10f: {  	s30 =	simm.s32 $0xB900  }
0x110: {  	[tilespmem:s30], [sflag:$0x1] =	stream.indirect_vreg.gather [hbm4b:s23+s3], $0x80, v3, vm0, $0xb8;
	[tilespmem:$0x18100] =	vst v63  }
0x111: {  	_ =	swait.ge [sflag:s21], $0xC000  }
0x112: {  	[sflag:s21] =	ssyncset.done $0x0  }
0x113: {  	s30 =	rddreg [dreg:$0x7];
	[sflag:s21] =	ssyncadd.s32 $0xFFFF4000  }
0x114: {  	[hbm4b:s30+s3] =	stream.linear.scatter [tilespmem:s16], [sflag:$0x3], $0xC000, $0x38;
	[tilespmem:$0x18100] =	vst v63  }
0x115: {  	_ =	swait.ge [sflag:s11], $0xC000  }
0x116: {  	[sflag:s11] =	ssyncset.done $0x0  }
0x117: {  	s30 =	simm.s32 $0x80;
	s24 =	rddreg [dreg:$0x8];
	[sflag:s11] =	ssyncadd.s32 $0xFFFF4000  }
0x118: {  	[tilespmem:s30], [sflag:$0x3] =	stream.linear.gather [hbm4b:s24+s3], $0x40, $0x38;
	[tilespmem:$0x18100] =	vst v63  }
0x119: {  	_ =	swait.ge [sflag:s11], $0x40  }
0x11a: {  	[sflag:s11] =	ssyncset.done $0x0  }
0x11b: {  	[sflag:s11] =	ssyncadd.s32 $0xFFFFFFC0  }
0x11c: {  	v3 =	vld [tilespmem:$0x80];
	_ =	sdelay $0x4  }
0x11d: {  	v44 =	vshrl.u32 v3, $0x3  }
0x11e: {  	v4 =	vmul.u32 $0x30, v44  }
0x11f: {  	v3 =	vand.u32 $0x7, v3  }
0x120: {  	v3 =	vor.u32 v3, v4  }
0x121: {  	v4 =	vperm.xlane v3, v0;
	_ =	sdelay $0x1  }
0x122: {  	v4 =	vadd.s32 v1, v4;
	_ =	sdelay $0x3  }
0x123: {  	v3 =	vperm.xlane v3, v2  }
0x124: {  	[tilespmem:s16], [sflag:$0x2] =	stream.indirect_vreg.gather [hbm4b:s7+s3], $0x80, v4, vm0, $0xb8;
	[tilespmem:$0x18100] =	vst v63  }
0x125: {  	s30 =	simm.s32 $0xC900;
	v3 =	vadd.s32 v1, v3  }
0x126: {  	[tilespmem:s30], [sflag:$0x2] =	stream.indirect_vreg.gather [hbm4b:s22+s3], $0x80, v4, vm0, $0xb8;
	[tilespmem:$0x18100] =	vst v63  }
0x127: {  	s24 =	simm.s32 $0xD100  }
0x128: {  	[tilespmem:s24], [sflag:$0x2] =	stream.indirect_vreg.gather [hbm4b:s23+s3], $0x80, v4, vm0, $0xb8;
	[tilespmem:$0x18100] =	vst v63  }
0x129: {  	s24 =	simm.s32 $0xD900  }
0x12a: {  	[tilespmem:s24], [sflag:$0x2] =	stream.indirect_vreg.gather [hbm4b:s7+s3], $0x80, v3, vm0, $0xb8;
	[tilespmem:$0x18100] =	vst v63  }
0x12b: {  	s24 =	simm.s32 $0xE100  }
0x12c: {  	[tilespmem:s24], [sflag:$0x2] =	stream.indirect_vreg.gather [hbm4b:s22+s3], $0x80, v3, vm0, $0xb8;
	[tilespmem:$0x18100] =	vst v63  }
0x12d: {  	s24 =	simm.s32 $0xE900  }
0x12e: {  	[tilespmem:s24], [sflag:$0x2] =	stream.indirect_vreg.gather [hbm4b:s23+s3], $0x80, v3, vm0, $0xb8;
	[tilespmem:$0x18100] =	vst v63  }
0x12f: {  	v3 =	vld [tilespmem:$0x90];
	_ =	sdelay $0x4  }
0x130: {  	v45 =	vshrl.u32 v3, $0x3  }
0x131: {  	v4 =	vmul.u32 $0x30, v45  }
0x132: {  	v3 =	vand.u32 $0x7, v3  }
0x133: {  	v3 =	vor.u32 v3, v4  }
0x134: {  	v4 =	vperm.xlane v3, v0;
	_ =	sdelay $0x1  }
0x135: {  	v4 =	vadd.s32 v1, v4;
	_ =	sdelay $0x3  }
0x136: {  	s24 =	simm.s32 $0xF100;
	v3 =	vperm.xlane v3, v2  }
0x137: {  	[tilespmem:s24], [sflag:$0x2] =	stream.indirect_vreg.gather [hbm4b:s7+s3], $0x80, v4, vm0, $0xb8;
	[tilespmem:$0x18100] =	vst v63  }
0x138: {  	v3 =	vadd.s32 v1, v3;
	s24 =	simm.s32 $0xF900  }
0x139: {  	[tilespmem:s24], [sflag:$0x2] =	stream.indirect_vreg.gather [hbm4b:s22+s3], $0x80, v4, vm0, $0xb8;
	[tilespmem:$0x18100] =	vst v63  }
0x13a: {  	s24 =	simm.s32 $0x10100  }
0x13b: {  	[tilespmem:s24], [sflag:$0x2] =	stream.indirect_vreg.gather [hbm4b:s23+s3], $0x80, v4, vm0, $0xb8;
	[tilespmem:$0x18100] =	vst v63  }
0x13c: {  	s24 =	simm.s32 $0x10900  }
0x13d: {  	[tilespmem:s24], [sflag:$0x2] =	stream.indirect_vreg.gather [hbm4b:s7+s3], $0x80, v3, vm0, $0xb8;
	[tilespmem:$0x18100] =	vst v63  }
0x13e: {  	s24 =	simm.s32 $0x11100  }
0x13f: {  	[tilespmem:s24], [sflag:$0x2] =	stream.indirect_vreg.gather [hbm4b:s22+s3], $0x80, v3, vm0, $0xb8;
	[tilespmem:$0x18100] =	vst v63  }
0x140: {  	s24 =	simm.s32 $0x11900  }
0x141: {  	[tilespmem:s24], [sflag:$0x2] =	stream.indirect_vreg.gather [hbm4b:s23+s3], $0x80, v3, vm0, $0xb8;
	[tilespmem:$0x18100] =	vst v63  }
0x142: {  	v3 =	vld [tilespmem:$0xA0];
	_ =	sdelay $0x4  }
0x143: {  	v46 =	vshrl.u32 v3, $0x3  }
0x144: {  	v4 =	vmul.u32 $0x30, v46  }
0x145: {  	v3 =	vand.u32 $0x7, v3  }
0x146: {  	v3 =	vor.u32 v3, v4  }
0x147: {  	v4 =	vperm.xlane v3, v0;
	_ =	sdelay $0x1  }
0x148: {  	v4 =	vadd.s32 v1, v4;
	_ =	sdelay $0x3  }
0x149: {  	s24 =	simm.s32 $0x12100;
	v3 =	vperm.xlane v3, v2  }
0x14a: {  	[tilespmem:s24], [sflag:$0x2] =	stream.indirect_vreg.gather [hbm4b:s7+s3], $0x80, v4, vm0, $0xb8;
	[tilespmem:$0x18100] =	vst v63  }
0x14b: {  	v3 =	vadd.s32 v1, v3;
	s24 =	simm.s32 $0x12900  }
0x14c: {  	[tilespmem:s24], [sflag:$0x2] =	stream.indirect_vreg.gather [hbm4b:s22+s3], $0x80, v4, vm0, $0xb8;
	[tilespmem:$0x18100] =	vst v63  }
0x14d: {  	s24 =	simm.s32 $0x13100  }
0x14e: {  	[tilespmem:s24], [sflag:$0x2] =	stream.indirect_vreg.gather [hbm4b:s23+s3], $0x80, v4, vm0, $0xb8;
	[tilespmem:$0x18100] =	vst v63  }
0x14f: {  	s24 =	simm.s32 $0x13900  }
0x150: {  	[tilespmem:s24], [sflag:$0x2] =	stream.indirect_vreg.gather [hbm4b:s7+s3], $0x80, v3, vm0, $0xb8;
	[tilespmem:$0x18100] =	vst v63  }
0x151: {  	s24 =	simm.s32 $0x14100  }
0x152: {  	[tilespmem:s24], [sflag:$0x2] =	stream.indirect_vreg.gather [hbm4b:s22+s3], $0x80, v3, vm0, $0xb8;
	[tilespmem:$0x18100] =	vst v63  }
0x153: {  	s24 =	simm.s32 $0x14900  }
0x154: {  	[tilespmem:s24], [sflag:$0x2] =	stream.indirect_vreg.gather [hbm4b:s23+s3], $0x80, v3, vm0, $0xb8;
	[tilespmem:$0x18100] =	vst v63  }
0x155: {  	v3 =	vld [tilespmem:$0xB0];
	_ =	sdelay $0x4  }
0x156: {  	v47 =	vshrl.u32 v3, $0x3  }
0x157: {  	v4 =	vmul.u32 $0x30, v47  }
0x158: {  	v3 =	vand.u32 $0x7, v3  }
0x159: {  	v3 =	vor.u32 v3, v4  }
0x15a: {  	v4 =	vperm.xlane v3, v0;
	_ =	sdelay $0x1  }
0x15b: {  	v4 =	vadd.s32 v1, v4;
	_ =	sdelay $0x3  }
0x15c: {  	s24 =	simm.s32 $0x15100;
	v3 =	vperm.xlane v3, v2  }
0x15d: {  	[tilespmem:s24], [sflag:$0x2] =	stream.indirect_vreg.gather [hbm4b:s7+s3], $0x80, v4, vm0, $0xb8;
	[tilespmem:$0x18100] =	vst v63  }
0x15e: {  	v3 =	vadd.s32 v1, v3;
	s24 =	simm.s32 $0x15900  }
0x15f: {  	[tilespmem:s24], [sflag:$0x2] =	stream.indirect_vreg.gather [hbm4b:s22+s3], $0x80, v4, vm0, $0xb8;
	[tilespmem:$0x18100] =	vst v63  }
0x160: {  	s24 =	simm.s32 $0x16100  }
0x161: {  	[tilespmem:s24], [sflag:$0x2] =	stream.indirect_vreg.gather [hbm4b:s23+s3], $0x80, v4, vm0, $0xb8;
	[tilespmem:$0x18100] =	vst v63  }
0x162: {  	s24 =	simm.s32 $0x16900  }
0x163: {  	[tilespmem:s24], [sflag:$0x2] =	stream.indirect_vreg.gather [hbm4b:s7+s3], $0x80, v3, vm0, $0xb8;
	[tilespmem:$0x18100] =	vst v63  }
0x164: {  	s24 =	simm.s32 $0x17100  }
0x165: {  	[tilespmem:s24], [sflag:$0x2] =	stream.indirect_vreg.gather [hbm4b:s22+s3], $0x80, v3, vm0, $0xb8;
	[tilespmem:$0x18100] =	vst v63  }
0x166: {  	s24 =	simm.s32 $0x17900  }
0x167: {  	[tilespmem:s24], [sflag:$0x2] =	stream.indirect_vreg.gather [hbm4b:s23+s3], $0x80, v3, vm0, $0xb8;
	[tilespmem:$0x18100] =	vst v63  }
0x168: {  	_ =	swait.ge [sflag:s20], $0xC000  }
0x169: {  	[sflag:s20] =	ssyncset.done $0x0  }
0x16a: {  	s24 =	rddreg [dreg:$0x9];
	[sflag:s20] =	ssyncadd.s32 $0xFFFF4000  }
0x16b: {  	[hbm4b:s24+s3] =	stream.linear.scatter [tilespmem:s31], [sflag:$0x3], $0xC000, $0x38;
	[tilespmem:$0x18100] =	vst v63  }
0x16c: {  	_ =	swait.ge [sflag:s11], $0xC000  }
0x16d: {  	[sflag:s11] =	ssyncset.done $0x0  }
0x16e: {  	s23 =	rddreg [dreg:$0xa];
	[sflag:s11] =	ssyncadd.s32 $0xFFFF4000  }
0x16f: {  	[tilespmem:s3], [sflag:$0x3] =	stream.linear.gather [hbm4b:s23+s3], $0x40, $0x38;
	[tilespmem:$0x18100] =	vst v63  }
0x170: {  	_ =	swait.ge [sflag:s11], $0x40  }
0x171: {  	[sflag:s11] =	ssyncset.done $0x0  }
0x172: {  	[sflag:s11] =	ssyncadd.s32 $0xFFFFFFC0  }
0x173: {  	v3 =	vld [tilespmem:$0x0];
	_ =	sdelay $0x4  }
0x174: {  	v48 =	vshrl.u32 v3, $0x3  }
0x175: {  	v4 =	vmul.u32 $0x30, v48  }
0x176: {  	v3 =	vand.u32 $0x7, v3  }
0x177: {  	v3 =	vor.u32 v3, v4  }
0x178: {  	v4 =	vperm.xlane v3, v0;
	_ =	sdelay $0x1  }
0x179: {  	v4 =	vadd.s32 v1, v4;
	_ =	sdelay $0x3  }
0x17a: {  	v3 =	vperm.xlane v3, v2  }
0x17b: {  	[tilespmem:s31], [sflag:$0x1] =	stream.indirect_vreg.gather [hbm4b:s8+s3], $0x80, v4, vm0, $0xb8;
	[tilespmem:$0x18100] =	vst v63  }
0x17c: {  	s22 =	sadd.s32 $0x100, s8;
	s24 =	simm.s32 $0x900;
	v3 =	vadd.s32 v1, v3  }
0x17d: {  	[tilespmem:s24], [sflag:$0x1] =	stream.indirect_vreg.gather [hbm4b:s22+s3], $0x80, v4, vm0, $0xb8;
	[tilespmem:$0x18100] =	vst v63  }
0x17e: {  	s23 =	sadd.s32 $0x200, s8;
	s24 =	simm.s32 $0x1100  }
0x17f: {  	[tilespmem:s24], [sflag:$0x1] =	stream.indirect_vreg.gather [hbm4b:s23+s3], $0x80, v4, vm0, $0xb8;
	[tilespmem:$0x18100] =	vst v63  }
0x180: {  	_ = 	snop  }
0x181: {  	[tilespmem:s0], [sflag:$0x1] =	stream.indirect_vreg.gather [hbm4b:s8+s3], $0x80, v3, vm0, $0xb8;
	[tilespmem:$0x18100] =	vst v63  }
0x182: {  	_ = 	snop  }
0x183: {  	[tilespmem:s1], [sflag:$0x1] =	stream.indirect_vreg.gather [hbm4b:s22+s3], $0x80, v3, vm0, $0xb8;
	[tilespmem:$0x18100] =	vst v63  }
0x184: {  	s24 =	simm.s32 $0x2900  }
0x185: {  	[tilespmem:s24], [sflag:$0x1] =	stream.indirect_vreg.gather [hbm4b:s23+s3], $0x80, v3, vm0, $0xb8;
	[tilespmem:$0x18100] =	vst v63  }
0x186: {  	v3 =	vld [tilespmem:$0x10];
	_ =	sdelay $0x4  }
0x187: {  	v49 =	vshrl.u32 v3, $0x3  }
0x188: {  	v4 =	vmul.u32 $0x30, v49  }
0x189: {  	v3 =	vand.u32 $0x7, v3  }
0x18a: {  	v3 =	vor.u32 v3, v4  }
0x18b: {  	v4 =	vperm.xlane v3, v0;
	_ =	sdelay $0x1  }
0x18c: {  	v4 =	vadd.s32 v1, v4;
	_ =	sdelay $0x3  }
0x18d: {  	s24 =	simm.s32 $0x3100;
	v3 =	vperm.xlane v3, v2  }
0x18e: {  	[tilespmem:s24], [sflag:$0x1] =	stream.indirect_vreg.gather [hbm4b:s8+s3], $0x80, v4, vm0, $0xb8;
	[tilespmem:$0x18100] =	vst v63  }
0x18f: {  	v3 =	vadd.s32 v1, v3  }
0x190: {  	[tilespmem:s4], [sflag:$0x1] =	stream.indirect_vreg.gather [hbm4b:s22+s3], $0x80, v4, vm0, $0xb8;
	[tilespmem:$0x18100] =	vst v63  }
0x191: {  	_ = 	snop  }
0x192: {  	[tilespmem:s12], [sflag:$0x1] =	stream.indirect_vreg.gather [hbm4b:s23+s3], $0x80, v4, vm0, $0xb8;
	[tilespmem:$0x18100] =	vst v63  }
0x193: {  	_ = 	snop  }
0x194: {  	[tilespmem:s13], [sflag:$0x1] =	stream.indirect_vreg.gather [hbm4b:s8+s3], $0x80, v3, vm0, $0xb8;
	[tilespmem:$0x18100] =	vst v63  }
0x195: {  	_ = 	snop  }
0x196: {  	[tilespmem:s14], [sflag:$0x1] =	stream.indirect_vreg.gather [hbm4b:s22+s3], $0x80, v3, vm0, $0xb8;
	[tilespmem:$0x18100] =	vst v63  }
0x197: {  	s24 =	simm.s32 $0x5900  }
0x198: {  	[tilespmem:s24], [sflag:$0x1] =	stream.indirect_vreg.gather [hbm4b:s23+s3], $0x80, v3, vm0, $0xb8;
	[tilespmem:$0x18100] =	vst v63  }
0x199: {  	v3 =	vld [tilespmem:$0x20];
	_ =	sdelay $0x4  }
0x19a: {  	v50 =	vshrl.u32 v3, $0x3  }
0x19b: {  	v4 =	vmul.u32 $0x30, v50  }
0x19c: {  	v3 =	vand.u32 $0x7, v3  }
0x19d: {  	v3 =	vor.u32 v3, v4  }
0x19e: {  	v4 =	vperm.xlane v3, v0;
	_ =	sdelay $0x1  }
0x19f: {  	v4 =	vadd.s32 v1, v4;
	_ =	sdelay $0x3  }
0x1a0: {  	s24 =	simm.s32 $0x6100;
	v3 =	vperm.xlane v3, v2  }
0x1a1: {  	[tilespmem:s24], [sflag:$0x1] =	stream.indirect_vreg.gather [hbm4b:s8+s3], $0x80, v4, vm0, $0xb8;
	[tilespmem:$0x18100] =	vst v63  }
0x1a2: {  	v3 =	vadd.s32 v1, v3  }
0x1a3: {  	[tilespmem:s15], [sflag:$0x1] =	stream.indirect_vreg.gather [hbm4b:s22+s3], $0x80, v4, vm0, $0xb8;
	[tilespmem:$0x18100] =	vst v63  }
0x1a4: {  	_ = 	snop  }
0x1a5: {  	[tilespmem:s28], [sflag:$0x1] =	stream.indirect_vreg.gather [hbm4b:s23+s3], $0x80, v4, vm0, $0xb8;
	[tilespmem:$0x18100] =	vst v63  }
0x1a6: {  	_ = 	snop  }
0x1a7: {  	[tilespmem:s17], [sflag:$0x1] =	stream.indirect_vreg.gather [hbm4b:s8+s3], $0x80, v3, vm0, $0xb8;
	[tilespmem:$0x18100] =	vst v63  }
0x1a8: {  	_ = 	snop  }
0x1a9: {  	[tilespmem:s18], [sflag:$0x1] =	stream.indirect_vreg.gather [hbm4b:s22+s3], $0x80, v3, vm0, $0xb8;
	[tilespmem:$0x18100] =	vst v63  }
0x1aa: {  	s24 =	simm.s32 $0x8900  }
0x1ab: {  	[tilespmem:s24], [sflag:$0x1] =	stream.indirect_vreg.gather [hbm4b:s23+s3], $0x80, v3, vm0, $0xb8;
	[tilespmem:$0x18100] =	vst v63  }
0x1ac: {  	v3 =	vld [tilespmem:$0x30];
	_ =	sdelay $0x4  }
0x1ad: {  	v51 =	vshrl.u32 v3, $0x3  }
0x1ae: {  	v4 =	vmul.u32 $0x30, v51  }
0x1af: {  	v3 =	vand.u32 $0x7, v3  }
0x1b0: {  	v3 =	vor.u32 v3, v4  }
0x1b1: {  	v4 =	vperm.xlane v3, v0;
	_ =	sdelay $0x1  }
0x1b2: {  	v4 =	vadd.s32 v1, v4;
	_ =	sdelay $0x3  }
0x1b3: {  	s24 =	simm.s32 $0x9100;
	v3 =	vperm.xlane v3, v2  }
0x1b4: {  	[tilespmem:s24], [sflag:$0x1] =	stream.indirect_vreg.gather [hbm4b:s8+s3], $0x80, v4, vm0, $0xb8;
	[tilespmem:$0x18100] =	vst v63  }
0x1b5: {  	v3 =	vadd.s32 v1, v3  }
0x1b6: {  	[tilespmem:s19], [sflag:$0x1] =	stream.indirect_vreg.gather [hbm4b:s22+s3], $0x80, v4, vm0, $0xb8;
	[tilespmem:$0x18100] =	vst v63  }
0x1b7: {  	_ = 	snop  }
0x1b8: {  	[tilespmem:s25], [sflag:$0x1] =	stream.indirect_vreg.gather [hbm4b:s23+s3], $0x80, v4, vm0, $0xb8;
	[tilespmem:$0x18100] =	vst v63  }
0x1b9: {  	_ = 	snop  }
0x1ba: {  	[tilespmem:s26], [sflag:$0x1] =	stream.indirect_vreg.gather [hbm4b:s8+s3], $0x80, v3, vm0, $0xb8;
	[tilespmem:$0x18100] =	vst v63  }
0x1bb: {  	_ = 	snop  }
0x1bc: {  	[tilespmem:s29], [sflag:$0x1] =	stream.indirect_vreg.gather [hbm4b:s22+s3], $0x80, v3, vm0, $0xb8;
	[tilespmem:$0x18100] =	vst v63  }
0x1bd: {  	s24 =	simm.s32 $0xB900  }
0x1be: {  	[tilespmem:s24], [sflag:$0x1] =	stream.indirect_vreg.gather [hbm4b:s23+s3], $0x80, v3, vm0, $0xb8;
	[tilespmem:$0x18100] =	vst v63  }
0x1bf: {  	_ =	swait.ge [sflag:s21], $0xC000  }
0x1c0: {  	[sflag:s21] =	ssyncset.done $0x0  }
0x1c1: {  	s0 =	rddreg [dreg:$0xb];
	[sflag:s21] =	ssyncadd.s32 $0xFFFF4000  }
0x1c2: {  	[hbm4b:s0+s3] =	stream.linear.scatter [tilespmem:s16], [sflag:$0x3], $0xC000, $0x38;
	[tilespmem:$0x18100] =	vst v63  }
0x1c3: {  	_ =	swait.ge [sflag:s11], $0xC000  }
0x1c4: {  	[sflag:s11] =	ssyncset.done $0x0  }
0x1c5: {  	s0 =	simm.s32 $0x80;
	s24 =	rddreg [dreg:$0xc];
	[sflag:s11] =	ssyncadd.s32 $0xFFFF4000  }
0x1c6: {  	[tilespmem:s0], [sflag:$0x3] =	stream.linear.gather [hbm4b:s24+s3], $0x40, $0x38;
	[tilespmem:$0x18100] =	vst v63  }
0x1c7: {  	_ =	swait.ge [sflag:s11], $0x40  }
0x1c8: {  	[sflag:s11] =	ssyncset.done $0x0  }
0x1c9: {  	[sflag:s11] =	ssyncadd.s32 $0xFFFFFFC0  }
0x1ca: {  	v3 =	vld [tilespmem:$0x80];
	_ =	sdelay $0x4  }
0x1cb: {  	v52 =	vshrl.u32 v3, $0x3  }
0x1cc: {  	v4 =	vmul.u32 $0x30, v52  }
0x1cd: {  	v3 =	vand.u32 $0x7, v3  }
0x1ce: {  	v3 =	vor.u32 v3, v4  }
0x1cf: {  	v4 =	vperm.xlane v3, v0;
	_ =	sdelay $0x1  }
0x1d0: {  	v4 =	vadd.s32 v1, v4;
	_ =	sdelay $0x3  }
0x1d1: {  	v3 =	vperm.xlane v3, v2  }
0x1d2: {  	[tilespmem:s16], [sflag:$0x2] =	stream.indirect_vreg.gather [hbm4b:s8+s3], $0x80, v4, vm0, $0xb8;
	[tilespmem:$0x18100] =	vst v63  }
0x1d3: {  	s30 =	simm.s32 $0xC900;
	v3 =	vadd.s32 v1, v3  }
0x1d4: {  	[tilespmem:s30], [sflag:$0x2] =	stream.indirect_vreg.gather [hbm4b:s22+s3], $0x80, v4, vm0, $0xb8;
	[tilespmem:$0x18100] =	vst v63  }
0x1d5: {  	s0 =	simm.s32 $0xD100  }
0x1d6: {  	[tilespmem:s0], [sflag:$0x2] =	stream.indirect_vreg.gather [hbm4b:s23+s3], $0x80, v4, vm0, $0xb8;
	[tilespmem:$0x18100] =	vst v63  }
0x1d7: {  	s0 =	simm.s32 $0xD900  }
0x1d8: {  	[tilespmem:s0], [sflag:$0x2] =	stream.indirect_vreg.gather [hbm4b:s8+s3], $0x80, v3, vm0, $0xb8;
	[tilespmem:$0x18100] =	vst v63  }
0x1d9: {  	s0 =	simm.s32 $0xE100  }
0x1da: {  	[tilespmem:s0], [sflag:$0x2] =	stream.indirect_vreg.gather [hbm4b:s22+s3], $0x80, v3, vm0, $0xb8;
	[tilespmem:$0x18100] =	vst v63  }
0x1db: {  	s0 =	simm.s32 $0xE900  }
0x1dc: {  	[tilespmem:s0], [sflag:$0x2] =	stream.indirect_vreg.gather [hbm4b:s23+s3], $0x80, v3, vm0, $0xb8;
	[tilespmem:$0x18100] =	vst v63  }
0x1dd: {  	v3 =	vld [tilespmem:$0x90];
	_ =	sdelay $0x4  }
0x1de: {  	v53 =	vshrl.u32 v3, $0x3  }
0x1df: {  	v4 =	vmul.u32 $0x30, v53  }
0x1e0: {  	v3 =	vand.u32 $0x7, v3  }
0x1e1: {  	v3 =	vor.u32 v3, v4  }
0x1e2: {  	v4 =	vperm.xlane v3, v0;
	_ =	sdelay $0x1  }
0x1e3: {  	v4 =	vadd.s32 v1, v4;
	_ =	sdelay $0x3  }
0x1e4: {  	s24 =	simm.s32 $0xF100;
	v3 =	vperm.xlane v3, v2  }
0x1e5: {  	[tilespmem:s24], [sflag:$0x2] =	stream.indirect_vreg.gather [hbm4b:s8+s3], $0x80, v4, vm0, $0xb8;
	[tilespmem:$0x18100] =	vst v63  }
0x1e6: {  	v3 =	vadd.s32 v1, v3;
	s24 =	simm.s32 $0xF900  }
0x1e7: {  	[tilespmem:s24], [sflag:$0x2] =	stream.indirect_vreg.gather [hbm4b:s22+s3], $0x80, v4, vm0, $0xb8;
	[tilespmem:$0x18100] =	vst v63  }
0x1e8: {  	s24 =	simm.s32 $0x10100  }
0x1e9: {  	[tilespmem:s24], [sflag:$0x2] =	stream.indirect_vreg.gather [hbm4b:s23+s3], $0x80, v4, vm0, $0xb8;
	[tilespmem:$0x18100] =	vst v63  }
0x1ea: {  	s24 =	simm.s32 $0x10900  }
0x1eb: {  	[tilespmem:s24], [sflag:$0x2] =	stream.indirect_vreg.gather [hbm4b:s8+s3], $0x80, v3, vm0, $0xb8;
	[tilespmem:$0x18100] =	vst v63  }
0x1ec: {  	s24 =	simm.s32 $0x11100  }
0x1ed: {  	[tilespmem:s24], [sflag:$0x2] =	stream.indirect_vreg.gather [hbm4b:s22+s3], $0x80, v3, vm0, $0xb8;
	[tilespmem:$0x18100] =	vst v63  }
0x1ee: {  	s24 =	simm.s32 $0x11900  }
0x1ef: {  	[tilespmem:s24], [sflag:$0x2] =	stream.indirect_vreg.gather [hbm4b:s23+s3], $0x80, v3, vm0, $0xb8;
	[tilespmem:$0x18100] =	vst v63  }
0x1f0: {  	v3 =	vld [tilespmem:$0xA0];
	_ =	sdelay $0x4  }
0x1f1: {  	v54 =	vshrl.u32 v3, $0x3  }
0x1f2: {  	v4 =	vmul.u32 $0x30, v54  }
0x1f3: {  	v3 =	vand.u32 $0x7, v3  }
0x1f4: {  	v3 =	vor.u32 v3, v4  }
0x1f5: {  	v4 =	vperm.xlane v3, v0;
	_ =	sdelay $0x1  }
0x1f6: {  	v4 =	vadd.s32 v1, v4;
	_ =	sdelay $0x3  }
0x1f7: {  	s24 =	simm.s32 $0x12100;
	v3 =	vperm.xlane v3, v2  }
0x1f8: {  	[tilespmem:s24], [sflag:$0x2] =	stream.indirect_vreg.gather [hbm4b:s8+s3], $0x80, v4, vm0, $0xb8;
	[tilespmem:$0x18100] =	vst v63  }
0x1f9: {  	v3 =	vadd.s32 v1, v3;
	s24 =	simm.s32 $0x12900  }
0x1fa: {  	[tilespmem:s24], [sflag:$0x2] =	stream.indirect_vreg.gather [hbm4b:s22+s3], $0x80, v4, vm0, $0xb8;
	[tilespmem:$0x18100] =	vst v63  }
0x1fb: {  	s24 =	simm.s32 $0x13100  }
0x1fc: {  	[tilespmem:s24], [sflag:$0x2] =	stream.indirect_vreg.gather [hbm4b:s23+s3], $0x80, v4, vm0, $0xb8;
	[tilespmem:$0x18100] =	vst v63  }
0x1fd: {  	s24 =	simm.s32 $0x13900  }
0x1fe: {  	[tilespmem:s24], [sflag:$0x2] =	stream.indirect_vreg.gather [hbm4b:s8+s3], $0x80, v3, vm0, $0xb8;
	[tilespmem:$0x18100] =	vst v63  }
0x1ff: {  	s24 =	simm.s32 $0x14100  }
0x200: {  	[tilespmem:s24], [sflag:$0x2] =	stream.indirect_vreg.gather [hbm4b:s22+s3], $0x80, v3, vm0, $0xb8;
	[tilespmem:$0x18100] =	vst v63  }
0x201: {  	s24 =	simm.s32 $0x14900  }
0x202: {  	[tilespmem:s24], [sflag:$0x2] =	stream.indirect_vreg.gather [hbm4b:s23+s3], $0x80, v3, vm0, $0xb8;
	[tilespmem:$0x18100] =	vst v63  }
0x203: {  	v3 =	vld [tilespmem:$0xB0];
	_ =	sdelay $0x4  }
0x204: {  	v55 =	vshrl.u32 v3, $0x3  }
0x205: {  	v4 =	vmul.u32 $0x30, v55  }
0x206: {  	v3 =	vand.u32 $0x7, v3  }
0x207: {  	v3 =	vor.u32 v3, v4  }
0x208: {  	v4 =	vperm.xlane v3, v0;
	_ =	sdelay $0x1  }
0x209: {  	v4 =	vadd.s32 v1, v4;
	_ =	sdelay $0x3  }
0x20a: {  	s24 =	simm.s32 $0x15100;
	v3 =	vperm.xlane v3, v2  }
0x20b: {  	[tilespmem:s24], [sflag:$0x2] =	stream.indirect_vreg.gather [hbm4b:s8+s3], $0x80, v4, vm0, $0xb8;
	[tilespmem:$0x18100] =	vst v63  }
0x20c: {  	v3 =	vadd.s32 v1, v3;
	s24 =	simm.s32 $0x15900  }
0x20d: {  	[tilespmem:s24], [sflag:$0x2] =	stream.indirect_vreg.gather [hbm4b:s22+s3], $0x80, v4, vm0, $0xb8;
	[tilespmem:$0x18100] =	vst v63  }
0x20e: {  	s24 =	simm.s32 $0x16100  }
0x20f: {  	[tilespmem:s24], [sflag:$0x2] =	stream.indirect_vreg.gather [hbm4b:s23+s3], $0x80, v4, vm0, $0xb8;
	[tilespmem:$0x18100] =	vst v63  }
0x210: {  	s24 =	simm.s32 $0x16900  }
0x211: {  	[tilespmem:s24], [sflag:$0x2] =	stream.indirect_vreg.gather [hbm4b:s8+s3], $0x80, v3, vm0, $0xb8;
	[tilespmem:$0x18100] =	vst v63  }
0x212: {  	s24 =	simm.s32 $0x17100  }
0x213: {  	[tilespmem:s24], [sflag:$0x2] =	stream.indirect_vreg.gather [hbm4b:s22+s3], $0x80, v3, vm0, $0xb8;
	[tilespmem:$0x18100] =	vst v63  }
0x214: {  	s24 =	simm.s32 $0x17900  }
0x215: {  	[tilespmem:s24], [sflag:$0x2] =	stream.indirect_vreg.gather [hbm4b:s23+s3], $0x80, v3, vm0, $0xb8;
	[tilespmem:$0x18100] =	vst v63  }
0x216: {  	_ =	swait.ge [sflag:s20], $0xC000  }
0x217: {  	[sflag:s20] =	ssyncset.done $0x0  }
0x218: {  	s24 =	rddreg [dreg:$0xd];
	[sflag:s20] =	ssyncadd.s32 $0xFFFF4000  }
0x219: {  	[hbm4b:s24+s3] =	stream.linear.scatter [tilespmem:s31], [sflag:$0x3], $0xC000, $0x38;
	[tilespmem:$0x18100] =	vst v63  }
0x21a: {  	_ =	swait.ge [sflag:s11], $0xC000  }
0x21b: {  	[sflag:s11] =	ssyncset.done $0x0  }
0x21c: {  	s23 =	rddreg [dreg:$0xe];
	[sflag:s11] =	ssyncadd.s32 $0xFFFF4000  }
0x21d: {  	[tilespmem:s3], [sflag:$0x3] =	stream.linear.gather [hbm4b:s23+s3], $0x40, $0x38;
	[tilespmem:$0x18100] =	vst v63  }
0x21e: {  	_ =	swait.ge [sflag:s11], $0x40  }
0x21f: {  	[sflag:s11] =	ssyncset.done $0x0  }
0x220: {  	[sflag:s11] =	ssyncadd.s32 $0xFFFFFFC0  }
0x221: {  	v3 =	vld [tilespmem:$0x0];
	_ =	sdelay $0x4  }
0x222: {  	v56 =	vshrl.u32 v3, $0x3  }
0x223: {  	v4 =	vmul.u32 $0x30, v56  }
0x224: {  	v3 =	vand.u32 $0x7, v3  }
0x225: {  	v3 =	vor.u32 v3, v4  }
0x226: {  	v4 =	vperm.xlane v3, v0;
	_ =	sdelay $0x1  }
0x227: {  	v4 =	vadd.s32 v1, v4;
	_ =	sdelay $0x3  }
0x228: {  	v3 =	vperm.xlane v3, v2  }
0x229: {  	[tilespmem:s31], [sflag:$0x1] =	stream.indirect_vreg.gather [hbm4b:s9+s3], $0x80, v4, vm0, $0xb8;
	[tilespmem:$0x18100] =	vst v63  }
0x22a: {  	s22 =	sadd.s32 $0x100, s9;
	s24 =	simm.s32 $0x900;
	v3 =	vadd.s32 v1, v3  }
0x22b: {  	[tilespmem:s24], [sflag:$0x1] =	stream.indirect_vreg.gather [hbm4b:s22+s3], $0x80, v4, vm0, $0xb8;
	[tilespmem:$0x18100] =	vst v63  }
0x22c: {  	s23 =	sadd.s32 $0x200, s9;
	s24 =	simm.s32 $0x1100  }
0x22d: {  	[tilespmem:s24], [sflag:$0x1] =	stream.indirect_vreg.gather [hbm4b:s23+s3], $0x80, v4, vm0, $0xb8;
	[tilespmem:$0x18100] =	vst v63  }
0x22e: {  	s24 =	simm.s32 $0x1900  }
0x22f: {  	[tilespmem:s24], [sflag:$0x1] =	stream.indirect_vreg.gather [hbm4b:s9+s3], $0x80, v3, vm0, $0xb8;
	[tilespmem:$0x18100] =	vst v63  }
0x230: {  	s1 =	simm.s32 $0x2100  }
0x231: {  	[tilespmem:s1], [sflag:$0x1] =	stream.indirect_vreg.gather [hbm4b:s22+s3], $0x80, v3, vm0, $0xb8;
	[tilespmem:$0x18100] =	vst v63  }
0x232: {  	s24 =	simm.s32 $0x2900  }
0x233: {  	[tilespmem:s24], [sflag:$0x1] =	stream.indirect_vreg.gather [hbm4b:s23+s3], $0x80, v3, vm0, $0xb8;
	[tilespmem:$0x18100] =	vst v63  }
0x234: {  	v3 =	vld [tilespmem:$0x10];
	_ =	sdelay $0x4  }
0x235: {  	v57 =	vshrl.u32 v3, $0x3  }
0x236: {  	v4 =	vmul.u32 $0x30, v57  }
0x237: {  	v3 =	vand.u32 $0x7, v3  }
0x238: {  	v3 =	vor.u32 v3, v4  }
0x239: {  	v4 =	vperm.xlane v3, v0;
	_ =	sdelay $0x1  }
0x23a: {  	v4 =	vadd.s32 v1, v4;
	_ =	sdelay $0x3  }
0x23b: {  	s24 =	simm.s32 $0x3100;
	v3 =	vperm.xlane v3, v2  }
0x23c: {  	[tilespmem:s24], [sflag:$0x1] =	stream.indirect_vreg.gather [hbm4b:s9+s3], $0x80, v4, vm0, $0xb8;
	[tilespmem:$0x18100] =	vst v63  }
0x23d: {  	s4 =	simm.s32 $0x3900;
	v3 =	vadd.s32 v1, v3  }
0x23e: {  	[tilespmem:s4], [sflag:$0x1] =	stream.indirect_vreg.gather [hbm4b:s22+s3], $0x80, v4, vm0, $0xb8;
	[tilespmem:$0x18100] =	vst v63  }
0x23f: {  	s12 =	simm.s32 $0x4100  }
0x240: {  	[tilespmem:s12], [sflag:$0x1] =	stream.indirect_vreg.gather [hbm4b:s23+s3], $0x80, v4, vm0, $0xb8;
	[tilespmem:$0x18100] =	vst v63  }
0x241: {  	s13 =	simm.s32 $0x4900  }
0x242: {  	[tilespmem:s13], [sflag:$0x1] =	stream.indirect_vreg.gather [hbm4b:s9+s3], $0x80, v3, vm0, $0xb8;
	[tilespmem:$0x18100] =	vst v63  }
0x243: {  	s14 =	simm.s32 $0x5100  }
0x244: {  	[tilespmem:s14], [sflag:$0x1] =	stream.indirect_vreg.gather [hbm4b:s22+s3], $0x80, v3, vm0, $0xb8;
	[tilespmem:$0x18100] =	vst v63  }
0x245: {  	s14 =	simm.s32 $0x5900  }
0x246: {  	[tilespmem:s14], [sflag:$0x1] =	stream.indirect_vreg.gather [hbm4b:s23+s3], $0x80, v3, vm0, $0xb8;
	[tilespmem:$0x18100] =	vst v63  }
0x247: {  	v3 =	vld [tilespmem:$0x20];
	_ =	sdelay $0x4  }
0x248: {  	v58 =	vshrl.u32 v3, $0x3  }
0x249: {  	v4 =	vmul.u32 $0x30, v58  }
0x24a: {  	v3 =	vand.u32 $0x7, v3  }
0x24b: {  	v3 =	vor.u32 v3, v4  }
0x24c: {  	v4 =	vperm.xlane v3, v0;
	_ =	sdelay $0x1  }
0x24d: {  	v4 =	vadd.s32 v1, v4;
	_ =	sdelay $0x3  }
0x24e: {  	s24 =	simm.s32 $0x6100;
	v3 =	vperm.xlane v3, v2  }
0x24f: {  	[tilespmem:s24], [sflag:$0x1] =	stream.indirect_vreg.gather [hbm4b:s9+s3], $0x80, v4, vm0, $0xb8;
	[tilespmem:$0x18100] =	vst v63  }
0x250: {  	s15 =	simm.s32 $0x6900;
	v3 =	vadd.s32 v1, v3  }
0x251: {  	[tilespmem:s15], [sflag:$0x1] =	stream.indirect_vreg.gather [hbm4b:s22+s3], $0x80, v4, vm0, $0xb8;
	[tilespmem:$0x18100] =	vst v63  }
0x252: {  	s28 =	simm.s32 $0x7100  }
0x253: {  	[tilespmem:s28], [sflag:$0x1] =	stream.indirect_vreg.gather [hbm4b:s23+s3], $0x80, v4, vm0, $0xb8;
	[tilespmem:$0x18100] =	vst v63  }
0x254: {  	s17 =	simm.s32 $0x7900  }
0x255: {  	[tilespmem:s17], [sflag:$0x1] =	stream.indirect_vreg.gather [hbm4b:s9+s3], $0x80, v3, vm0, $0xb8;
	[tilespmem:$0x18100] =	vst v63  }
0x256: {  	s18 =	simm.s32 $0x8100  }
0x257: {  	[tilespmem:s18], [sflag:$0x1] =	stream.indirect_vreg.gather [hbm4b:s22+s3], $0x80, v3, vm0, $0xb8;
	[tilespmem:$0x18100] =	vst v63  }
0x258: {  	s4 =	simm.s32 $0x8900  }
0x259: {  	[tilespmem:s4], [sflag:$0x1] =	stream.indirect_vreg.gather [hbm4b:s23+s3], $0x80, v3, vm0, $0xb8;
	[tilespmem:$0x18100] =	vst v63  }
0x25a: {  	v3 =	vld [tilespmem:$0x30];
	_ =	sdelay $0x4  }
0x25b: {  	v59 =	vshrl.u32 v3, $0x3  }
0x25c: {  	v4 =	vmul.u32 $0x30, v59  }
0x25d: {  	v3 =	vand.u32 $0x7, v3  }
0x25e: {  	v3 =	vor.u32 v3, v4  }
0x25f: {  	v4 =	vperm.xlane v3, v0;
	_ =	sdelay $0x1  }
0x260: {  	v4 =	vadd.s32 v1, v4;
	_ =	sdelay $0x3  }
0x261: {  	s12 =	simm.s32 $0x9100;
	v3 =	vperm.xlane v3, v2  }
0x262: {  	[tilespmem:s12], [sflag:$0x1] =	stream.indirect_vreg.gather [hbm4b:s9+s3], $0x80, v4, vm0, $0xb8;
	[tilespmem:$0x18100] =	vst v63  }
0x263: {  	s19 =	simm.s32 $0x9900;
	v3 =	vadd.s32 v1, v3  }
0x264: {  	[tilespmem:s19], [sflag:$0x1] =	stream.indirect_vreg.gather [hbm4b:s22+s3], $0x80, v4, vm0, $0xb8;
	[tilespmem:$0x18100] =	vst v63  }
0x265: {  	s25 =	simm.s32 $0xA100  }
0x266: {  	[tilespmem:s25], [sflag:$0x1] =	stream.indirect_vreg.gather [hbm4b:s23+s3], $0x80, v4, vm0, $0xb8;
	[tilespmem:$0x18100] =	vst v63  }
0x267: {  	s26 =	simm.s32 $0xA900  }
0x268: {  	[tilespmem:s26], [sflag:$0x1] =	stream.indirect_vreg.gather [hbm4b:s9+s3], $0x80, v3, vm0, $0xb8;
	[tilespmem:$0x18100] =	vst v63  }
0x269: {  	s29 =	simm.s32 $0xB100  }
0x26a: {  	[tilespmem:s29], [sflag:$0x1] =	stream.indirect_vreg.gather [hbm4b:s22+s3], $0x80, v3, vm0, $0xb8;
	[tilespmem:$0x18100] =	vst v63  }
0x26b: {  	s13 =	simm.s32 $0xB900  }
0x26c: {  	[tilespmem:s13], [sflag:$0x1] =	stream.indirect_vreg.gather [hbm4b:s23+s3], $0x80, v3, vm0, $0xb8;
	[tilespmem:$0x18100] =	vst v63  }
0x26d: {  	_ =	swait.ge [sflag:s21], $0xC000  }
0x26e: {  	[sflag:s21] =	ssyncset.done $0x0  }
0x26f: {  	s14 =	rddreg [dreg:$0xf];
	[sflag:s21] =	ssyncadd.s32 $0xFFFF4000  }
0x270: {  	[hbm4b:s14+s3] =	stream.linear.scatter [tilespmem:s16], [sflag:$0x3], $0xC000, $0x38;
	[tilespmem:$0x18100] =	vst v63  }
0x271: {  	_ =	swait.ge [sflag:s11], $0xC000  }
0x272: {  	[sflag:s11] =	ssyncset.done $0x0  }
0x273: {  	s17 =	simm.s32 $0x80;
	s15 =	rddreg [dreg:$0x10];
	[sflag:s11] =	ssyncadd.s32 $0xFFFF4000  }
0x274: {  	[tilespmem:s17], [sflag:$0x3] =	stream.linear.gather [hbm4b:s15+s3], $0x40, $0x38;
	[tilespmem:$0x18100] =	vst v63  }
0x275: {  	_ =	swait.ge [sflag:s11], $0x40  }
0x276: {  	[sflag:s11] =	ssyncset.done $0x0  }
0x277: {  	[sflag:s11] =	ssyncadd.s32 $0xFFFFFFC0  }
0x278: {  	v3 =	vld [tilespmem:$0x80];
	_ =	sdelay $0x4  }
0x279: {  	v60 =	vshrl.u32 v3, $0x3  }
0x27a: {  	v4 =	vmul.u32 $0x30, v60  }
0x27b: {  	v3 =	vand.u32 $0x7, v3  }
0x27c: {  	v3 =	vor.u32 v3, v4  }
0x27d: {  	v4 =	vperm.xlane v3, v0;
	_ =	sdelay $0x1  }
0x27e: {  	v4 =	vadd.s32 v1, v4;
	_ =	sdelay $0x3  }
0x27f: {  	v3 =	vperm.xlane v3, v2  }
0x280: {  	[tilespmem:s16], [sflag:$0x2] =	stream.indirect_vreg.gather [hbm4b:s9+s3], $0x80, v4, vm0, $0xb8;
	[tilespmem:$0x18100] =	vst v63  }
0x281: {  	s30 =	simm.s32 $0xC900;
	v3 =	vadd.s32 v1, v3  }
0x282: {  	[tilespmem:s30], [sflag:$0x2] =	stream.indirect_vreg.gather [hbm4b:s22+s3], $0x80, v4, vm0, $0xb8;
	[tilespmem:$0x18100] =	vst v63  }
0x283: {  	s18 =	simm.s32 $0xD100  }
0x284: {  	[tilespmem:s18], [sflag:$0x2] =	stream.indirect_vreg.gather [hbm4b:s23+s3], $0x80, v4, vm0, $0xb8;
	[tilespmem:$0x18100] =	vst v63  }
0x285: {  	s19 =	simm.s32 $0xD900  }
0x286: {  	[tilespmem:s19], [sflag:$0x2] =	stream.indirect_vreg.gather [hbm4b:s9+s3], $0x80, v3, vm0, $0xb8;
	[tilespmem:$0x18100] =	vst v63  }
0x287: {  	s24 =	simm.s32 $0xE100  }
0x288: {  	[tilespmem:s24], [sflag:$0x2] =	stream.indirect_vreg.gather [hbm4b:s22+s3], $0x80, v3, vm0, $0xb8;
	[tilespmem:$0x18100] =	vst v63  }
0x289: {  	_ = 	snop  }
0x28a: {  	[tilespmem:s0], [sflag:$0x2] =	stream.indirect_vreg.gather [hbm4b:s23+s3], $0x80, v3, vm0, $0xb8;
	[tilespmem:$0x18100] =	vst v63  }
0x28b: {  	v3 =	vld [tilespmem:$0x90];
	_ =	sdelay $0x4  }
0x28c: {  	v61 =	vshrl.u32 v3, $0x3  }
0x28d: {  	v4 =	vmul.u32 $0x30, v61  }
0x28e: {  	v3 =	vand.u32 $0x7, v3  }
0x28f: {  	v3 =	vor.u32 v3, v4  }
0x290: {  	v4 =	vperm.xlane v3, v0;
	_ =	sdelay $0x1  }
0x291: {  	v4 =	vadd.s32 v1, v4;
	_ =	sdelay $0x3  }
0x292: {  	s25 =	simm.s32 $0xF100;
	v3 =	vperm.xlane v3, v2  }
0x293: {  	[tilespmem:s25], [sflag:$0x2] =	stream.indirect_vreg.gather [hbm4b:s9+s3], $0x80, v4, vm0, $0xb8;
	[tilespmem:$0x18100] =	vst v63  }
0x294: {  	s26 =	simm.s32 $0xF900;
	v3 =	vadd.s32 v1, v3  }
0x295: {  	[tilespmem:s26], [sflag:$0x2] =	stream.indirect_vreg.gather [hbm4b:s22+s3], $0x80, v4, vm0, $0xb8;
	[tilespmem:$0x18100] =	vst v63  }
0x296: {  	s28 =	simm.s32 $0x10100  }
0x297: {  	[tilespmem:s28], [sflag:$0x2] =	stream.indirect_vreg.gather [hbm4b:s23+s3], $0x80, v4, vm0, $0xb8;
	[tilespmem:$0x18100] =	vst v63  }
0x298: {  	s29 =	simm.s32 $0x10900  }
0x299: {  	[tilespmem:s29], [sflag:$0x2] =	stream.indirect_vreg.gather [hbm4b:s9+s3], $0x80, v3, vm0, $0xb8;
	[tilespmem:$0x18100] =	vst v63  }
0x29a: {  	s30 =	simm.s32 $0x11100  }
0x29b: {  	[tilespmem:s30], [sflag:$0x2] =	stream.indirect_vreg.gather [hbm4b:s22+s3], $0x80, v3, vm0, $0xb8;
	[tilespmem:$0x18100] =	vst v63  }
0x29c: {  	s1 =	simm.s32 $0x11900  }
0x29d: {  	[tilespmem:s1], [sflag:$0x2] =	stream.indirect_vreg.gather [hbm4b:s23+s3], $0x80, v3, vm0, $0xb8;
	[tilespmem:$0x18100] =	vst v63  }
0x29e: {  	v3 =	vld [tilespmem:$0xA0];
	_ =	sdelay $0x4  }
0x29f: {  	v62 =	vshrl.u32 v3, $0x3  }
0x2a0: {  	v4 =	vmul.u32 $0x30, v62  }
0x2a1: {  	v3 =	vand.u32 $0x7, v3  }
0x2a2: {  	v3 =	vor.u32 v3, v4  }
0x2a3: {  	v4 =	vperm.xlane v3, v0;
	_ =	sdelay $0x1  }
0x2a4: {  	v4 =	vadd.s32 v1, v4;
	_ =	sdelay $0x3  }
0x2a5: {  	s4 =	simm.s32 $0x12100;
	v3 =	vperm.xlane v3, v2  }
0x2a6: {  	[tilespmem:s4], [sflag:$0x2] =	stream.indirect_vreg.gather [hbm4b:s9+s3], $0x80, v4, vm0, $0xb8;
	[tilespmem:$0x18100] =	vst v63  }
0x2a7: {  	s12 =	simm.s32 $0x12900;
	v3 =	vadd.s32 v1, v3  }
0x2a8: {  	[tilespmem:s12], [sflag:$0x2] =	stream.indirect_vreg.gather [hbm4b:s22+s3], $0x80, v4, vm0, $0xb8;
	[tilespmem:$0x18100] =	vst v63  }
0x2a9: {  	s13 =	simm.s32 $0x13100  }
0x2aa: {  	[tilespmem:s13], [sflag:$0x2] =	stream.indirect_vreg.gather [hbm4b:s23+s3], $0x80, v4, vm0, $0xb8;
	[tilespmem:$0x18100] =	vst v63  }
0x2ab: {  	s14 =	simm.s32 $0x13900  }
0x2ac: {  	[tilespmem:s14], [sflag:$0x2] =	stream.indirect_vreg.gather [hbm4b:s9+s3], $0x80, v3, vm0, $0xb8;
	[tilespmem:$0x18100] =	vst v63  }
0x2ad: {  	s15 =	simm.s32 $0x14100  }
0x2ae: {  	[tilespmem:s15], [sflag:$0x2] =	stream.indirect_vreg.gather [hbm4b:s22+s3], $0x80, v3, vm0, $0xb8;
	[tilespmem:$0x18100] =	vst v63  }
0x2af: {  	s17 =	simm.s32 $0x14900  }
0x2b0: {  	[tilespmem:s17], [sflag:$0x2] =	stream.indirect_vreg.gather [hbm4b:s23+s3], $0x80, v3, vm0, $0xb8;
	[tilespmem:$0x18100] =	vst v63  }
0x2b1: {  	v3 =	vld [tilespmem:$0xB0];
	_ =	sdelay $0x4  }
0x2b2: {  	v63 =	vshrl.u32 v3, $0x3  }
0x2b3: {  	v4 =	vmul.u32 $0x30, v63  }
0x2b4: {  	v3 =	vand.u32 $0x7, v3  }
0x2b5: {  	v3 =	vor.u32 v3, v4  }
0x2b6: {  	v4 =	vperm.xlane v3, v0;
	_ =	sdelay $0x1  }
0x2b7: {  	v4 =	vadd.s32 v1, v4;
	_ =	sdelay $0x3  }
0x2b8: {  	s18 =	simm.s32 $0x15100;
	v3 =	vperm.xlane v3, v2  }
0x2b9: {  	[tilespmem:s18], [sflag:$0x2] =	stream.indirect_vreg.gather [hbm4b:s9+s3], $0x80, v4, vm0, $0xb8;
	[tilespmem:$0x18100] =	vst v63  }
0x2ba: {  	s19 =	simm.s32 $0x15900;
	v3 =	vadd.s32 v1, v3  }
0x2bb: {  	[tilespmem:s19], [sflag:$0x2] =	stream.indirect_vreg.gather [hbm4b:s22+s3], $0x80, v4, vm0, $0xb8;
	[tilespmem:$0x18100] =	vst v63  }
0x2bc: {  	s24 =	simm.s32 $0x16100  }
0x2bd: {  	[tilespmem:s24], [sflag:$0x2] =	stream.indirect_vreg.gather [hbm4b:s23+s3], $0x80, v4, vm0, $0xb8;
	[tilespmem:$0x18100] =	vst v63  }
0x2be: {  	s25 =	simm.s32 $0x16900  }
0x2bf: {  	[tilespmem:s25], [sflag:$0x2] =	stream.indirect_vreg.gather [hbm4b:s9+s3], $0x80, v3, vm0, $0xb8;
	[tilespmem:$0x18100] =	vst v63  }
0x2c0: {  	s26 =	simm.s32 $0x17100  }
0x2c1: {  	[tilespmem:s26], [sflag:$0x2] =	stream.indirect_vreg.gather [hbm4b:s22+s3], $0x80, v3, vm0, $0xb8;
	[tilespmem:$0x18100] =	vst v63  }
0x2c2: {  	s28 =	simm.s32 $0x17900  }
0x2c3: {  	[tilespmem:s28], [sflag:$0x2] =	stream.indirect_vreg.gather [hbm4b:s23+s3], $0x80, v3, vm0, $0xb8;
	[tilespmem:$0x18100] =	vst v63  }
0x2c4: {  	_ =	swait.ge [sflag:s20], $0xC000  }
0x2c5: {  	[sflag:s20] =	ssyncset.done $0x0  }
0x2c6: {  	s29 =	rddreg [dreg:$0x11];
	[sflag:s20] =	ssyncadd.s32 $0xFFFF4000  }
0x2c7: {  	[hbm4b:s29+s3] =	stream.linear.scatter [tilespmem:s31], [sflag:$0x3], $0xC000, $0x38;
	[tilespmem:$0x18100] =	vst v63  }
0x2c8: {  	_ =	swait.ge [sflag:s11], $0xC000  }
0x2c9: {  	[sflag:s11] =	ssyncset.done $0x0  }
0x2ca: {  	[sflag:s11] =	ssyncadd.s32 $0xFFFF4000  }
0x2cb: {  	_ =	swait.ge [sflag:s21], $0xC000  }
0x2cc: {  	p0 =	sne.s32 s10, $0x1;
	[sflag:s21] =	ssyncset.done $0x0  }
.Ltmp0:
0x2cd: {  	s30 =	rddreg [dreg:$0x12];
	[sflag:s21] =	ssyncadd.s32 $0xFFFF4000;
	(pc) =	sbr.rel @p0 .LBB2_1-.Ltmp0, $4  }
0x2ce: {  	[hbm4b:s30+s3] =	stream.linear.scatter [tilespmem:s16], [sflag:$0x3], $0xC000, $0x38;
	[tilespmem:$0x18100] =	vst v63  }
0x2cf: {  	_ =	swait.ge [sflag:s11], $0xC000  }
0x2d0: {  	[sflag:s11] =	ssyncset.done $0x0  }
0x2d1: {  	s10 =	sadd.s32 $0xFFFFFFFF, s10;
	[sflag:s11] =	ssyncadd.s32 $0xFFFF4000  }
0x2d2: {  	_ =	sfence.sel $0x180000  }
0x2d3: {  	[bflag:$0x0] =	sbarrier.arrive $0xFFFF  }
0x2d4: {  	_ =	strace $0x9000004A  }
0x2d5: {  	s0 =	stileid.u32;
	[bflag:$0x2] =	sbarrier.arrive $0xFFFF  }
0x2d6: {  	p0 =	sne.s32 s0, $0x0;
	s0 =	rddreg [dreg:$0x3]  }
0x2d7: {  	s0 =	sadd.s32 @!p0 $0x100000, s0  }
0x2d8: {  	[sflag:s0] =	ssyncadd.tile.s32 @!p0 $0x1;
	_ =	shalt  }
.Lfunc_end2:
_tile_overlayer_lowered:
.L_overlay_start_2:
0x2d9: {  	(tag) =	ssettag $0x2  }
0x2da: {  	s0 =	rddreg [dreg:$0x0];
	s2 =	stileid.u32  }
0x2db: {  	s1 =	rddreg [dreg:$0x1];
	p0 =	sne.s32 s2, $0x0  }
0x2dc: {  	s3 =	rddreg [dreg:$0x2];
	[bflag:$0x3] =	sbarrier.arrive $0xFFFF;
	s2 =	simm.s32 @!p0 $0x1C03  }
0x2dd: {  	[timem:s3], [sflag:s2] =	dma.local @!p0 [hbm:s0], s1  }
0x2de: {  	s0 =	simm.s32 @!p0 $0x3  }
0x2df: {  	_ =	swait.ge @!p0 [sflag:s0], s1  }
0x2e0: {  	s1 =	ssub.s32 @!p0 $0x0, s1;
	[sflag:s0] =	ssyncset.done @!p0 $0x0  }
0x2e1: {  	[sflag:s0] =	ssyncadd.s32 @!p0 s1  }
0x2e2: {  	[bflag:$0x3] =	sbarrier.arrive $0xFFFF  }
0x2e3: {  	_ =	shalt  }

</sc_bundles>
